<compile_context>
chip_gen: v7x
topology: tpu7x:2x2x1
jax: 0.10.2.dev20260603
libtpu: 0.0.44.dev20260713+nightly
codegen_flags: <defaults>
</compile_context>

<pallas_src>
import functools

import jax
import jax.numpy as jnp
from jax import lax
from jax.experimental import pallas as pl
from jax.experimental.pallas import tpu as pltpu
from jax.experimental.pallas import tpu_sc as plsc

N = 10000
E = 320000
D = 128
OUT_D = 256
NS = 500
SAMP = 10
SUB = 20
TEMPERATURE = 10.0

NC = 2
NSUB = 16
NW = NC * NSUB

EC = 128
CPT = 80
E_PAD = NW * CPT * EC
N_ACC = 10240
RPT = N_ACC // NSUB

UNITS = NS * (SAMP + 2)
UPT = 192
U_PAD = NW * UPT

_mesh = plsc.VectorSubcoreMesh(core_axis_name="c", subcore_axis_name="s")


def _segsum_body(h_hbm, src_hbm, dst_hbm, out_hbm, srcv, dstv, rows_v, zv, acc_sh, sem):
    c = lax.axis_index("c")
    s = lax.axis_index("s")
    w = s * NC + c

    zf = jnp.zeros((16,), jnp.float32)
    for r in range(16):
        for g in range(D // 16):
            zv[r, pl.ds(g * 16, 16)] = zf
    base_row = s * RPT

    def zloop(t, carry):
        pltpu.sync_copy(zv, acc_sh.at[pl.ds(base_row + t * 16, 16)])
        return carry

    lax.fori_loop(0, RPT // 16, zloop, 0)
    plsc.subcore_barrier()

    crow = w * CPT
    pltpu.sync_copy(src_hbm.at[pl.ds(crow, CPT)], srcv)
    pltpu.sync_copy(dst_hbm.at[pl.ds(crow, CPT)], dstv)

    def eloop(j, carry):
        pltpu.async_copy(h_hbm.at[srcv.at[j]], rows_v, sem).wait()
        pltpu.sync_copy(rows_v, acc_sh.at[dstv.at[j]], add=True)
        return carry

    lax.fori_loop(0, CPT, eloop, 0)
    plsc.subcore_barrier()

    pltpu.sync_copy(acc_sh.at[pl.ds(base_row, RPT)],
                    out_hbm.at[pl.ds(c * N_ACC + base_row, RPT)])


_segsum = functools.partial(
    pl.kernel,
    mesh=_mesh,
    out_type=jax.ShapeDtypeStruct((NC * N_ACC, D), jnp.float32),
    scratch_types=[
        pltpu.VMEM((CPT, EC), jnp.int32),
        pltpu.VMEM((CPT, EC), jnp.int32),
        pltpu.VMEM((EC, D), jnp.float32),
        pltpu.VMEM((16, D), jnp.float32),
        pltpu.VMEM_SHARED((N_ACC, D), jnp.float32),
        pltpu.SemaphoreType.DMA,
    ],
)(_segsum_body)


def _readout_body(logits_hbm, ids_hbm, out_hbm, idsv, grows, outv, sem):
    c = lax.axis_index("c")
    s = lax.axis_index("s")
    w = s * NC + c
    base = w * UPT
    pltpu.sync_copy(ids_hbm.at[pl.ds(base, UPT)], idsv)

    def uloop(u, carry):
        pltpu.async_copy(logits_hbm.at[idsv.at[u]], grows, sem).wait()
        for g in range(OUT_D // 16):
            acc = jnp.zeros((16,), jnp.float32)
            for r in range(SUB):
                acc = acc + grows[r, pl.ds(g * 16, 16)]
            outv[u, pl.ds(g * 16, 16)] = acc * (1.0 / SUB)
        return carry

    lax.fori_loop(0, UPT, uloop, 0)
    pltpu.sync_copy(outv, out_hbm.at[pl.ds(base, UPT)])


_readout = functools.partial(
    pl.kernel,
    mesh=_mesh,
    out_type=jax.ShapeDtypeStruct((U_PAD, OUT_D), jnp.float32),
    scratch_types=[
        pltpu.VMEM((UPT, SUB), jnp.int32),
        pltpu.VMEM((SUB, OUT_D), jnp.float32),
        pltpu.VMEM((UPT, OUT_D), jnp.float32),
        pltpu.SemaphoreType.DMA,
    ],
)(_readout_body)


MB = 1000


def _mlp_body(concat_in, h_ref, a0_ref, a1_ref, wa_ref, ba_ref, wb_ref, bb_ref, out_ref):
    hin = h_ref[...]
    m = hin + a0_ref[...] + a1_ref[...]
    t = jnp.maximum(jnp.dot(m, wa_ref[...], preferred_element_type=jnp.float32)
                    + ba_ref[...], 0.0)
    h2 = jnp.maximum(jnp.dot(t, wb_ref[...], preferred_element_type=jnp.float32)
                     + bb_ref[...], 0.0)
    if concat_in:
        out_ref[:, :D] = hin
        out_ref[:, D:] = h2
    else:
        out_ref[...] = h2


def _mlp(h, parts, Wa, ba, Wb, bb, concat_in):
    out_d = OUT_D if concat_in else D
    return pl.pallas_call(
        functools.partial(_mlp_body, concat_in),
        grid=(N // MB,),
        in_specs=[
            pl.BlockSpec((MB, D), lambda i: (i, 0)),
            pl.BlockSpec((MB, D), lambda i: (i, 0)),
            pl.BlockSpec((MB, D), lambda i: (i, 0)),
            pl.BlockSpec((D, D), lambda i: (0, 0)),
            pl.BlockSpec((1, D), lambda i: (0, 0)),
            pl.BlockSpec((D, D), lambda i: (0, 0)),
            pl.BlockSpec((1, D), lambda i: (0, 0)),
        ],
        out_specs=pl.BlockSpec((MB, out_d), lambda i: (i, 0)),
        out_shape=jax.ShapeDtypeStruct((N, out_d), jnp.float32),
    )(h, parts[:N_ACC], parts[N_ACC:], Wa, ba.reshape(1, D), Wb, bb.reshape(1, D))


def _loss_body(y_ref, o_ref):
    self_v = y_ref[:, 0, :]
    n2s = jnp.sum(self_v * self_v, axis=1, keepdims=True)
    nas = jnp.maximum(jnp.sqrt(n2s), 1e-8)
    es = []
    for k in range(1, SAMP + 2):
        sk = y_ref[:, k, :]
        dk = jnp.sum(self_v * sk, axis=1, keepdims=True)
        nbk = jnp.maximum(jnp.sqrt(jnp.sum(sk * sk, axis=1, keepdims=True)), 1e-8)
        sim = dk / (nas * nbk)
        es.append(jnp.exp(sim) / TEMPERATURE)
    num = es[0]
    den = es[1]
    for k in range(2, SAMP + 1):
        den = den + es[k]
    res = -jnp.log(num / den)
    o_ref[...] = (jnp.sum(res) / NS)[None, None]


def _loss(y):
    return pl.pallas_call(
        _loss_body,
        out_shape=jax.ShapeDtypeStruct((1, 1), jnp.float32),
    )(y)


def kernel(seq, edge_index, subgraphs, subgraph_logits_ids,
           W1a, b1a, W1b, b1b, W2a, b2a, W2b, b2b):
    src = edge_index[0]
    dst = edge_index[1]
    pad = E_PAD - E
    src2d = jnp.concatenate([src, jnp.zeros((pad,), jnp.int32)]).reshape(-1, EC)
    dst2d = jnp.concatenate([dst, jnp.full((pad,), N, jnp.int32)]).reshape(-1, EC)

    parts1 = _segsum(seq, src2d, dst2d)
    h1 = _mlp(seq, parts1, W1a, b1a, W1b, b1b, concat_in=False)
    parts2 = _segsum(h1, src2d, dst2d)
    logits = _mlp(h1, parts2, W2a, b2a, W2b, b2b, concat_in=True)

    ids = jnp.concatenate([subgraphs[:, None, :], subgraph_logits_ids], axis=1)
    ids_flat = ids.reshape(-1, SUB)
    ids_pad = jnp.concatenate([ids_flat, jnp.zeros((U_PAD - UNITS, SUB), jnp.int32)])

    means = _readout(logits, ids_pad)
    y = means[:UNITS].reshape(NS, SAMP + 2, OUT_D)
    return _loss(y).reshape(())

# --- scband reference (transcript-rebuilt; emitter-appended) ---
"""Pipeline reference for scband-pre-prompt-75496935129282 (READ-ONLY COPY).

The authoritative reference and input builder live on the scoring server;
editing this copy changes nothing except your own understanding.
"""

import jax, jax.numpy as jnp
import numpy as np

N = 10000
E = 320000
D_IN = 128
H = 128
NS = 500
SAMP = 10
SUB = 20
TEMPERATURE = 10.0


def _glorot(key, shape):
    fan_in, fan_out = shape[0], shape[1]
    lim = np.sqrt(6.0 / (fan_in + fan_out))
    return jax.random.uniform(key, shape, dtype=jnp.float32, minval=-lim, maxval=lim)


def setup_inputs(seed: int = 0) -> dict:
    key = jax.random.key(seed)
    ks = jax.random.split(key, 16)
    seq = jax.random.normal(ks[0], (N, D_IN), dtype=jnp.float32)
    edge_index = jax.random.randint(ks[1], (2, E), 0, N, dtype=jnp.int32)
    subgraphs = jax.random.randint(ks[2], (NS, SUB), 0, N, dtype=jnp.int32)
    subgraph_logits_ids = jax.random.randint(ks[3], (NS, SAMP + 1, SUB), 0, N, dtype=jnp.int32)
    # GIN layer 1 MLP params (Linear(D_IN,H) -> ReLU -> Linear(H,H))
    W1a = _glorot(ks[4], (D_IN, H)); b1a = jnp.zeros((H,), dtype=jnp.float32)
    W1b = _glorot(ks[5], (H, H)); b1b = jnp.zeros((H,), dtype=jnp.float32)
    # GIN layer 2 MLP params
    W2a = _glorot(ks[6], (H, H)); b2a = jnp.zeros((H,), dtype=jnp.float32)
    W2b = _glorot(ks[7], (H, H)); b2b = jnp.zeros((H,), dtype=jnp.float32)
    return {
        'seq': seq,
        'edge_index': edge_index,
        'subgraphs': subgraphs,
        'subgraph_logits_ids': subgraph_logits_ids,
        'W1a': W1a, 'b1a': b1a, 'W1b': W1b, 'b1b': b1b,
        'W2a': W2a, 'b2a': b2a, 'W2b': W2b, 'b2b': b2b,
    }


def _gin_forward(seq, edge_index, params):
    # PyG-style GIN with eps=0, jk='cat'
    src = edge_index[0]
    dst = edge_index[1]
    h = seq
    outs = []
    for (Wa, ba, Wb, bb) in params:
        agg = jax.ops.segment_sum(h[src], dst, num_segments=N)
        m = (1.0 + 0.0) * h + agg
        h = jnp.matmul(jnp.maximum(jnp.matmul(m, Wa) + ba, 0.0), Wb) + bb
        h = jnp.maximum(h, 0.0)
        outs.append(h)
    return jnp.concatenate(outs, axis=1)  # [N, 2*H] = [N, 256]


def _cosine_sim(a, b, eps=1e-8):
    num = jnp.sum(a * b, axis=-1)
    na = jnp.maximum(jnp.linalg.norm(a, axis=-1), eps)
    nb = jnp.maximum(jnp.linalg.norm(b, axis=-1), eps)
    return num / (na * nb)


def reference(seq, edge_index, subgraphs, subgraph_logits_ids,
              W1a, b1a, W1b, b1b, W2a, b2a, W2b, b2b):
    params = [(W1a, b1a, W1b, b1b), (W2a, b2a, W2b, b2b)]
    logits_ = _gin_forward(seq, edge_index, params)  # [N, 256]
    # self_logits: mean readout over each subgraph's nodes (reduction='mean')
    self_logits = jnp.mean(jnp.take(logits_, subgraphs, axis=0), axis=1)  # [NS, 256]
    self_logits = jnp.repeat(self_logits[:, None, :], SAMP + 1, axis=1)  # [NS, SAMP+1, 256]
    # subgraph_logits: mean readout over sampled (pos + negatives) subgraphs (aug_type=='edge')
    subgraph_logits = jnp.mean(jnp.take(logits_, subgraph_logits_ids, axis=0), axis=2)  # [NS, SAMP+1, 256]
    sim = _cosine_sim(self_logits, subgraph_logits)  # [NS, SAMP+1]
    exp = jnp.exp(sim)
    exp = exp / TEMPERATURE
    exp = jnp.transpose(exp, (1, 0))  # [SAMP+1, NS]
    numerator = exp[0].reshape(-1, 1)  # [NS, 1]
    denominator = exp[1:]
    denominator = jnp.transpose(denominator, (1, 0))
    denominator = jnp.sum(denominator, axis=1, keepdims=True)  # [NS, 1]
    res = -1.0 * jnp.log(numerator / denominator)
    lploss = jnp.mean(res)
    return lploss

if __name__ == "__main__":
    import jax
    _d = setup_inputs()
    print(jax.jit(kernel)(*tuple(_d.values())))

</pallas_src>

<mosaic_0001>
#map = affine_map<(d0, d1) -> (0, 0)>
module attributes {stable_mosaic.version = 14 : i64} {
  func.func @_readout_body(%arg0: i32, %arg1: i32, %arg2: memref<10000x256xf32, #tpu.memory_space<hbm>>, %arg3: memref<6144x20xi32, #tpu.memory_space<hbm>>, %arg4: memref<6144x256xf32, #tpu.memory_space<hbm>>, %arg5: memref<192x20xi32, #tpu.memory_space<vmem>>, %arg6: memref<20x256xf32, #tpu.memory_space<vmem>>, %arg7: memref<192x256xf32, #tpu.memory_space<vmem>>, %arg8: memref<!tpu.dma_semaphore, #tpu.memory_space<semaphore_mem>>) attributes {dimension_semantics = [#tpu.dimension_semantics<core_parallel>, #tpu.dimension_semantics<subcore_parallel>], iteration_bounds = array<i64: 2, 16>, scalar_prefetch = 0 : i64, scratch_operands = 4 : i64, tpu.core_type = #tpu.core_type<sc_vector_subcore>, window_params = [{transform_indices = #map}, {transform_indices = #map}, {transform_indices = #map}]} {
    %mul3A = arith.constant 2 : i32
    %mul3A_0 = arith.muli %arg1, %mul3A : i32
    %add3A = arith.addi %mul3A_0, %arg0 : i32
    %mul3A_1 = arith.constant 192 : i32
    %mul3A_2 = arith.muli %add3A, %mul3A_1 : i32
    "tpu.region"() ({
      %run_scoped3A = tpu.sem_alloc : memref<!tpu.dma_semaphore, #tpu.memory_space<semaphore_mem>>
      %dma_start3A = arith.constant 0 : i32
      %dma_start3A_8 = tpu.memref_slice %arg3[%mul3A_2, %dma_start3A] : memref<6144x20xi32, #tpu.memory_space<hbm>> -> memref<192x20xi32, #tpu.memory_space<hbm>>
      %dma_start3A_9 = arith.constant 0 : i32
      %dma_start3A_10 = tpu.memref_slice %arg3[%mul3A_2, %dma_start3A_9] : memref<6144x20xi32, #tpu.memory_space<hbm>> -> memref<192x20xi32, #tpu.memory_space<hbm>>
      tpu.enqueue_dma source(%dma_start3A_10 : memref<192x20xi32, #tpu.memory_space<hbm>>) target(%arg5 : memref<192x20xi32, #tpu.memory_space<vmem>>) target_semaphore(%run_scoped3A : memref<!tpu.dma_semaphore, #tpu.memory_space<semaphore_mem>>)
      %dma_wait3A = arith.constant 0 : i32
      %dma_wait3A_11 = tpu.memref_slice %arg3[%mul3A_2, %dma_wait3A] : memref<6144x20xi32, #tpu.memory_space<hbm>> -> memref<192x20xi32, #tpu.memory_space<hbm>>
      %dma_wait3A_12 = arith.constant 0 : i32
      %dma_wait3A_13 = tpu.memref_slice %arg3[%mul3A_2, %dma_wait3A_12] : memref<6144x20xi32, #tpu.memory_space<hbm>> -> memref<192x20xi32, #tpu.memory_space<hbm>>
      tpu.wait_dma2 semaphore(%run_scoped3A : memref<!tpu.dma_semaphore, #tpu.memory_space<semaphore_mem>>) src(%dma_wait3A_13 : memref<192x20xi32, #tpu.memory_space<hbm>>) dst(%arg5 : memref<192x20xi32, #tpu.memory_space<vmem>>)
      tpu.yield
    }) : () -> ()
    %scan3A = arith.constant 0 : i32
    %scan3A_3 = arith.constant 0 : i32
    %scan3A_4 = arith.constant 192 : i32
    %scan3A_5 = arith.addi %scan3A_3, %scan3A_4 : i32
    %scan3A_6 = arith.constant 1 : i32
    scf.for %scan3A_8 = %scan3A_3 to %scan3A_5 step %scan3A_6  : i32 {
      %dma_start3A = arith.constant 0 : i32
      %dma_start3A_9 = tpu.memref_slice %arg5[%scan3A_8, %dma_start3A] : memref<192x20xi32, #tpu.memory_space<vmem>> -> memref<1x20xi32, #tpu.memory_space<vmem>>
      %dma_start3A_10 = tpu.memref_squeeze %dma_start3A_9 : memref<1x20xi32, #tpu.memory_space<vmem>> -> memref<20xi32, #tpu.memory_space<vmem>>
      %dma_start3A_11 = arith.constant 0 : i32
      %dma_start3A_12 = arith.constant 0 : i32
      %dma_start3A_13 = tpu.memref_slice %arg2[%dma_start3A_11, %dma_start3A_12] : memref<10000x256xf32, #tpu.memory_space<hbm>> -> memref<10000x256xf32, #tpu.memory_space<hbm>>
      tpu.enqueue_indirect_dma source(%dma_start3A_13 : memref<10000x256xf32, #tpu.memory_space<hbm>>) target(%arg6 : memref<20x256xf32, #tpu.memory_space<vmem>>) offsets(%dma_start3A_10 : memref<20xi32, #tpu.memory_space<vmem>>) semaphore(%arg8 : memref<!tpu.dma_semaphore, #tpu.memory_space<semaphore_mem>>)
      %dma_wait3A = arith.constant 0 : i32
      %dma_wait3A_14 = tpu.memref_slice %arg5[%scan3A_8, %dma_wait3A] : memref<192x20xi32, #tpu.memory_space<vmem>> -> memref<1x20xi32, #tpu.memory_space<vmem>>
      %dma_wait3A_15 = tpu.memref_squeeze %dma_wait3A_14 : memref<1x20xi32, #tpu.memory_space<vmem>> -> memref<20xi32, #tpu.memory_space<vmem>>
      %dma_wait3A_16 = arith.constant 0 : i32
      %dma_wait3A_17 = arith.constant 0 : i32
      %dma_wait3A_18 = tpu.memref_slice %arg2[%dma_wait3A_16, %dma_wait3A_17] : memref<10000x256xf32, #tpu.memory_space<hbm>> -> memref<10000x256xf32, #tpu.memory_space<hbm>>
      tpu.wait_indirect_dma semaphore(%arg8 : memref<!tpu.dma_semaphore, #tpu.memory_space<semaphore_mem>>) src(%dma_wait3A_18 : memref<10000x256xf32, #tpu.memory_space<hbm>>) dst(%arg6 : memref<20x256xf32, #tpu.memory_space<vmem>>)
      %broadcast_in_dim3A = arith.constant 0.000000e+00 : f32
      %broadcast_in_dim3A_19 = vector.broadcast %broadcast_in_dim3A : f32 to vector<16xf32>
      %get3A = arith.constant 0 : i32
      %get3A_20 = arith.index_cast %get3A : i32 to index
      %get3A_21 = arith.constant 0 : index
      %get3A_22 = tpu.vector_load %arg6[%get3A_20, %get3A_21] {strides = array<i32>} : memref<20x256xf32, #tpu.memory_space<vmem>>, vector<1x16xf32>,
      %get3A_23 = vector.shape_cast %get3A_22 : vector<1x16xf32> to vector<16xf32>
      %add3A_24 = arith.addf %broadcast_in_dim3A_19, %get3A_23 : vector<16xf32>
      %get3A_25 = arith.constant 1 : i32
      %get3A_26 = arith.index_cast %get3A_25 : i32 to index
      %get3A_27 = arith.constant 0 : index
      %get3A_28 = tpu.vector_load %arg6[%get3A_26, %get3A_27] {strides = array<i32>} : memref<20x256xf32, #tpu.memory_space<vmem>>, vector<1x16xf32>,
      %get3A_29 = vector.shape_cast %get3A_28 : vector<1x16xf32> to vector<16xf32>
      %add3A_30 = arith.addf %add3A_24, %get3A_29 : vector<16xf32>
      %get3A_31 = arith.constant 2 : i32
      %get3A_32 = arith.index_cast %get3A_31 : i32 to index
      %get3A_33 = arith.constant 0 : index
      %get3A_34 = tpu.vector_load %arg6[%get3A_32, %get3A_33] {strides = array<i32>} : memref<20x256xf32, #tpu.memory_space<vmem>>, vector<1x16xf32>,
      %get3A_35 = vector.shape_cast %get3A_34 : vector<1x16xf32> to vector<16xf32>
      %add3A_36 = arith.addf %add3A_30, %get3A_35 : vector<16xf32>
      %get3A_37 = arith.constant 3 : i32
      %get3A_38 = arith.index_cast %get3A_37 : i32 to index
      %get3A_39 = arith.constant 0 : index
      %get3A_40 = tpu.vector_load %arg6[%get3A_38, %get3A_39] {strides = array<i32>} : memref<20x256xf32, #tpu.memory_space<vmem>>, vector<1x16xf32>,
      %get3A_41 = vector.shape_cast %get3A_40 : vector<1x16xf32> to vector<16xf32>
      %add3A_42 = arith.addf %add3A_36, %get3A_41 : vector<16xf32>
      %get3A_43 = arith.constant 4 : i32
      %get3A_44 = arith.index_cast %get3A_43 : i32 to index
      %get3A_45 = arith.constant 0 : index
      %get3A_46 = tpu.vector_load %arg6[%get3A_44, %get3A_45] {strides = array<i32>} : memref<20x256xf32, #tpu.memory_space<vmem>>, vector<1x16xf32>,
      %get3A_47 = vector.shape_cast %get3A_46 : vector<1x16xf32> to vector<16xf32>
      %add3A_48 = arith.addf %add3A_42, %get3A_47 : vector<16xf32>
      %get3A_49 = arith.constant 5 : i32
      %get3A_50 = arith.index_cast %get3A_49 : i32 to index
      %get3A_51 = arith.constant 0 : index
      %get3A_52 = tpu.vector_load %arg6[%get3A_50, %get3A_51] {strides = array<i32>} : memref<20x256xf32, #tpu.memory_space<vmem>>, vector<1x16xf32>,
      %get3A_53 = vector.shape_cast %get3A_52 : vector<1x16xf32> to vector<16xf32>
      %add3A_54 = arith.addf %add3A_48, %get3A_53 : vector<16xf32>
      %get3A_55 = arith.constant 6 : i32
      %get3A_56 = arith.index_cast %get3A_55 : i32 to index
      %get3A_57 = arith.constant 0 : index
      %get3A_58 = tpu.vector_load %arg6[%get3A_56, %get3A_57] {strides = array<i32>} : memref<20x256xf32, #tpu.memory_space<vmem>>, vector<1x16xf32>,
      %get3A_59 = vector.shape_cast %get3A_58 : vector<1x16xf32> to vector<16xf32>
      %add3A_60 = arith.addf %add3A_54, %get3A_59 : vector<16xf32>
      %get3A_61 = arith.constant 7 : i32
      %get3A_62 = arith.index_cast %get3A_61 : i32 to index
      %get3A_63 = arith.constant 0 : index
      %get3A_64 = tpu.vector_load %arg6[%get3A_62, %get3A_63] {strides = array<i32>} : memref<20x256xf32, #tpu.memory_space<vmem>>, vector<1x16xf32>,
      %get3A_65 = vector.shape_cast %get3A_64 : vector<1x16xf32> to vector<16xf32>
      %add3A_66 = arith.addf %add3A_60, %get3A_65 : vector<16xf32>
      %get3A_67 = arith.constant 8 : i32
      %get3A_68 = arith.index_cast %get3A_67 : i32 to index
      %get3A_69 = arith.constant 0 : index
      %get3A_70 = tpu.vector_load %arg6[%get3A_68, %get3A_69] {strides = array<i32>} : memref<20x256xf32, #tpu.memory_space<vmem>>, vector<1x16xf32>,
      %get3A_71 = vector.shape_cast %get3A_70 : vector<1x16xf32> to vector<16xf32>
      %add3A_72 = arith.addf %add3A_66, %get3A_71 : vector<16xf32>
      %get3A_73 = arith.constant 9 : i32
      %get3A_74 = arith.index_cast %get3A_73 : i32 to index
      %get3A_75 = arith.constant 0 : index
      %get3A_76 = tpu.vector_load %arg6[%get3A_74, %get3A_75] {strides = array<i32>} : memref<20x256xf32, #tpu.memory_space<vmem>>, vector<1x16xf32>,
      %get3A_77 = vector.shape_cast %get3A_76 : vector<1x16xf32> to vector<16xf32>
      %add3A_78 = arith.addf %add3A_72, %get3A_77 : vector<16xf32>
      %get3A_79 = arith.constant 10 : i32
      %get3A_80 = arith.index_cast %get3A_79 : i32 to index
      %get3A_81 = arith.constant 0 : index
      %get3A_82 = tpu.vector_load %arg6[%get3A_80, %get3A_81] {strides = array<i32>} : memref<20x256xf32, #tpu.memory_space<vmem>>, vector<1x16xf32>,
      %get3A_83 = vector.shape_cast %get3A_82 : vector<1x16xf32> to vector<16xf32>
      %add3A_84 = arith.addf %add3A_78, %get3A_83 : vector<16xf32>
      %get3A_85 = arith.constant 11 : i32
      %get3A_86 = arith.index_cast %get3A_85 : i32 to index
      %get3A_87 = arith.constant 0 : index
      %get3A_88 = tpu.vector_load %arg6[%get3A_86, %get3A_87] {strides = array<i32>} : memref<20x256xf32, #tpu.memory_space<vmem>>, vector<1x16xf32>,
      %get3A_89 = vector.shape_cast %get3A_88 : vector<1x16xf32> to vector<16xf32>
      %add3A_90 = arith.addf %add3A_84, %get3A_89 : vector<16xf32>
      %get3A_91 = arith.constant 12 : i32
      %get3A_92 = arith.index_cast %get3A_91 : i32 to index
      %get3A_93 = arith.constant 0 : index
      %get3A_94 = tpu.vector_load %arg6[%get3A_92, %get3A_93] {strides = array<i32>} : memref<20x256xf32, #tpu.memory_space<vmem>>, vector<1x16xf32>,
      %get3A_95 = vector.shape_cast %get3A_94 : vector<1x16xf32> to vector<16xf32>
      %add3A_96 = arith.addf %add3A_90, %get3A_95 : vector<16xf32>
      %get3A_97 = arith.constant 13 : i32
      %get3A_98 = arith.index_cast %get3A_97 : i32 to index
      %get3A_99 = arith.constant 0 : index
      %get3A_100 = tpu.vector_load %arg6[%get3A_98, %get3A_99] {strides = array<i32>} : memref<20x256xf32, #tpu.memory_space<vmem>>, vector<1x16xf32>,
      %get3A_101 = vector.shape_cast %get3A_100 : vector<1x16xf32> to vector<16xf32>
      %add3A_102 = arith.addf %add3A_96, %get3A_101 : vector<16xf32>
      %get3A_103 = arith.constant 14 : i32
      %get3A_104 = arith.index_cast %get3A_103 : i32 to index
      %get3A_105 = arith.constant 0 : index
      %get3A_106 = tpu.vector_load %arg6[%get3A_104, %get3A_105] {strides = array<i32>} : memref<20x256xf32, #tpu.memory_space<vmem>>, vector<1x16xf32>,
      %get3A_107 = vector.shape_cast %get3A_106 : vector<1x16xf32> to vector<16xf32>
      %add3A_108 = arith.addf %add3A_102, %get3A_107 : vector<16xf32>
      %get3A_109 = arith.constant 15 : i32
      %get3A_110 = arith.index_cast %get3A_109 : i32 to index
      %get3A_111 = arith.constant 0 : index
      %get3A_112 = tpu.vector_load %arg6[%get3A_110, %get3A_111] {strides = array<i32>} : memref<20x256xf32, #tpu.memory_space<vmem>>, vector<1x16xf32>,
      %get3A_113 = vector.shape_cast %get3A_112 : vector<1x16xf32> to vector<16xf32>
      %add3A_114 = arith.addf %add3A_108, %get3A_113 : vector<16xf32>
      %get3A_115 = arith.constant 16 : i32
      %get3A_116 = arith.index_cast %get3A_115 : i32 to index
      %get3A_117 = arith.constant 0 : index
      %get3A_118 = tpu.vector_load %arg6[%get3A_116, %get3A_117] {strides = array<i32>} : memref<20x256xf32, #tpu.memory_space<vmem>>, vector<1x16xf32>,
      %get3A_119 = vector.shape_cast %get3A_118 : vector<1x16xf32> to vector<16xf32>
      %add3A_120 = arith.addf %add3A_114, %get3A_119 : vector<16xf32>
      %get3A_121 = arith.constant 17 : i32
      %get3A_122 = arith.index_cast %get3A_121 : i32 to index
      %get3A_123 = arith.constant 0 : index
      %get3A_124 = tpu.vector_load %arg6[%get3A_122, %get3A_123] {strides = array<i32>} : memref<20x256xf32, #tpu.memory_space<vmem>>, vector<1x16xf32>,
      %get3A_125 = vector.shape_cast %get3A_124 : vector<1x16xf32> to vector<16xf32>
      %add3A_126 = arith.addf %add3A_120, %get3A_125 : vector<16xf32>
      %get3A_127 = arith.constant 18 : i32
      %get3A_128 = arith.index_cast %get3A_127 : i32 to index
      %get3A_129 = arith.constant 0 : index
      %get3A_130 = tpu.vector_load %arg6[%get3A_128, %get3A_129] {strides = array<i32>} : memref<20x256xf32, #tpu.memory_space<vmem>>, vector<1x16xf32>,
      %get3A_131 = vector.shape_cast %get3A_130 : vector<1x16xf32> to vector<16xf32>
      %add3A_132 = arith.addf %add3A_126, %get3A_131 : vector<16xf32>
      %get3A_133 = arith.constant 19 : i32
      %get3A_134 = arith.index_cast %get3A_133 : i32 to index
      %get3A_135 = arith.constant 0 : index
      %get3A_136 = tpu.vector_load %arg6[%get3A_134, %get3A_135] {strides = array<i32>} : memref<20x256xf32, #tpu.memory_space<vmem>>, vector<1x16xf32>,
      %get3A_137 = vector.shape_cast %get3A_136 : vector<1x16xf32> to vector<16xf32>
      %add3A_138 = arith.addf %add3A_132, %get3A_137 : vector<16xf32>
      %mul3A_139 = arith.constant 5.000000e-02 : f32
      %mul3A_140 = vector.broadcast %mul3A_139 : f32 to vector<16xf32>
      %mul3A_141 = arith.mulf %add3A_138, %mul3A_140 : vector<16xf32>
      %swap3A = arith.index_cast %scan3A_8 : i32 to index
      %swap3A_142 = arith.constant 0 : index
      %swap3A_143 = tpu.vector_load %arg7[%swap3A, %swap3A_142] {strides = array<i32>} : memref<192x256xf32, #tpu.memory_space<vmem>>, vector<1x16xf32>,
      %swap3A_144 = vector.shape_cast %swap3A_143 : vector<1x16xf32> to vector<16xf32>
      %swap3A_145 = vector.shape_cast %mul3A_141 : vector<16xf32> to vector<1x16xf32>
      tpu.vector_store %arg7[%swap3A, %swap3A_142], %swap3A_145 {strides = array<i32>} : memref<192x256xf32, #tpu.memory_space<vmem>>, vector<1x16xf32>,
      %broadcast_in_dim3A_146 = arith.constant 0.000000e+00 : f32
      %broadcast_in_dim3A_147 = vector.broadcast %broadcast_in_dim3A_146 : f32 to vector<16xf32>
      %get3A_148 = arith.constant 0 : i32
      %get3A_149 = arith.index_cast %get3A_148 : i32 to index
      %get3A_150 = arith.constant 16 : index
      %get3A_151 = tpu.vector_load %arg6[%get3A_149, %get3A_150] {strides = array<i32>} : memref<20x256xf32, #tpu.memory_space<vmem>>, vector<1x16xf32>,
      %get3A_152 = vector.shape_cast %get3A_151 : vector<1x16xf32> to vector<16xf32>
      %add3A_153 = arith.addf %broadcast_in_dim3A_147, %get3A_152 : vector<16xf32>
      %get3A_154 = arith.constant 1 : i32
      %get3A_155 = arith.index_cast %get3A_154 : i32 to index
      %get3A_156 = arith.constant 16 : index
      %get3A_157 = tpu.vector_load %arg6[%get3A_155, %get3A_156] {strides = array<i32>} : memref<20x256xf32, #tpu.memory_space<vmem>>, vector<1x16xf32>,
      %get3A_158 = vector.shape_cast %get3A_157 : vector<1x16xf32> to vector<16xf32>
      %add3A_159 = arith.addf %add3A_153, %get3A_158 : vector<16xf32>
      %get3A_160 = arith.constant 2 : i32
      %get3A_161 = arith.index_cast %get3A_160 : i32 to index
      %get3A_162 = arith.constant 16 : index
      %get3A_163 = tpu.vector_load %arg6[%get3A_161, %get3A_162] {strides = array<i32>} : memref<20x256xf32, #tpu.memory_space<vmem>>, vector<1x16xf32>,
      %get3A_164 = vector.shape_cast %get3A_163 : vector<1x16xf32> to vector<16xf32>
      %add3A_165 = arith.addf %add3A_159, %get3A_164 : vector<16xf32>
      %get3A_166 = arith.constant 3 : i32
      %get3A_167 = arith.index_cast %get3A_166 : i32 to index
      %get3A_168 = arith.constant 16 : index
      %get3A_169 = tpu.vector_load %arg6[%get3A_167, %get3A_168] {strides = array<i32>} : memref<20x256xf32, #tpu.memory_space<vmem>>, vector<1x16xf32>,
      %get3A_170 = vector.shape_cast %get3A_169 : vector<1x16xf32> to vector<16xf32>
      %add3A_171 = arith.addf %add3A_165, %get3A_170 : vector<16xf32>
      %get3A_172 = arith.constant 4 : i32
      %get3A_173 = arith.index_cast %get3A_172 : i32 to index
      %get3A_174 = arith.constant 16 : index
      %get3A_175 = tpu.vector_load %arg6[%get3A_173, %get3A_174] {strides = array<i32>} : memref<20x256xf32, #tpu.memory_space<vmem>>, vector<1x16xf32>,
      %get3A_176 = vector.shape_cast %get3A_175 : vector<1x16xf32> to vector<16xf32>
      %add3A_177 = arith.addf %add3A_171, %get3A_176 : vector<16xf32>
      %get3A_178 = arith.constant 5 : i32
      %get3A_179 = arith.index_cast %get3A_178 : i32 to index
      %get3A_180 = arith.constant 16 : index
      %get3A_181 = tpu.vector_load %arg6[%get3A_179, %get3A_180] {strides = array<i32>} : memref<20x256xf32, #tpu.memory_space<vmem>>, vector<1x16xf32>,
      %get3A_182 = vector.shape_cast %get3A_181 : vector<1x16xf32> to vector<16xf32>
      %add3A_183 = arith.addf %add3A_177, %get3A_182 : vector<16xf32>
      %get3A_184 = arith.constant 6 : i32
      %get3A_185 = arith.index_cast %get3A_184 : i32 to index
      %get3A_186 = arith.constant 16 : index
      %get3A_187 = tpu.vector_load %arg6[%get3A_185, %get3A_186] {strides = array<i32>} : memref<20x256xf32, #tpu.memory_space<vmem>>, vector<1x16xf32>,
      %get3A_188 = vector.shape_cast %get3A_187 : vector<1x16xf32> to vector<16xf32>
      %add3A_189 = arith.addf %add3A_183, %get3A_188 : vector<16xf32>
      %get3A_190 = arith.constant 7 : i32
      %get3A_191 = arith.index_cast %get3A_190 : i32 to index
      %get3A_192 = arith.constant 16 : index
      %get3A_193 = tpu.vector_load %arg6[%get3A_191, %get3A_192] {strides = array<i32>} : memref<20x256xf32, #tpu.memory_space<vmem>>, vector<1x16xf32>,
      %get3A_194 = vector.shape_cast %get3A_193 : vector<1x16xf32> to vector<16xf32>
      %add3A_195 = arith.addf %add3A_189, %get3A_194 : vector<16xf32>
      %get3A_196 = arith.constant 8 : i32
      %get3A_197 = arith.index_cast %get3A_196 : i32 to index
      %get3A_198 = arith.constant 16 : index
      %get3A_199 = tpu.vector_load %arg6[%get3A_197, %get3A_198] {strides = array<i32>} : memref<20x256xf32, #tpu.memory_space<vmem>>, vector<1x16xf32>,
      %get3A_200 = vector.shape_cast %get3A_199 : vector<1x16xf32> to vector<16xf32>
      %add3A_201 = arith.addf %add3A_195, %get3A_200 : vector<16xf32>
      %get3A_202 = arith.constant 9 : i32
      %get3A_203 = arith.index_cast %get3A_202 : i32 to index
      %get3A_204 = arith.constant 16 : index
      %get3A_205 = tpu.vector_load %arg6[%get3A_203, %get3A_204] {strides = array<i32>} : memref<20x256xf32, #tpu.memory_space<vmem>>, vector<1x16xf32>,
      %get3A_206 = vector.shape_cast %get3A_205 : vector<1x16xf32> to vector<16xf32>
      %add3A_207 = arith.addf %add3A_201, %get3A_206 : vector<16xf32>
      %get3A_208 = arith.constant 10 : i32
      %get3A_209 = arith.index_cast %get3A_208 : i32 to index
      %get3A_210 = arith.constant 16 : index
      %get3A_211 = tpu.vector_load %arg6[%get3A_209, %get3A_210] {strides = array<i32>} : memref<20x256xf32, #tpu.memory_space<vmem>>, vector<1x16xf32>,
      %get3A_212 = vector.shape_cast %get3A_211 : vector<1x16xf32> to vector<16xf32>
      %add3A_213 = arith.addf %add3A_207, %get3A_212 : vector<16xf32>
      %get3A_214 = arith.constant 11 : i32
      %get3A_215 = arith.index_cast %get3A_214 : i32 to index
      %get3A_216 = arith.constant 16 : index
      %get3A_217 = tpu.vector_load %arg6[%get3A_215, %get3A_216] {strides = array<i32>} : memref<20x256xf32, #tpu.memory_space<vmem>>, vector<1x16xf32>,
      %get3A_218 = vector.shape_cast %get3A_217 : vector<1x16xf32> to vector<16xf32>
      %add3A_219 = arith.addf %add3A_213, %get3A_218 : vector<16xf32>
      %get3A_220 = arith.constant 12 : i32
      %get3A_221 = arith.index_cast %get3A_220 : i32 to index
      %get3A_222 = arith.constant 16 : index
      %get3A_223 = tpu.vector_load %arg6[%get3A_221, %get3A_222] {strides = array<i32>} : memref<20x256xf32, #tpu.memory_space<vmem>>, vector<1x16xf32>,
      %get3A_224 = vector.shape_cast %get3A_223 : vector<1x16xf32> to vector<16xf32>
      %add3A_225 = arith.addf %add3A_219, %get3A_224 : vector<16xf32>
      %get3A_226 = arith.constant 13 : i32
      %get3A_227 = arith.index_cast %get3A_226 : i32 to index
      %get3A_228 = arith.constant 16 : index
      %get3A_229 = tpu.vector_load %arg6[%get3A_227, %get3A_228] {strides = array<i32>} : memref<20x256xf32, #tpu.memory_space<vmem>>, vector<1x16xf32>,
      %get3A_230 = vector.shape_cast %get3A_229 : vector<1x16xf32> to vector<16xf32>
      %add3A_231 = arith.addf %add3A_225, %get3A_230 : vector<16xf32>
      %get3A_232 = arith.constant 14 : i32
      %get3A_233 = arith.index_cast %get3A_232 : i32 to index
      %get3A_234 = arith.constant 16 : index
      %get3A_235 = tpu.vector_load %arg6[%get3A_233, %get3A_234] {strides = array<i32>} : memref<20x256xf32, #tpu.memory_space<vmem>>, vector<1x16xf32>,
      %get3A_236 = vector.shape_cast %get3A_235 : vector<1x16xf32> to vector<16xf32>
      %add3A_237 = arith.addf %add3A_231, %get3A_236 : vector<16xf32>
      %get3A_238 = arith.constant 15 : i32
      %get3A_239 = arith.index_cast %get3A_238 : i32 to index
      %get3A_240 = arith.constant 16 : index
      %get3A_241 = tpu.vector_load %arg6[%get3A_239, %get3A_240] {strides = array<i32>} : memref<20x256xf32, #tpu.memory_space<vmem>>, vector<1x16xf32>,
      %get3A_242 = vector.shape_cast %get3A_241 : vector<1x16xf32> to vector<16xf32>
      %add3A_243 = arith.addf %add3A_237, %get3A_242 : vector<16xf32>
      %get3A_244 = arith.constant 16 : i32
      %get3A_245 = arith.index_cast %get3A_244 : i32 to index
      %get3A_246 = arith.constant 16 : index
      %get3A_247 = tpu.vector_load %arg6[%get3A_245, %get3A_246] {strides = array<i32>} : memref<20x256xf32, #tpu.memory_space<vmem>>, vector<1x16xf32>,
      %get3A_248 = vector.shape_cast %get3A_247 : vector<1x16xf32> to vector<16xf32>
      %add3A_249 = arith.addf %add3A_243, %get3A_248 : vector<16xf32>
      %get3A_250 = arith.constant 17 : i32
      %get3A_251 = arith.index_cast %get3A_250 : i32 to index
      %get3A_252 = arith.constant 16 : index
      %get3A_253 = tpu.vector_load %arg6[%get3A_251, %get3A_252] {strides = array<i32>} : memref<20x256xf32, #tpu.memory_space<vmem>>, vector<1x16xf32>,
      %get3A_254 = vector.shape_cast %get3A_253 : vector<1x16xf32> to vector<16xf32>
      %add3A_255 = arith.addf %add3A_249, %get3A_254 : vector<16xf32>
      %get3A_256 = arith.constant 18 : i32
      %get3A_257 = arith.index_cast %get3A_256 : i32 to index
      %get3A_258 = arith.constant 16 : index
      %get3A_259 = tpu.vector_load %arg6[%get3A_257, %get3A_258] {strides = array<i32>} : memref<20x256xf32, #tpu.memory_space<vmem>>, vector<1x16xf32>,
      %get3A_260 = vector.shape_cast %get3A_259 : vector<1x16xf32> to vector<16xf32>
      %add3A_261 = arith.addf %add3A_255, %get3A_260 : vector<16xf32>
      %get3A_262 = arith.constant 19 : i32
      %get3A_263 = arith.index_cast %get3A_262 : i32 to index
      %get3A_264 = arith.constant 16 : index
      %get3A_265 = tpu.vector_load %arg6[%get3A_263, %get3A_264] {strides = array<i32>} : memref<20x256xf32, #tpu.memory_space<vmem>>, vector<1x16xf32>,
      %get3A_266 = vector.shape_cast %get3A_265 : vector<1x16xf32> to vector<16xf32>
      %add3A_267 = arith.addf %add3A_261, %get3A_266 : vector<16xf32>
      %mul3A_268 = arith.constant 5.000000e-02 : f32
      %mul3A_269 = vector.broadcast %mul3A_268 : f32 to vector<16xf32>
      %mul3A_270 = arith.mulf %add3A_267, %mul3A_269 : vector<16xf32>
      %swap3A_271 = arith.index_cast %scan3A_8 : i32 to index
      %swap3A_272 = arith.constant 16 : index
      %swap3A_273 = tpu.vector_load %arg7[%swap3A_271, %swap3A_272] {strides = array<i32>} : memref<192x256xf32, #tpu.memory_space<vmem>>, vector<1x16xf32>,
      %swap3A_274 = vector.shape_cast %swap3A_273 : vector<1x16xf32> to vector<16xf32>
      %swap3A_275 = vector.shape_cast %mul3A_270 : vector<16xf32> to vector<1x16xf32>
      tpu.vector_store %arg7[%swap3A_271, %swap3A_272], %swap3A_275 {strides = array<i32>} : memref<192x256xf32, #tpu.memory_space<vmem>>, vector<1x16xf32>,
      %broadcast_in_dim3A_276 = arith.constant 0.000000e+00 : f32
      %broadcast_in_dim3A_277 = vector.broadcast %broadcast_in_dim3A_276 : f32 to vector<16xf32>
      %get3A_278 = arith.constant 0 : i32
      %get3A_279 = arith.index_cast %get3A_278 : i32 to index
      %get3A_280 = arith.constant 32 : index
      %get3A_281 = tpu.vector_load %arg6[%get3A_279, %get3A_280] {strides = array<i32>} : memref<20x256xf32, #tpu.memory_space<vmem>>, vector<1x16xf32>,
      %get3A_282 = vector.shape_cast %get3A_281 : vector<1x16xf32> to vector<16xf32>
      %add3A_283 = arith.addf %broadcast_in_dim3A_277, %get3A_282 : vector<16xf32>
      %get3A_284 = arith.constant 1 : i32
      %get3A_285 = arith.index_cast %get3A_284 : i32 to index
      %get3A_286 = arith.constant 32 : index
      %get3A_287 = tpu.vector_load %arg6[%get3A_285, %get3A_286] {strides = array<i32>} : memref<20x256xf32, #tpu.memory_space<vmem>>, vector<1x16xf32>,
      %get3A_288 = vector.shape_cast %get3A_287 : vector<1x16xf32> to vector<16xf32>
      %add3A_289 = arith.addf %add3A_283, %get3A_288 : vector<16xf32>
      %get3A_290 = arith.constant 2 : i32
      %get3A_291 = arith.index_cast %get3A_290 : i32 to index
      %get3A_292 = arith.constant 32 : index
      %get3A_293 = tpu.vector_load %arg6[%get3A_291, %get3A_292] {strides = array<i32>} : memref<20x256xf32, #tpu.memory_space<vmem>>, vector<1x16xf32>,
      %get3A_294 = vector.shape_cast %get3A_293 : vector<1x16xf32> to vector<16xf32>
      %add3A_295 = arith.addf %add3A_289, %get3A_294 : vector<16xf32>
      %get3A_296 = arith.constant 3 : i32
      %get3A_297 = arith.index_cast %get3A_296 : i32 to index
      %get3A_298 = arith.constant 32 : index
      %get3A_299 = tpu.vector_load %arg6[%get3A_297, %get3A_298] {strides = array<i32>} : memref<20x256xf32, #tpu.memory_space<vmem>>, vector<1x16xf32>,
      %get3A_300 = vector.shape_cast %get3A_299 : vector<1x16xf32> to vector<16xf32>
      %add3A_301 = arith.addf %add3A_295, %get3A_300 : vector<16xf32>
      %get3A_302 = arith.constant 4 : i32
      %get3A_303 = arith.index_cast %get3A_302 : i32 to index
      %get3A_304 = arith.constant 32 : index
      %get3A_305 = tpu.vector_load %arg6[%get3A_303, %get3A_304] {strides = array<i32>} : memref<20x256xf32, #tpu.memory_space<vmem>>, vector<1x16xf32>,
      %get3A_306 = vector.shape_cast %get3A_305 : vector<1x16xf32> to vector<16xf32>
      %add3A_307 = arith.addf %add3A_301, %get3A_306 : vector<16xf32>
      %get3A_308 = arith.constant 5 : i32
      %get3A_309 = arith.index_cast %get3A_308 : i32 to index
      %get3A_310 = arith.constant 32 : index
      %get3A_311 = tpu.vector_load %arg6[%get3A_309, %get3A_310] {strides = array<i32>} : memref<20x256xf32, #tpu.memory_space<vmem>>, vector<1x16xf32>,
      %get3A_312 = vector.shape_cast %get3A_311 : vector<1x16xf32> to vector<16xf32>
      %add3A_313 = arith.addf %add3A_307, %get3A_312 : vector<16xf32>
      %get3A_314 = arith.constant 6 : i32
      %get3A_315 = arith.index_cast %get3A_314 : i32 to index
      %get3A_316 = arith.constant 32 : index
      %get3A_317 = tpu.vector_load %arg6[%get3A_315, %get3A_316] {strides = array<i32>} : memref<20x256xf32, #tpu.memory_space<vmem>>, vector<1x16xf32>,
      %get3A_318 = vector.shape_cast %get3A_317 : vector<1x16xf32> to vector<16xf32>
      %add3A_319 = arith.addf %add3A_313, %get3A_318 : vector<16xf32>
      %get3A_320 = arith.constant 7 : i32
      %get3A_321 = arith.index_cast %get3A_320 : i32 to index
      %get3A_322 = arith.constant 32 : index
      %get3A_323 = tpu.vector_load %arg6[%get3A_321, %get3A_322] {strides = array<i32>} : memref<20x256xf32, #tpu.memory_space<vmem>>, vector<1x16xf32>,
      %get3A_324 = vector.shape_cast %get3A_323 : vector<1x16xf32> to vector<16xf32>
      %add3A_325 = arith.addf %add3A_319, %get3A_324 : vector<16xf32>
      %get3A_326 = arith.constant 8 : i32
      %get3A_327 = arith.index_cast %get3A_326 : i32 to index
      %get3A_328 = arith.constant 32 : index
      %get3A_329 = tpu.vector_load %arg6[%get3A_327, %get3A_328] {strides = array<i32>} : memref<20x256xf32, #tpu.memory_space<vmem>>, vector<1x16xf32>,
      %get3A_330 = vector.shape_cast %get3A_329 : vector<1x16xf32> to vector<16xf32>
      %add3A_331 = arith.addf %add3A_325, %get3A_330 : vector<16xf32>
      %get3A_332 = arith.constant 9 : i32
      %get3A_333 = arith.index_cast %get3A_332 : i32 to index
      %get3A_334 = arith.constant 32 : index
      %get3A_335 = tpu.vector_load %arg6[%get3A_333, %get3A_334] {strides = array<i32>} : memref<20x256xf32, #tpu.memory_space<vmem>>, vector<1x16xf32>,
      %get3A_336 = vector.shape_cast %get3A_335 : vector<1x16xf32> to vector<16xf32>
      %add3A_337 = arith.addf %add3A_331, %get3A_336 : vector<16xf32>
      %get3A_338 = arith.constant 10 : i32
      %get3A_339 = arith.index_cast %get3A_338 : i32 to index
      %get3A_340 = arith.constant 32 : index
      %get3A_341 = tpu.vector_load %arg6[%get3A_339, %get3A_340] {strides = array<i32>} : memref<20x256xf32, #tpu.memory_space<vmem>>, vector<1x16xf32>,
      %get3A_342 = vector.shape_cast %get3A_341 : vector<1x16xf32> to vector<16xf32>
      %add3A_343 = arith.addf %add3A_337, %get3A_342 : vector<16xf32>
      %get3A_344 = arith.constant 11 : i32
      %get3A_345 = arith.index_cast %get3A_344 : i32 to index
      %get3A_346 = arith.constant 32 : index
      %get3A_347 = tpu.vector_load %arg6[%get3A_345, %get3A_346] {strides = array<i32>} : memref<20x256xf32, #tpu.memory_space<vmem>>, vector<1x16xf32>,
      %get3A_348 = vector.shape_cast %get3A_347 : vector<1x16xf32> to vector<16xf32>
      %add3A_349 = arith.addf %add3A_343, %get3A_348 : vector<16xf32>
      %get3A_350 = arith.constant 12 : i32
      %get3A_351 = arith.index_cast %get3A_350 : i32 to index
      %get3A_352 = arith.constant 32 : index
      %get3A_353 = tpu.vector_load %arg6[%get3A_351, %get3A_352] {strides = array<i32>} : memref<20x256xf32, #tpu.memory_space<vmem>>, vector<1x16xf32>,
      %get3A_354 = vector.shape_cast %get3A_353 : vector<1x16xf32> to vector<16xf32>
      %add3A_355 = arith.addf %add3A_349, %get3A_354 : vector<16xf32>
      %get3A_356 = arith.constant 13 : i32
      %get3A_357 = arith.index_cast %get3A_356 : i32 to index
      %get3A_358 = arith.constant 32 : index
      %get3A_359 = tpu.vector_load %arg6[%get3A_357, %get3A_358] {strides = array<i32>} : memref<20x256xf32, #tpu.memory_space<vmem>>, vector<1x16xf32>,
      %get3A_360 = vector.shape_cast %get3A_359 : vector<1x16xf32> to vector<16xf32>
      %add3A_361 = arith.addf %add3A_355, %get3A_360 : vector<16xf32>
      %get3A_362 = arith.constant 14 : i32
      %get3A_363 = arith.index_cast %get3A_362 : i32 to index
      %get3A_364 = arith.constant 32 : index
      %get3A_365 = tpu.vector_load %arg6[%get3A_363, %get3A_364] {strides = array<i32>} : memref<20x256xf32, #tpu.memory_space<vmem>>, vector<1x16xf32>,
      %get3A_366 = vector.shape_cast %get3A_365 : vector<1x16xf32> to vector<16xf32>
      %add3A_367 = arith.addf %add3A_361, %get3A_366 : vector<16xf32>
      %get3A_368 = arith.constant 15 : i32
      %get3A_369 = arith.index_cast %get3A_368 : i32 to index
      %get3A_370 = arith.constant 32 : index
      %get3A_371 = tpu.vector_load %arg6[%get3A_369, %get3A_370] {strides = array<i32>} : memref<20x256xf32, #tpu.memory_space<vmem>>, vector<1x16xf32>,
      %get3A_372 = vector.shape_cast %get3A_371 : vector<1x16xf32> to vector<16xf32>
      %add3A_373 = arith.addf %add3A_367, %get3A_372 : vector<16xf32>
      %get3A_374 = arith.constant 16 : i32
      %get3A_375 = arith.index_cast %get3A_374 : i32 to index
      %get3A_376 = arith.constant 32 : index
      %get3A_377 = tpu.vector_load %arg6[%get3A_375, %get3A_376] {strides = array<i32>} : memref<20x256xf32, #tpu.memory_space<vmem>>, vector<1x16xf32>,
      %get3A_378 = vector.shape_cast %get3A_377 : vector<1x16xf32> to vector<16xf32>
      %add3A_379 = arith.addf %add3A_373, %get3A_378 : vector<16xf32>
      %get3A_380 = arith.constant 17 : i32
      %get3A_381 = arith.index_cast %get3A_380 : i32 to index
      %get3A_382 = arith.constant 32 : index
      %get3A_383 = tpu.vector_load %arg6[%get3A_381, %get3A_382] {strides = array<i32>} : memref<20x256xf32, #tpu.memory_space<vmem>>, vector<1x16xf32>,
      %get3A_384 = vector.shape_cast %get3A_383 : vector<1x16xf32> to vector<16xf32>
      %add3A_385 = arith.addf %add3A_379, %get3A_384 : vector<16xf32>
      %get3A_386 = arith.constant 18 : i32
      %get3A_387 = arith.index_cast %get3A_386 : i32 to index
      %get3A_388 = arith.constant 32 : index
      %get3A_389 = tpu.vector_load %arg6[%get3A_387, %get3A_388] {strides = array<i32>} : memref<20x256xf32, #tpu.memory_space<vmem>>, vector<1x16xf32>,
      %get3A_390 = vector.shape_cast %get3A_389 : vector<1x16xf32> to vector<16xf32>
      %add3A_391 = arith.addf %add3A_385, %get3A_390 : vector<16xf32>
      %get3A_392 = arith.constant 19 : i32
      %get3A_393 = arith.index_cast %get3A_392 : i32 to index
      %get3A_394 = arith.constant 32 : index
      %get3A_395 = tpu.vector_load %arg6[%get3A_393, %get3A_394] {strides = array<i32>} : memref<20x256xf32, #tpu.memory_space<vmem>>, vector<1x16xf32>,
      %get3A_396 = vector.shape_cast %get3A_395 : vector<1x16xf32> to vector<16xf32>
      %add3A_397 = arith.addf %add3A_391, %get3A_396 : vector<16xf32>
      %mul3A_398 = arith.constant 5.000000e-02 : f32
      %mul3A_399 = vector.broadcast %mul3A_398 : f32 to vector<16xf32>
      %mul3A_400 = arith.mulf %add3A_397, %mul3A_399 : vector<16xf32>
      %swap3A_401 = arith.index_cast %scan3A_8 : i32 to index
      %swap3A_402 = arith.constant 32 : index
      %swap3A_403 = tpu.vector_load %arg7[%swap3A_401, %swap3A_402] {strides = array<i32>} : memref<192x256xf32, #tpu.memory_space<vmem>>, vector<1x16xf32>,
      %swap3A_404 = vector.shape_cast %swap3A_403 : vector<1x16xf32> to vector<16xf32>
      %swap3A_405 = vector.shape_cast %mul3A_400 : vector<16xf32> to vector<1x16xf32>
      tpu.vector_store %arg7[%swap3A_401, %swap3A_402], %swap3A_405 {strides = array<i32>} : memref<192x256xf32, #tpu.memory_space<vmem>>, vector<1x16xf32>,
      %broadcast_in_dim3A_406 = arith.constant 0.000000e+00 : f32
      %broadcast_in_dim3A_407 = vector.broadcast %broadcast_in_dim3A_406 : f32 to vector<16xf32>
      %get3A_408 = arith.constant 0 : i32
      %get3A_409 = arith.index_cast %get3A_408 : i32 to index
      %get3A_410 = arith.constant 48 : index
      %get3A_411 = tpu.vector_load %arg6[%get3A_409, %get3A_410] {strides = array<i32>} : memref<20x256xf32, #tpu.memory_space<vmem>>, vector<1x16xf32>,
      %get3A_412 = vector.shape_cast %get3A_411 : vector<1x16xf32> to vector<16xf32>
      %add3A_413 = arith.addf %broadcast_in_dim3A_407, %get3A_412 : vector<16xf32>
      %get3A_414 = arith.constant 1 : i32
      %get3A_415 = arith.index_cast %get3A_414 : i32 to index
      %get3A_416 = arith.constant 48 : index
      %get3A_417 = tpu.vector_load %arg6[%get3A_415, %get3A_416] {strides = array<i32>} : memref<20x256xf32, #tpu.memory_space<vmem>>, vector<1x16xf32>,
      %get3A_418 = vector.shape_cast %get3A_417 : vector<1x16xf32> to vector<16xf32>
      %add3A_419 = arith.addf %add3A_413, %get3A_418 : vector<16xf32>
      %get3A_420 = arith.constant 2 : i32
      %get3A_421 = arith.index_cast %get3A_420 : i32 to index
      %get3A_422 = arith.constant 48 : index
      %get3A_423 = tpu.vector_load %arg6[%get3A_421, %get3A_422] {strides = array<i32>} : memref<20x256xf32, #tpu.memory_space<vmem>>, vector<1x16xf32>,
      %get3A_424 = vector.shape_cast %get3A_423 : vector<1x16xf32> to vector<16xf32>
      %add3A_425 = arith.addf %add3A_419, %get3A_424 : vector<16xf32>
      %get3A_426 = arith.constant 3 : i32
      %get3A_427 = arith.index_cast %get3A_426 : i32 to index
      %get3A_428 = arith.constant 48 : index
      %get3A_429 = tpu.vector_load %arg6[%get3A_427, %get3A_428] {strides = array<i32>} : memref<20x256xf32, #tpu.memory_space<vmem>>, vector<1x16xf32>,
      %get3A_430 = vector.shape_cast %get3A_429 : vector<1x16xf32> to vector<16xf32>
      %add3A_431 = arith.addf %add3A_425, %get3A_430 : vector<16xf32>
      %get3A_432 = arith.constant 4 : i32
      %get3A_433 = arith.index_cast %get3A_432 : i32 to index
      %get3A_434 = arith.constant 48 : index
      %get3A_435 = tpu.vector_load %arg6[%get3A_433, %get3A_434] {strides = array<i32>} : memref<20x256xf32, #tpu.memory_space<vmem>>, vector<1x16xf32>,
      %get3A_436 = vector.shape_cast %get3A_435 : vector<1x16xf32> to vector<16xf32>
      %add3A_437 = arith.addf %add3A_431, %get3A_436 : vector<16xf32>
      %get3A_438 = arith.constant 5 : i32
      %get3A_439 = arith.index_cast %get3A_438 : i32 to index
      %get3A_440 = arith.constant 48 : index
      %get3A_441 = tpu.vector_load %arg6[%get3A_439, %get3A_440] {strides = array<i32>} : memref<20x256xf32, #tpu.memory_space<vmem>>, vector<1x16xf32>,
      %get3A_442 = vector.shape_cast %get3A_441 : vector<1x16xf32> to vector<16xf32>
      %add3A_443 = arith.addf %add3A_437, %get3A_442 : vector<16xf32>
      %get3A_444 = arith.constant 6 : i32
      %get3A_445 = arith.index_cast %get3A_444 : i32 to index
      %get3A_446 = arith.constant 48 : index
      %get3A_447 = tpu.vector_load %arg6[%get3A_445, %get3A_446] {strides = array<i32>} : memref<20x256xf32, #tpu.memory_space<vmem>>, vector<1x16xf32>,
      %get3A_448 = vector.shape_cast %get3A_447 : vector<1x16xf32> to vector<16xf32>
      %add3A_449 = arith.addf %add3A_443, %get3A_448 : vector<16xf32>
      %get3A_450 = arith.constant 7 : i32
      %get3A_451 = arith.index_cast %get3A_450 : i32 to index
      %get3A_452 = arith.constant 48 : index
      %get3A_453 = tpu.vector_load %arg6[%get3A_451, %get3A_452] {strides = array<i32>} : memref<20x256xf32, #tpu.memory_space<vmem>>, vector<1x16xf32>,
      %get3A_454 = vector.shape_cast %get3A_453 : vector<1x16xf32> to vector<16xf32>
      %add3A_455 = arith.addf %add3A_449, %get3A_454 : vector<16xf32>
      %get3A_456 = arith.constant 8 : i32
      %get3A_457 = arith.index_cast %get3A_456 : i32 to index
      %get3A_458 = arith.constant 48 : index
      %get3A_459 = tpu.vector_load %arg6[%get3A_457, %get3A_458] {strides = array<i32>} : memref<20x256xf32, #tpu.memory_space<vmem>>, vector<1x16xf32>,
      %get3A_460 = vector.shape_cast %get3A_459 : vector<1x16xf32> to vector<16xf32>
      %add3A_461 = arith.addf %add3A_455, %get3A_460 : vector<16xf32>
      %get3A_462 = arith.constant 9 : i32
      %get3A_463 = arith.index_cast %get3A_462 : i32 to index
      %get3A_464 = arith.constant 48 : index
      %get3A_465 = tpu.vector_load %arg6[%get3A_463, %get3A_464] {strides = array<i32>} : memref<20x256xf32, #tpu.memory_space<vmem>>, vector<1x16xf32>,
      %get3A_466 = vector.shape_cast %get3A_465 : vector<1x16xf32> to vector<16xf32>
      %add3A_467 = arith.addf %add3A_461, %get3A_466 : vector<16xf32>
      %get3A_468 = arith.constant 10 : i32
      %get3A_469 = arith.index_cast %get3A_468 : i32 to index
      %get3A_470 = arith.constant 48 : index
      %get3A_471 = tpu.vector_load %arg6[%get3A_469, %get3A_470] {strides = array<i32>} : memref<20x256xf32, #tpu.memory_space<vmem>>, vector<1x16xf32>,
      %get3A_472 = vector.shape_cast %get3A_471 : vector<1x16xf32> to vector<16xf32>
      %add3A_473 = arith.addf %add3A_467, %get3A_472 : vector<16xf32>
      %get3A_474 = arith.constant 11 : i32
      %get3A_475 = arith.index_cast %get3A_474 : i32 to index
      %get3A_476 = arith.constant 48 : index
      %get3A_477 = tpu.vector_load %arg6[%get3A_475, %get3A_476] {strides = array<i32>} : memref<20x256xf32, #tpu.memory_space<vmem>>, vector<1x16xf32>,
      %get3A_478 = vector.shape_cast %get3A_477 : vector<1x16xf32> to vector<16xf32>
      %add3A_479 = arith.addf %add3A_473, %get3A_478 : vector<16xf32>
      %get3A_480 = arith.constant 12 : i32
      %get3A_481 = arith.index_cast %get3A_480 : i32 to index
      %get3A_482 = arith.constant 48 : index
      %get3A_483 = tpu.vector_load %arg6[%get3A_481, %get3A_482] {strides = array<i32>} : memref<20x256xf32, #tpu.memory_space<vmem>>, vector<1x16xf32>,
      %get3A_484 = vector.shape_cast %get3A_483 : vector<1x16xf32> to vector<16xf32>
      %add3A_485 = arith.addf %add3A_479, %get3A_484 : vector<16xf32>
      %get3A_486 = arith.constant 13 : i32
      %get3A_487 = arith.index_cast %get3A_486 : i32 to index
      %get3A_488 = arith.constant 48 : index
      %get3A_489 = tpu.vector_load %arg6[%get3A_487, %get3A_488] {strides = array<i32>} : memref<20x256xf32, #tpu.memory_space<vmem>>, vector<1x16xf32>,
      %get3A_490 = vector.shape_cast %get3A_489 : vector<1x16xf32> to vector<16xf32>
      %add3A_491 = arith.addf %add3A_485, %get3A_490 : vector<16xf32>
      %get3A_492 = arith.constant 14 : i32
      %get3A_493 = arith.index_cast %get3A_492 : i32 to index
      %get3A_494 = arith.constant 48 : index
      %get3A_495 = tpu.vector_load %arg6[%get3A_493, %get3A_494] {strides = array<i32>} : memref<20x256xf32, #tpu.memory_space<vmem>>, vector<1x16xf32>,
      %get3A_496 = vector.shape_cast %get3A_495 : vector<1x16xf32> to vector<16xf32>
      %add3A_497 = arith.addf %add3A_491, %get3A_496 : vector<16xf32>
      %get3A_498 = arith.constant 15 : i32
      %get3A_499 = arith.index_cast %get3A_498 : i32 to index
      %get3A_500 = arith.constant 48 : index
      %get3A_501 = tpu.vector_load %arg6[%get3A_499, %get3A_500] {strides = array<i32>} : memref<20x256xf32, #tpu.memory_space<vmem>>, vector<1x16xf32>,
      %get3A_502 = vector.shape_cast %get3A_501 : vector<1x16xf32> to vector<16xf32>
      %add3A_503 = arith.addf %add3A_497, %get3A_502 : vector<16xf32>
      %get3A_504 = arith.constant 16 : i32
      %get3A_505 = arith.index_cast %get3A_504 : i32 to index
      %get3A_506 = arith.constant 48 : index
      %get3A_507 = tpu.vector_load %arg6[%get3A_505, %get3A_506] {strides = array<i32>} : memref<20x256xf32, #tpu.memory_space<vmem>>, vector<1x16xf32>,
      %get3A_508 = vector.shape_cast %get3A_507 : vector<1x16xf32> to vector<16xf32>
      %add3A_509 = arith.addf %add3A_503, %get3A_508 : vector<16xf32>
      %get3A_510 = arith.constant 17 : i32
      %get3A_511 = arith.index_cast %get3A_510 : i32 to index
      %get3A_512 = arith.constant 48 : index
      %get3A_513 = tpu.vector_load %arg6[%get3A_511, %get3A_512] {strides = array<i32>} : memref<20x256xf32, #tpu.memory_space<vmem>>, vector<1x16xf32>,
      %get3A_514 = vector.shape_cast %get3A_513 : vector<1x16xf32> to vector<16xf32>
      %add3A_515 = arith.addf %add3A_509, %get3A_514 : vector<16xf32>
      %get3A_516 = arith.constant 18 : i32
      %get3A_517 = arith.index_cast %get3A_516 : i32 to index
      %get3A_518 = arith.constant 48 : index
      %get3A_519 = tpu.vector_load %arg6[%get3A_517, %get3A_518] {strides = array<i32>} : memref<20x256xf32, #tpu.memory_space<vmem>>, vector<1x16xf32>,
      %get3A_520 = vector.shape_cast %get3A_519 : vector<1x16xf32> to vector<16xf32>
      %add3A_521 = arith.addf %add3A_515, %get3A_520 : vector<16xf32>
      %get3A_522 = arith.constant 19 : i32
      %get3A_523 = arith.index_cast %get3A_522 : i32 to index
      %get3A_524 = arith.constant 48 : index
      %get3A_525 = tpu.vector_load %arg6[%get3A_523, %get3A_524] {strides = array<i32>} : memref<20x256xf32, #tpu.memory_space<vmem>>, vector<1x16xf32>,
      %get3A_526 = vector.shape_cast %get3A_525 : vector<1x16xf32> to vector<16xf32>
      %add3A_527 = arith.addf %add3A_521, %get3A_526 : vector<16xf32>
      %mul3A_528 = arith.constant 5.000000e-02 : f32
      %mul3A_529 = vector.broadcast %mul3A_528 : f32 to vector<16xf32>
      %mul3A_530 = arith.mulf %add3A_527, %mul3A_529 : vector<16xf32>
      %swap3A_531 = arith.index_cast %scan3A_8 : i32 to index
      %swap3A_532 = arith.constant 48 : index
      %swap3A_533 = tpu.vector_load %arg7[%swap3A_531, %swap3A_532] {strides = array<i32>} : memref<192x256xf32, #tpu.memory_space<vmem>>, vector<1x16xf32>,
      %swap3A_534 = vector.shape_cast %swap3A_533 : vector<1x16xf32> to vector<16xf32>
      %swap3A_535 = vector.shape_cast %mul3A_530 : vector<16xf32> to vector<1x16xf32>
      tpu.vector_store %arg7[%swap3A_531, %swap3A_532], %swap3A_535 {strides = array<i32>} : memref<192x256xf32, #tpu.memory_space<vmem>>, vector<1x16xf32>,
      %broadcast_in_dim3A_536 = arith.constant 0.000000e+00 : f32
      %broadcast_in_dim3A_537 = vector.broadcast %broadcast_in_dim3A_536 : f32 to vector<16xf32>
      %get3A_538 = arith.constant 0 : i32
      %get3A_539 = arith.index_cast %get3A_538 : i32 to index
      %get3A_540 = arith.constant 64 : index
      %get3A_541 = tpu.vector_load %arg6[%get3A_539, %get3A_540] {strides = array<i32>} : memref<20x256xf32, #tpu.memory_space<vmem>>, vector<1x16xf32>,
      %get3A_542 = vector.shape_cast %get3A_541 : vector<1x16xf32> to vector<16xf32>
      %add3A_543 = arith.addf %broadcast_in_dim3A_537, %get3A_542 : vector<16xf32>
      %get3A_544 = arith.constant 1 : i32
      %get3A_545 = arith.index_cast %get3A_544 : i32 to index
      %get3A_546 = arith.constant 64 : index
      %get3A_547 = tpu.vector_load %arg6[%get3A_545, %get3A_546] {strides = array<i32>} : memref<20x256xf32, #tpu.memory_space<vmem>>, vector<1x16xf32>,
      %get3A_548 = vector.shape_cast %get3A_547 : vector<1x16xf32> to vector<16xf32>
      %add3A_549 = arith.addf %add3A_543, %get3A_548 : vector<16xf32>
      %get3A_550 = arith.constant 2 : i32
      %get3A_551 = arith.index_cast %get3A_550 : i32 to index
      %get3A_552 = arith.constant 64 : index
      %get3A_553 = tpu.vector_load %arg6[%get3A_551, %get3A_552] {strides = array<i32>} : memref<20x256xf32, #tpu.memory_space<vmem>>, vector<1x16xf32>,
      %get3A_554 = vector.shape_cast %get3A_553 : vector<1x16xf32> to vector<16xf32>
      %add3A_555 = arith.addf %add3A_549, %get3A_554 : vector<16xf32>
      %get3A_556 = arith.constant 3 : i32
      %get3A_557 = arith.index_cast %get3A_556 : i32 to index
      %get3A_558 = arith.constant 64 : index
      %get3A_559 = tpu.vector_load %arg6[%get3A_557, %get3A_558] {strides = array<i32>} : memref<20x256xf32, #tpu.memory_space<vmem>>, vector<1x16xf32>,
      %get3A_560 = vector.shape_cast %get3A_559 : vector<1x16xf32> to vector<16xf32>
      %add3A_561 = arith.addf %add3A_555, %get3A_560 : vector<16xf32>
      %get3A_562 = arith.constant 4 : i32
      %get3A_563 = arith.index_cast %get3A_562 : i32 to index
      %get3A_564 = arith.constant 64 : index
      %get3A_565 = tpu.vector_load %arg6[%get3A_563, %get3A_564] {strides = array<i32>} : memref<20x256xf32, #tpu.memory_space<vmem>>, vector<1x16xf32>,
      %get3A_566 = vector.shape_cast %get3A_565 : vector<1x16xf32> to vector<16xf32>
      %add3A_567 = arith.addf %add3A_561, %get3A_566 : vector<16xf32>
      %get3A_568 = arith.constant 5 : i32
      %get3A_569 = arith.index_cast %get3A_568 : i32 to index
      %get3A_570 = arith.constant 64 : index
      %get3A_571 = tpu.vector_load %arg6[%get3A_569, %get3A_570] {strides = array<i32>} : memref<20x256xf32, #tpu.memory_space<vmem>>, vector<1x16xf32>,
      %get3A_572 = vector.shape_cast %get3A_571 : vector<1x16xf32> to vector<16xf32>
      %add3A_573 = arith.addf %add3A_567, %get3A_572 : vector<16xf32>
      %get3A_574 = arith.constant 6 : i32
      %get3A_575 = arith.index_cast %get3A_574 : i32 to index
      %get3A_576 = arith.constant 64 : index
      %get3A_577 = tpu.vector_load %arg6[%get3A_575, %get3A_576] {strides = array<i32>} : memref<20x256xf32, #tpu.memory_space<vmem>>, vector<1x16xf32>,
      %get3A_578 = vector.shape_cast %get3A_577 : vector<1x16xf32> to vector<16xf32>
      %add3A_579 = arith.addf %add3A_573, %get3A_578 : vector<16xf32>
      %get3A_580 = arith.constant 7 : i32
      %get3A_581 = arith.index_cast %get3A_580 : i32 to index
      %get3A_582 = arith.constant 64 : index
      %get3A_583 = tpu.vector_load %arg6[%get3A_581, %get3A_582] {strides = array<i32>} : memref<20x256xf32, #tpu.memory_space<vmem>>, vector<1x16xf32>,
      %get3A_584 = vector.shape_cast %get3A_583 : vector<1x16xf32> to vector<16xf32>
      %add3A_585 = arith.addf %add3A_579, %get3A_584 : vector<16xf32>
      %get3A_586 = arith.constant 8 : i32
      %get3A_587 = arith.index_cast %get3A_586 : i32 to index
      %get3A_588 = arith.constant 64 : index
      %get3A_589 = tpu.vector_load %arg6[%get3A_587, %get3A_588] {strides = array<i32>} : memref<20x256xf32, #tpu.memory_space<vmem>>, vector<1x16xf32>,
      %get3A_590 = vector.shape_cast %get3A_589 : vector<1x16xf32> to vector<16xf32>
      %add3A_591 = arith.addf %add3A_585, %get3A_590 : vector<16xf32>
      %get3A_592 = arith.constant 9 : i32
      %get3A_593 = arith.index_cast %get3A_592 : i32 to index
      %get3A_594 = arith.constant 64 : index
      %get3A_595 = tpu.vector_load %arg6[%get3A_593, %get3A_594] {strides = array<i32>} : memref<20x256xf32, #tpu.memory_space<vmem>>, vector<1x16xf32>,
      %get3A_596 = vector.shape_cast %get3A_595 : vector<1x16xf32> to vector<16xf32>
      %add3A_597 = arith.addf %add3A_591, %get3A_596 : vector<16xf32>
      %get3A_598 = arith.constant 10 : i32
      %get3A_599 = arith.index_cast %get3A_598 : i32 to index
      %get3A_600 = arith.constant 64 : index
      %get3A_601 = tpu.vector_load %arg6[%get3A_599, %get3A_600] {strides = array<i32>} : memref<20x256xf32, #tpu.memory_space<vmem>>, vector<1x16xf32>,
      %get3A_602 = vector.shape_cast %get3A_601 : vector<1x16xf32> to vector<16xf32>
      %add3A_603 = arith.addf %add3A_597, %get3A_602 : vector<16xf32>
      %get3A_604 = arith.constant 11 : i32
      %get3A_605 = arith.index_cast %get3A_604 : i32 to index
      %get3A_606 = arith.constant 64 : index
      %get3A_607 = tpu.vector_load %arg6[%get3A_605, %get3A_606] {strides = array<i32>} : memref<20x256xf32, #tpu.memory_space<vmem>>, vector<1x16xf32>,
      %get3A_608 = vector.shape_cast %get3A_607 : vector<1x16xf32> to vector<16xf32>
      %add3A_609 = arith.addf %add3A_603, %get3A_608 : vector<16xf32>
      %get3A_610 = arith.constant 12 : i32
      %get3A_611 = arith.index_cast %get3A_610 : i32 to index
      %get3A_612 = arith.constant 64 : index
      %get3A_613 = tpu.vector_load %arg6[%get3A_611, %get3A_612] {strides = array<i32>} : memref<20x256xf32, #tpu.memory_space<vmem>>, vector<1x16xf32>,
      %get3A_614 = vector.shape_cast %get3A_613 : vector<1x16xf32> to vector<16xf32>
      %add3A_615 = arith.addf %add3A_609, %get3A_614 : vector<16xf32>
      %get3A_616 = arith.constant 13 : i32
      %get3A_617 = arith.index_cast %get3A_616 : i32 to index
      %get3A_618 = arith.constant 64 : index
      %get3A_619 = tpu.vector_load %arg6[%get3A_617, %get3A_618] {strides = array<i32>} : memref<20x256xf32, #tpu.memory_space<vmem>>, vector<1x16xf32>,
      %get3A_620 = vector.shape_cast %get3A_619 : vector<1x16xf32> to vector<16xf32>
      %add3A_621 = arith.addf %add3A_615, %get3A_620 : vector<16xf32>
      %get3A_622 = arith.constant 14 : i32
      %get3A_623 = arith.index_cast %get3A_622 : i32 to index
      %get3A_624 = arith.constant 64 : index
      %get3A_625 = tpu.vector_load %arg6[%get3A_623, %get3A_624] {strides = array<i32>} : memref<20x256xf32, #tpu.memory_space<vmem>>, vector<1x16xf32>,
      %get3A_626 = vector.shape_cast %get3A_625 : vector<1x16xf32> to vector<16xf32>
      %add3A_627 = arith.addf %add3A_621, %get3A_626 : vector<16xf32>
      %get3A_628 = arith.constant 15 : i32
      %get3A_629 = arith.index_cast %get3A_628 : i32 to index
      %get3A_630 = arith.constant 64 : index
      %get3A_631 = tpu.vector_load %arg6[%get3A_629, %get3A_630] {strides = array<i32>} : memref<20x256xf32, #tpu.memory_space<vmem>>, vector<1x16xf32>,
      %get3A_632 = vector.shape_cast %get3A_631 : vector<1x16xf32> to vector<16xf32>
      %add3A_633 = arith.addf %add3A_627, %get3A_632 : vector<16xf32>
      %get3A_634 = arith.constant 16 : i32
      %get3A_635 = arith.index_cast %get3A_634 : i32 to index
      %get3A_636 = arith.constant 64 : index
      %get3A_637 = tpu.vector_load %arg6[%get3A_635, %get3A_636] {strides = array<i32>} : memref<20x256xf32, #tpu.memory_space<vmem>>, vector<1x16xf32>,
      %get3A_638 = vector.shape_cast %get3A_637 : vector<1x16xf32> to vector<16xf32>
      %add3A_639 = arith.addf %add3A_633, %get3A_638 : vector<16xf32>
      %get3A_640 = arith.constant 17 : i32
      %get3A_641 = arith.index_cast %get3A_640 : i32 to index
      %get3A_642 = arith.constant 64 : index
      %get3A_643 = tpu.vector_load %arg6[%get3A_641, %get3A_642] {strides = array<i32>} : memref<20x256xf32, #tpu.memory_space<vmem>>, vector<1x16xf32>,
      %get3A_644 = vector.shape_cast %get3A_643 : vector<1x16xf32> to vector<16xf32>
      %add3A_645 = arith.addf %add3A_639, %get3A_644 : vector<16xf32>
      %get3A_646 = arith.constant 18 : i32
      %get3A_647 = arith.index_cast %get3A_646 : i32 to index
      %get3A_648 = arith.constant 64 : index
      %get3A_649 = tpu.vector_load %arg6[%get3A_647, %get3A_648] {strides = array<i32>} : memref<20x256xf32, #tpu.memory_space<vmem>>, vector<1x16xf32>,
      %get3A_650 = vector.shape_cast %get3A_649 : vector<1x16xf32> to vector<16xf32>
      %add3A_651 = arith.addf %add3A_645, %get3A_650 : vector<16xf32>
      %get3A_652 = arith.constant 19 : i32
      %get3A_653 = arith.index_cast %get3A_652 : i32 to index
      %get3A_654 = arith.constant 64 : index
      %get3A_655 = tpu.vector_load %arg6[%get3A_653, %get3A_654] {strides = array<i32>} : memref<20x256xf32, #tpu.memory_space<vmem>>, vector<1x16xf32>,
      %get3A_656 = vector.shape_cast %get3A_655 : vector<1x16xf32> to vector<16xf32>
      %add3A_657 = arith.addf %add3A_651, %get3A_656 : vector<16xf32>
      %mul3A_658 = arith.constant 5.000000e-02 : f32
      %mul3A_659 = vector.broadcast %mul3A_658 : f32 to vector<16xf32>
      %mul3A_660 = arith.mulf %add3A_657, %mul3A_659 : vector<16xf32>
      %swap3A_661 = arith.index_cast %scan3A_8 : i32 to index
      %swap3A_662 = arith.constant 64 : index
      %swap3A_663 = tpu.vector_load %arg7[%swap3A_661, %swap3A_662] {strides = array<i32>} : memref<192x256xf32, #tpu.memory_space<vmem>>, vector<1x16xf32>,
      %swap3A_664 = vector.shape_cast %swap3A_663 : vector<1x16xf32> to vector<16xf32>
      %swap3A_665 = vector.shape_cast %mul3A_660 : vector<16xf32> to vector<1x16xf32>
      tpu.vector_store %arg7[%swap3A_661, %swap3A_662], %swap3A_665 {strides = array<i32>} : memref<192x256xf32, #tpu.memory_space<vmem>>, vector<1x16xf32>,
      %broadcast_in_dim3A_666 = arith.constant 0.000000e+00 : f32
      %broadcast_in_dim3A_667 = vector.broadcast %broadcast_in_dim3A_666 : f32 to vector<16xf32>
      %get3A_668 = arith.constant 0 : i32
      %get3A_669 = arith.index_cast %get3A_668 : i32 to index
      %get3A_670 = arith.constant 80 : index
      %get3A_671 = tpu.vector_load %arg6[%get3A_669, %get3A_670] {strides = array<i32>} : memref<20x256xf32, #tpu.memory_space<vmem>>, vector<1x16xf32>,
      %get3A_672 = vector.shape_cast %get3A_671 : vector<1x16xf32> to vector<16xf32>
      %add3A_673 = arith.addf %broadcast_in_dim3A_667, %get3A_672 : vector<16xf32>
      %get3A_674 = arith.constant 1 : i32
      %get3A_675 = arith.index_cast %get3A_674 : i32 to index
      %get3A_676 = arith.constant 80 : index
      %get3A_677 = tpu.vector_load %arg6[%get3A_675, %get3A_676] {strides = array<i32>} : memref<20x256xf32, #tpu.memory_space<vmem>>, vector<1x16xf32>,
      %get3A_678 = vector.shape_cast %get3A_677 : vector<1x16xf32> to vector<16xf32>
      %add3A_679 = arith.addf %add3A_673, %get3A_678 : vector<16xf32>
      %get3A_680 = arith.constant 2 : i32
      %get3A_681 = arith.index_cast %get3A_680 : i32 to index
      %get3A_682 = arith.constant 80 : index
      %get3A_683 = tpu.vector_load %arg6[%get3A_681, %get3A_682] {strides = array<i32>} : memref<20x256xf32, #tpu.memory_space<vmem>>, vector<1x16xf32>,
      %get3A_684 = vector.shape_cast %get3A_683 : vector<1x16xf32> to vector<16xf32>
      %add3A_685 = arith.addf %add3A_679, %get3A_684 : vector<16xf32>
      %get3A_686 = arith.constant 3 : i32
      %get3A_687 = arith.index_cast %get3A_686 : i32 to index
      %get3A_688 = arith.constant 80 : index
      %get3A_689 = tpu.vector_load %arg6[%get3A_687, %get3A_688] {strides = array<i32>} : memref<20x256xf32, #tpu.memory_space<vmem>>, vector<1x16xf32>,
      %get3A_690 = vector.shape_cast %get3A_689 : vector<1x16xf32> to vector<16xf32>
      %add3A_691 = arith.addf %add3A_685, %get3A_690 : vector<16xf32>
      %get3A_692 = arith.constant 4 : i32
      %get3A_693 = arith.index_cast %get3A_692 : i32 to index
      %get3A_694 = arith.constant 80 : index
      %get3A_695 = tpu.vector_load %arg6[%get3A_693, %get3A_694] {strides = array<i32>} : memref<20x256xf32, #tpu.memory_space<vmem>>, vector<1x16xf32>,
      %get3A_696 = vector.shape_cast %get3A_695 : vector<1x16xf32> to vector<16xf32>
      %add3A_697 = arith.addf %add3A_691, %get3A_696 : vector<16xf32>
      %get3A_698 = arith.constant 5 : i32
      %get3A_699 = arith.index_cast %get3A_698 : i32 to index
      %get3A_700 = arith.constant 80 : index
      %get3A_701 = tpu.vector_load %arg6[%get3A_699, %get3A_700] {strides = array<i32>} : memref<20x256xf32, #tpu.memory_space<vmem>>, vector<1x16xf32>,
      %get3A_702 = vector.shape_cast %get3A_701 : vector<1x16xf32> to vector<16xf32>
      %add3A_703 = arith.addf %add3A_697, %get3A_702 : vector<16xf32>
      %get3A_704 = arith.constant 6 : i32
      %get3A_705 = arith.index_cast %get3A_704 : i32 to index
      %get3A_706 = arith.constant 80 : index
      %get3A_707 = tpu.vector_load %arg6[%get3A_705, %get3A_706] {strides = array<i32>} : memref<20x256xf32, #tpu.memory_space<vmem>>, vector<1x16xf32>,
      %get3A_708 = vector.shape_cast %get3A_707 : vector<1x16xf32> to vector<16xf32>
      %add3A_709 = arith.addf %add3A_703, %get3A_708 : vector<16xf32>
      %get3A_710 = arith.constant 7 : i32
      %get3A_711 = arith.index_cast %get3A_710 : i32 to index
      %get3A_712 = arith.constant 80 : index
      %get3A_713 = tpu.vector_load %arg6[%get3A_711, %get3A_712] {strides = array<i32>} : memref<20x256xf32, #tpu.memory_space<vmem>>, vector<1x16xf32>,
      %get3A_714 = vector.shape_cast %get3A_713 : vector<1x16xf32> to vector<16xf32>
      %add3A_715 = arith.addf %add3A_709, %get3A_714 : vector<16xf32>
      %get3A_716 = arith.constant 8 : i32
      %get3A_717 = arith.index_cast %get3A_716 : i32 to index
      %get3A_718 = arith.constant 80 : index
      %get3A_719 = tpu.vector_load %arg6[%get3A_717, %get3A_718] {strides = array<i32>} : memref<20x256xf32, #tpu.memory_space<vmem>>, vector<1x16xf32>,
      %get3A_720 = vector.shape_cast %get3A_719 : vector<1x16xf32> to vector<16xf32>
      %add3A_721 = arith.addf %add3A_715, %get3A_720 : vector<16xf32>
      %get3A_722 = arith.constant 9 : i32
      %get3A_723 = arith.index_cast %get3A_722 : i32 to index
      %get3A_724 = arith.constant 80 : index
      %get3A_725 = tpu.vector_load %arg6[%get3A_723, %get3A_724] {strides = array<i32>} : memref<20x256xf32, #tpu.memory_space<vmem>>, vector<1x16xf32>,
      %get3A_726 = vector.shape_cast %get3A_725 : vector<1x16xf32> to vector<16xf32>
      %add3A_727 = arith.addf %add3A_721, %get3A_726 : vector<16xf32>
      %get3A_728 = arith.constant 10 : i32
      %get3A_729 = arith.index_cast %get3A_728 : i32 to index
      %get3A_730 = arith.constant 80 : index
      %get3A_731 = tpu.vector_load %arg6[%get3A_729, %get3A_730] {strides = array<i32>} : memref<20x256xf32, #tpu.memory_space<vmem>>, vector<1x16xf32>,
      %get3A_732 = vector.shape_cast %get3A_731 : vector<1x16xf32> to vector<16xf32>
      %add3A_733 = arith.addf %add3A_727, %get3A_732 : vector<16xf32>
      %get3A_734 = arith.constant 11 : i32
      %get3A_735 = arith.index_cast %get3A_734 : i32 to index
      %get3A_736 = arith.constant 80 : index
      %get3A_737 = tpu.vector_load %arg6[%get3A_735, %get3A_736] {strides = array<i32>} : memref<20x256xf32, #tpu.memory_space<vmem>>, vector<1x16xf32>,
      %get3A_738 = vector.shape_cast %get3A_737 : vector<1x16xf32> to vector<16xf32>
      %add3A_739 = arith.addf %add3A_733, %get3A_738 : vector<16xf32>
      %get3A_740 = arith.constant 12 : i32
      %get3A_741 = arith.index_cast %get3A_740 : i32 to index
      %get3A_742 = arith.constant 80 : index
      %get3A_743 = tpu.vector_load %arg6[%get3A_741, %get3A_742] {strides = array<i32>} : memref<20x256xf32, #tpu.memory_space<vmem>>, vector<1x16xf32>,
      %get3A_744 = vector.shape_cast %get3A_743 : vector<1x16xf32> to vector<16xf32>
      %add3A_745 = arith.addf %add3A_739, %get3A_744 : vector<16xf32>
      %get3A_746 = arith.constant 13 : i32
      %get3A_747 = arith.index_cast %get3A_746 : i32 to index
      %get3A_748 = arith.constant 80 : index
      %get3A_749 = tpu.vector_load %arg6[%get3A_747, %get3A_748] {strides = array<i32>} : memref<20x256xf32, #tpu.memory_space<vmem>>, vector<1x16xf32>,
      %get3A_750 = vector.shape_cast %get3A_749 : vector<1x16xf32> to vector<16xf32>
      %add3A_751 = arith.addf %add3A_745, %get3A_750 : vector<16xf32>
      %get3A_752 = arith.constant 14 : i32
      %get3A_753 = arith.index_cast %get3A_752 : i32 to index
      %get3A_754 = arith.constant 80 : index
      %get3A_755 = tpu.vector_load %arg6[%get3A_753, %get3A_754] {strides = array<i32>} : memref<20x256xf32, #tpu.memory_space<vmem>>, vector<1x16xf32>,
      %get3A_756 = vector.shape_cast %get3A_755 : vector<1x16xf32> to vector<16xf32>
      %add3A_757 = arith.addf %add3A_751, %get3A_756 : vector<16xf32>
      %get3A_758 = arith.constant 15 : i32
      %get3A_759 = arith.index_cast %get3A_758 : i32 to index
      %get3A_760 = arith.constant 80 : index
      %get3A_761 = tpu.vector_load %arg6[%get3A_759, %get3A_760] {strides = array<i32>} : memref<20x256xf32, #tpu.memory_space<vmem>>, vector<1x16xf32>,
      %get3A_762 = vector.shape_cast %get3A_761 : vector<1x16xf32> to vector<16xf32>
      %add3A_763 = arith.addf %add3A_757, %get3A_762 : vector<16xf32>
      %get3A_764 = arith.constant 16 : i32
      %get3A_765 = arith.index_cast %get3A_764 : i32 to index
      %get3A_766 = arith.constant 80 : index
      %get3A_767 = tpu.vector_load %arg6[%get3A_765, %get3A_766] {strides = array<i32>} : memref<20x256xf32, #tpu.memory_space<vmem>>, vector<1x16xf32>,
      %get3A_768 = vector.shape_cast %get3A_767 : vector<1x16xf32> to vector<16xf32>
      %add3A_769 = arith.addf %add3A_763, %get3A_768 : vector<16xf32>
      %get3A_770 = arith.constant 17 : i32
      %get3A_771 = arith.index_cast %get3A_770 : i32 to index
      %get3A_772 = arith.constant 80 : index
      %get3A_773 = tpu.vector_load %arg6[%get3A_771, %get3A_772] {strides = array<i32>} : memref<20x256xf32, #tpu.memory_space<vmem>>, vector<1x16xf32>,
      %get3A_774 = vector.shape_cast %get3A_773 : vector<1x16xf32> to vector<16xf32>
      %add3A_775 = arith.addf %add3A_769, %get3A_774 : vector<16xf32>
      %get3A_776 = arith.constant 18 : i32
      %get3A_777 = arith.index_cast %get3A_776 : i32 to index
      %get3A_778 = arith.constant 80 : index
      %get3A_779 = tpu.vector_load %arg6[%get3A_777, %get3A_778] {strides = array<i32>} : memref<20x256xf32, #tpu.memory_space<vmem>>, vector<1x16xf32>,
      %get3A_780 = vector.shape_cast %get3A_779 : vector<1x16xf32> to vector<16xf32>
      %add3A_781 = arith.addf %add3A_775, %get3A_780 : vector<16xf32>
      %get3A_782 = arith.constant 19 : i32
      %get3A_783 = arith.index_cast %get3A_782 : i32 to index
      %get3A_784 = arith.constant 80 : index
      %get3A_785 = tpu.vector_load %arg6[%get3A_783, %get3A_784] {strides = array<i32>} : memref<20x256xf32, #tpu.memory_space<vmem>>, vector<1x16xf32>,
      %get3A_786 = vector.shape_cast %get3A_785 : vector<1x16xf32> to vector<16xf32>
      %add3A_787 = arith.addf %add3A_781, %get3A_786 : vector<16xf32>
      %mul3A_788 = arith.constant 5.000000e-02 : f32
      %mul3A_789 = vector.broadcast %mul3A_788 : f32 to vector<16xf32>
      %mul3A_790 = arith.mulf %add3A_787, %mul3A_789 : vector<16xf32>
      %swap3A_791 = arith.index_cast %scan3A_8 : i32 to index
      %swap3A_792 = arith.constant 80 : index
      %swap3A_793 = tpu.vector_load %arg7[%swap3A_791, %swap3A_792] {strides = array<i32>} : memref<192x256xf32, #tpu.memory_space<vmem>>, vector<1x16xf32>,
      %swap3A_794 = vector.shape_cast %swap3A_793 : vector<1x16xf32> to vector<16xf32>
      %swap3A_795 = vector.shape_cast %mul3A_790 : vector<16xf32> to vector<1x16xf32>
      tpu.vector_store %arg7[%swap3A_791, %swap3A_792], %swap3A_795 {strides = array<i32>} : memref<192x256xf32, #tpu.memory_space<vmem>>, vector<1x16xf32>,
      %broadcast_in_dim3A_796 = arith.constant 0.000000e+00 : f32
      %broadcast_in_dim3A_797 = vector.broadcast %broadcast_in_dim3A_796 : f32 to vector<16xf32>
      %get3A_798 = arith.constant 0 : i32
      %get3A_799 = arith.index_cast %get3A_798 : i32 to index
      %get3A_800 = arith.constant 96 : index
      %get3A_801 = tpu.vector_load %arg6[%get3A_799, %get3A_800] {strides = array<i32>} : memref<20x256xf32, #tpu.memory_space<vmem>>, vector<1x16xf32>,
      %get3A_802 = vector.shape_cast %get3A_801 : vector<1x16xf32> to vector<16xf32>
      %add3A_803 = arith.addf %broadcast_in_dim3A_797, %get3A_802 : vector<16xf32>
      %get3A_804 = arith.constant 1 : i32
      %get3A_805 = arith.index_cast %get3A_804 : i32 to index
      %get3A_806 = arith.constant 96 : index
      %get3A_807 = tpu.vector_load %arg6[%get3A_805, %get3A_806] {strides = array<i32>} : memref<20x256xf32, #tpu.memory_space<vmem>>, vector<1x16xf32>,
      %get3A_808 = vector.shape_cast %get3A_807 : vector<1x16xf32> to vector<16xf32>
      %add3A_809 = arith.addf %add3A_803, %get3A_808 : vector<16xf32>
      %get3A_810 = arith.constant 2 : i32
      %get3A_811 = arith.index_cast %get3A_810 : i32 to index
      %get3A_812 = arith.constant 96 : index
      %get3A_813 = tpu.vector_load %arg6[%get3A_811, %get3A_812] {strides = array<i32>} : memref<20x256xf32, #tpu.memory_space<vmem>>, vector<1x16xf32>,
      %get3A_814 = vector.shape_cast %get3A_813 : vector<1x16xf32> to vector<16xf32>
      %add3A_815 = arith.addf %add3A_809, %get3A_814 : vector<16xf32>
      %get3A_816 = arith.constant 3 : i32
      %get3A_817 = arith.index_cast %get3A_816 : i32 to index
      %get3A_818 = arith.constant 96 : index
      %get3A_819 = tpu.vector_load %arg6[%get3A_817, %get3A_818] {strides = array<i32>} : memref<20x256xf32, #tpu.memory_space<vmem>>, vector<1x16xf32>,
      %get3A_820 = vector.shape_cast %get3A_819 : vector<1x16xf32> to vector<16xf32>
      %add3A_821 = arith.addf %add3A_815, %get3A_820 : vector<16xf32>
      %get3A_822 = arith.constant 4 : i32
      %get3A_823 = arith.index_cast %get3A_822 : i32 to index
      %get3A_824 = arith.constant 96 : index
      %get3A_825 = tpu.vector_load %arg6[%get3A_823, %get3A_824] {strides = array<i32>} : memref<20x256xf32, #tpu.memory_space<vmem>>, vector<1x16xf32>,
      %get3A_826 = vector.shape_cast %get3A_825 : vector<1x16xf32> to vector<16xf32>
      %add3A_827 = arith.addf %add3A_821, %get3A_826 : vector<16xf32>
      %get3A_828 = arith.constant 5 : i32
      %get3A_829 = arith.index_cast %get3A_828 : i32 to index
      %get3A_830 = arith.constant 96 : index
      %get3A_831 = tpu.vector_load %arg6[%get3A_829, %get3A_830] {strides = array<i32>} : memref<20x256xf32, #tpu.memory_space<vmem>>, vector<1x16xf32>,
      %get3A_832 = vector.shape_cast %get3A_831 : vector<1x16xf32> to vector<16xf32>
      %add3A_833 = arith.addf %add3A_827, %get3A_832 : vector<16xf32>
      %get3A_834 = arith.constant 6 : i32
      %get3A_835 = arith.index_cast %get3A_834 : i32 to index
      %get3A_836 = arith.constant 96 : index
      %get3A_837 = tpu.vector_load %arg6[%get3A_835, %get3A_836] {strides = array<i32>} : memref<20x256xf32, #tpu.memory_space<vmem>>, vector<1x16xf32>,
      %get3A_838 = vector.shape_cast %get3A_837 : vector<1x16xf32> to vector<16xf32>
      %add3A_839 = arith.addf %add3A_833, %get3A_838 : vector<16xf32>
      %get3A_840 = arith.constant 7 : i32
      %get3A_841 = arith.index_cast %get3A_840 : i32 to index
      %get3A_842 = arith.constant 96 : index
      %get3A_843 = tpu.vector_load %arg6[%get3A_841, %get3A_842] {strides = array<i32>} : memref<20x256xf32, #tpu.memory_space<vmem>>, vector<1x16xf32>,
      %get3A_844 = vector.shape_cast %get3A_843 : vector<1x16xf32> to vector<16xf32>
      %add3A_845 = arith.addf %add3A_839, %get3A_844 : vector<16xf32>
      %get3A_846 = arith.constant 8 : i32
      %get3A_847 = arith.index_cast %get3A_846 : i32 to index
      %get3A_848 = arith.constant 96 : index
      %get3A_849 = tpu.vector_load %arg6[%get3A_847, %get3A_848] {strides = array<i32>} : memref<20x256xf32, #tpu.memory_space<vmem>>, vector<1x16xf32>,
      %get3A_850 = vector.shape_cast %get3A_849 : vector<1x16xf32> to vector<16xf32>
      %add3A_851 = arith.addf %add3A_845, %get3A_850 : vector<16xf32>
      %get3A_852 = arith.constant 9 : i32
      %get3A_853 = arith.index_cast %get3A_852 : i32 to index
      %get3A_854 = arith.constant 96 : index
      %get3A_855 = tpu.vector_load %arg6[%get3A_853, %get3A_854] {strides = array<i32>} : memref<20x256xf32, #tpu.memory_space<vmem>>, vector<1x16xf32>,
      %get3A_856 = vector.shape_cast %get3A_855 : vector<1x16xf32> to vector<16xf32>
      %add3A_857 = arith.addf %add3A_851, %get3A_856 : vector<16xf32>
      %get3A_858 = arith.constant 10 : i32
      %get3A_859 = arith.index_cast %get3A_858 : i32 to index
      %get3A_860 = arith.constant 96 : index
      %get3A_861 = tpu.vector_load %arg6[%get3A_859, %get3A_860] {strides = array<i32>} : memref<20x256xf32, #tpu.memory_space<vmem>>, vector<1x16xf32>,
      %get3A_862 = vector.shape_cast %get3A_861 : vector<1x16xf32> to vector<16xf32>
      %add3A_863 = arith.addf %add3A_857, %get3A_862 : vector<16xf32>
      %get3A_864 = arith.constant 11 : i32
      %get3A_865 = arith.index_cast %get3A_864 : i32 to index
      %get3A_866 = arith.constant 96 : index
      %get3A_867 = tpu.vector_load %arg6[%get3A_865, %get3A_866] {strides = array<i32>} : memref<20x256xf32, #tpu.memory_space<vmem>>, vector<1x16xf32>,
      %get3A_868 = vector.shape_cast %get3A_867 : vector<1x16xf32> to vector<16xf32>
      %add3A_869 = arith.addf %add3A_863, %get3A_868 : vector<16xf32>
      %get3A_870 = arith.constant 12 : i32
      %get3A_871 = arith.index_cast %get3A_870 : i32 to index
      %get3A_872 = arith.constant 96 : index
      %get3A_873 = tpu.vector_load %arg6[%get3A_871, %get3A_872] {strides = array<i32>} : memref<20x256xf32, #tpu.memory_space<vmem>>, vector<1x16xf32>,
      %get3A_874 = vector.shape_cast %get3A_873 : vector<1x16xf32> to vector<16xf32>
      %add3A_875 = arith.addf %add3A_869, %get3A_874 : vector<16xf32>
      %get3A_876 = arith.constant 13 : i32
      %get3A_877 = arith.index_cast %get3A_876 : i32 to index
      %get3A_878 = arith.constant 96 : index
      %get3A_879 = tpu.vector_load %arg6[%get3A_877, %get3A_878] {strides = array<i32>} : memref<20x256xf32, #tpu.memory_space<vmem>>, vector<1x16xf32>,
      %get3A_880 = vector.shape_cast %get3A_879 : vector<1x16xf32> to vector<16xf32>
      %add3A_881 = arith.addf %add3A_875, %get3A_880 : vector<16xf32>
      %get3A_882 = arith.constant 14 : i32
      %get3A_883 = arith.index_cast %get3A_882 : i32 to index
      %get3A_884 = arith.constant 96 : index
      %get3A_885 = tpu.vector_load %arg6[%get3A_883, %get3A_884] {strides = array<i32>} : memref<20x256xf32, #tpu.memory_space<vmem>>, vector<1x16xf32>,
      %get3A_886 = vector.shape_cast %get3A_885 : vector<1x16xf32> to vector<16xf32>
      %add3A_887 = arith.addf %add3A_881, %get3A_886 : vector<16xf32>
      %get3A_888 = arith.constant 15 : i32
      %get3A_889 = arith.index_cast %get3A_888 : i32 to index
      %get3A_890 = arith.constant 96 : index
      %get3A_891 = tpu.vector_load %arg6[%get3A_889, %get3A_890] {strides = array<i32>} : memref<20x256xf32, #tpu.memory_space<vmem>>, vector<1x16xf32>,
      %get3A_892 = vector.shape_cast %get3A_891 : vector<1x16xf32> to vector<16xf32>
      %add3A_893 = arith.addf %add3A_887, %get3A_892 : vector<16xf32>
      %get3A_894 = arith.constant 16 : i32
      %get3A_895 = arith.index_cast %get3A_894 : i32 to index
      %get3A_896 = arith.constant 96 : index
      %get3A_897 = tpu.vector_load %arg6[%get3A_895, %get3A_896] {strides = array<i32>} : memref<20x256xf32, #tpu.memory_space<vmem>>, vector<1x16xf32>,
      %get3A_898 = vector.shape_cast %get3A_897 : vector<1x16xf32> to vector<16xf32>
      %add3A_899 = arith.addf %add3A_893, %get3A_898 : vector<16xf32>
      %get3A_900 = arith.constant 17 : i32
      %get3A_901 = arith.index_cast %get3A_900 : i32 to index
      %get3A_902 = arith.constant 96 : index
      %get3A_903 = tpu.vector_load %arg6[%get3A_901, %get3A_902] {strides = array<i32>} : memref<20x256xf32, #tpu.memory_space<vmem>>, vector<1x16xf32>,
      %get3A_904 = vector.shape_cast %get3A_903 : vector<1x16xf32> to vector<16xf32>
      %add3A_905 = arith.addf %add3A_899, %get3A_904 : vector<16xf32>
      %get3A_906 = arith.constant 18 : i32
      %get3A_907 = arith.index_cast %get3A_906 : i32 to index
      %get3A_908 = arith.constant 96 : index
      %get3A_909 = tpu.vector_load %arg6[%get3A_907, %get3A_908] {strides = array<i32>} : memref<20x256xf32, #tpu.memory_space<vmem>>, vector<1x16xf32>,
      %get3A_910 = vector.shape_cast %get3A_909 : vector<1x16xf32> to vector<16xf32>
      %add3A_911 = arith.addf %add3A_905, %get3A_910 : vector<16xf32>
      %get3A_912 = arith.constant 19 : i32
      %get3A_913 = arith.index_cast %get3A_912 : i32 to index
      %get3A_914 = arith.constant 96 : index
      %get3A_915 = tpu.vector_load %arg6[%get3A_913, %get3A_914] {strides = array<i32>} : memref<20x256xf32, #tpu.memory_space<vmem>>, vector<1x16xf32>,
      %get3A_916 = vector.shape_cast %get3A_915 : vector<1x16xf32> to vector<16xf32>
      %add3A_917 = arith.addf %add3A_911, %get3A_916 : vector<16xf32>
      %mul3A_918 = arith.constant 5.000000e-02 : f32
      %mul3A_919 = vector.broadcast %mul3A_918 : f32 to vector<16xf32>
      %mul3A_920 = arith.mulf %add3A_917, %mul3A_919 : vector<16xf32>
      %swap3A_921 = arith.index_cast %scan3A_8 : i32 to index
      %swap3A_922 = arith.constant 96 : index
      %swap3A_923 = tpu.vector_load %arg7[%swap3A_921, %swap3A_922] {strides = array<i32>} : memref<192x256xf32, #tpu.memory_space<vmem>>, vector<1x16xf32>,
      %swap3A_924 = vector.shape_cast %swap3A_923 : vector<1x16xf32> to vector<16xf32>
      %swap3A_925 = vector.shape_cast %mul3A_920 : vector<16xf32> to vector<1x16xf32>
      tpu.vector_store %arg7[%swap3A_921, %swap3A_922], %swap3A_925 {strides = array<i32>} : memref<192x256xf32, #tpu.memory_space<vmem>>, vector<1x16xf32>,
      %broadcast_in_dim3A_926 = arith.constant 0.000000e+00 : f32
      %broadcast_in_dim3A_927 = vector.broadcast %broadcast_in_dim3A_926 : f32 to vector<16xf32>
      %get3A_928 = arith.constant 0 : i32
      %get3A_929 = arith.index_cast %get3A_928 : i32 to index
      %get3A_930 = arith.constant 112 : index
      %get3A_931 = tpu.vector_load %arg6[%get3A_929, %get3A_930] {strides = array<i32>} : memref<20x256xf32, #tpu.memory_space<vmem>>, vector<1x16xf32>,
      %get3A_932 = vector.shape_cast %get3A_931 : vector<1x16xf32> to vector<16xf32>
      %add3A_933 = arith.addf %broadcast_in_dim3A_927, %get3A_932 : vector<16xf32>
      %get3A_934 = arith.constant 1 : i32
      %get3A_935 = arith.index_cast %get3A_934 : i32 to index
      %get3A_936 = arith.constant 112 : index
      %get3A_937 = tpu.vector_load %arg6[%get3A_935, %get3A_936] {strides = array<i32>} : memref<20x256xf32, #tpu.memory_space<vmem>>, vector<1x16xf32>,
      %get3A_938 = vector.shape_cast %get3A_937 : vector<1x16xf32> to vector<16xf32>
      %add3A_939 = arith.addf %add3A_933, %get3A_938 : vector<16xf32>
      %get3A_940 = arith.constant 2 : i32
      %get3A_941 = arith.index_cast %get3A_940 : i32 to index
      %get3A_942 = arith.constant 112 : index
      %get3A_943 = tpu.vector_load %arg6[%get3A_941, %get3A_942] {strides = array<i32>} : memref<20x256xf32, #tpu.memory_space<vmem>>, vector<1x16xf32>,
      %get3A_944 = vector.shape_cast %get3A_943 : vector<1x16xf32> to vector<16xf32>
      %add3A_945 = arith.addf %add3A_939, %get3A_944 : vector<16xf32>
      %get3A_946 = arith.constant 3 : i32
      %get3A_947 = arith.index_cast %get3A_946 : i32 to index
      %get3A_948 = arith.constant 112 : index
      %get3A_949 = tpu.vector_load %arg6[%get3A_947, %get3A_948] {strides = array<i32>} : memref<20x256xf32, #tpu.memory_space<vmem>>, vector<1x16xf32>,
      %get3A_950 = vector.shape_cast %get3A_949 : vector<1x16xf32> to vector<16xf32>
      %add3A_951 = arith.addf %add3A_945, %get3A_950 : vector<16xf32>
      %get3A_952 = arith.constant 4 : i32
      %get3A_953 = arith.index_cast %get3A_952 : i32 to index
      %get3A_954 = arith.constant 112 : index
      %get3A_955 = tpu.vector_load %arg6[%get3A_953, %get3A_954] {strides = array<i32>} : memref<20x256xf32, #tpu.memory_space<vmem>>, vector<1x16xf32>,
      %get3A_956 = vector.shape_cast %get3A_955 : vector<1x16xf32> to vector<16xf32>
      %add3A_957 = arith.addf %add3A_951, %get3A_956 : vector<16xf32>
      %get3A_958 = arith.constant 5 : i32
      %get3A_959 = arith.index_cast %get3A_958 : i32 to index
      %get3A_960 = arith.constant 112 : index
      %get3A_961 = tpu.vector_load %arg6[%get3A_959, %get3A_960] {strides = array<i32>} : memref<20x256xf32, #tpu.memory_space<vmem>>, vector<1x16xf32>,
      %get3A_962 = vector.shape_cast %get3A_961 : vector<1x16xf32> to vector<16xf32>
      %add3A_963 = arith.addf %add3A_957, %get3A_962 : vector<16xf32>
      %get3A_964 = arith.constant 6 : i32
      %get3A_965 = arith.index_cast %get3A_964 : i32 to index
      %get3A_966 = arith.constant 112 : index
      %get3A_967 = tpu.vector_load %arg6[%get3A_965, %get3A_966] {strides = array<i32>} : memref<20x256xf32, #tpu.memory_space<vmem>>, vector<1x16xf32>,
      %get3A_968 = vector.shape_cast %get3A_967 : vector<1x16xf32> to vector<16xf32>
      %add3A_969 = arith.addf %add3A_963, %get3A_968 : vector<16xf32>
      %get3A_970 = arith.constant 7 : i32
      %get3A_971 = arith.index_cast %get3A_970 : i32 to index
      %get3A_972 = arith.constant 112 : index
      %get3A_973 = tpu.vector_load %arg6[%get3A_971, %get3A_972] {strides = array<i32>} : memref<20x256xf32, #tpu.memory_space<vmem>>, vector<1x16xf32>,
      %get3A_974 = vector.shape_cast %get3A_973 : vector<1x16xf32> to vector<16xf32>
      %add3A_975 = arith.addf %add3A_969, %get3A_974 : vector<16xf32>
      %get3A_976 = arith.constant 8 : i32
      %get3A_977 = arith.index_cast %get3A_976 : i32 to index
      %get3A_978 = arith.constant 112 : index
      %get3A_979 = tpu.vector_load %arg6[%get3A_977, %get3A_978] {strides = array<i32>} : memref<20x256xf32, #tpu.memory_space<vmem>>, vector<1x16xf32>,
      %get3A_980 = vector.shape_cast %get3A_979 : vector<1x16xf32> to vector<16xf32>
      %add3A_981 = arith.addf %add3A_975, %get3A_980 : vector<16xf32>
      %get3A_982 = arith.constant 9 : i32
      %get3A_983 = arith.index_cast %get3A_982 : i32 to index
      %get3A_984 = arith.constant 112 : index
      %get3A_985 = tpu.vector_load %arg6[%get3A_983, %get3A_984] {strides = array<i32>} : memref<20x256xf32, #tpu.memory_space<vmem>>, vector<1x16xf32>,
      %get3A_986 = vector.shape_cast %get3A_985 : vector<1x16xf32> to vector<16xf32>
      %add3A_987 = arith.addf %add3A_981, %get3A_986 : vector<16xf32>
      %get3A_988 = arith.constant 10 : i32
      %get3A_989 = arith.index_cast %get3A_988 : i32 to index
      %get3A_990 = arith.constant 112 : index
      %get3A_991 = tpu.vector_load %arg6[%get3A_989, %get3A_990] {strides = array<i32>} : memref<20x256xf32, #tpu.memory_space<vmem>>, vector<1x16xf32>,
      %get3A_992 = vector.shape_cast %get3A_991 : vector<1x16xf32> to vector<16xf32>
      %add3A_993 = arith.addf %add3A_987, %get3A_992 : vector<16xf32>
      %get3A_994 = arith.constant 11 : i32
      %get3A_995 = arith.index_cast %get3A_994 : i32 to index
      %get3A_996 = arith.constant 112 : index
      %get3A_997 = tpu.vector_load %arg6[%get3A_995, %get3A_996] {strides = array<i32>} : memref<20x256xf32, #tpu.memory_space<vmem>>, vector<1x16xf32>,
      %get3A_998 = vector.shape_cast %get3A_997 : vector<1x16xf32> to vector<16xf32>
      %add3A_999 = arith.addf %add3A_993, %get3A_998 : vector<16xf32>
      %get3A_1000 = arith.constant 12 : i32
      %get3A_1001 = arith.index_cast %get3A_1000 : i32 to index
      %get3A_1002 = arith.constant 112 : index
      %get3A_1003 = tpu.vector_load %arg6[%get3A_1001, %get3A_1002] {strides = array<i32>} : memref<20x256xf32, #tpu.memory_space<vmem>>, vector<1x16xf32>,
      %get3A_1004 = vector.shape_cast %get3A_1003 : vector<1x16xf32> to vector<16xf32>
      %add3A_1005 = arith.addf %add3A_999, %get3A_1004 : vector<16xf32>
      %get3A_1006 = arith.constant 13 : i32
      %get3A_1007 = arith.index_cast %get3A_1006 : i32 to index
      %get3A_1008 = arith.constant 112 : index
      %get3A_1009 = tpu.vector_load %arg6[%get3A_1007, %get3A_1008] {strides = array<i32>} : memref<20x256xf32, #tpu.memory_space<vmem>>, vector<1x16xf32>,
      %get3A_1010 = vector.shape_cast %get3A_1009 : vector<1x16xf32> to vector<16xf32>
      %add3A_1011 = arith.addf %add3A_1005, %get3A_1010 : vector<16xf32>
      %get3A_1012 = arith.constant 14 : i32
      %get3A_1013 = arith.index_cast %get3A_1012 : i32 to index
      %get3A_1014 = arith.constant 112 : index
      %get3A_1015 = tpu.vector_load %arg6[%get3A_1013, %get3A_1014] {strides = array<i32>} : memref<20x256xf32, #tpu.memory_space<vmem>>, vector<1x16xf32>,
      %get3A_1016 = vector.shape_cast %get3A_1015 : vector<1x16xf32> to vector<16xf32>
      %add3A_1017 = arith.addf %add3A_1011, %get3A_1016 : vector<16xf32>
      %get3A_1018 = arith.constant 15 : i32
      %get3A_1019 = arith.index_cast %get3A_1018 : i32 to index
      %get3A_1020 = arith.constant 112 : index
      %get3A_1021 = tpu.vector_load %arg6[%get3A_1019, %get3A_1020] {strides = array<i32>} : memref<20x256xf32, #tpu.memory_space<vmem>>, vector<1x16xf32>,
      %get3A_1022 = vector.shape_cast %get3A_1021 : vector<1x16xf32> to vector<16xf32>
      %add3A_1023 = arith.addf %add3A_1017, %get3A_1022 : vector<16xf32>
      %get3A_1024 = arith.constant 16 : i32
      %get3A_1025 = arith.index_cast %get3A_1024 : i32 to index
      %get3A_1026 = arith.constant 112 : index
      %get3A_1027 = tpu.vector_load %arg6[%get3A_1025, %get3A_1026] {strides = array<i32>} : memref<20x256xf32, #tpu.memory_space<vmem>>, vector<1x16xf32>,
      %get3A_1028 = vector.shape_cast %get3A_1027 : vector<1x16xf32> to vector<16xf32>
      %add3A_1029 = arith.addf %add3A_1023, %get3A_1028 : vector<16xf32>
      %get3A_1030 = arith.constant 17 : i32
      %get3A_1031 = arith.index_cast %get3A_1030 : i32 to index
      %get3A_1032 = arith.constant 112 : index
      %get3A_1033 = tpu.vector_load %arg6[%get3A_1031, %get3A_1032] {strides = array<i32>} : memref<20x256xf32, #tpu.memory_space<vmem>>, vector<1x16xf32>,
      %get3A_1034 = vector.shape_cast %get3A_1033 : vector<1x16xf32> to vector<16xf32>
      %add3A_1035 = arith.addf %add3A_1029, %get3A_1034 : vector<16xf32>
      %get3A_1036 = arith.constant 18 : i32
      %get3A_1037 = arith.index_cast %get3A_1036 : i32 to index
      %get3A_1038 = arith.constant 112 : index
      %get3A_1039 = tpu.vector_load %arg6[%get3A_1037, %get3A_1038] {strides = array<i32>} : memref<20x256xf32, #tpu.memory_space<vmem>>, vector<1x16xf32>,
      %get3A_1040 = vector.shape_cast %get3A_1039 : vector<1x16xf32> to vector<16xf32>
      %add3A_1041 = arith.addf %add3A_1035, %get3A_1040 : vector<16xf32>
      %get3A_1042 = arith.constant 19 : i32
      %get3A_1043 = arith.index_cast %get3A_1042 : i32 to index
      %get3A_1044 = arith.constant 112 : index
      %get3A_1045 = tpu.vector_load %arg6[%get3A_1043, %get3A_1044] {strides = array<i32>} : memref<20x256xf32, #tpu.memory_space<vmem>>, vector<1x16xf32>,
      %get3A_1046 = vector.shape_cast %get3A_1045 : vector<1x16xf32> to vector<16xf32>
      %add3A_1047 = arith.addf %add3A_1041, %get3A_1046 : vector<16xf32>
      %mul3A_1048 = arith.constant 5.000000e-02 : f32
      %mul3A_1049 = vector.broadcast %mul3A_1048 : f32 to vector<16xf32>
      %mul3A_1050 = arith.mulf %add3A_1047, %mul3A_1049 : vector<16xf32>
      %swap3A_1051 = arith.index_cast %scan3A_8 : i32 to index
      %swap3A_1052 = arith.constant 112 : index
      %swap3A_1053 = tpu.vector_load %arg7[%swap3A_1051, %swap3A_1052] {strides = array<i32>} : memref<192x256xf32, #tpu.memory_space<vmem>>, vector<1x16xf32>,
      %swap3A_1054 = vector.shape_cast %swap3A_1053 : vector<1x16xf32> to vector<16xf32>
      %swap3A_1055 = vector.shape_cast %mul3A_1050 : vector<16xf32> to vector<1x16xf32>
      tpu.vector_store %arg7[%swap3A_1051, %swap3A_1052], %swap3A_1055 {strides = array<i32>} : memref<192x256xf32, #tpu.memory_space<vmem>>, vector<1x16xf32>,
      %broadcast_in_dim3A_1056 = arith.constant 0.000000e+00 : f32
      %broadcast_in_dim3A_1057 = vector.broadcast %broadcast_in_dim3A_1056 : f32 to vector<16xf32>
      %get3A_1058 = arith.constant 0 : i32
      %get3A_1059 = arith.index_cast %get3A_1058 : i32 to index
      %get3A_1060 = arith.constant 128 : index
      %get3A_1061 = tpu.vector_load %arg6[%get3A_1059, %get3A_1060] {strides = array<i32>} : memref<20x256xf32, #tpu.memory_space<vmem>>, vector<1x16xf32>,
      %get3A_1062 = vector.shape_cast %get3A_1061 : vector<1x16xf32> to vector<16xf32>
      %add3A_1063 = arith.addf %broadcast_in_dim3A_1057, %get3A_1062 : vector<16xf32>
      %get3A_1064 = arith.constant 1 : i32
      %get3A_1065 = arith.index_cast %get3A_1064 : i32 to index
      %get3A_1066 = arith.constant 128 : index
      %get3A_1067 = tpu.vector_load %arg6[%get3A_1065, %get3A_1066] {strides = array<i32>} : memref<20x256xf32, #tpu.memory_space<vmem>>, vector<1x16xf32>,
      %get3A_1068 = vector.shape_cast %get3A_1067 : vector<1x16xf32> to vector<16xf32>
      %add3A_1069 = arith.addf %add3A_1063, %get3A_1068 : vector<16xf32>
      %get3A_1070 = arith.constant 2 : i32
      %get3A_1071 = arith.index_cast %get3A_1070 : i32 to index
      %get3A_1072 = arith.constant 128 : index
      %get3A_1073 = tpu.vector_load %arg6[%get3A_1071, %get3A_1072] {strides = array<i32>} : memref<20x256xf32, #tpu.memory_space<vmem>>, vector<1x16xf32>,
      %get3A_1074 = vector.shape_cast %get3A_1073 : vector<1x16xf32> to vector<16xf32>
      %add3A_1075 = arith.addf %add3A_1069, %get3A_1074 : vector<16xf32>
      %get3A_1076 = arith.constant 3 : i32
      %get3A_1077 = arith.index_cast %get3A_1076 : i32 to index
      %get3A_1078 = arith.constant 128 : index
      %get3A_1079 = tpu.vector_load %arg6[%get3A_1077, %get3A_1078] {strides = array<i32>} : memref<20x256xf32, #tpu.memory_space<vmem>>, vector<1x16xf32>,
      %get3A_1080 = vector.shape_cast %get3A_1079 : vector<1x16xf32> to vector<16xf32>
      %add3A_1081 = arith.addf %add3A_1075, %get3A_1080 : vector<16xf32>
      %get3A_1082 = arith.constant 4 : i32
      %get3A_1083 = arith.index_cast %get3A_1082 : i32 to index
      %get3A_1084 = arith.constant 128 : index
      %get3A_1085 = tpu.vector_load %arg6[%get3A_1083, %get3A_1084] {strides = array<i32>} : memref<20x256xf32, #tpu.memory_space<vmem>>, vector<1x16xf32>,
      %get3A_1086 = vector.shape_cast %get3A_1085 : vector<1x16xf32> to vector<16xf32>
      %add3A_1087 = arith.addf %add3A_1081, %get3A_1086 : vector<16xf32>
      %get3A_1088 = arith.constant 5 : i32
      %get3A_1089 = arith.index_cast %get3A_1088 : i32 to index
      %get3A_1090 = arith.constant 128 : index
      %get3A_1091 = tpu.vector_load %arg6[%get3A_1089, %get3A_1090] {strides = array<i32>} : memref<20x256xf32, #tpu.memory_space<vmem>>, vector<1x16xf32>,
      %get3A_1092 = vector.shape_cast %get3A_1091 : vector<1x16xf32> to vector<16xf32>
      %add3A_1093 = arith.addf %add3A_1087, %get3A_1092 : vector<16xf32>
      %get3A_1094 = arith.constant 6 : i32
      %get3A_1095 = arith.index_cast %get3A_1094 : i32 to index
      %get3A_1096 = arith.constant 128 : index
      %get3A_1097 = tpu.vector_load %arg6[%get3A_1095, %get3A_1096] {strides = array<i32>} : memref<20x256xf32, #tpu.memory_space<vmem>>, vector<1x16xf32>,
      %get3A_1098 = vector.shape_cast %get3A_1097 : vector<1x16xf32> to vector<16xf32>
      %add3A_1099 = arith.addf %add3A_1093, %get3A_1098 : vector<16xf32>
      %get3A_1100 = arith.constant 7 : i32
      %get3A_1101 = arith.index_cast %get3A_1100 : i32 to index
      %get3A_1102 = arith.constant 128 : index
      %get3A_1103 = tpu.vector_load %arg6[%get3A_1101, %get3A_1102] {strides = array<i32>} : memref<20x256xf32, #tpu.memory_space<vmem>>, vector<1x16xf32>,
      %get3A_1104 = vector.shape_cast %get3A_1103 : vector<1x16xf32> to vector<16xf32>
      %add3A_1105 = arith.addf %add3A_1099, %get3A_1104 : vector<16xf32>
      %get3A_1106 = arith.constant 8 : i32
      %get3A_1107 = arith.index_cast %get3A_1106 : i32 to index
      %get3A_1108 = arith.constant 128 : index
      %get3A_1109 = tpu.vector_load %arg6[%get3A_1107, %get3A_1108] {strides = array<i32>} : memref<20x256xf32, #tpu.memory_space<vmem>>, vector<1x16xf32>,
      %get3A_1110 = vector.shape_cast %get3A_1109 : vector<1x16xf32> to vector<16xf32>
      %add3A_1111 = arith.addf %add3A_1105, %get3A_1110 : vector<16xf32>
      %get3A_1112 = arith.constant 9 : i32
      %get3A_1113 = arith.index_cast %get3A_1112 : i32 to index
      %get3A_1114 = arith.constant 128 : index
      %get3A_1115 = tpu.vector_load %arg6[%get3A_1113, %get3A_1114] {strides = array<i32>} : memref<20x256xf32, #tpu.memory_space<vmem>>, vector<1x16xf32>,
      %get3A_1116 = vector.shape_cast %get3A_1115 : vector<1x16xf32> to vector<16xf32>
      %add3A_1117 = arith.addf %add3A_1111, %get3A_1116 : vector<16xf32>
      %get3A_1118 = arith.constant 10 : i32
      %get3A_1119 = arith.index_cast %get3A_1118 : i32 to index
      %get3A_1120 = arith.constant 128 : index
      %get3A_1121 = tpu.vector_load %arg6[%get3A_1119, %get3A_1120] {strides = array<i32>} : memref<20x256xf32, #tpu.memory_space<vmem>>, vector<1x16xf32>,
      %get3A_1122 = vector.shape_cast %get3A_1121 : vector<1x16xf32> to vector<16xf32>
      %add3A_1123 = arith.addf %add3A_1117, %get3A_1122 : vector<16xf32>
      %get3A_1124 = arith.constant 11 : i32
      %get3A_1125 = arith.index_cast %get3A_1124 : i32 to index
      %get3A_1126 = arith.constant 128 : index
      %get3A_1127 = tpu.vector_load %arg6[%get3A_1125, %get3A_1126] {strides = array<i32>} : memref<20x256xf32, #tpu.memory_space<vmem>>, vector<1x16xf32>,
      %get3A_1128 = vector.shape_cast %get3A_1127 : vector<1x16xf32> to vector<16xf32>
      %add3A_1129 = arith.addf %add3A_1123, %get3A_1128 : vector<16xf32>
      %get3A_1130 = arith.constant 12 : i32
      %get3A_1131 = arith.index_cast %get3A_1130 : i32 to index
      %get3A_1132 = arith.constant 128 : index
      %get3A_1133 = tpu.vector_load %arg6[%get3A_1131, %get3A_1132] {strides = array<i32>} : memref<20x256xf32, #tpu.memory_space<vmem>>, vector<1x16xf32>,
      %get3A_1134 = vector.shape_cast %get3A_1133 : vector<1x16xf32> to vector<16xf32>
      %add3A_1135 = arith.addf %add3A_1129, %get3A_1134 : vector<16xf32>
      %get3A_1136 = arith.constant 13 : i32
      %get3A_1137 = arith.index_cast %get3A_1136 : i32 to index
      %get3A_1138 = arith.constant 128 : index
      %get3A_1139 = tpu.vector_load %arg6[%get3A_1137, %get3A_1138] {strides = array<i32>} : memref<20x256xf32, #tpu.memory_space<vmem>>, vector<1x16xf32>,
      %get3A_1140 = vector.shape_cast %get3A_1139 : vector<1x16xf32> to vector<16xf32>
      %add3A_1141 = arith.addf %add3A_1135, %get3A_1140 : vector<16xf32>
      %get3A_1142 = arith.constant 14 : i32
      %get3A_1143 = arith.index_cast %get3A_1142 : i32 to index
      %get3A_1144 = arith.constant 128 : index
      %get3A_1145 = tpu.vector_load %arg6[%get3A_1143, %get3A_1144] {strides = array<i32>} : memref<20x256xf32, #tpu.memory_space<vmem>>, vector<1x16xf32>,
      %get3A_1146 = vector.shape_cast %get3A_1145 : vector<1x16xf32> to vector<16xf32>
      %add3A_1147 = arith.addf %add3A_1141, %get3A_1146 : vector<16xf32>
      %get3A_1148 = arith.constant 15 : i32
      %get3A_1149 = arith.index_cast %get3A_1148 : i32 to index
      %get3A_1150 = arith.constant 128 : index
      %get3A_1151 = tpu.vector_load %arg6[%get3A_1149, %get3A_1150] {strides = array<i32>} : memref<20x256xf32, #tpu.memory_space<vmem>>, vector<1x16xf32>,
      %get3A_1152 = vector.shape_cast %get3A_1151 : vector<1x16xf32> to vector<16xf32>
      %add3A_1153 = arith.addf %add3A_1147, %get3A_1152 : vector<16xf32>
      %get3A_1154 = arith.constant 16 : i32
      %get3A_1155 = arith.index_cast %get3A_1154 : i32 to index
      %get3A_1156 = arith.constant 128 : index
      %get3A_1157 = tpu.vector_load %arg6[%get3A_1155, %get3A_1156] {strides = array<i32>} : memref<20x256xf32, #tpu.memory_space<vmem>>, vector<1x16xf32>,
      %get3A_1158 = vector.shape_cast %get3A_1157 : vector<1x16xf32> to vector<16xf32>
      %add3A_1159 = arith.addf %add3A_1153, %get3A_1158 : vector<16xf32>
      %get3A_1160 = arith.constant 17 : i32
      %get3A_1161 = arith.index_cast %get3A_1160 : i32 to index
      %get3A_1162 = arith.constant 128 : index
      %get3A_1163 = tpu.vector_load %arg6[%get3A_1161, %get3A_1162] {strides = array<i32>} : memref<20x256xf32, #tpu.memory_space<vmem>>, vector<1x16xf32>,
      %get3A_1164 = vector.shape_cast %get3A_1163 : vector<1x16xf32> to vector<16xf32>
      %add3A_1165 = arith.addf %add3A_1159, %get3A_1164 : vector<16xf32>
      %get3A_1166 = arith.constant 18 : i32
      %get3A_1167 = arith.index_cast %get3A_1166 : i32 to index
      %get3A_1168 = arith.constant 128 : index
      %get3A_1169 = tpu.vector_load %arg6[%get3A_1167, %get3A_1168] {strides = array<i32>} : memref<20x256xf32, #tpu.memory_space<vmem>>, vector<1x16xf32>,
      %get3A_1170 = vector.shape_cast %get3A_1169 : vector<1x16xf32> to vector<16xf32>
      %add3A_1171 = arith.addf %add3A_1165, %get3A_1170 : vector<16xf32>
      %get3A_1172 = arith.constant 19 : i32
      %get3A_1173 = arith.index_cast %get3A_1172 : i32 to index
      %get3A_1174 = arith.constant 128 : index
      %get3A_1175 = tpu.vector_load %arg6[%get3A_1173, %get3A_1174] {strides = array<i32>} : memref<20x256xf32, #tpu.memory_space<vmem>>, vector<1x16xf32>,
      %get3A_1176 = vector.shape_cast %get3A_1175 : vector<1x16xf32> to vector<16xf32>
      %add3A_1177 = arith.addf %add3A_1171, %get3A_1176 : vector<16xf32>
      %mul3A_1178 = arith.constant 5.000000e-02 : f32
      %mul3A_1179 = vector.broadcast %mul3A_1178 : f32 to vector<16xf32>
      %mul3A_1180 = arith.mulf %add3A_1177, %mul3A_1179 : vector<16xf32>
      %swap3A_1181 = arith.index_cast %scan3A_8 : i32 to index
      %swap3A_1182 = arith.constant 128 : index
      %swap3A_1183 = tpu.vector_load %arg7[%swap3A_1181, %swap3A_1182] {strides = array<i32>} : memref<192x256xf32, #tpu.memory_space<vmem>>, vector<1x16xf32>,
      %swap3A_1184 = vector.shape_cast %swap3A_1183 : vector<1x16xf32> to vector<16xf32>
      %swap3A_1185 = vector.shape_cast %mul3A_1180 : vector<16xf32> to vector<1x16xf32>
      tpu.vector_store %arg7[%swap3A_1181, %swap3A_1182], %swap3A_1185 {strides = array<i32>} : memref<192x256xf32, #tpu.memory_space<vmem>>, vector<1x16xf32>,
      %broadcast_in_dim3A_1186 = arith.constant 0.000000e+00 : f32
      %broadcast_in_dim3A_1187 = vector.broadcast %broadcast_in_dim3A_1186 : f32 to vector<16xf32>
      %get3A_1188 = arith.constant 0 : i32
      %get3A_1189 = arith.index_cast %get3A_1188 : i32 to index
      %get3A_1190 = arith.constant 144 : index
      %get3A_1191 = tpu.vector_load %arg6[%get3A_1189, %get3A_1190] {strides = array<i32>} : memref<20x256xf32, #tpu.memory_space<vmem>>, vector<1x16xf32>,
      %get3A_1192 = vector.shape_cast %get3A_1191 : vector<1x16xf32> to vector<16xf32>
      %add3A_1193 = arith.addf %broadcast_in_dim3A_1187, %get3A_1192 : vector<16xf32>
      %get3A_1194 = arith.constant 1 : i32
      %get3A_1195 = arith.index_cast %get3A_1194 : i32 to index
      %get3A_1196 = arith.constant 144 : index
      %get3A_1197 = tpu.vector_load %arg6[%get3A_1195, %get3A_1196] {strides = array<i32>} : memref<20x256xf32, #tpu.memory_space<vmem>>, vector<1x16xf32>,
      %get3A_1198 = vector.shape_cast %get3A_1197 : vector<1x16xf32> to vector<16xf32>
      %add3A_1199 = arith.addf %add3A_1193, %get3A_1198 : vector<16xf32>
      %get3A_1200 = arith.constant 2 : i32
      %get3A_1201 = arith.index_cast %get3A_1200 : i32 to index
      %get3A_1202 = arith.constant 144 : index
      %get3A_1203 = tpu.vector_load %arg6[%get3A_1201, %get3A_1202] {strides = array<i32>} : memref<20x256xf32, #tpu.memory_space<vmem>>, vector<1x16xf32>,
      %get3A_1204 = vector.shape_cast %get3A_1203 : vector<1x16xf32> to vector<16xf32>
      %add3A_1205 = arith.addf %add3A_1199, %get3A_1204 : vector<16xf32>
      %get3A_1206 = arith.constant 3 : i32
      %get3A_1207 = arith.index_cast %get3A_1206 : i32 to index
      %get3A_1208 = arith.constant 144 : index
      %get3A_1209 = tpu.vector_load %arg6[%get3A_1207, %get3A_1208] {strides = array<i32>} : memref<20x256xf32, #tpu.memory_space<vmem>>, vector<1x16xf32>,
      %get3A_1210 = vector.shape_cast %get3A_1209 : vector<1x16xf32> to vector<16xf32>
      %add3A_1211 = arith.addf %add3A_1205, %get3A_1210 : vector<16xf32>
      %get3A_1212 = arith.constant 4 : i32
      %get3A_1213 = arith.index_cast %get3A_1212 : i32 to index
      %get3A_1214 = arith.constant 144 : index
      %get3A_1215 = tpu.vector_load %arg6[%get3A_1213, %get3A_1214] {strides = array<i32>} : memref<20x256xf32, #tpu.memory_space<vmem>>, vector<1x16xf32>,
      %get3A_1216 = vector.shape_cast %get3A_1215 : vector<1x16xf32> to vector<16xf32>
      %add3A_1217 = arith.addf %add3A_1211, %get3A_1216 : vector<16xf32>
      %get3A_1218 = arith.constant 5 : i32
      %get3A_1219 = arith.index_cast %get3A_1218 : i32 to index
      %get3A_1220 = arith.constant 144 : index
      %get3A_1221 = tpu.vector_load %arg6[%get3A_1219, %get3A_1220] {strides = array<i32>} : memref<20x256xf32, #tpu.memory_space<vmem>>, vector<1x16xf32>,
      %get3A_1222 = vector.shape_cast %get3A_1221 : vector<1x16xf32> to vector<16xf32>
      %add3A_1223 = arith.addf %add3A_1217, %get3A_1222 : vector<16xf32>
      %get3A_1224 = arith.constant 6 : i32
      %get3A_1225 = arith.index_cast %get3A_1224 : i32 to index
      %get3A_1226 = arith.constant 144 : index
      %get3A_1227 = tpu.vector_load %arg6[%get3A_1225, %get3A_1226] {strides = array<i32>} : memref<20x256xf32, #tpu.memory_space<vmem>>, vector<1x16xf32>,
      %get3A_1228 = vector.shape_cast %get3A_1227 : vector<1x16xf32> to vector<16xf32>
      %add3A_1229 = arith.addf %add3A_1223, %get3A_1228 : vector<16xf32>
      %get3A_1230 = arith.constant 7 : i32
      %get3A_1231 = arith.index_cast %get3A_1230 : i32 to index
      %get3A_1232 = arith.constant 144 : index
      %get3A_1233 = tpu.vector_load %arg6[%get3A_1231, %get3A_1232] {strides = array<i32>} : memref<20x256xf32, #tpu.memory_space<vmem>>, vector<1x16xf32>,
      %get3A_1234 = vector.shape_cast %get3A_1233 : vector<1x16xf32> to vector<16xf32>
      %add3A_1235 = arith.addf %add3A_1229, %get3A_1234 : vector<16xf32>
      %get3A_1236 = arith.constant 8 : i32
      %get3A_1237 = arith.index_cast %get3A_1236 : i32 to index
      %get3A_1238 = arith.constant 144 : index
      %get3A_1239 = tpu.vector_load %arg6[%get3A_1237, %get3A_1238] {strides = array<i32>} : memref<20x256xf32, #tpu.memory_space<vmem>>, vector<1x16xf32>,
      %get3A_1240 = vector.shape_cast %get3A_1239 : vector<1x16xf32> to vector<16xf32>
      %add3A_1241 = arith.addf %add3A_1235, %get3A_1240 : vector<16xf32>
      %get3A_1242 = arith.constant 9 : i32
      %get3A_1243 = arith.index_cast %get3A_1242 : i32 to index
      %get3A_1244 = arith.constant 144 : index
      %get3A_1245 = tpu.vector_load %arg6[%get3A_1243, %get3A_1244] {strides = array<i32>} : memref<20x256xf32, #tpu.memory_space<vmem>>, vector<1x16xf32>,
      %get3A_1246 = vector.shape_cast %get3A_1245 : vector<1x16xf32> to vector<16xf32>
      %add3A_1247 = arith.addf %add3A_1241, %get3A_1246 : vector<16xf32>
      %get3A_1248 = arith.constant 10 : i32
      %get3A_1249 = arith.index_cast %get3A_1248 : i32 to index
      %get3A_1250 = arith.constant 144 : index
      %get3A_1251 = tpu.vector_load %arg6[%get3A_1249, %get3A_1250] {strides = array<i32>} : memref<20x256xf32, #tpu.memory_space<vmem>>, vector<1x16xf32>,
      %get3A_1252 = vector.shape_cast %get3A_1251 : vector<1x16xf32> to vector<16xf32>
      %add3A_1253 = arith.addf %add3A_1247, %get3A_1252 : vector<16xf32>
      %get3A_1254 = arith.constant 11 : i32
      %get3A_1255 = arith.index_cast %get3A_1254 : i32 to index
      %get3A_1256 = arith.constant 144 : index
      %get3A_1257 = tpu.vector_load %arg6[%get3A_1255, %get3A_1256] {strides = array<i32>} : memref<20x256xf32, #tpu.memory_space<vmem>>, vector<1x16xf32>,
      %get3A_1258 = vector.shape_cast %get3A_1257 : vector<1x16xf32> to vector<16xf32>
      %add3A_1259 = arith.addf %add3A_1253, %get3A_1258 : vector<16xf32>
      %get3A_1260 = arith.constant 12 : i32
      %get3A_1261 = arith.index_cast %get3A_1260 : i32 to index
      %get3A_1262 = arith.constant 144 : index
      %get3A_1263 = tpu.vector_load %arg6[%get3A_1261, %get3A_1262] {strides = array<i32>} : memref<20x256xf32, #tpu.memory_space<vmem>>, vector<1x16xf32>,
      %get3A_1264 = vector.shape_cast %get3A_1263 : vector<1x16xf32> to vector<16xf32>
      %add3A_1265 = arith.addf %add3A_1259, %get3A_1264 : vector<16xf32>
      %get3A_1266 = arith.constant 13 : i32
      %get3A_1267 = arith.index_cast %get3A_1266 : i32 to index
      %get3A_1268 = arith.constant 144 : index
      %get3A_1269 = tpu.vector_load %arg6[%get3A_1267, %get3A_1268] {strides = array<i32>} : memref<20x256xf32, #tpu.memory_space<vmem>>, vector<1x16xf32>,
      %get3A_1270 = vector.shape_cast %get3A_1269 : vector<1x16xf32> to vector<16xf32>
      %add3A_1271 = arith.addf %add3A_1265, %get3A_1270 : vector<16xf32>
      %get3A_1272 = arith.constant 14 : i32
      %get3A_1273 = arith.index_cast %get3A_1272 : i32 to index
      %get3A_1274 = arith.constant 144 : index
      %get3A_1275 = tpu.vector_load %arg6[%get3A_1273, %get3A_1274] {strides = array<i32>} : memref<20x256xf32, #tpu.memory_space<vmem>>, vector<1x16xf32>,
      %get3A_1276 = vector.shape_cast %get3A_1275 : vector<1x16xf32> to vector<16xf32>
      %add3A_1277 = arith.addf %add3A_1271, %get3A_1276 : vector<16xf32>
      %get3A_1278 = arith.constant 15 : i32
      %get3A_1279 = arith.index_cast %get3A_1278 : i32 to index
      %get3A_1280 = arith.constant 144 : index
      %get3A_1281 = tpu.vector_load %arg6[%get3A_1279, %get3A_1280] {strides = array<i32>} : memref<20x256xf32, #tpu.memory_space<vmem>>, vector<1x16xf32>,
      %get3A_1282 = vector.shape_cast %get3A_1281 : vector<1x16xf32> to vector<16xf32>
      %add3A_1283 = arith.addf %add3A_1277, %get3A_1282 : vector<16xf32>
      %get3A_1284 = arith.constant 16 : i32
      %get3A_1285 = arith.index_cast %get3A_1284 : i32 to index
      %get3A_1286 = arith.constant 144 : index
      %get3A_1287 = tpu.vector_load %arg6[%get3A_1285, %get3A_1286] {strides = array<i32>} : memref<20x256xf32, #tpu.memory_space<vmem>>, vector<1x16xf32>,
      %get3A_1288 = vector.shape_cast %get3A_1287 : vector<1x16xf32> to vector<16xf32>
      %add3A_1289 = arith.addf %add3A_1283, %get3A_1288 : vector<16xf32>
      %get3A_1290 = arith.constant 17 : i32
      %get3A_1291 = arith.index_cast %get3A_1290 : i32 to index
      %get3A_1292 = arith.constant 144 : index
      %get3A_1293 = tpu.vector_load %arg6[%get3A_1291, %get3A_1292] {strides = array<i32>} : memref<20x256xf32, #tpu.memory_space<vmem>>, vector<1x16xf32>,
      %get3A_1294 = vector.shape_cast %get3A_1293 : vector<1x16xf32> to vector<16xf32>
      %add3A_1295 = arith.addf %add3A_1289, %get3A_1294 : vector<16xf32>
      %get3A_1296 = arith.constant 18 : i32
      %get3A_1297 = arith.index_cast %get3A_1296 : i32 to index
      %get3A_1298 = arith.constant 144 : index
      %get3A_1299 = tpu.vector_load %arg6[%get3A_1297, %get3A_1298] {strides = array<i32>} : memref<20x256xf32, #tpu.memory_space<vmem>>, vector<1x16xf32>,
      %get3A_1300 = vector.shape_cast %get3A_1299 : vector<1x16xf32> to vector<16xf32>
      %add3A_1301 = arith.addf %add3A_1295, %get3A_1300 : vector<16xf32>
      %get3A_1302 = arith.constant 19 : i32
      %get3A_1303 = arith.index_cast %get3A_1302 : i32 to index
      %get3A_1304 = arith.constant 144 : index
      %get3A_1305 = tpu.vector_load %arg6[%get3A_1303, %get3A_1304] {strides = array<i32>} : memref<20x256xf32, #tpu.memory_space<vmem>>, vector<1x16xf32>,
      %get3A_1306 = vector.shape_cast %get3A_1305 : vector<1x16xf32> to vector<16xf32>
      %add3A_1307 = arith.addf %add3A_1301, %get3A_1306 : vector<16xf32>
      %mul3A_1308 = arith.constant 5.000000e-02 : f32
      %mul3A_1309 = vector.broadcast %mul3A_1308 : f32 to vector<16xf32>
      %mul3A_1310 = arith.mulf %add3A_1307, %mul3A_1309 : vector<16xf32>
      %swap3A_1311 = arith.index_cast %scan3A_8 : i32 to index
      %swap3A_1312 = arith.constant 144 : index
      %swap3A_1313 = tpu.vector_load %arg7[%swap3A_1311, %swap3A_1312] {strides = array<i32>} : memref<192x256xf32, #tpu.memory_space<vmem>>, vector<1x16xf32>,
      %swap3A_1314 = vector.shape_cast %swap3A_1313 : vector<1x16xf32> to vector<16xf32>
      %swap3A_1315 = vector.shape_cast %mul3A_1310 : vector<16xf32> to vector<1x16xf32>
      tpu.vector_store %arg7[%swap3A_1311, %swap3A_1312], %swap3A_1315 {strides = array<i32>} : memref<192x256xf32, #tpu.memory_space<vmem>>, vector<1x16xf32>,
      %broadcast_in_dim3A_1316 = arith.constant 0.000000e+00 : f32
      %broadcast_in_dim3A_1317 = vector.broadcast %broadcast_in_dim3A_1316 : f32 to vector<16xf32>
      %get3A_1318 = arith.constant 0 : i32
      %get3A_1319 = arith.index_cast %get3A_1318 : i32 to index
      %get3A_1320 = arith.constant 160 : index
      %get3A_1321 = tpu.vector_load %arg6[%get3A_1319, %get3A_1320] {strides = array<i32>} : memref<20x256xf32, #tpu.memory_space<vmem>>, vector<1x16xf32>,
      %get3A_1322 = vector.shape_cast %get3A_1321 : vector<1x16xf32> to vector<16xf32>
      %add3A_1323 = arith.addf %broadcast_in_dim3A_1317, %get3A_1322 : vector<16xf32>
      %get3A_1324 = arith.constant 1 : i32
      %get3A_1325 = arith.index_cast %get3A_1324 : i32 to index
      %get3A_1326 = arith.constant 160 : index
      %get3A_1327 = tpu.vector_load %arg6[%get3A_1325, %get3A_1326] {strides = array<i32>} : memref<20x256xf32, #tpu.memory_space<vmem>>, vector<1x16xf32>,
      %get3A_1328 = vector.shape_cast %get3A_1327 : vector<1x16xf32> to vector<16xf32>
      %add3A_1329 = arith.addf %add3A_1323, %get3A_1328 : vector<16xf32>
      %get3A_1330 = arith.constant 2 : i32
      %get3A_1331 = arith.index_cast %get3A_1330 : i32 to index
      %get3A_1332 = arith.constant 160 : index
      %get3A_1333 = tpu.vector_load %arg6[%get3A_1331, %get3A_1332] {strides = array<i32>} : memref<20x256xf32, #tpu.memory_space<vmem>>, vector<1x16xf32>,
      %get3A_1334 = vector.shape_cast %get3A_1333 : vector<1x16xf32> to vector<16xf32>
      %add3A_1335 = arith.addf %add3A_1329, %get3A_1334 : vector<16xf32>
      %get3A_1336 = arith.constant 3 : i32
      %get3A_1337 = arith.index_cast %get3A_1336 : i32 to index
      %get3A_1338 = arith.constant 160 : index
      %get3A_1339 = tpu.vector_load %arg6[%get3A_1337, %get3A_1338] {strides = array<i32>} : memref<20x256xf32, #tpu.memory_space<vmem>>, vector<1x16xf32>,
      %get3A_1340 = vector.shape_cast %get3A_1339 : vector<1x16xf32> to vector<16xf32>
      %add3A_1341 = arith.addf %add3A_1335, %get3A_1340 : vector<16xf32>
      %get3A_1342 = arith.constant 4 : i32
      %get3A_1343 = arith.index_cast %get3A_1342 : i32 to index
      %get3A_1344 = arith.constant 160 : index
      %get3A_1345 = tpu.vector_load %arg6[%get3A_1343, %get3A_1344] {strides = array<i32>} : memref<20x256xf32, #tpu.memory_space<vmem>>, vector<1x16xf32>,
      %get3A_1346 = vector.shape_cast %get3A_1345 : vector<1x16xf32> to vector<16xf32>
      %add3A_1347 = arith.addf %add3A_1341, %get3A_1346 : vector<16xf32>
      %get3A_1348 = arith.constant 5 : i32
      %get3A_1349 = arith.index_cast %get3A_1348 : i32 to index
      %get3A_1350 = arith.constant 160 : index
      %get3A_1351 = tpu.vector_load %arg6[%get3A_1349, %get3A_1350] {strides = array<i32>} : memref<20x256xf32, #tpu.memory_space<vmem>>, vector<1x16xf32>,
      %get3A_1352 = vector.shape_cast %get3A_1351 : vector<1x16xf32> to vector<16xf32>
      %add3A_1353 = arith.addf %add3A_1347, %get3A_1352 : vector<16xf32>
      %get3A_1354 = arith.constant 6 : i32
      %get3A_1355 = arith.index_cast %get3A_1354 : i32 to index
      %get3A_1356 = arith.constant 160 : index
      %get3A_1357 = tpu.vector_load %arg6[%get3A_1355, %get3A_1356] {strides = array<i32>} : memref<20x256xf32, #tpu.memory_space<vmem>>, vector<1x16xf32>,
      %get3A_1358 = vector.shape_cast %get3A_1357 : vector<1x16xf32> to vector<16xf32>
      %add3A_1359 = arith.addf %add3A_1353, %get3A_1358 : vector<16xf32>
      %get3A_1360 = arith.constant 7 : i32
      %get3A_1361 = arith.index_cast %get3A_1360 : i32 to index
      %get3A_1362 = arith.constant 160 : index
      %get3A_1363 = tpu.vector_load %arg6[%get3A_1361, %get3A_1362] {strides = array<i32>} : memref<20x256xf32, #tpu.memory_space<vmem>>, vector<1x16xf32>,
      %get3A_1364 = vector.shape_cast %get3A_1363 : vector<1x16xf32> to vector<16xf32>
      %add3A_1365 = arith.addf %add3A_1359, %get3A_1364 : vector<16xf32>
      %get3A_1366 = arith.constant 8 : i32
      %get3A_1367 = arith.index_cast %get3A_1366 : i32 to index
      %get3A_1368 = arith.constant 160 : index
      %get3A_1369 = tpu.vector_load %arg6[%get3A_1367, %get3A_1368] {strides = array<i32>} : memref<20x256xf32, #tpu.memory_space<vmem>>, vector<1x16xf32>,
      %get3A_1370 = vector.shape_cast %get3A_1369 : vector<1x16xf32> to vector<16xf32>
      %add3A_1371 = arith.addf %add3A_1365, %get3A_1370 : vector<16xf32>
      %get3A_1372 = arith.constant 9 : i32
      %get3A_1373 = arith.index_cast %get3A_1372 : i32 to index
      %get3A_1374 = arith.constant 160 : index
      %get3A_1375 = tpu.vector_load %arg6[%get3A_1373, %get3A_1374] {strides = array<i32>} : memref<20x256xf32, #tpu.memory_space<vmem>>, vector<1x16xf32>,
      %get3A_1376 = vector.shape_cast %get3A_1375 : vector<1x16xf32> to vector<16xf32>
      %add3A_1377 = arith.addf %add3A_1371, %get3A_1376 : vector<16xf32>
      %get3A_1378 = arith.constant 10 : i32
      %get3A_1379 = arith.index_cast %get3A_1378 : i32 to index
      %get3A_1380 = arith.constant 160 : index
      %get3A_1381 = tpu.vector_load %arg6[%get3A_1379, %get3A_1380] {strides = array<i32>} : memref<20x256xf32, #tpu.memory_space<vmem>>, vector<1x16xf32>,
      %get3A_1382 = vector.shape_cast %get3A_1381 : vector<1x16xf32> to vector<16xf32>
      %add3A_1383 = arith.addf %add3A_1377, %get3A_1382 : vector<16xf32>
      %get3A_1384 = arith.constant 11 : i32
      %get3A_1385 = arith.index_cast %get3A_1384 : i32 to index
      %get3A_1386 = arith.constant 160 : index
      %get3A_1387 = tpu.vector_load %arg6[%get3A_1385, %get3A_1386] {strides = array<i32>} : memref<20x256xf32, #tpu.memory_space<vmem>>, vector<1x16xf32>,
      %get3A_1388 = vector.shape_cast %get3A_1387 : vector<1x16xf32> to vector<16xf32>
      %add3A_1389 = arith.addf %add3A_1383, %get3A_1388 : vector<16xf32>
      %get3A_1390 = arith.constant 12 : i32
      %get3A_1391 = arith.index_cast %get3A_1390 : i32 to index
      %get3A_1392 = arith.constant 160 : index
      %get3A_1393 = tpu.vector_load %arg6[%get3A_1391, %get3A_1392] {strides = array<i32>} : memref<20x256xf32, #tpu.memory_space<vmem>>, vector<1x16xf32>,
      %get3A_1394 = vector.shape_cast %get3A_1393 : vector<1x16xf32> to vector<16xf32>
      %add3A_1395 = arith.addf %add3A_1389, %get3A_1394 : vector<16xf32>
      %get3A_1396 = arith.constant 13 : i32
      %get3A_1397 = arith.index_cast %get3A_1396 : i32 to index
      %get3A_1398 = arith.constant 160 : index
      %get3A_1399 = tpu.vector_load %arg6[%get3A_1397, %get3A_1398] {strides = array<i32>} : memref<20x256xf32, #tpu.memory_space<vmem>>, vector<1x16xf32>,
      %get3A_1400 = vector.shape_cast %get3A_1399 : vector<1x16xf32> to vector<16xf32>
      %add3A_1401 = arith.addf %add3A_1395, %get3A_1400 : vector<16xf32>
      %get3A_1402 = arith.constant 14 : i32
      %get3A_1403 = arith.index_cast %get3A_1402 : i32 to index
      %get3A_1404 = arith.constant 160 : index
      %get3A_1405 = tpu.vector_load %arg6[%get3A_1403, %get3A_1404] {strides = array<i32>} : memref<20x256xf32, #tpu.memory_space<vmem>>, vector<1x16xf32>,
      %get3A_1406 = vector.shape_cast %get3A_1405 : vector<1x16xf32> to vector<16xf32>
      %add3A_1407 = arith.addf %add3A_1401, %get3A_1406 : vector<16xf32>
      %get3A_1408 = arith.constant 15 : i32
      %get3A_1409 = arith.index_cast %get3A_1408 : i32 to index
      %get3A_1410 = arith.constant 160 : index
      %get3A_1411 = tpu.vector_load %arg6[%get3A_1409, %get3A_1410] {strides = array<i32>} : memref<20x256xf32, #tpu.memory_space<vmem>>, vector<1x16xf32>,
      %get3A_1412 = vector.shape_cast %get3A_1411 : vector<1x16xf32> to vector<16xf32>
      %add3A_1413 = arith.addf %add3A_1407, %get3A_1412 : vector<16xf32>
      %get3A_1414 = arith.constant 16 : i32
      %get3A_1415 = arith.index_cast %get3A_1414 : i32 to index
      %get3A_1416 = arith.constant 160 : index
      %get3A_1417 = tpu.vector_load %arg6[%get3A_1415, %get3A_1416] {strides = array<i32>} : memref<20x256xf32, #tpu.memory_space<vmem>>, vector<1x16xf32>,
      %get3A_1418 = vector.shape_cast %get3A_1417 : vector<1x16xf32> to vector<16xf32>
      %add3A_1419 = arith.addf %add3A_1413, %get3A_1418 : vector<16xf32>
      %get3A_1420 = arith.constant 17 : i32
      %get3A_1421 = arith.index_cast %get3A_1420 : i32 to index
      %get3A_1422 = arith.constant 160 : index
      %get3A_1423 = tpu.vector_load %arg6[%get3A_1421, %get3A_1422] {strides = array<i32>} : memref<20x256xf32, #tpu.memory_space<vmem>>, vector<1x16xf32>,
      %get3A_1424 = vector.shape_cast %get3A_1423 : vector<1x16xf32> to vector<16xf32>
      %add3A_1425 = arith.addf %add3A_1419, %get3A_1424 : vector<16xf32>
      %get3A_1426 = arith.constant 18 : i32
      %get3A_1427 = arith.index_cast %get3A_1426 : i32 to index
      %get3A_1428 = arith.constant 160 : index
      %get3A_1429 = tpu.vector_load %arg6[%get3A_1427, %get3A_1428] {strides = array<i32>} : memref<20x256xf32, #tpu.memory_space<vmem>>, vector<1x16xf32>,
      %get3A_1430 = vector.shape_cast %get3A_1429 : vector<1x16xf32> to vector<16xf32>
      %add3A_1431 = arith.addf %add3A_1425, %get3A_1430 : vector<16xf32>
      %get3A_1432 = arith.constant 19 : i32
      %get3A_1433 = arith.index_cast %get3A_1432 : i32 to index
      %get3A_1434 = arith.constant 160 : index
      %get3A_1435 = tpu.vector_load %arg6[%get3A_1433, %get3A_1434] {strides = array<i32>} : memref<20x256xf32, #tpu.memory_space<vmem>>, vector<1x16xf32>,
      %get3A_1436 = vector.shape_cast %get3A_1435 : vector<1x16xf32> to vector<16xf32>
      %add3A_1437 = arith.addf %add3A_1431, %get3A_1436 : vector<16xf32>
      %mul3A_1438 = arith.constant 5.000000e-02 : f32
      %mul3A_1439 = vector.broadcast %mul3A_1438 : f32 to vector<16xf32>
      %mul3A_1440 = arith.mulf %add3A_1437, %mul3A_1439 : vector<16xf32>
      %swap3A_1441 = arith.index_cast %scan3A_8 : i32 to index
      %swap3A_1442 = arith.constant 160 : index
      %swap3A_1443 = tpu.vector_load %arg7[%swap3A_1441, %swap3A_1442] {strides = array<i32>} : memref<192x256xf32, #tpu.memory_space<vmem>>, vector<1x16xf32>,
      %swap3A_1444 = vector.shape_cast %swap3A_1443 : vector<1x16xf32> to vector<16xf32>
      %swap3A_1445 = vector.shape_cast %mul3A_1440 : vector<16xf32> to vector<1x16xf32>
      tpu.vector_store %arg7[%swap3A_1441, %swap3A_1442], %swap3A_1445 {strides = array<i32>} : memref<192x256xf32, #tpu.memory_space<vmem>>, vector<1x16xf32>,
      %broadcast_in_dim3A_1446 = arith.constant 0.000000e+00 : f32
      %broadcast_in_dim3A_1447 = vector.broadcast %broadcast_in_dim3A_1446 : f32 to vector<16xf32>
      %get3A_1448 = arith.constant 0 : i32
      %get3A_1449 = arith.index_cast %get3A_1448 : i32 to index
      %get3A_1450 = arith.constant 176 : index
      %get3A_1451 = tpu.vector_load %arg6[%get3A_1449, %get3A_1450] {strides = array<i32>} : memref<20x256xf32, #tpu.memory_space<vmem>>, vector<1x16xf32>,
      %get3A_1452 = vector.shape_cast %get3A_1451 : vector<1x16xf32> to vector<16xf32>
      %add3A_1453 = arith.addf %broadcast_in_dim3A_1447, %get3A_1452 : vector<16xf32>
      %get3A_1454 = arith.constant 1 : i32
      %get3A_1455 = arith.index_cast %get3A_1454 : i32 to index
      %get3A_1456 = arith.constant 176 : index
      %get3A_1457 = tpu.vector_load %arg6[%get3A_1455, %get3A_1456] {strides = array<i32>} : memref<20x256xf32, #tpu.memory_space<vmem>>, vector<1x16xf32>,
      %get3A_1458 = vector.shape_cast %get3A_1457 : vector<1x16xf32> to vector<16xf32>
      %add3A_1459 = arith.addf %add3A_1453, %get3A_1458 : vector<16xf32>
      %get3A_1460 = arith.constant 2 : i32
      %get3A_1461 = arith.index_cast %get3A_1460 : i32 to index
      %get3A_1462 = arith.constant 176 : index
      %get3A_1463 = tpu.vector_load %arg6[%get3A_1461, %get3A_1462] {strides = array<i32>} : memref<20x256xf32, #tpu.memory_space<vmem>>, vector<1x16xf32>,
      %get3A_1464 = vector.shape_cast %get3A_1463 : vector<1x16xf32> to vector<16xf32>
      %add3A_1465 = arith.addf %add3A_1459, %get3A_1464 : vector<16xf32>
      %get3A_1466 = arith.constant 3 : i32
      %get3A_1467 = arith.index_cast %get3A_1466 : i32 to index
      %get3A_1468 = arith.constant 176 : index
      %get3A_1469 = tpu.vector_load %arg6[%get3A_1467, %get3A_1468] {strides = array<i32>} : memref<20x256xf32, #tpu.memory_space<vmem>>, vector<1x16xf32>,
      %get3A_1470 = vector.shape_cast %get3A_1469 : vector<1x16xf32> to vector<16xf32>
      %add3A_1471 = arith.addf %add3A_1465, %get3A_1470 : vector<16xf32>
      %get3A_1472 = arith.constant 4 : i32
      %get3A_1473 = arith.index_cast %get3A_1472 : i32 to index
      %get3A_1474 = arith.constant 176 : index
      %get3A_1475 = tpu.vector_load %arg6[%get3A_1473, %get3A_1474] {strides = array<i32>} : memref<20x256xf32, #tpu.memory_space<vmem>>, vector<1x16xf32>,
      %get3A_1476 = vector.shape_cast %get3A_1475 : vector<1x16xf32> to vector<16xf32>
      %add3A_1477 = arith.addf %add3A_1471, %get3A_1476 : vector<16xf32>
      %get3A_1478 = arith.constant 5 : i32
      %get3A_1479 = arith.index_cast %get3A_1478 : i32 to index
      %get3A_1480 = arith.constant 176 : index
      %get3A_1481 = tpu.vector_load %arg6[%get3A_1479, %get3A_1480] {strides = array<i32>} : memref<20x256xf32, #tpu.memory_space<vmem>>, vector<1x16xf32>,
      %get3A_1482 = vector.shape_cast %get3A_1481 : vector<1x16xf32> to vector<16xf32>
      %add3A_1483 = arith.addf %add3A_1477, %get3A_1482 : vector<16xf32>
      %get3A_1484 = arith.constant 6 : i32
      %get3A_1485 = arith.index_cast %get3A_1484 : i32 to index
      %get3A_1486 = arith.constant 176 : index
      %get3A_1487 = tpu.vector_load %arg6[%get3A_1485, %get3A_1486] {strides = array<i32>} : memref<20x256xf32, #tpu.memory_space<vmem>>, vector<1x16xf32>,
      %get3A_1488 = vector.shape_cast %get3A_1487 : vector<1x16xf32> to vector<16xf32>
      %add3A_1489 = arith.addf %add3A_1483, %get3A_1488 : vector<16xf32>
      %get3A_1490 = arith.constant 7 : i32
      %get3A_1491 = arith.index_cast %get3A_1490 : i32 to index
      %get3A_1492 = arith.constant 176 : index
      %get3A_1493 = tpu.vector_load %arg6[%get3A_1491, %get3A_1492] {strides = array<i32>} : memref<20x256xf32, #tpu.memory_space<vmem>>, vector<1x16xf32>,
      %get3A_1494 = vector.shape_cast %get3A_1493 : vector<1x16xf32> to vector<16xf32>
      %add3A_1495 = arith.addf %add3A_1489, %get3A_1494 : vector<16xf32>
      %get3A_1496 = arith.constant 8 : i32
      %get3A_1497 = arith.index_cast %get3A_1496 : i32 to index
      %get3A_1498 = arith.constant 176 : index
      %get3A_1499 = tpu.vector_load %arg6[%get3A_1497, %get3A_1498] {strides = array<i32>} : memref<20x256xf32, #tpu.memory_space<vmem>>, vector<1x16xf32>,
      %get3A_1500 = vector.shape_cast %get3A_1499 : vector<1x16xf32> to vector<16xf32>
      %add3A_1501 = arith.addf %add3A_1495, %get3A_1500 : vector<16xf32>
      %get3A_1502 = arith.constant 9 : i32
      %get3A_1503 = arith.index_cast %get3A_1502 : i32 to index
      %get3A_1504 = arith.constant 176 : index
      %get3A_1505 = tpu.vector_load %arg6[%get3A_1503, %get3A_1504] {strides = array<i32>} : memref<20x256xf32, #tpu.memory_space<vmem>>, vector<1x16xf32>,
      %get3A_1506 = vector.shape_cast %get3A_1505 : vector<1x16xf32> to vector<16xf32>
      %add3A_1507 = arith.addf %add3A_1501, %get3A_1506 : vector<16xf32>
      %get3A_1508 = arith.constant 10 : i32
      %get3A_1509 = arith.index_cast %get3A_1508 : i32 to index
      %get3A_1510 = arith.constant 176 : index
      %get3A_1511 = tpu.vector_load %arg6[%get3A_1509, %get3A_1510] {strides = array<i32>} : memref<20x256xf32, #tpu.memory_space<vmem>>, vector<1x16xf32>,
      %get3A_1512 = vector.shape_cast %get3A_1511 : vector<1x16xf32> to vector<16xf32>
      %add3A_1513 = arith.addf %add3A_1507, %get3A_1512 : vector<16xf32>
      %get3A_1514 = arith.constant 11 : i32
      %get3A_1515 = arith.index_cast %get3A_1514 : i32 to index
      %get3A_1516 = arith.constant 176 : index
      %get3A_1517 = tpu.vector_load %arg6[%get3A_1515, %get3A_1516] {strides = array<i32>} : memref<20x256xf32, #tpu.memory_space<vmem>>, vector<1x16xf32>,
      %get3A_1518 = vector.shape_cast %get3A_1517 : vector<1x16xf32> to vector<16xf32>
      %add3A_1519 = arith.addf %add3A_1513, %get3A_1518 : vector<16xf32>
      %get3A_1520 = arith.constant 12 : i32
      %get3A_1521 = arith.index_cast %get3A_1520 : i32 to index
      %get3A_1522 = arith.constant 176 : index
      %get3A_1523 = tpu.vector_load %arg6[%get3A_1521, %get3A_1522] {strides = array<i32>} : memref<20x256xf32, #tpu.memory_space<vmem>>, vector<1x16xf32>,
      %get3A_1524 = vector.shape_cast %get3A_1523 : vector<1x16xf32> to vector<16xf32>
      %add3A_1525 = arith.addf %add3A_1519, %get3A_1524 : vector<16xf32>
      %get3A_1526 = arith.constant 13 : i32
      %get3A_1527 = arith.index_cast %get3A_1526 : i32 to index
      %get3A_1528 = arith.constant 176 : index
      %get3A_1529 = tpu.vector_load %arg6[%get3A_1527, %get3A_1528] {strides = array<i32>} : memref<20x256xf32, #tpu.memory_space<vmem>>, vector<1x16xf32>,
      %get3A_1530 = vector.shape_cast %get3A_1529 : vector<1x16xf32> to vector<16xf32>
      %add3A_1531 = arith.addf %add3A_1525, %get3A_1530 : vector<16xf32>
      %get3A_1532 = arith.constant 14 : i32
      %get3A_1533 = arith.index_cast %get3A_1532 : i32 to index
      %get3A_1534 = arith.constant 176 : index
      %get3A_1535 = tpu.vector_load %arg6[%get3A_1533, %get3A_1534] {strides = array<i32>} : memref<20x256xf32, #tpu.memory_space<vmem>>, vector<1x16xf32>,
      %get3A_1536 = vector.shape_cast %get3A_1535 : vector<1x16xf32> to vector<16xf32>
      %add3A_1537 = arith.addf %add3A_1531, %get3A_1536 : vector<16xf32>
      %get3A_1538 = arith.constant 15 : i32
      %get3A_1539 = arith.index_cast %get3A_1538 : i32 to index
      %get3A_1540 = arith.constant 176 : index
      %get3A_1541 = tpu.vector_load %arg6[%get3A_1539, %get3A_1540] {strides = array<i32>} : memref<20x256xf32, #tpu.memory_space<vmem>>, vector<1x16xf32>,
      %get3A_1542 = vector.shape_cast %get3A_1541 : vector<1x16xf32> to vector<16xf32>
      %add3A_1543 = arith.addf %add3A_1537, %get3A_1542 : vector<16xf32>
      %get3A_1544 = arith.constant 16 : i32
      %get3A_1545 = arith.index_cast %get3A_1544 : i32 to index
      %get3A_1546 = arith.constant 176 : index
      %get3A_1547 = tpu.vector_load %arg6[%get3A_1545, %get3A_1546] {strides = array<i32>} : memref<20x256xf32, #tpu.memory_space<vmem>>, vector<1x16xf32>,
      %get3A_1548 = vector.shape_cast %get3A_1547 : vector<1x16xf32> to vector<16xf32>
      %add3A_1549 = arith.addf %add3A_1543, %get3A_1548 : vector<16xf32>
      %get3A_1550 = arith.constant 17 : i32
      %get3A_1551 = arith.index_cast %get3A_1550 : i32 to index
      %get3A_1552 = arith.constant 176 : index
      %get3A_1553 = tpu.vector_load %arg6[%get3A_1551, %get3A_1552] {strides = array<i32>} : memref<20x256xf32, #tpu.memory_space<vmem>>, vector<1x16xf32>,
      %get3A_1554 = vector.shape_cast %get3A_1553 : vector<1x16xf32> to vector<16xf32>
      %add3A_1555 = arith.addf %add3A_1549, %get3A_1554 : vector<16xf32>
      %get3A_1556 = arith.constant 18 : i32
      %get3A_1557 = arith.index_cast %get3A_1556 : i32 to index
      %get3A_1558 = arith.constant 176 : index
      %get3A_1559 = tpu.vector_load %arg6[%get3A_1557, %get3A_1558] {strides = array<i32>} : memref<20x256xf32, #tpu.memory_space<vmem>>, vector<1x16xf32>,
      %get3A_1560 = vector.shape_cast %get3A_1559 : vector<1x16xf32> to vector<16xf32>
      %add3A_1561 = arith.addf %add3A_1555, %get3A_1560 : vector<16xf32>
      %get3A_1562 = arith.constant 19 : i32
      %get3A_1563 = arith.index_cast %get3A_1562 : i32 to index
      %get3A_1564 = arith.constant 176 : index
      %get3A_1565 = tpu.vector_load %arg6[%get3A_1563, %get3A_1564] {strides = array<i32>} : memref<20x256xf32, #tpu.memory_space<vmem>>, vector<1x16xf32>,
      %get3A_1566 = vector.shape_cast %get3A_1565 : vector<1x16xf32> to vector<16xf32>
      %add3A_1567 = arith.addf %add3A_1561, %get3A_1566 : vector<16xf32>
      %mul3A_1568 = arith.constant 5.000000e-02 : f32
      %mul3A_1569 = vector.broadcast %mul3A_1568 : f32 to vector<16xf32>
      %mul3A_1570 = arith.mulf %add3A_1567, %mul3A_1569 : vector<16xf32>
      %swap3A_1571 = arith.index_cast %scan3A_8 : i32 to index
      %swap3A_1572 = arith.constant 176 : index
      %swap3A_1573 = tpu.vector_load %arg7[%swap3A_1571, %swap3A_1572] {strides = array<i32>} : memref<192x256xf32, #tpu.memory_space<vmem>>, vector<1x16xf32>,
      %swap3A_1574 = vector.shape_cast %swap3A_1573 : vector<1x16xf32> to vector<16xf32>
      %swap3A_1575 = vector.shape_cast %mul3A_1570 : vector<16xf32> to vector<1x16xf32>
      tpu.vector_store %arg7[%swap3A_1571, %swap3A_1572], %swap3A_1575 {strides = array<i32>} : memref<192x256xf32, #tpu.memory_space<vmem>>, vector<1x16xf32>,
      %broadcast_in_dim3A_1576 = arith.constant 0.000000e+00 : f32
      %broadcast_in_dim3A_1577 = vector.broadcast %broadcast_in_dim3A_1576 : f32 to vector<16xf32>
      %get3A_1578 = arith.constant 0 : i32
      %get3A_1579 = arith.index_cast %get3A_1578 : i32 to index
      %get3A_1580 = arith.constant 192 : index
      %get3A_1581 = tpu.vector_load %arg6[%get3A_1579, %get3A_1580] {strides = array<i32>} : memref<20x256xf32, #tpu.memory_space<vmem>>, vector<1x16xf32>,
      %get3A_1582 = vector.shape_cast %get3A_1581 : vector<1x16xf32> to vector<16xf32>
      %add3A_1583 = arith.addf %broadcast_in_dim3A_1577, %get3A_1582 : vector<16xf32>
      %get3A_1584 = arith.constant 1 : i32
      %get3A_1585 = arith.index_cast %get3A_1584 : i32 to index
      %get3A_1586 = arith.constant 192 : index
      %get3A_1587 = tpu.vector_load %arg6[%get3A_1585, %get3A_1586] {strides = array<i32>} : memref<20x256xf32, #tpu.memory_space<vmem>>, vector<1x16xf32>,
      %get3A_1588 = vector.shape_cast %get3A_1587 : vector<1x16xf32> to vector<16xf32>
      %add3A_1589 = arith.addf %add3A_1583, %get3A_1588 : vector<16xf32>
      %get3A_1590 = arith.constant 2 : i32
      %get3A_1591 = arith.index_cast %get3A_1590 : i32 to index
      %get3A_1592 = arith.constant 192 : index
      %get3A_1593 = tpu.vector_load %arg6[%get3A_1591, %get3A_1592] {strides = array<i32>} : memref<20x256xf32, #tpu.memory_space<vmem>>, vector<1x16xf32>,
      %get3A_1594 = vector.shape_cast %get3A_1593 : vector<1x16xf32> to vector<16xf32>
      %add3A_1595 = arith.addf %add3A_1589, %get3A_1594 : vector<16xf32>
      %get3A_1596 = arith.constant 3 : i32
      %get3A_1597 = arith.index_cast %get3A_1596 : i32 to index
      %get3A_1598 = arith.constant 192 : index
      %get3A_1599 = tpu.vector_load %arg6[%get3A_1597, %get3A_1598] {strides = array<i32>} : memref<20x256xf32, #tpu.memory_space<vmem>>, vector<1x16xf32>,
      %get3A_1600 = vector.shape_cast %get3A_1599 : vector<1x16xf32> to vector<16xf32>
      %add3A_1601 = arith.addf %add3A_1595, %get3A_1600 : vector<16xf32>
      %get3A_1602 = arith.constant 4 : i32
      %get3A_1603 = arith.index_cast %get3A_1602 : i32 to index
      %get3A_1604 = arith.constant 192 : index
      %get3A_1605 = tpu.vector_load %arg6[%get3A_1603, %get3A_1604] {strides = array<i32>} : memref<20x256xf32, #tpu.memory_space<vmem>>, vector<1x16xf32>,
      %get3A_1606 = vector.shape_cast %get3A_1605 : vector<1x16xf32> to vector<16xf32>
      %add3A_1607 = arith.addf %add3A_1601, %get3A_1606 : vector<16xf32>
      %get3A_1608 = arith.constant 5 : i32
      %get3A_1609 = arith.index_cast %get3A_1608 : i32 to index
      %get3A_1610 = arith.constant 192 : index
      %get3A_1611 = tpu.vector_load %arg6[%get3A_1609, %get3A_1610] {strides = array<i32>} : memref<20x256xf32, #tpu.memory_space<vmem>>, vector<1x16xf32>,
      %get3A_1612 = vector.shape_cast %get3A_1611 : vector<1x16xf32> to vector<16xf32>
      %add3A_1613 = arith.addf %add3A_1607, %get3A_1612 : vector<16xf32>
      %get3A_1614 = arith.constant 6 : i32
      %get3A_1615 = arith.index_cast %get3A_1614 : i32 to index
      %get3A_1616 = arith.constant 192 : index
      %get3A_1617 = tpu.vector_load %arg6[%get3A_1615, %get3A_1616] {strides = array<i32>} : memref<20x256xf32, #tpu.memory_space<vmem>>, vector<1x16xf32>,
      %get3A_1618 = vector.shape_cast %get3A_1617 : vector<1x16xf32> to vector<16xf32>
      %add3A_1619 = arith.addf %add3A_1613, %get3A_1618 : vector<16xf32>
      %get3A_1620 = arith.constant 7 : i32
      %get3A_1621 = arith.index_cast %get3A_1620 : i32 to index
      %get3A_1622 = arith.constant 192 : index
      %get3A_1623 = tpu.vector_load %arg6[%get3A_1621, %get3A_1622] {strides = array<i32>} : memref<20x256xf32, #tpu.memory_space<vmem>>, vector<1x16xf32>,
      %get3A_1624 = vector.shape_cast %get3A_1623 : vector<1x16xf32> to vector<16xf32>
      %add3A_1625 = arith.addf %add3A_1619, %get3A_1624 : vector<16xf32>
      %get3A_1626 = arith.constant 8 : i32
      %get3A_1627 = arith.index_cast %get3A_1626 : i32 to index
      %get3A_1628 = arith.constant 192 : index
      %get3A_1629 = tpu.vector_load %arg6[%get3A_1627, %get3A_1628] {strides = array<i32>} : memref<20x256xf32, #tpu.memory_space<vmem>>, vector<1x16xf32>,
      %get3A_1630 = vector.shape_cast %get3A_1629 : vector<1x16xf32> to vector<16xf32>
      %add3A_1631 = arith.addf %add3A_1625, %get3A_1630 : vector<16xf32>
      %get3A_1632 = arith.constant 9 : i32
      %get3A_1633 = arith.index_cast %get3A_1632 : i32 to index
      %get3A_1634 = arith.constant 192 : index
      %get3A_1635 = tpu.vector_load %arg6[%get3A_1633, %get3A_1634] {strides = array<i32>} : memref<20x256xf32, #tpu.memory_space<vmem>>, vector<1x16xf32>,
      %get3A_1636 = vector.shape_cast %get3A_1635 : vector<1x16xf32> to vector<16xf32>
      %add3A_1637 = arith.addf %add3A_1631, %get3A_1636 : vector<16xf32>
      %get3A_1638 = arith.constant 10 : i32
      %get3A_1639 = arith.index_cast %get3A_1638 : i32 to index
      %get3A_1640 = arith.constant 192 : index
      %get3A_1641 = tpu.vector_load %arg6[%get3A_1639, %get3A_1640] {strides = array<i32>} : memref<20x256xf32, #tpu.memory_space<vmem>>, vector<1x16xf32>,
      %get3A_1642 = vector.shape_cast %get3A_1641 : vector<1x16xf32> to vector<16xf32>
      %add3A_1643 = arith.addf %add3A_1637, %get3A_1642 : vector<16xf32>
      %get3A_1644 = arith.constant 11 : i32
      %get3A_1645 = arith.index_cast %get3A_1644 : i32 to index
      %get3A_1646 = arith.constant 192 : index
      %get3A_1647 = tpu.vector_load %arg6[%get3A_1645, %get3A_1646] {strides = array<i32>} : memref<20x256xf32, #tpu.memory_space<vmem>>, vector<1x16xf32>,
      %get3A_1648 = vector.shape_cast %get3A_1647 : vector<1x16xf32> to vector<16xf32>
      %add3A_1649 = arith.addf %add3A_1643, %get3A_1648 : vector<16xf32>
      %get3A_1650 = arith.constant 12 : i32
      %get3A_1651 = arith.index_cast %get3A_1650 : i32 to index
      %get3A_1652 = arith.constant 192 : index
      %get3A_1653 = tpu.vector_load %arg6[%get3A_1651, %get3A_1652] {strides = array<i32>} : memref<20x256xf32, #tpu.memory_space<vmem>>, vector<1x16xf32>,
      %get3A_1654 = vector.shape_cast %get3A_1653 : vector<1x16xf32> to vector<16xf32>
      %add3A_1655 = arith.addf %add3A_1649, %get3A_1654 : vector<16xf32>
      %get3A_1656 = arith.constant 13 : i32
      %get3A_1657 = arith.index_cast %get3A_1656 : i32 to index
      %get3A_1658 = arith.constant 192 : index
      %get3A_1659 = tpu.vector_load %arg6[%get3A_1657, %get3A_1658] {strides = array<i32>} : memref<20x256xf32, #tpu.memory_space<vmem>>, vector<1x16xf32>,
      %get3A_1660 = vector.shape_cast %get3A_1659 : vector<1x16xf32> to vector<16xf32>
      %add3A_1661 = arith.addf %add3A_1655, %get3A_1660 : vector<16xf32>
      %get3A_1662 = arith.constant 14 : i32
      %get3A_1663 = arith.index_cast %get3A_1662 : i32 to index
      %get3A_1664 = arith.constant 192 : index
      %get3A_1665 = tpu.vector_load %arg6[%get3A_1663, %get3A_1664] {strides = array<i32>} : memref<20x256xf32, #tpu.memory_space<vmem>>, vector<1x16xf32>,
      %get3A_1666 = vector.shape_cast %get3A_1665 : vector<1x16xf32> to vector<16xf32>
      %add3A_1667 = arith.addf %add3A_1661, %get3A_1666 : vector<16xf32>
      %get3A_1668 = arith.constant 15 : i32
      %get3A_1669 = arith.index_cast %get3A_1668 : i32 to index
      %get3A_1670 = arith.constant 192 : index
      %get3A_1671 = tpu.vector_load %arg6[%get3A_1669, %get3A_1670] {strides = array<i32>} : memref<20x256xf32, #tpu.memory_space<vmem>>, vector<1x16xf32>,
      %get3A_1672 = vector.shape_cast %get3A_1671 : vector<1x16xf32> to vector<16xf32>
      %add3A_1673 = arith.addf %add3A_1667, %get3A_1672 : vector<16xf32>
      %get3A_1674 = arith.constant 16 : i32
      %get3A_1675 = arith.index_cast %get3A_1674 : i32 to index
      %get3A_1676 = arith.constant 192 : index
      %get3A_1677 = tpu.vector_load %arg6[%get3A_1675, %get3A_1676] {strides = array<i32>} : memref<20x256xf32, #tpu.memory_space<vmem>>, vector<1x16xf32>,
      %get3A_1678 = vector.shape_cast %get3A_1677 : vector<1x16xf32> to vector<16xf32>
      %add3A_1679 = arith.addf %add3A_1673, %get3A_1678 : vector<16xf32>
      %get3A_1680 = arith.constant 17 : i32
      %get3A_1681 = arith.index_cast %get3A_1680 : i32 to index
      %get3A_1682 = arith.constant 192 : index
      %get3A_1683 = tpu.vector_load %arg6[%get3A_1681, %get3A_1682] {strides = array<i32>} : memref<20x256xf32, #tpu.memory_space<vmem>>, vector<1x16xf32>,
      %get3A_1684 = vector.shape_cast %get3A_1683 : vector<1x16xf32> to vector<16xf32>
      %add3A_1685 = arith.addf %add3A_1679, %get3A_1684 : vector<16xf32>
      %get3A_1686 = arith.constant 18 : i32
      %get3A_1687 = arith.index_cast %get3A_1686 : i32 to index
      %get3A_1688 = arith.constant 192 : index
      %get3A_1689 = tpu.vector_load %arg6[%get3A_1687, %get3A_1688] {strides = array<i32>} : memref<20x256xf32, #tpu.memory_space<vmem>>, vector<1x16xf32>,
      %get3A_1690 = vector.shape_cast %get3A_1689 : vector<1x16xf32> to vector<16xf32>
      %add3A_1691 = arith.addf %add3A_1685, %get3A_1690 : vector<16xf32>
      %get3A_1692 = arith.constant 19 : i32
      %get3A_1693 = arith.index_cast %get3A_1692 : i32 to index
      %get3A_1694 = arith.constant 192 : index
      %get3A_1695 = tpu.vector_load %arg6[%get3A_1693, %get3A_1694] {strides = array<i32>} : memref<20x256xf32, #tpu.memory_space<vmem>>, vector<1x16xf32>,
      %get3A_1696 = vector.shape_cast %get3A_1695 : vector<1x16xf32> to vector<16xf32>
      %add3A_1697 = arith.addf %add3A_1691, %get3A_1696 : vector<16xf32>
      %mul3A_1698 = arith.constant 5.000000e-02 : f32
      %mul3A_1699 = vector.broadcast %mul3A_1698 : f32 to vector<16xf32>
      %mul3A_1700 = arith.mulf %add3A_1697, %mul3A_1699 : vector<16xf32>
      %swap3A_1701 = arith.index_cast %scan3A_8 : i32 to index
      %swap3A_1702 = arith.constant 192 : index
      %swap3A_1703 = tpu.vector_load %arg7[%swap3A_1701, %swap3A_1702] {strides = array<i32>} : memref<192x256xf32, #tpu.memory_space<vmem>>, vector<1x16xf32>,
      %swap3A_1704 = vector.shape_cast %swap3A_1703 : vector<1x16xf32> to vector<16xf32>
      %swap3A_1705 = vector.shape_cast %mul3A_1700 : vector<16xf32> to vector<1x16xf32>
      tpu.vector_store %arg7[%swap3A_1701, %swap3A_1702], %swap3A_1705 {strides = array<i32>} : memref<192x256xf32, #tpu.memory_space<vmem>>, vector<1x16xf32>,
      %broadcast_in_dim3A_1706 = arith.constant 0.000000e+00 : f32
      %broadcast_in_dim3A_1707 = vector.broadcast %broadcast_in_dim3A_1706 : f32 to vector<16xf32>
      %get3A_1708 = arith.constant 0 : i32
      %get3A_1709 = arith.index_cast %get3A_1708 : i32 to index
      %get3A_1710 = arith.constant 208 : index
      %get3A_1711 = tpu.vector_load %arg6[%get3A_1709, %get3A_1710] {strides = array<i32>} : memref<20x256xf32, #tpu.memory_space<vmem>>, vector<1x16xf32>,
      %get3A_1712 = vector.shape_cast %get3A_1711 : vector<1x16xf32> to vector<16xf32>
      %add3A_1713 = arith.addf %broadcast_in_dim3A_1707, %get3A_1712 : vector<16xf32>
      %get3A_1714 = arith.constant 1 : i32
      %get3A_1715 = arith.index_cast %get3A_1714 : i32 to index
      %get3A_1716 = arith.constant 208 : index
      %get3A_1717 = tpu.vector_load %arg6[%get3A_1715, %get3A_1716] {strides = array<i32>} : memref<20x256xf32, #tpu.memory_space<vmem>>, vector<1x16xf32>,
      %get3A_1718 = vector.shape_cast %get3A_1717 : vector<1x16xf32> to vector<16xf32>
      %add3A_1719 = arith.addf %add3A_1713, %get3A_1718 : vector<16xf32>
      %get3A_1720 = arith.constant 2 : i32
      %get3A_1721 = arith.index_cast %get3A_1720 : i32 to index
      %get3A_1722 = arith.constant 208 : index
      %get3A_1723 = tpu.vector_load %arg6[%get3A_1721, %get3A_1722] {strides = array<i32>} : memref<20x256xf32, #tpu.memory_space<vmem>>, vector<1x16xf32>,
      %get3A_1724 = vector.shape_cast %get3A_1723 : vector<1x16xf32> to vector<16xf32>
      %add3A_1725 = arith.addf %add3A_1719, %get3A_1724 : vector<16xf32>
      %get3A_1726 = arith.constant 3 : i32
      %get3A_1727 = arith.index_cast %get3A_1726 : i32 to index
      %get3A_1728 = arith.constant 208 : index
      %get3A_1729 = tpu.vector_load %arg6[%get3A_1727, %get3A_1728] {strides = array<i32>} : memref<20x256xf32, #tpu.memory_space<vmem>>, vector<1x16xf32>,
      %get3A_1730 = vector.shape_cast %get3A_1729 : vector<1x16xf32> to vector<16xf32>
      %add3A_1731 = arith.addf %add3A_1725, %get3A_1730 : vector<16xf32>
      %get3A_1732 = arith.constant 4 : i32
      %get3A_1733 = arith.index_cast %get3A_1732 : i32 to index
      %get3A_1734 = arith.constant 208 : index
      %get3A_1735 = tpu.vector_load %arg6[%get3A_1733, %get3A_1734] {strides = array<i32>} : memref<20x256xf32, #tpu.memory_space<vmem>>, vector<1x16xf32>,
      %get3A_1736 = vector.shape_cast %get3A_1735 : vector<1x16xf32> to vector<16xf32>
      %add3A_1737 = arith.addf %add3A_1731, %get3A_1736 : vector<16xf32>
      %get3A_1738 = arith.constant 5 : i32
      %get3A_1739 = arith.index_cast %get3A_1738 : i32 to index
      %get3A_1740 = arith.constant 208 : index
      %get3A_1741 = tpu.vector_load %arg6[%get3A_1739, %get3A_1740] {strides = array<i32>} : memref<20x256xf32, #tpu.memory_space<vmem>>, vector<1x16xf32>,
      %get3A_1742 = vector.shape_cast %get3A_1741 : vector<1x16xf32> to vector<16xf32>
      %add3A_1743 = arith.addf %add3A_1737, %get3A_1742 : vector<16xf32>
      %get3A_1744 = arith.constant 6 : i32
      %get3A_1745 = arith.index_cast %get3A_1744 : i32 to index
      %get3A_1746 = arith.constant 208 : index
      %get3A_1747 = tpu.vector_load %arg6[%get3A_1745, %get3A_1746] {strides = array<i32>} : memref<20x256xf32, #tpu.memory_space<vmem>>, vector<1x16xf32>,
      %get3A_1748 = vector.shape_cast %get3A_1747 : vector<1x16xf32> to vector<16xf32>
      %add3A_1749 = arith.addf %add3A_1743, %get3A_1748 : vector<16xf32>
      %get3A_1750 = arith.constant 7 : i32
      %get3A_1751 = arith.index_cast %get3A_1750 : i32 to index
      %get3A_1752 = arith.constant 208 : index
      %get3A_1753 = tpu.vector_load %arg6[%get3A_1751, %get3A_1752] {strides = array<i32>} : memref<20x256xf32, #tpu.memory_space<vmem>>, vector<1x16xf32>,
      %get3A_1754 = vector.shape_cast %get3A_1753 : vector<1x16xf32> to vector<16xf32>
      %add3A_1755 = arith.addf %add3A_1749, %get3A_1754 : vector<16xf32>
      %get3A_1756 = arith.constant 8 : i32
      %get3A_1757 = arith.index_cast %get3A_1756 : i32 to index
      %get3A_1758 = arith.constant 208 : index
      %get3A_1759 = tpu.vector_load %arg6[%get3A_1757, %get3A_1758] {strides = array<i32>} : memref<20x256xf32, #tpu.memory_space<vmem>>, vector<1x16xf32>,
      %get3A_1760 = vector.shape_cast %get3A_1759 : vector<1x16xf32> to vector<16xf32>
      %add3A_1761 = arith.addf %add3A_1755, %get3A_1760 : vector<16xf32>
      %get3A_1762 = arith.constant 9 : i32
      %get3A_1763 = arith.index_cast %get3A_1762 : i32 to index
      %get3A_1764 = arith.constant 208 : index
      %get3A_1765 = tpu.vector_load %arg6[%get3A_1763, %get3A_1764] {strides = array<i32>} : memref<20x256xf32, #tpu.memory_space<vmem>>, vector<1x16xf32>,
      %get3A_1766 = vector.shape_cast %get3A_1765 : vector<1x16xf32> to vector<16xf32>
      %add3A_1767 = arith.addf %add3A_1761, %get3A_1766 : vector<16xf32>
      %get3A_1768 = arith.constant 10 : i32
      %get3A_1769 = arith.index_cast %get3A_1768 : i32 to index
      %get3A_1770 = arith.constant 208 : index
      %get3A_1771 = tpu.vector_load %arg6[%get3A_1769, %get3A_1770] {strides = array<i32>} : memref<20x256xf32, #tpu.memory_space<vmem>>, vector<1x16xf32>,
      %get3A_1772 = vector.shape_cast %get3A_1771 : vector<1x16xf32> to vector<16xf32>
      %add3A_1773 = arith.addf %add3A_1767, %get3A_1772 : vector<16xf32>
      %get3A_1774 = arith.constant 11 : i32
      %get3A_1775 = arith.index_cast %get3A_1774 : i32 to index
      %get3A_1776 = arith.constant 208 : index
      %get3A_1777 = tpu.vector_load %arg6[%get3A_1775, %get3A_1776] {strides = array<i32>} : memref<20x256xf32, #tpu.memory_space<vmem>>, vector<1x16xf32>,
      %get3A_1778 = vector.shape_cast %get3A_1777 : vector<1x16xf32> to vector<16xf32>
      %add3A_1779 = arith.addf %add3A_1773, %get3A_1778 : vector<16xf32>
      %get3A_1780 = arith.constant 12 : i32
      %get3A_1781 = arith.index_cast %get3A_1780 : i32 to index
      %get3A_1782 = arith.constant 208 : index
      %get3A_1783 = tpu.vector_load %arg6[%get3A_1781, %get3A_1782] {strides = array<i32>} : memref<20x256xf32, #tpu.memory_space<vmem>>, vector<1x16xf32>,
      %get3A_1784 = vector.shape_cast %get3A_1783 : vector<1x16xf32> to vector<16xf32>
      %add3A_1785 = arith.addf %add3A_1779, %get3A_1784 : vector<16xf32>
      %get3A_1786 = arith.constant 13 : i32
      %get3A_1787 = arith.index_cast %get3A_1786 : i32 to index
      %get3A_1788 = arith.constant 208 : index
      %get3A_1789 = tpu.vector_load %arg6[%get3A_1787, %get3A_1788] {strides = array<i32>} : memref<20x256xf32, #tpu.memory_space<vmem>>, vector<1x16xf32>,
      %get3A_1790 = vector.shape_cast %get3A_1789 : vector<1x16xf32> to vector<16xf32>
      %add3A_1791 = arith.addf %add3A_1785, %get3A_1790 : vector<16xf32>
      %get3A_1792 = arith.constant 14 : i32
      %get3A_1793 = arith.index_cast %get3A_1792 : i32 to index
      %get3A_1794 = arith.constant 208 : index
      %get3A_1795 = tpu.vector_load %arg6[%get3A_1793, %get3A_1794] {strides = array<i32>} : memref<20x256xf32, #tpu.memory_space<vmem>>, vector<1x16xf32>,
      %get3A_1796 = vector.shape_cast %get3A_1795 : vector<1x16xf32> to vector<16xf32>
      %add3A_1797 = arith.addf %add3A_1791, %get3A_1796 : vector<16xf32>
      %get3A_1798 = arith.constant 15 : i32
      %get3A_1799 = arith.index_cast %get3A_1798 : i32 to index
      %get3A_1800 = arith.constant 208 : index
      %get3A_1801 = tpu.vector_load %arg6[%get3A_1799, %get3A_1800] {strides = array<i32>} : memref<20x256xf32, #tpu.memory_space<vmem>>, vector<1x16xf32>,
      %get3A_1802 = vector.shape_cast %get3A_1801 : vector<1x16xf32> to vector<16xf32>
      %add3A_1803 = arith.addf %add3A_1797, %get3A_1802 : vector<16xf32>
      %get3A_1804 = arith.constant 16 : i32
      %get3A_1805 = arith.index_cast %get3A_1804 : i32 to index
      %get3A_1806 = arith.constant 208 : index
      %get3A_1807 = tpu.vector_load %arg6[%get3A_1805, %get3A_1806] {strides = array<i32>} : memref<20x256xf32, #tpu.memory_space<vmem>>, vector<1x16xf32>,
      %get3A_1808 = vector.shape_cast %get3A_1807 : vector<1x16xf32> to vector<16xf32>
      %add3A_1809 = arith.addf %add3A_1803, %get3A_1808 : vector<16xf32>
      %get3A_1810 = arith.constant 17 : i32
      %get3A_1811 = arith.index_cast %get3A_1810 : i32 to index
      %get3A_1812 = arith.constant 208 : index
      %get3A_1813 = tpu.vector_load %arg6[%get3A_1811, %get3A_1812] {strides = array<i32>} : memref<20x256xf32, #tpu.memory_space<vmem>>, vector<1x16xf32>,
      %get3A_1814 = vector.shape_cast %get3A_1813 : vector<1x16xf32> to vector<16xf32>
      %add3A_1815 = arith.addf %add3A_1809, %get3A_1814 : vector<16xf32>
      %get3A_1816 = arith.constant 18 : i32
      %get3A_1817 = arith.index_cast %get3A_1816 : i32 to index
      %get3A_1818 = arith.constant 208 : index
      %get3A_1819 = tpu.vector_load %arg6[%get3A_1817, %get3A_1818] {strides = array<i32>} : memref<20x256xf32, #tpu.memory_space<vmem>>, vector<1x16xf32>,
      %get3A_1820 = vector.shape_cast %get3A_1819 : vector<1x16xf32> to vector<16xf32>
      %add3A_1821 = arith.addf %add3A_1815, %get3A_1820 : vector<16xf32>
      %get3A_1822 = arith.constant 19 : i32
      %get3A_1823 = arith.index_cast %get3A_1822 : i32 to index
      %get3A_1824 = arith.constant 208 : index
      %get3A_1825 = tpu.vector_load %arg6[%get3A_1823, %get3A_1824] {strides = array<i32>} : memref<20x256xf32, #tpu.memory_space<vmem>>, vector<1x16xf32>,
      %get3A_1826 = vector.shape_cast %get3A_1825 : vector<1x16xf32> to vector<16xf32>
      %add3A_1827 = arith.addf %add3A_1821, %get3A_1826 : vector<16xf32>
      %mul3A_1828 = arith.constant 5.000000e-02 : f32
      %mul3A_1829 = vector.broadcast %mul3A_1828 : f32 to vector<16xf32>
      %mul3A_1830 = arith.mulf %add3A_1827, %mul3A_1829 : vector<16xf32>
      %swap3A_1831 = arith.index_cast %scan3A_8 : i32 to index
      %swap3A_1832 = arith.constant 208 : index
      %swap3A_1833 = tpu.vector_load %arg7[%swap3A_1831, %swap3A_1832] {strides = array<i32>} : memref<192x256xf32, #tpu.memory_space<vmem>>, vector<1x16xf32>,
      %swap3A_1834 = vector.shape_cast %swap3A_1833 : vector<1x16xf32> to vector<16xf32>
      %swap3A_1835 = vector.shape_cast %mul3A_1830 : vector<16xf32> to vector<1x16xf32>
      tpu.vector_store %arg7[%swap3A_1831, %swap3A_1832], %swap3A_1835 {strides = array<i32>} : memref<192x256xf32, #tpu.memory_space<vmem>>, vector<1x16xf32>,
      %broadcast_in_dim3A_1836 = arith.constant 0.000000e+00 : f32
      %broadcast_in_dim3A_1837 = vector.broadcast %broadcast_in_dim3A_1836 : f32 to vector<16xf32>
      %get3A_1838 = arith.constant 0 : i32
      %get3A_1839 = arith.index_cast %get3A_1838 : i32 to index
      %get3A_1840 = arith.constant 224 : index
      %get3A_1841 = tpu.vector_load %arg6[%get3A_1839, %get3A_1840] {strides = array<i32>} : memref<20x256xf32, #tpu.memory_space<vmem>>, vector<1x16xf32>,
      %get3A_1842 = vector.shape_cast %get3A_1841 : vector<1x16xf32> to vector<16xf32>
      %add3A_1843 = arith.addf %broadcast_in_dim3A_1837, %get3A_1842 : vector<16xf32>
      %get3A_1844 = arith.constant 1 : i32
      %get3A_1845 = arith.index_cast %get3A_1844 : i32 to index
      %get3A_1846 = arith.constant 224 : index
      %get3A_1847 = tpu.vector_load %arg6[%get3A_1845, %get3A_1846] {strides = array<i32>} : memref<20x256xf32, #tpu.memory_space<vmem>>, vector<1x16xf32>,
      %get3A_1848 = vector.shape_cast %get3A_1847 : vector<1x16xf32> to vector<16xf32>
      %add3A_1849 = arith.addf %add3A_1843, %get3A_1848 : vector<16xf32>
      %get3A_1850 = arith.constant 2 : i32
      %get3A_1851 = arith.index_cast %get3A_1850 : i32 to index
      %get3A_1852 = arith.constant 224 : index
      %get3A_1853 = tpu.vector_load %arg6[%get3A_1851, %get3A_1852] {strides = array<i32>} : memref<20x256xf32, #tpu.memory_space<vmem>>, vector<1x16xf32>,
      %get3A_1854 = vector.shape_cast %get3A_1853 : vector<1x16xf32> to vector<16xf32>
      %add3A_1855 = arith.addf %add3A_1849, %get3A_1854 : vector<16xf32>
      %get3A_1856 = arith.constant 3 : i32
      %get3A_1857 = arith.index_cast %get3A_1856 : i32 to index
      %get3A_1858 = arith.constant 224 : index
      %get3A_1859 = tpu.vector_load %arg6[%get3A_1857, %get3A_1858] {strides = array<i32>} : memref<20x256xf32, #tpu.memory_space<vmem>>, vector<1x16xf32>,
      %get3A_1860 = vector.shape_cast %get3A_1859 : vector<1x16xf32> to vector<16xf32>
      %add3A_1861 = arith.addf %add3A_1855, %get3A_1860 : vector<16xf32>
      %get3A_1862 = arith.constant 4 : i32
      %get3A_1863 = arith.index_cast %get3A_1862 : i32 to index
      %get3A_1864 = arith.constant 224 : index
      %get3A_1865 = tpu.vector_load %arg6[%get3A_1863, %get3A_1864] {strides = array<i32>} : memref<20x256xf32, #tpu.memory_space<vmem>>, vector<1x16xf32>,
      %get3A_1866 = vector.shape_cast %get3A_1865 : vector<1x16xf32> to vector<16xf32>
      %add3A_1867 = arith.addf %add3A_1861, %get3A_1866 : vector<16xf32>
      %get3A_1868 = arith.constant 5 : i32
      %get3A_1869 = arith.index_cast %get3A_1868 : i32 to index
      %get3A_1870 = arith.constant 224 : index
      %get3A_1871 = tpu.vector_load %arg6[%get3A_1869, %get3A_1870] {strides = array<i32>} : memref<20x256xf32, #tpu.memory_space<vmem>>, vector<1x16xf32>,
      %get3A_1872 = vector.shape_cast %get3A_1871 : vector<1x16xf32> to vector<16xf32>
      %add3A_1873 = arith.addf %add3A_1867, %get3A_1872 : vector<16xf32>
      %get3A_1874 = arith.constant 6 : i32
      %get3A_1875 = arith.index_cast %get3A_1874 : i32 to index
      %get3A_1876 = arith.constant 224 : index
      %get3A_1877 = tpu.vector_load %arg6[%get3A_1875, %get3A_1876] {strides = array<i32>} : memref<20x256xf32, #tpu.memory_space<vmem>>, vector<1x16xf32>,
      %get3A_1878 = vector.shape_cast %get3A_1877 : vector<1x16xf32> to vector<16xf32>
      %add3A_1879 = arith.addf %add3A_1873, %get3A_1878 : vector<16xf32>
      %get3A_1880 = arith.constant 7 : i32
      %get3A_1881 = arith.index_cast %get3A_1880 : i32 to index
      %get3A_1882 = arith.constant 224 : index
      %get3A_1883 = tpu.vector_load %arg6[%get3A_1881, %get3A_1882] {strides = array<i32>} : memref<20x256xf32, #tpu.memory_space<vmem>>, vector<1x16xf32>,
      %get3A_1884 = vector.shape_cast %get3A_1883 : vector<1x16xf32> to vector<16xf32>
      %add3A_1885 = arith.addf %add3A_1879, %get3A_1884 : vector<16xf32>
      %get3A_1886 = arith.constant 8 : i32
      %get3A_1887 = arith.index_cast %get3A_1886 : i32 to index
      %get3A_1888 = arith.constant 224 : index
      %get3A_1889 = tpu.vector_load %arg6[%get3A_1887, %get3A_1888] {strides = array<i32>} : memref<20x256xf32, #tpu.memory_space<vmem>>, vector<1x16xf32>,
      %get3A_1890 = vector.shape_cast %get3A_1889 : vector<1x16xf32> to vector<16xf32>
      %add3A_1891 = arith.addf %add3A_1885, %get3A_1890 : vector<16xf32>
      %get3A_1892 = arith.constant 9 : i32
      %get3A_1893 = arith.index_cast %get3A_1892 : i32 to index
      %get3A_1894 = arith.constant 224 : index
      %get3A_1895 = tpu.vector_load %arg6[%get3A_1893, %get3A_1894] {strides = array<i32>} : memref<20x256xf32, #tpu.memory_space<vmem>>, vector<1x16xf32>,
      %get3A_1896 = vector.shape_cast %get3A_1895 : vector<1x16xf32> to vector<16xf32>
      %add3A_1897 = arith.addf %add3A_1891, %get3A_1896 : vector<16xf32>
      %get3A_1898 = arith.constant 10 : i32
      %get3A_1899 = arith.index_cast %get3A_1898 : i32 to index
      %get3A_1900 = arith.constant 224 : index
      %get3A_1901 = tpu.vector_load %arg6[%get3A_1899, %get3A_1900] {strides = array<i32>} : memref<20x256xf32, #tpu.memory_space<vmem>>, vector<1x16xf32>,
      %get3A_1902 = vector.shape_cast %get3A_1901 : vector<1x16xf32> to vector<16xf32>
      %add3A_1903 = arith.addf %add3A_1897, %get3A_1902 : vector<16xf32>
      %get3A_1904 = arith.constant 11 : i32
      %get3A_1905 = arith.index_cast %get3A_1904 : i32 to index
      %get3A_1906 = arith.constant 224 : index
      %get3A_1907 = tpu.vector_load %arg6[%get3A_1905, %get3A_1906] {strides = array<i32>} : memref<20x256xf32, #tpu.memory_space<vmem>>, vector<1x16xf32>,
      %get3A_1908 = vector.shape_cast %get3A_1907 : vector<1x16xf32> to vector<16xf32>
      %add3A_1909 = arith.addf %add3A_1903, %get3A_1908 : vector<16xf32>
      %get3A_1910 = arith.constant 12 : i32
      %get3A_1911 = arith.index_cast %get3A_1910 : i32 to index
      %get3A_1912 = arith.constant 224 : index
      %get3A_1913 = tpu.vector_load %arg6[%get3A_1911, %get3A_1912] {strides = array<i32>} : memref<20x256xf32, #tpu.memory_space<vmem>>, vector<1x16xf32>,
      %get3A_1914 = vector.shape_cast %get3A_1913 : vector<1x16xf32> to vector<16xf32>
      %add3A_1915 = arith.addf %add3A_1909, %get3A_1914 : vector<16xf32>
      %get3A_1916 = arith.constant 13 : i32
      %get3A_1917 = arith.index_cast %get3A_1916 : i32 to index
      %get3A_1918 = arith.constant 224 : index
      %get3A_1919 = tpu.vector_load %arg6[%get3A_1917, %get3A_1918] {strides = array<i32>} : memref<20x256xf32, #tpu.memory_space<vmem>>, vector<1x16xf32>,
      %get3A_1920 = vector.shape_cast %get3A_1919 : vector<1x16xf32> to vector<16xf32>
      %add3A_1921 = arith.addf %add3A_1915, %get3A_1920 : vector<16xf32>
      %get3A_1922 = arith.constant 14 : i32
      %get3A_1923 = arith.index_cast %get3A_1922 : i32 to index
      %get3A_1924 = arith.constant 224 : index
      %get3A_1925 = tpu.vector_load %arg6[%get3A_1923, %get3A_1924] {strides = array<i32>} : memref<20x256xf32, #tpu.memory_space<vmem>>, vector<1x16xf32>,
      %get3A_1926 = vector.shape_cast %get3A_1925 : vector<1x16xf32> to vector<16xf32>
      %add3A_1927 = arith.addf %add3A_1921, %get3A_1926 : vector<16xf32>
      %get3A_1928 = arith.constant 15 : i32
      %get3A_1929 = arith.index_cast %get3A_1928 : i32 to index
      %get3A_1930 = arith.constant 224 : index
      %get3A_1931 = tpu.vector_load %arg6[%get3A_1929, %get3A_1930] {strides = array<i32>} : memref<20x256xf32, #tpu.memory_space<vmem>>, vector<1x16xf32>,
      %get3A_1932 = vector.shape_cast %get3A_1931 : vector<1x16xf32> to vector<16xf32>
      %add3A_1933 = arith.addf %add3A_1927, %get3A_1932 : vector<16xf32>
      %get3A_1934 = arith.constant 16 : i32
      %get3A_1935 = arith.index_cast %get3A_1934 : i32 to index
      %get3A_1936 = arith.constant 224 : index
      %get3A_1937 = tpu.vector_load %arg6[%get3A_1935, %get3A_1936] {strides = array<i32>} : memref<20x256xf32, #tpu.memory_space<vmem>>, vector<1x16xf32>,
      %get3A_1938 = vector.shape_cast %get3A_1937 : vector<1x16xf32> to vector<16xf32>
      %add3A_1939 = arith.addf %add3A_1933, %get3A_1938 : vector<16xf32>
      %get3A_1940 = arith.constant 17 : i32
      %get3A_1941 = arith.index_cast %get3A_1940 : i32 to index
      %get3A_1942 = arith.constant 224 : index
      %get3A_1943 = tpu.vector_load %arg6[%get3A_1941, %get3A_1942] {strides = array<i32>} : memref<20x256xf32, #tpu.memory_space<vmem>>, vector<1x16xf32>,
      %get3A_1944 = vector.shape_cast %get3A_1943 : vector<1x16xf32> to vector<16xf32>
      %add3A_1945 = arith.addf %add3A_1939, %get3A_1944 : vector<16xf32>
      %get3A_1946 = arith.constant 18 : i32
      %get3A_1947 = arith.index_cast %get3A_1946 : i32 to index
      %get3A_1948 = arith.constant 224 : index
      %get3A_1949 = tpu.vector_load %arg6[%get3A_1947, %get3A_1948] {strides = array<i32>} : memref<20x256xf32, #tpu.memory_space<vmem>>, vector<1x16xf32>,
      %get3A_1950 = vector.shape_cast %get3A_1949 : vector<1x16xf32> to vector<16xf32>
      %add3A_1951 = arith.addf %add3A_1945, %get3A_1950 : vector<16xf32>
      %get3A_1952 = arith.constant 19 : i32
      %get3A_1953 = arith.index_cast %get3A_1952 : i32 to index
      %get3A_1954 = arith.constant 224 : index
      %get3A_1955 = tpu.vector_load %arg6[%get3A_1953, %get3A_1954] {strides = array<i32>} : memref<20x256xf32, #tpu.memory_space<vmem>>, vector<1x16xf32>,
      %get3A_1956 = vector.shape_cast %get3A_1955 : vector<1x16xf32> to vector<16xf32>
      %add3A_1957 = arith.addf %add3A_1951, %get3A_1956 : vector<16xf32>
      %mul3A_1958 = arith.constant 5.000000e-02 : f32
      %mul3A_1959 = vector.broadcast %mul3A_1958 : f32 to vector<16xf32>
      %mul3A_1960 = arith.mulf %add3A_1957, %mul3A_1959 : vector<16xf32>
      %swap3A_1961 = arith.index_cast %scan3A_8 : i32 to index
      %swap3A_1962 = arith.constant 224 : index
      %swap3A_1963 = tpu.vector_load %arg7[%swap3A_1961, %swap3A_1962] {strides = array<i32>} : memref<192x256xf32, #tpu.memory_space<vmem>>, vector<1x16xf32>,
      %swap3A_1964 = vector.shape_cast %swap3A_1963 : vector<1x16xf32> to vector<16xf32>
      %swap3A_1965 = vector.shape_cast %mul3A_1960 : vector<16xf32> to vector<1x16xf32>
      tpu.vector_store %arg7[%swap3A_1961, %swap3A_1962], %swap3A_1965 {strides = array<i32>} : memref<192x256xf32, #tpu.memory_space<vmem>>, vector<1x16xf32>,
      %broadcast_in_dim3A_1966 = arith.constant 0.000000e+00 : f32
      %broadcast_in_dim3A_1967 = vector.broadcast %broadcast_in_dim3A_1966 : f32 to vector<16xf32>
      %get3A_1968 = arith.constant 0 : i32
      %get3A_1969 = arith.index_cast %get3A_1968 : i32 to index
      %get3A_1970 = arith.constant 240 : index
      %get3A_1971 = tpu.vector_load %arg6[%get3A_1969, %get3A_1970] {strides = array<i32>} : memref<20x256xf32, #tpu.memory_space<vmem>>, vector<1x16xf32>,
      %get3A_1972 = vector.shape_cast %get3A_1971 : vector<1x16xf32> to vector<16xf32>
      %add3A_1973 = arith.addf %broadcast_in_dim3A_1967, %get3A_1972 : vector<16xf32>
      %get3A_1974 = arith.constant 1 : i32
      %get3A_1975 = arith.index_cast %get3A_1974 : i32 to index
      %get3A_1976 = arith.constant 240 : index
      %get3A_1977 = tpu.vector_load %arg6[%get3A_1975, %get3A_1976] {strides = array<i32>} : memref<20x256xf32, #tpu.memory_space<vmem>>, vector<1x16xf32>,
      %get3A_1978 = vector.shape_cast %get3A_1977 : vector<1x16xf32> to vector<16xf32>
      %add3A_1979 = arith.addf %add3A_1973, %get3A_1978 : vector<16xf32>
      %get3A_1980 = arith.constant 2 : i32
      %get3A_1981 = arith.index_cast %get3A_1980 : i32 to index
      %get3A_1982 = arith.constant 240 : index
      %get3A_1983 = tpu.vector_load %arg6[%get3A_1981, %get3A_1982] {strides = array<i32>} : memref<20x256xf32, #tpu.memory_space<vmem>>, vector<1x16xf32>,
      %get3A_1984 = vector.shape_cast %get3A_1983 : vector<1x16xf32> to vector<16xf32>
      %add3A_1985 = arith.addf %add3A_1979, %get3A_1984 : vector<16xf32>
      %get3A_1986 = arith.constant 3 : i32
      %get3A_1987 = arith.index_cast %get3A_1986 : i32 to index
      %get3A_1988 = arith.constant 240 : index
      %get3A_1989 = tpu.vector_load %arg6[%get3A_1987, %get3A_1988] {strides = array<i32>} : memref<20x256xf32, #tpu.memory_space<vmem>>, vector<1x16xf32>,
      %get3A_1990 = vector.shape_cast %get3A_1989 : vector<1x16xf32> to vector<16xf32>
      %add3A_1991 = arith.addf %add3A_1985, %get3A_1990 : vector<16xf32>
      %get3A_1992 = arith.constant 4 : i32
      %get3A_1993 = arith.index_cast %get3A_1992 : i32 to index
      %get3A_1994 = arith.constant 240 : index
      %get3A_1995 = tpu.vector_load %arg6[%get3A_1993, %get3A_1994] {strides = array<i32>} : memref<20x256xf32, #tpu.memory_space<vmem>>, vector<1x16xf32>,
      %get3A_1996 = vector.shape_cast %get3A_1995 : vector<1x16xf32> to vector<16xf32>
      %add3A_1997 = arith.addf %add3A_1991, %get3A_1996 : vector<16xf32>
      %get3A_1998 = arith.constant 5 : i32
      %get3A_1999 = arith.index_cast %get3A_1998 : i32 to index
      %get3A_2000 = arith.constant 240 : index
      %get3A_2001 = tpu.vector_load %arg6[%get3A_1999, %get3A_2000] {strides = array<i32>} : memref<20x256xf32, #tpu.memory_space<vmem>>, vector<1x16xf32>,
      %get3A_2002 = vector.shape_cast %get3A_2001 : vector<1x16xf32> to vector<16xf32>
      %add3A_2003 = arith.addf %add3A_1997, %get3A_2002 : vector<16xf32>
      %get3A_2004 = arith.constant 6 : i32
      %get3A_2005 = arith.index_cast %get3A_2004 : i32 to index
      %get3A_2006 = arith.constant 240 : index
      %get3A_2007 = tpu.vector_load %arg6[%get3A_2005, %get3A_2006] {strides = array<i32>} : memref<20x256xf32, #tpu.memory_space<vmem>>, vector<1x16xf32>,
      %get3A_2008 = vector.shape_cast %get3A_2007 : vector<1x16xf32> to vector<16xf32>
      %add3A_2009 = arith.addf %add3A_2003, %get3A_2008 : vector<16xf32>
      %get3A_2010 = arith.constant 7 : i32
      %get3A_2011 = arith.index_cast %get3A_2010 : i32 to index
      %get3A_2012 = arith.constant 240 : index
      %get3A_2013 = tpu.vector_load %arg6[%get3A_2011, %get3A_2012] {strides = array<i32>} : memref<20x256xf32, #tpu.memory_space<vmem>>, vector<1x16xf32>,
      %get3A_2014 = vector.shape_cast %get3A_2013 : vector<1x16xf32> to vector<16xf32>
      %add3A_2015 = arith.addf %add3A_2009, %get3A_2014 : vector<16xf32>
      %get3A_2016 = arith.constant 8 : i32
      %get3A_2017 = arith.index_cast %get3A_2016 : i32 to index
      %get3A_2018 = arith.constant 240 : index
      %get3A_2019 = tpu.vector_load %arg6[%get3A_2017, %get3A_2018] {strides = array<i32>} : memref<20x256xf32, #tpu.memory_space<vmem>>, vector<1x16xf32>,
      %get3A_2020 = vector.shape_cast %get3A_2019 : vector<1x16xf32> to vector<16xf32>
      %add3A_2021 = arith.addf %add3A_2015, %get3A_2020 : vector<16xf32>
      %get3A_2022 = arith.constant 9 : i32
      %get3A_2023 = arith.index_cast %get3A_2022 : i32 to index
      %get3A_2024 = arith.constant 240 : index
      %get3A_2025 = tpu.vector_load %arg6[%get3A_2023, %get3A_2024] {strides = array<i32>} : memref<20x256xf32, #tpu.memory_space<vmem>>, vector<1x16xf32>,
      %get3A_2026 = vector.shape_cast %get3A_2025 : vector<1x16xf32> to vector<16xf32>
      %add3A_2027 = arith.addf %add3A_2021, %get3A_2026 : vector<16xf32>
      %get3A_2028 = arith.constant 10 : i32
      %get3A_2029 = arith.index_cast %get3A_2028 : i32 to index
      %get3A_2030 = arith.constant 240 : index
      %get3A_2031 = tpu.vector_load %arg6[%get3A_2029, %get3A_2030] {strides = array<i32>} : memref<20x256xf32, #tpu.memory_space<vmem>>, vector<1x16xf32>,
      %get3A_2032 = vector.shape_cast %get3A_2031 : vector<1x16xf32> to vector<16xf32>
      %add3A_2033 = arith.addf %add3A_2027, %get3A_2032 : vector<16xf32>
      %get3A_2034 = arith.constant 11 : i32
      %get3A_2035 = arith.index_cast %get3A_2034 : i32 to index
      %get3A_2036 = arith.constant 240 : index
      %get3A_2037 = tpu.vector_load %arg6[%get3A_2035, %get3A_2036] {strides = array<i32>} : memref<20x256xf32, #tpu.memory_space<vmem>>, vector<1x16xf32>,
      %get3A_2038 = vector.shape_cast %get3A_2037 : vector<1x16xf32> to vector<16xf32>
      %add3A_2039 = arith.addf %add3A_2033, %get3A_2038 : vector<16xf32>
      %get3A_2040 = arith.constant 12 : i32
      %get3A_2041 = arith.index_cast %get3A_2040 : i32 to index
      %get3A_2042 = arith.constant 240 : index
      %get3A_2043 = tpu.vector_load %arg6[%get3A_2041, %get3A_2042] {strides = array<i32>} : memref<20x256xf32, #tpu.memory_space<vmem>>, vector<1x16xf32>,
      %get3A_2044 = vector.shape_cast %get3A_2043 : vector<1x16xf32> to vector<16xf32>
      %add3A_2045 = arith.addf %add3A_2039, %get3A_2044 : vector<16xf32>
      %get3A_2046 = arith.constant 13 : i32
      %get3A_2047 = arith.index_cast %get3A_2046 : i32 to index
      %get3A_2048 = arith.constant 240 : index
      %get3A_2049 = tpu.vector_load %arg6[%get3A_2047, %get3A_2048] {strides = array<i32>} : memref<20x256xf32, #tpu.memory_space<vmem>>, vector<1x16xf32>,
      %get3A_2050 = vector.shape_cast %get3A_2049 : vector<1x16xf32> to vector<16xf32>
      %add3A_2051 = arith.addf %add3A_2045, %get3A_2050 : vector<16xf32>
      %get3A_2052 = arith.constant 14 : i32
      %get3A_2053 = arith.index_cast %get3A_2052 : i32 to index
      %get3A_2054 = arith.constant 240 : index
      %get3A_2055 = tpu.vector_load %arg6[%get3A_2053, %get3A_2054] {strides = array<i32>} : memref<20x256xf32, #tpu.memory_space<vmem>>, vector<1x16xf32>,
      %get3A_2056 = vector.shape_cast %get3A_2055 : vector<1x16xf32> to vector<16xf32>
      %add3A_2057 = arith.addf %add3A_2051, %get3A_2056 : vector<16xf32>
      %get3A_2058 = arith.constant 15 : i32
      %get3A_2059 = arith.index_cast %get3A_2058 : i32 to index
      %get3A_2060 = arith.constant 240 : index
      %get3A_2061 = tpu.vector_load %arg6[%get3A_2059, %get3A_2060] {strides = array<i32>} : memref<20x256xf32, #tpu.memory_space<vmem>>, vector<1x16xf32>,
      %get3A_2062 = vector.shape_cast %get3A_2061 : vector<1x16xf32> to vector<16xf32>
      %add3A_2063 = arith.addf %add3A_2057, %get3A_2062 : vector<16xf32>
      %get3A_2064 = arith.constant 16 : i32
      %get3A_2065 = arith.index_cast %get3A_2064 : i32 to index
      %get3A_2066 = arith.constant 240 : index
      %get3A_2067 = tpu.vector_load %arg6[%get3A_2065, %get3A_2066] {strides = array<i32>} : memref<20x256xf32, #tpu.memory_space<vmem>>, vector<1x16xf32>,
      %get3A_2068 = vector.shape_cast %get3A_2067 : vector<1x16xf32> to vector<16xf32>
      %add3A_2069 = arith.addf %add3A_2063, %get3A_2068 : vector<16xf32>
      %get3A_2070 = arith.constant 17 : i32
      %get3A_2071 = arith.index_cast %get3A_2070 : i32 to index
      %get3A_2072 = arith.constant 240 : index
      %get3A_2073 = tpu.vector_load %arg6[%get3A_2071, %get3A_2072] {strides = array<i32>} : memref<20x256xf32, #tpu.memory_space<vmem>>, vector<1x16xf32>,
      %get3A_2074 = vector.shape_cast %get3A_2073 : vector<1x16xf32> to vector<16xf32>
      %add3A_2075 = arith.addf %add3A_2069, %get3A_2074 : vector<16xf32>
      %get3A_2076 = arith.constant 18 : i32
      %get3A_2077 = arith.index_cast %get3A_2076 : i32 to index
      %get3A_2078 = arith.constant 240 : index
      %get3A_2079 = tpu.vector_load %arg6[%get3A_2077, %get3A_2078] {strides = array<i32>} : memref<20x256xf32, #tpu.memory_space<vmem>>, vector<1x16xf32>,
      %get3A_2080 = vector.shape_cast %get3A_2079 : vector<1x16xf32> to vector<16xf32>
      %add3A_2081 = arith.addf %add3A_2075, %get3A_2080 : vector<16xf32>
      %get3A_2082 = arith.constant 19 : i32
      %get3A_2083 = arith.index_cast %get3A_2082 : i32 to index
      %get3A_2084 = arith.constant 240 : index
      %get3A_2085 = tpu.vector_load %arg6[%get3A_2083, %get3A_2084] {strides = array<i32>} : memref<20x256xf32, #tpu.memory_space<vmem>>, vector<1x16xf32>,
      %get3A_2086 = vector.shape_cast %get3A_2085 : vector<1x16xf32> to vector<16xf32>
      %add3A_2087 = arith.addf %add3A_2081, %get3A_2086 : vector<16xf32>
      %mul3A_2088 = arith.constant 5.000000e-02 : f32
      %mul3A_2089 = vector.broadcast %mul3A_2088 : f32 to vector<16xf32>
      %mul3A_2090 = arith.mulf %add3A_2087, %mul3A_2089 : vector<16xf32>
      %swap3A_2091 = arith.index_cast %scan3A_8 : i32 to index
      %swap3A_2092 = arith.constant 240 : index
      %swap3A_2093 = tpu.vector_load %arg7[%swap3A_2091, %swap3A_2092] {strides = array<i32>} : memref<192x256xf32, #tpu.memory_space<vmem>>, vector<1x16xf32>,
      %swap3A_2094 = vector.shape_cast %swap3A_2093 : vector<1x16xf32> to vector<16xf32>
      %swap3A_2095 = vector.shape_cast %mul3A_2090 : vector<16xf32> to vector<1x16xf32>
      tpu.vector_store %arg7[%swap3A_2091, %swap3A_2092], %swap3A_2095 {strides = array<i32>} : memref<192x256xf32, #tpu.memory_space<vmem>>, vector<1x16xf32>,
    }
    %scan3A_7 = arith.constant 192 : i32
    "tpu.region"() ({
      %run_scoped3A = tpu.sem_alloc : memref<!tpu.dma_semaphore, #tpu.memory_space<semaphore_mem>>
      %dma_start3A = arith.constant 0 : i32
      %dma_start3A_8 = tpu.memref_slice %arg4[%mul3A_2, %dma_start3A] : memref<6144x256xf32, #tpu.memory_space<hbm>> -> memref<192x256xf32, #tpu.memory_space<hbm>>
      %dma_start3A_9 = arith.constant 0 : i32
      %dma_start3A_10 = tpu.memref_slice %arg4[%mul3A_2, %dma_start3A_9] : memref<6144x256xf32, #tpu.memory_space<hbm>> -> memref<192x256xf32, #tpu.memory_space<hbm>>
      tpu.enqueue_dma source(%arg7 : memref<192x256xf32, #tpu.memory_space<vmem>>) target(%dma_start3A_10 : memref<192x256xf32, #tpu.memory_space<hbm>>) target_semaphore(%run_scoped3A : memref<!tpu.dma_semaphore, #tpu.memory_space<semaphore_mem>>)
      %dma_wait3A = arith.constant 0 : i32
      %dma_wait3A_11 = tpu.memref_slice %arg4[%mul3A_2, %dma_wait3A] : memref<6144x256xf32, #tpu.memory_space<hbm>> -> memref<192x256xf32, #tpu.memory_space<hbm>>
      %dma_wait3A_12 = arith.constant 0 : i32
      %dma_wait3A_13 = tpu.memref_slice %arg4[%mul3A_2, %dma_wait3A_12] : memref<6144x256xf32, #tpu.memory_space<hbm>> -> memref<192x256xf32, #tpu.memory_space<hbm>>
      tpu.wait_dma2 semaphore(%run_scoped3A : memref<!tpu.dma_semaphore, #tpu.memory_space<semaphore_mem>>) src(%arg7 : memref<192x256xf32, #tpu.memory_space<vmem>>) dst(%dma_wait3A_13 : memref<192x256xf32, #tpu.memory_space<hbm>>)
      tpu.yield
    }) : () -> ()
    return
  }
}

#map = affine_map<(d0, d1) -> (0, 0)>
module attributes {stable_mosaic.version = 14 : i64} {
  func.func @_segsum_body(%arg0: i32, %arg1: i32, %arg2: memref<10000x128xf32, #tpu.memory_space<hbm>>, %arg3: memref<2560x128xi32, #tpu.memory_space<hbm>>, %arg4: memref<2560x128xi32, #tpu.memory_space<hbm>>, %arg5: memref<20480x128xf32, #tpu.memory_space<hbm>>, %arg6: memref<80x128xi32, #tpu.memory_space<vmem>>, %arg7: memref<80x128xi32, #tpu.memory_space<vmem>>, %arg8: memref<128x128xf32, #tpu.memory_space<vmem>>, %arg9: memref<16x128xf32, #tpu.memory_space<vmem>>, %arg10: memref<10240x128xf32, #tpu.memory_space<vmem_shared>>, %arg11: memref<!tpu.dma_semaphore, #tpu.memory_space<semaphore_mem>>) attributes {dimension_semantics = [#tpu.dimension_semantics<core_parallel>, #tpu.dimension_semantics<subcore_parallel>], iteration_bounds = array<i64: 2, 16>, scalar_prefetch = 0 : i64, scratch_operands = 6 : i64, tpu.core_type = #tpu.core_type<sc_vector_subcore>, window_params = [{transform_indices = #map}, {transform_indices = #map}, {transform_indices = #map}, {transform_indices = #map}]} {
    %mul3A = arith.constant 2 : i32
    %mul3A_0 = arith.muli %arg1, %mul3A : i32
    %add3A = arith.addi %mul3A_0, %arg0 : i32
    %broadcast_in_dim3A = arith.constant 0.000000e+00 : f32
    %broadcast_in_dim3A_1 = vector.broadcast %broadcast_in_dim3A : f32 to vector<16xf32>
    %swap3A = arith.constant 0 : i32
    %swap3A_2 = arith.index_cast %swap3A : i32 to index
    %swap3A_3 = arith.constant 0 : index
    %swap3A_4 = tpu.vector_load %arg9[%swap3A_2, %swap3A_3] {strides = array<i32>} : memref<16x128xf32, #tpu.memory_space<vmem>>, vector<1x16xf32>,
    %swap3A_5 = vector.shape_cast %swap3A_4 : vector<1x16xf32> to vector<16xf32>
    %swap3A_6 = vector.shape_cast %broadcast_in_dim3A_1 : vector<16xf32> to vector<1x16xf32>
    tpu.vector_store %arg9[%swap3A_2, %swap3A_3], %swap3A_6 {strides = array<i32>} : memref<16x128xf32, #tpu.memory_space<vmem>>, vector<1x16xf32>,
    %swap3A_7 = arith.constant 0 : i32
    %swap3A_8 = arith.index_cast %swap3A_7 : i32 to index
    %swap3A_9 = arith.constant 16 : index
    %swap3A_10 = tpu.vector_load %arg9[%swap3A_8, %swap3A_9] {strides = array<i32>} : memref<16x128xf32, #tpu.memory_space<vmem>>, vector<1x16xf32>,
    %swap3A_11 = vector.shape_cast %swap3A_10 : vector<1x16xf32> to vector<16xf32>
    %swap3A_12 = vector.shape_cast %broadcast_in_dim3A_1 : vector<16xf32> to vector<1x16xf32>
    tpu.vector_store %arg9[%swap3A_8, %swap3A_9], %swap3A_12 {strides = array<i32>} : memref<16x128xf32, #tpu.memory_space<vmem>>, vector<1x16xf32>,
    %swap3A_13 = arith.constant 0 : i32
    %swap3A_14 = arith.index_cast %swap3A_13 : i32 to index
    %swap3A_15 = arith.constant 32 : index
    %swap3A_16 = tpu.vector_load %arg9[%swap3A_14, %swap3A_15] {strides = array<i32>} : memref<16x128xf32, #tpu.memory_space<vmem>>, vector<1x16xf32>,
    %swap3A_17 = vector.shape_cast %swap3A_16 : vector<1x16xf32> to vector<16xf32>
    %swap3A_18 = vector.shape_cast %broadcast_in_dim3A_1 : vector<16xf32> to vector<1x16xf32>
    tpu.vector_store %arg9[%swap3A_14, %swap3A_15], %swap3A_18 {strides = array<i32>} : memref<16x128xf32, #tpu.memory_space<vmem>>, vector<1x16xf32>,
    %swap3A_19 = arith.constant 0 : i32
    %swap3A_20 = arith.index_cast %swap3A_19 : i32 to index
    %swap3A_21 = arith.constant 48 : index
    %swap3A_22 = tpu.vector_load %arg9[%swap3A_20, %swap3A_21] {strides = array<i32>} : memref<16x128xf32, #tpu.memory_space<vmem>>, vector<1x16xf32>,
    %swap3A_23 = vector.shape_cast %swap3A_22 : vector<1x16xf32> to vector<16xf32>
    %swap3A_24 = vector.shape_cast %broadcast_in_dim3A_1 : vector<16xf32> to vector<1x16xf32>
    tpu.vector_store %arg9[%swap3A_20, %swap3A_21], %swap3A_24 {strides = array<i32>} : memref<16x128xf32, #tpu.memory_space<vmem>>, vector<1x16xf32>,
    %swap3A_25 = arith.constant 0 : i32
    %swap3A_26 = arith.index_cast %swap3A_25 : i32 to index
    %swap3A_27 = arith.constant 64 : index
    %swap3A_28 = tpu.vector_load %arg9[%swap3A_26, %swap3A_27] {strides = array<i32>} : memref<16x128xf32, #tpu.memory_space<vmem>>, vector<1x16xf32>,
    %swap3A_29 = vector.shape_cast %swap3A_28 : vector<1x16xf32> to vector<16xf32>
    %swap3A_30 = vector.shape_cast %broadcast_in_dim3A_1 : vector<16xf32> to vector<1x16xf32>
    tpu.vector_store %arg9[%swap3A_26, %swap3A_27], %swap3A_30 {strides = array<i32>} : memref<16x128xf32, #tpu.memory_space<vmem>>, vector<1x16xf32>,
    %swap3A_31 = arith.constant 0 : i32
    %swap3A_32 = arith.index_cast %swap3A_31 : i32 to index
    %swap3A_33 = arith.constant 80 : index
    %swap3A_34 = tpu.vector_load %arg9[%swap3A_32, %swap3A_33] {strides = array<i32>} : memref<16x128xf32, #tpu.memory_space<vmem>>, vector<1x16xf32>,
    %swap3A_35 = vector.shape_cast %swap3A_34 : vector<1x16xf32> to vector<16xf32>
    %swap3A_36 = vector.shape_cast %broadcast_in_dim3A_1 : vector<16xf32> to vector<1x16xf32>
    tpu.vector_store %arg9[%swap3A_32, %swap3A_33], %swap3A_36 {strides = array<i32>} : memref<16x128xf32, #tpu.memory_space<vmem>>, vector<1x16xf32>,
    %swap3A_37 = arith.constant 0 : i32
    %swap3A_38 = arith.index_cast %swap3A_37 : i32 to index
    %swap3A_39 = arith.constant 96 : index
    %swap3A_40 = tpu.vector_load %arg9[%swap3A_38, %swap3A_39] {strides = array<i32>} : memref<16x128xf32, #tpu.memory_space<vmem>>, vector<1x16xf32>,
    %swap3A_41 = vector.shape_cast %swap3A_40 : vector<1x16xf32> to vector<16xf32>
    %swap3A_42 = vector.shape_cast %broadcast_in_dim3A_1 : vector<16xf32> to vector<1x16xf32>
    tpu.vector_store %arg9[%swap3A_38, %swap3A_39], %swap3A_42 {strides = array<i32>} : memref<16x128xf32, #tpu.memory_space<vmem>>, vector<1x16xf32>,
    %swap3A_43 = arith.constant 0 : i32
    %swap3A_44 = arith.index_cast %swap3A_43 : i32 to index
    %swap3A_45 = arith.constant 112 : index
    %swap3A_46 = tpu.vector_load %arg9[%swap3A_44, %swap3A_45] {strides = array<i32>} : memref<16x128xf32, #tpu.memory_space<vmem>>, vector<1x16xf32>,
    %swap3A_47 = vector.shape_cast %swap3A_46 : vector<1x16xf32> to vector<16xf32>
    %swap3A_48 = vector.shape_cast %broadcast_in_dim3A_1 : vector<16xf32> to vector<1x16xf32>
    tpu.vector_store %arg9[%swap3A_44, %swap3A_45], %swap3A_48 {strides = array<i32>} : memref<16x128xf32, #tpu.memory_space<vmem>>, vector<1x16xf32>,
    %swap3A_49 = arith.constant 1 : i32
    %swap3A_50 = arith.index_cast %swap3A_49 : i32 to index
    %swap3A_51 = arith.constant 0 : index
    %swap3A_52 = tpu.vector_load %arg9[%swap3A_50, %swap3A_51] {strides = array<i32>} : memref<16x128xf32, #tpu.memory_space<vmem>>, vector<1x16xf32>,
    %swap3A_53 = vector.shape_cast %swap3A_52 : vector<1x16xf32> to vector<16xf32>
    %swap3A_54 = vector.shape_cast %broadcast_in_dim3A_1 : vector<16xf32> to vector<1x16xf32>
    tpu.vector_store %arg9[%swap3A_50, %swap3A_51], %swap3A_54 {strides = array<i32>} : memref<16x128xf32, #tpu.memory_space<vmem>>, vector<1x16xf32>,
    %swap3A_55 = arith.constant 1 : i32
    %swap3A_56 = arith.index_cast %swap3A_55 : i32 to index
    %swap3A_57 = arith.constant 16 : index
    %swap3A_58 = tpu.vector_load %arg9[%swap3A_56, %swap3A_57] {strides = array<i32>} : memref<16x128xf32, #tpu.memory_space<vmem>>, vector<1x16xf32>,
    %swap3A_59 = vector.shape_cast %swap3A_58 : vector<1x16xf32> to vector<16xf32>
    %swap3A_60 = vector.shape_cast %broadcast_in_dim3A_1 : vector<16xf32> to vector<1x16xf32>
    tpu.vector_store %arg9[%swap3A_56, %swap3A_57], %swap3A_60 {strides = array<i32>} : memref<16x128xf32, #tpu.memory_space<vmem>>, vector<1x16xf32>,
    %swap3A_61 = arith.constant 1 : i32
    %swap3A_62 = arith.index_cast %swap3A_61 : i32 to index
    %swap3A_63 = arith.constant 32 : index
    %swap3A_64 = tpu.vector_load %arg9[%swap3A_62, %swap3A_63] {strides = array<i32>} : memref<16x128xf32, #tpu.memory_space<vmem>>, vector<1x16xf32>,
    %swap3A_65 = vector.shape_cast %swap3A_64 : vector<1x16xf32> to vector<16xf32>
    %swap3A_66 = vector.shape_cast %broadcast_in_dim3A_1 : vector<16xf32> to vector<1x16xf32>
    tpu.vector_store %arg9[%swap3A_62, %swap3A_63], %swap3A_66 {strides = array<i32>} : memref<16x128xf32, #tpu.memory_space<vmem>>, vector<1x16xf32>,
    %swap3A_67 = arith.constant 1 : i32
    %swap3A_68 = arith.index_cast %swap3A_67 : i32 to index
    %swap3A_69 = arith.constant 48 : index
    %swap3A_70 = tpu.vector_load %arg9[%swap3A_68, %swap3A_69] {strides = array<i32>} : memref<16x128xf32, #tpu.memory_space<vmem>>, vector<1x16xf32>,
    %swap3A_71 = vector.shape_cast %swap3A_70 : vector<1x16xf32> to vector<16xf32>
    %swap3A_72 = vector.shape_cast %broadcast_in_dim3A_1 : vector<16xf32> to vector<1x16xf32>
    tpu.vector_store %arg9[%swap3A_68, %swap3A_69], %swap3A_72 {strides = array<i32>} : memref<16x128xf32, #tpu.memory_space<vmem>>, vector<1x16xf32>,
    %swap3A_73 = arith.constant 1 : i32
    %swap3A_74 = arith.index_cast %swap3A_73 : i32 to index
    %swap3A_75 = arith.constant 64 : index
    %swap3A_76 = tpu.vector_load %arg9[%swap3A_74, %swap3A_75] {strides = array<i32>} : memref<16x128xf32, #tpu.memory_space<vmem>>, vector<1x16xf32>,
    %swap3A_77 = vector.shape_cast %swap3A_76 : vector<1x16xf32> to vector<16xf32>
    %swap3A_78 = vector.shape_cast %broadcast_in_dim3A_1 : vector<16xf32> to vector<1x16xf32>
    tpu.vector_store %arg9[%swap3A_74, %swap3A_75], %swap3A_78 {strides = array<i32>} : memref<16x128xf32, #tpu.memory_space<vmem>>, vector<1x16xf32>,
    %swap3A_79 = arith.constant 1 : i32
    %swap3A_80 = arith.index_cast %swap3A_79 : i32 to index
    %swap3A_81 = arith.constant 80 : index
    %swap3A_82 = tpu.vector_load %arg9[%swap3A_80, %swap3A_81] {strides = array<i32>} : memref<16x128xf32, #tpu.memory_space<vmem>>, vector<1x16xf32>,
    %swap3A_83 = vector.shape_cast %swap3A_82 : vector<1x16xf32> to vector<16xf32>
    %swap3A_84 = vector.shape_cast %broadcast_in_dim3A_1 : vector<16xf32> to vector<1x16xf32>
    tpu.vector_store %arg9[%swap3A_80, %swap3A_81], %swap3A_84 {strides = array<i32>} : memref<16x128xf32, #tpu.memory_space<vmem>>, vector<1x16xf32>,
    %swap3A_85 = arith.constant 1 : i32
    %swap3A_86 = arith.index_cast %swap3A_85 : i32 to index
    %swap3A_87 = arith.constant 96 : index
    %swap3A_88 = tpu.vector_load %arg9[%swap3A_86, %swap3A_87] {strides = array<i32>} : memref<16x128xf32, #tpu.memory_space<vmem>>, vector<1x16xf32>,
    %swap3A_89 = vector.shape_cast %swap3A_88 : vector<1x16xf32> to vector<16xf32>
    %swap3A_90 = vector.shape_cast %broadcast_in_dim3A_1 : vector<16xf32> to vector<1x16xf32>
    tpu.vector_store %arg9[%swap3A_86, %swap3A_87], %swap3A_90 {strides = array<i32>} : memref<16x128xf32, #tpu.memory_space<vmem>>, vector<1x16xf32>,
    %swap3A_91 = arith.constant 1 : i32
    %swap3A_92 = arith.index_cast %swap3A_91 : i32 to index
    %swap3A_93 = arith.constant 112 : index
    %swap3A_94 = tpu.vector_load %arg9[%swap3A_92, %swap3A_93] {strides = array<i32>} : memref<16x128xf32, #tpu.memory_space<vmem>>, vector<1x16xf32>,
    %swap3A_95 = vector.shape_cast %swap3A_94 : vector<1x16xf32> to vector<16xf32>
    %swap3A_96 = vector.shape_cast %broadcast_in_dim3A_1 : vector<16xf32> to vector<1x16xf32>
    tpu.vector_store %arg9[%swap3A_92, %swap3A_93], %swap3A_96 {strides = array<i32>} : memref<16x128xf32, #tpu.memory_space<vmem>>, vector<1x16xf32>,
    %swap3A_97 = arith.constant 2 : i32
    %swap3A_98 = arith.index_cast %swap3A_97 : i32 to index
    %swap3A_99 = arith.constant 0 : index
    %swap3A_100 = tpu.vector_load %arg9[%swap3A_98, %swap3A_99] {strides = array<i32>} : memref<16x128xf32, #tpu.memory_space<vmem>>, vector<1x16xf32>,
    %swap3A_101 = vector.shape_cast %swap3A_100 : vector<1x16xf32> to vector<16xf32>
    %swap3A_102 = vector.shape_cast %broadcast_in_dim3A_1 : vector<16xf32> to vector<1x16xf32>
    tpu.vector_store %arg9[%swap3A_98, %swap3A_99], %swap3A_102 {strides = array<i32>} : memref<16x128xf32, #tpu.memory_space<vmem>>, vector<1x16xf32>,
    %swap3A_103 = arith.constant 2 : i32
    %swap3A_104 = arith.index_cast %swap3A_103 : i32 to index
    %swap3A_105 = arith.constant 16 : index
    %swap3A_106 = tpu.vector_load %arg9[%swap3A_104, %swap3A_105] {strides = array<i32>} : memref<16x128xf32, #tpu.memory_space<vmem>>, vector<1x16xf32>,
    %swap3A_107 = vector.shape_cast %swap3A_106 : vector<1x16xf32> to vector<16xf32>
    %swap3A_108 = vector.shape_cast %broadcast_in_dim3A_1 : vector<16xf32> to vector<1x16xf32>
    tpu.vector_store %arg9[%swap3A_104, %swap3A_105], %swap3A_108 {strides = array<i32>} : memref<16x128xf32, #tpu.memory_space<vmem>>, vector<1x16xf32>,
    %swap3A_109 = arith.constant 2 : i32
    %swap3A_110 = arith.index_cast %swap3A_109 : i32 to index
    %swap3A_111 = arith.constant 32 : index
    %swap3A_112 = tpu.vector_load %arg9[%swap3A_110, %swap3A_111] {strides = array<i32>} : memref<16x128xf32, #tpu.memory_space<vmem>>, vector<1x16xf32>,
    %swap3A_113 = vector.shape_cast %swap3A_112 : vector<1x16xf32> to vector<16xf32>
    %swap3A_114 = vector.shape_cast %broadcast_in_dim3A_1 : vector<16xf32> to vector<1x16xf32>
    tpu.vector_store %arg9[%swap3A_110, %swap3A_111], %swap3A_114 {strides = array<i32>} : memref<16x128xf32, #tpu.memory_space<vmem>>, vector<1x16xf32>,
    %swap3A_115 = arith.constant 2 : i32
    %swap3A_116 = arith.index_cast %swap3A_115 : i32 to index
    %swap3A_117 = arith.constant 48 : index
    %swap3A_118 = tpu.vector_load %arg9[%swap3A_116, %swap3A_117] {strides = array<i32>} : memref<16x128xf32, #tpu.memory_space<vmem>>, vector<1x16xf32>,
    %swap3A_119 = vector.shape_cast %swap3A_118 : vector<1x16xf32> to vector<16xf32>
    %swap3A_120 = vector.shape_cast %broadcast_in_dim3A_1 : vector<16xf32> to vector<1x16xf32>
    tpu.vector_store %arg9[%swap3A_116, %swap3A_117], %swap3A_120 {strides = array<i32>} : memref<16x128xf32, #tpu.memory_space<vmem>>, vector<1x16xf32>,
    %swap3A_121 = arith.constant 2 : i32
    %swap3A_122 = arith.index_cast %swap3A_121 : i32 to index
    %swap3A_123 = arith.constant 64 : index
    %swap3A_124 = tpu.vector_load %arg9[%swap3A_122, %swap3A_123] {strides = array<i32>} : memref<16x128xf32, #tpu.memory_space<vmem>>, vector<1x16xf32>,
    %swap3A_125 = vector.shape_cast %swap3A_124 : vector<1x16xf32> to vector<16xf32>
    %swap3A_126 = vector.shape_cast %broadcast_in_dim3A_1 : vector<16xf32> to vector<1x16xf32>
    tpu.vector_store %arg9[%swap3A_122, %swap3A_123], %swap3A_126 {strides = array<i32>} : memref<16x128xf32, #tpu.memory_space<vmem>>, vector<1x16xf32>,
    %swap3A_127 = arith.constant 2 : i32
    %swap3A_128 = arith.index_cast %swap3A_127 : i32 to index
    %swap3A_129 = arith.constant 80 : index
    %swap3A_130 = tpu.vector_load %arg9[%swap3A_128, %swap3A_129] {strides = array<i32>} : memref<16x128xf32, #tpu.memory_space<vmem>>, vector<1x16xf32>,
    %swap3A_131 = vector.shape_cast %swap3A_130 : vector<1x16xf32> to vector<16xf32>
    %swap3A_132 = vector.shape_cast %broadcast_in_dim3A_1 : vector<16xf32> to vector<1x16xf32>
    tpu.vector_store %arg9[%swap3A_128, %swap3A_129], %swap3A_132 {strides = array<i32>} : memref<16x128xf32, #tpu.memory_space<vmem>>, vector<1x16xf32>,
    %swap3A_133 = arith.constant 2 : i32
    %swap3A_134 = arith.index_cast %swap3A_133 : i32 to index
    %swap3A_135 = arith.constant 96 : index
    %swap3A_136 = tpu.vector_load %arg9[%swap3A_134, %swap3A_135] {strides = array<i32>} : memref<16x128xf32, #tpu.memory_space<vmem>>, vector<1x16xf32>,
    %swap3A_137 = vector.shape_cast %swap3A_136 : vector<1x16xf32> to vector<16xf32>
    %swap3A_138 = vector.shape_cast %broadcast_in_dim3A_1 : vector<16xf32> to vector<1x16xf32>
    tpu.vector_store %arg9[%swap3A_134, %swap3A_135], %swap3A_138 {strides = array<i32>} : memref<16x128xf32, #tpu.memory_space<vmem>>, vector<1x16xf32>,
    %swap3A_139 = arith.constant 2 : i32
    %swap3A_140 = arith.index_cast %swap3A_139 : i32 to index
    %swap3A_141 = arith.constant 112 : index
    %swap3A_142 = tpu.vector_load %arg9[%swap3A_140, %swap3A_141] {strides = array<i32>} : memref<16x128xf32, #tpu.memory_space<vmem>>, vector<1x16xf32>,
    %swap3A_143 = vector.shape_cast %swap3A_142 : vector<1x16xf32> to vector<16xf32>
    %swap3A_144 = vector.shape_cast %broadcast_in_dim3A_1 : vector<16xf32> to vector<1x16xf32>
    tpu.vector_store %arg9[%swap3A_140, %swap3A_141], %swap3A_144 {strides = array<i32>} : memref<16x128xf32, #tpu.memory_space<vmem>>, vector<1x16xf32>,
    %swap3A_145 = arith.constant 3 : i32
    %swap3A_146 = arith.index_cast %swap3A_145 : i32 to index
    %swap3A_147 = arith.constant 0 : index
    %swap3A_148 = tpu.vector_load %arg9[%swap3A_146, %swap3A_147] {strides = array<i32>} : memref<16x128xf32, #tpu.memory_space<vmem>>, vector<1x16xf32>,
    %swap3A_149 = vector.shape_cast %swap3A_148 : vector<1x16xf32> to vector<16xf32>
    %swap3A_150 = vector.shape_cast %broadcast_in_dim3A_1 : vector<16xf32> to vector<1x16xf32>
    tpu.vector_store %arg9[%swap3A_146, %swap3A_147], %swap3A_150 {strides = array<i32>} : memref<16x128xf32, #tpu.memory_space<vmem>>, vector<1x16xf32>,
    %swap3A_151 = arith.constant 3 : i32
    %swap3A_152 = arith.index_cast %swap3A_151 : i32 to index
    %swap3A_153 = arith.constant 16 : index
    %swap3A_154 = tpu.vector_load %arg9[%swap3A_152, %swap3A_153] {strides = array<i32>} : memref<16x128xf32, #tpu.memory_space<vmem>>, vector<1x16xf32>,
    %swap3A_155 = vector.shape_cast %swap3A_154 : vector<1x16xf32> to vector<16xf32>
    %swap3A_156 = vector.shape_cast %broadcast_in_dim3A_1 : vector<16xf32> to vector<1x16xf32>
    tpu.vector_store %arg9[%swap3A_152, %swap3A_153], %swap3A_156 {strides = array<i32>} : memref<16x128xf32, #tpu.memory_space<vmem>>, vector<1x16xf32>,
    %swap3A_157 = arith.constant 3 : i32
    %swap3A_158 = arith.index_cast %swap3A_157 : i32 to index
    %swap3A_159 = arith.constant 32 : index
    %swap3A_160 = tpu.vector_load %arg9[%swap3A_158, %swap3A_159] {strides = array<i32>} : memref<16x128xf32, #tpu.memory_space<vmem>>, vector<1x16xf32>,
    %swap3A_161 = vector.shape_cast %swap3A_160 : vector<1x16xf32> to vector<16xf32>
    %swap3A_162 = vector.shape_cast %broadcast_in_dim3A_1 : vector<16xf32> to vector<1x16xf32>
    tpu.vector_store %arg9[%swap3A_158, %swap3A_159], %swap3A_162 {strides = array<i32>} : memref<16x128xf32, #tpu.memory_space<vmem>>, vector<1x16xf32>,
    %swap3A_163 = arith.constant 3 : i32
    %swap3A_164 = arith.index_cast %swap3A_163 : i32 to index
    %swap3A_165 = arith.constant 48 : index
    %swap3A_166 = tpu.vector_load %arg9[%swap3A_164, %swap3A_165] {strides = array<i32>} : memref<16x128xf32, #tpu.memory_space<vmem>>, vector<1x16xf32>,
    %swap3A_167 = vector.shape_cast %swap3A_166 : vector<1x16xf32> to vector<16xf32>
    %swap3A_168 = vector.shape_cast %broadcast_in_dim3A_1 : vector<16xf32> to vector<1x16xf32>
    tpu.vector_store %arg9[%swap3A_164, %swap3A_165], %swap3A_168 {strides = array<i32>} : memref<16x128xf32, #tpu.memory_space<vmem>>, vector<1x16xf32>,
    %swap3A_169 = arith.constant 3 : i32
    %swap3A_170 = arith.index_cast %swap3A_169 : i32 to index
    %swap3A_171 = arith.constant 64 : index
    %swap3A_172 = tpu.vector_load %arg9[%swap3A_170, %swap3A_171] {strides = array<i32>} : memref<16x128xf32, #tpu.memory_space<vmem>>, vector<1x16xf32>,
    %swap3A_173 = vector.shape_cast %swap3A_172 : vector<1x16xf32> to vector<16xf32>
    %swap3A_174 = vector.shape_cast %broadcast_in_dim3A_1 : vector<16xf32> to vector<1x16xf32>
    tpu.vector_store %arg9[%swap3A_170, %swap3A_171], %swap3A_174 {strides = array<i32>} : memref<16x128xf32, #tpu.memory_space<vmem>>, vector<1x16xf32>,
    %swap3A_175 = arith.constant 3 : i32
    %swap3A_176 = arith.index_cast %swap3A_175 : i32 to index
    %swap3A_177 = arith.constant 80 : index
    %swap3A_178 = tpu.vector_load %arg9[%swap3A_176, %swap3A_177] {strides = array<i32>} : memref<16x128xf32, #tpu.memory_space<vmem>>, vector<1x16xf32>,
    %swap3A_179 = vector.shape_cast %swap3A_178 : vector<1x16xf32> to vector<16xf32>
    %swap3A_180 = vector.shape_cast %broadcast_in_dim3A_1 : vector<16xf32> to vector<1x16xf32>
    tpu.vector_store %arg9[%swap3A_176, %swap3A_177], %swap3A_180 {strides = array<i32>} : memref<16x128xf32, #tpu.memory_space<vmem>>, vector<1x16xf32>,
    %swap3A_181 = arith.constant 3 : i32
    %swap3A_182 = arith.index_cast %swap3A_181 : i32 to index
    %swap3A_183 = arith.constant 96 : index
    %swap3A_184 = tpu.vector_load %arg9[%swap3A_182, %swap3A_183] {strides = array<i32>} : memref<16x128xf32, #tpu.memory_space<vmem>>, vector<1x16xf32>,
    %swap3A_185 = vector.shape_cast %swap3A_184 : vector<1x16xf32> to vector<16xf32>
    %swap3A_186 = vector.shape_cast %broadcast_in_dim3A_1 : vector<16xf32> to vector<1x16xf32>
    tpu.vector_store %arg9[%swap3A_182, %swap3A_183], %swap3A_186 {strides = array<i32>} : memref<16x128xf32, #tpu.memory_space<vmem>>, vector<1x16xf32>,
    %swap3A_187 = arith.constant 3 : i32
    %swap3A_188 = arith.index_cast %swap3A_187 : i32 to index
    %swap3A_189 = arith.constant 112 : index
    %swap3A_190 = tpu.vector_load %arg9[%swap3A_188, %swap3A_189] {strides = array<i32>} : memref<16x128xf32, #tpu.memory_space<vmem>>, vector<1x16xf32>,
    %swap3A_191 = vector.shape_cast %swap3A_190 : vector<1x16xf32> to vector<16xf32>
    %swap3A_192 = vector.shape_cast %broadcast_in_dim3A_1 : vector<16xf32> to vector<1x16xf32>
    tpu.vector_store %arg9[%swap3A_188, %swap3A_189], %swap3A_192 {strides = array<i32>} : memref<16x128xf32, #tpu.memory_space<vmem>>, vector<1x16xf32>,
    %swap3A_193 = arith.constant 4 : i32
    %swap3A_194 = arith.index_cast %swap3A_193 : i32 to index
    %swap3A_195 = arith.constant 0 : index
    %swap3A_196 = tpu.vector_load %arg9[%swap3A_194, %swap3A_195] {strides = array<i32>} : memref<16x128xf32, #tpu.memory_space<vmem>>, vector<1x16xf32>,
    %swap3A_197 = vector.shape_cast %swap3A_196 : vector<1x16xf32> to vector<16xf32>
    %swap3A_198 = vector.shape_cast %broadcast_in_dim3A_1 : vector<16xf32> to vector<1x16xf32>
    tpu.vector_store %arg9[%swap3A_194, %swap3A_195], %swap3A_198 {strides = array<i32>} : memref<16x128xf32, #tpu.memory_space<vmem>>, vector<1x16xf32>,
    %swap3A_199 = arith.constant 4 : i32
    %swap3A_200 = arith.index_cast %swap3A_199 : i32 to index
    %swap3A_201 = arith.constant 16 : index
    %swap3A_202 = tpu.vector_load %arg9[%swap3A_200, %swap3A_201] {strides = array<i32>} : memref<16x128xf32, #tpu.memory_space<vmem>>, vector<1x16xf32>,
    %swap3A_203 = vector.shape_cast %swap3A_202 : vector<1x16xf32> to vector<16xf32>
    %swap3A_204 = vector.shape_cast %broadcast_in_dim3A_1 : vector<16xf32> to vector<1x16xf32>
    tpu.vector_store %arg9[%swap3A_200, %swap3A_201], %swap3A_204 {strides = array<i32>} : memref<16x128xf32, #tpu.memory_space<vmem>>, vector<1x16xf32>,
    %swap3A_205 = arith.constant 4 : i32
    %swap3A_206 = arith.index_cast %swap3A_205 : i32 to index
    %swap3A_207 = arith.constant 32 : index
    %swap3A_208 = tpu.vector_load %arg9[%swap3A_206, %swap3A_207] {strides = array<i32>} : memref<16x128xf32, #tpu.memory_space<vmem>>, vector<1x16xf32>,
    %swap3A_209 = vector.shape_cast %swap3A_208 : vector<1x16xf32> to vector<16xf32>
    %swap3A_210 = vector.shape_cast %broadcast_in_dim3A_1 : vector<16xf32> to vector<1x16xf32>
    tpu.vector_store %arg9[%swap3A_206, %swap3A_207], %swap3A_210 {strides = array<i32>} : memref<16x128xf32, #tpu.memory_space<vmem>>, vector<1x16xf32>,
    %swap3A_211 = arith.constant 4 : i32
    %swap3A_212 = arith.index_cast %swap3A_211 : i32 to index
    %swap3A_213 = arith.constant 48 : index
    %swap3A_214 = tpu.vector_load %arg9[%swap3A_212, %swap3A_213] {strides = array<i32>} : memref<16x128xf32, #tpu.memory_space<vmem>>, vector<1x16xf32>,
    %swap3A_215 = vector.shape_cast %swap3A_214 : vector<1x16xf32> to vector<16xf32>
    %swap3A_216 = vector.shape_cast %broadcast_in_dim3A_1 : vector<16xf32> to vector<1x16xf32>
    tpu.vector_store %arg9[%swap3A_212, %swap3A_213], %swap3A_216 {strides = array<i32>} : memref<16x128xf32, #tpu.memory_space<vmem>>, vector<1x16xf32>,
    %swap3A_217 = arith.constant 4 : i32
    %swap3A_218 = arith.index_cast %swap3A_217 : i32 to index
    %swap3A_219 = arith.constant 64 : index
    %swap3A_220 = tpu.vector_load %arg9[%swap3A_218, %swap3A_219] {strides = array<i32>} : memref<16x128xf32, #tpu.memory_space<vmem>>, vector<1x16xf32>,
    %swap3A_221 = vector.shape_cast %swap3A_220 : vector<1x16xf32> to vector<16xf32>
    %swap3A_222 = vector.shape_cast %broadcast_in_dim3A_1 : vector<16xf32> to vector<1x16xf32>
    tpu.vector_store %arg9[%swap3A_218, %swap3A_219], %swap3A_222 {strides = array<i32>} : memref<16x128xf32, #tpu.memory_space<vmem>>, vector<1x16xf32>,
    %swap3A_223 = arith.constant 4 : i32
    %swap3A_224 = arith.index_cast %swap3A_223 : i32 to index
    %swap3A_225 = arith.constant 80 : index
    %swap3A_226 = tpu.vector_load %arg9[%swap3A_224, %swap3A_225] {strides = array<i32>} : memref<16x128xf32, #tpu.memory_space<vmem>>, vector<1x16xf32>,
    %swap3A_227 = vector.shape_cast %swap3A_226 : vector<1x16xf32> to vector<16xf32>
    %swap3A_228 = vector.shape_cast %broadcast_in_dim3A_1 : vector<16xf32> to vector<1x16xf32>
    tpu.vector_store %arg9[%swap3A_224, %swap3A_225], %swap3A_228 {strides = array<i32>} : memref<16x128xf32, #tpu.memory_space<vmem>>, vector<1x16xf32>,
    %swap3A_229 = arith.constant 4 : i32
    %swap3A_230 = arith.index_cast %swap3A_229 : i32 to index
    %swap3A_231 = arith.constant 96 : index
    %swap3A_232 = tpu.vector_load %arg9[%swap3A_230, %swap3A_231] {strides = array<i32>} : memref<16x128xf32, #tpu.memory_space<vmem>>, vector<1x16xf32>,
    %swap3A_233 = vector.shape_cast %swap3A_232 : vector<1x16xf32> to vector<16xf32>
    %swap3A_234 = vector.shape_cast %broadcast_in_dim3A_1 : vector<16xf32> to vector<1x16xf32>
    tpu.vector_store %arg9[%swap3A_230, %swap3A_231], %swap3A_234 {strides = array<i32>} : memref<16x128xf32, #tpu.memory_space<vmem>>, vector<1x16xf32>,
    %swap3A_235 = arith.constant 4 : i32
    %swap3A_236 = arith.index_cast %swap3A_235 : i32 to index
    %swap3A_237 = arith.constant 112 : index
    %swap3A_238 = tpu.vector_load %arg9[%swap3A_236, %swap3A_237] {strides = array<i32>} : memref<16x128xf32, #tpu.memory_space<vmem>>, vector<1x16xf32>,
    %swap3A_239 = vector.shape_cast %swap3A_238 : vector<1x16xf32> to vector<16xf32>
    %swap3A_240 = vector.shape_cast %broadcast_in_dim3A_1 : vector<16xf32> to vector<1x16xf32>
    tpu.vector_store %arg9[%swap3A_236, %swap3A_237], %swap3A_240 {strides = array<i32>} : memref<16x128xf32, #tpu.memory_space<vmem>>, vector<1x16xf32>,
    %swap3A_241 = arith.constant 5 : i32
    %swap3A_242 = arith.index_cast %swap3A_241 : i32 to index
    %swap3A_243 = arith.constant 0 : index
    %swap3A_244 = tpu.vector_load %arg9[%swap3A_242, %swap3A_243] {strides = array<i32>} : memref<16x128xf32, #tpu.memory_space<vmem>>, vector<1x16xf32>,
    %swap3A_245 = vector.shape_cast %swap3A_244 : vector<1x16xf32> to vector<16xf32>
    %swap3A_246 = vector.shape_cast %broadcast_in_dim3A_1 : vector<16xf32> to vector<1x16xf32>
    tpu.vector_store %arg9[%swap3A_242, %swap3A_243], %swap3A_246 {strides = array<i32>} : memref<16x128xf32, #tpu.memory_space<vmem>>, vector<1x16xf32>,
    %swap3A_247 = arith.constant 5 : i32
    %swap3A_248 = arith.index_cast %swap3A_247 : i32 to index
    %swap3A_249 = arith.constant 16 : index
    %swap3A_250 = tpu.vector_load %arg9[%swap3A_248, %swap3A_249] {strides = array<i32>} : memref<16x128xf32, #tpu.memory_space<vmem>>, vector<1x16xf32>,
    %swap3A_251 = vector.shape_cast %swap3A_250 : vector<1x16xf32> to vector<16xf32>
    %swap3A_252 = vector.shape_cast %broadcast_in_dim3A_1 : vector<16xf32> to vector<1x16xf32>
    tpu.vector_store %arg9[%swap3A_248, %swap3A_249], %swap3A_252 {strides = array<i32>} : memref<16x128xf32, #tpu.memory_space<vmem>>, vector<1x16xf32>,
    %swap3A_253 = arith.constant 5 : i32
    %swap3A_254 = arith.index_cast %swap3A_253 : i32 to index
    %swap3A_255 = arith.constant 32 : index
    %swap3A_256 = tpu.vector_load %arg9[%swap3A_254, %swap3A_255] {strides = array<i32>} : memref<16x128xf32, #tpu.memory_space<vmem>>, vector<1x16xf32>,
    %swap3A_257 = vector.shape_cast %swap3A_256 : vector<1x16xf32> to vector<16xf32>
    %swap3A_258 = vector.shape_cast %broadcast_in_dim3A_1 : vector<16xf32> to vector<1x16xf32>
    tpu.vector_store %arg9[%swap3A_254, %swap3A_255], %swap3A_258 {strides = array<i32>} : memref<16x128xf32, #tpu.memory_space<vmem>>, vector<1x16xf32>,
    %swap3A_259 = arith.constant 5 : i32
    %swap3A_260 = arith.index_cast %swap3A_259 : i32 to index
    %swap3A_261 = arith.constant 48 : index
    %swap3A_262 = tpu.vector_load %arg9[%swap3A_260, %swap3A_261] {strides = array<i32>} : memref<16x128xf32, #tpu.memory_space<vmem>>, vector<1x16xf32>,
    %swap3A_263 = vector.shape_cast %swap3A_262 : vector<1x16xf32> to vector<16xf32>
    %swap3A_264 = vector.shape_cast %broadcast_in_dim3A_1 : vector<16xf32> to vector<1x16xf32>
    tpu.vector_store %arg9[%swap3A_260, %swap3A_261], %swap3A_264 {strides = array<i32>} : memref<16x128xf32, #tpu.memory_space<vmem>>, vector<1x16xf32>,
    %swap3A_265 = arith.constant 5 : i32
    %swap3A_266 = arith.index_cast %swap3A_265 : i32 to index
    %swap3A_267 = arith.constant 64 : index
    %swap3A_268 = tpu.vector_load %arg9[%swap3A_266, %swap3A_267] {strides = array<i32>} : memref<16x128xf32, #tpu.memory_space<vmem>>, vector<1x16xf32>,
    %swap3A_269 = vector.shape_cast %swap3A_268 : vector<1x16xf32> to vector<16xf32>
    %swap3A_270 = vector.shape_cast %broadcast_in_dim3A_1 : vector<16xf32> to vector<1x16xf32>
    tpu.vector_store %arg9[%swap3A_266, %swap3A_267], %swap3A_270 {strides = array<i32>} : memref<16x128xf32, #tpu.memory_space<vmem>>, vector<1x16xf32>,
    %swap3A_271 = arith.constant 5 : i32
    %swap3A_272 = arith.index_cast %swap3A_271 : i32 to index
    %swap3A_273 = arith.constant 80 : index
    %swap3A_274 = tpu.vector_load %arg9[%swap3A_272, %swap3A_273] {strides = array<i32>} : memref<16x128xf32, #tpu.memory_space<vmem>>, vector<1x16xf32>,
    %swap3A_275 = vector.shape_cast %swap3A_274 : vector<1x16xf32> to vector<16xf32>
    %swap3A_276 = vector.shape_cast %broadcast_in_dim3A_1 : vector<16xf32> to vector<1x16xf32>
    tpu.vector_store %arg9[%swap3A_272, %swap3A_273], %swap3A_276 {strides = array<i32>} : memref<16x128xf32, #tpu.memory_space<vmem>>, vector<1x16xf32>,
    %swap3A_277 = arith.constant 5 : i32
    %swap3A_278 = arith.index_cast %swap3A_277 : i32 to index
    %swap3A_279 = arith.constant 96 : index
    %swap3A_280 = tpu.vector_load %arg9[%swap3A_278, %swap3A_279] {strides = array<i32>} : memref<16x128xf32, #tpu.memory_space<vmem>>, vector<1x16xf32>,
    %swap3A_281 = vector.shape_cast %swap3A_280 : vector<1x16xf32> to vector<16xf32>
    %swap3A_282 = vector.shape_cast %broadcast_in_dim3A_1 : vector<16xf32> to vector<1x16xf32>
    tpu.vector_store %arg9[%swap3A_278, %swap3A_279], %swap3A_282 {strides = array<i32>} : memref<16x128xf32, #tpu.memory_space<vmem>>, vector<1x16xf32>,
    %swap3A_283 = arith.constant 5 : i32
    %swap3A_284 = arith.index_cast %swap3A_283 : i32 to index
    %swap3A_285 = arith.constant 112 : index
    %swap3A_286 = tpu.vector_load %arg9[%swap3A_284, %swap3A_285] {strides = array<i32>} : memref<16x128xf32, #tpu.memory_space<vmem>>, vector<1x16xf32>,
    %swap3A_287 = vector.shape_cast %swap3A_286 : vector<1x16xf32> to vector<16xf32>
    %swap3A_288 = vector.shape_cast %broadcast_in_dim3A_1 : vector<16xf32> to vector<1x16xf32>
    tpu.vector_store %arg9[%swap3A_284, %swap3A_285], %swap3A_288 {strides = array<i32>} : memref<16x128xf32, #tpu.memory_space<vmem>>, vector<1x16xf32>,
    %swap3A_289 = arith.constant 6 : i32
    %swap3A_290 = arith.index_cast %swap3A_289 : i32 to index
    %swap3A_291 = arith.constant 0 : index
    %swap3A_292 = tpu.vector_load %arg9[%swap3A_290, %swap3A_291] {strides = array<i32>} : memref<16x128xf32, #tpu.memory_space<vmem>>, vector<1x16xf32>,
    %swap3A_293 = vector.shape_cast %swap3A_292 : vector<1x16xf32> to vector<16xf32>
    %swap3A_294 = vector.shape_cast %broadcast_in_dim3A_1 : vector<16xf32> to vector<1x16xf32>
    tpu.vector_store %arg9[%swap3A_290, %swap3A_291], %swap3A_294 {strides = array<i32>} : memref<16x128xf32, #tpu.memory_space<vmem>>, vector<1x16xf32>,
    %swap3A_295 = arith.constant 6 : i32
    %swap3A_296 = arith.index_cast %swap3A_295 : i32 to index
    %swap3A_297 = arith.constant 16 : index
    %swap3A_298 = tpu.vector_load %arg9[%swap3A_296, %swap3A_297] {strides = array<i32>} : memref<16x128xf32, #tpu.memory_space<vmem>>, vector<1x16xf32>,
    %swap3A_299 = vector.shape_cast %swap3A_298 : vector<1x16xf32> to vector<16xf32>
    %swap3A_300 = vector.shape_cast %broadcast_in_dim3A_1 : vector<16xf32> to vector<1x16xf32>
    tpu.vector_store %arg9[%swap3A_296, %swap3A_297], %swap3A_300 {strides = array<i32>} : memref<16x128xf32, #tpu.memory_space<vmem>>, vector<1x16xf32>,
    %swap3A_301 = arith.constant 6 : i32
    %swap3A_302 = arith.index_cast %swap3A_301 : i32 to index
    %swap3A_303 = arith.constant 32 : index
    %swap3A_304 = tpu.vector_load %arg9[%swap3A_302, %swap3A_303] {strides = array<i32>} : memref<16x128xf32, #tpu.memory_space<vmem>>, vector<1x16xf32>,
    %swap3A_305 = vector.shape_cast %swap3A_304 : vector<1x16xf32> to vector<16xf32>
    %swap3A_306 = vector.shape_cast %broadcast_in_dim3A_1 : vector<16xf32> to vector<1x16xf32>
    tpu.vector_store %arg9[%swap3A_302, %swap3A_303], %swap3A_306 {strides = array<i32>} : memref<16x128xf32, #tpu.memory_space<vmem>>, vector<1x16xf32>,
    %swap3A_307 = arith.constant 6 : i32
    %swap3A_308 = arith.index_cast %swap3A_307 : i32 to index
    %swap3A_309 = arith.constant 48 : index
    %swap3A_310 = tpu.vector_load %arg9[%swap3A_308, %swap3A_309] {strides = array<i32>} : memref<16x128xf32, #tpu.memory_space<vmem>>, vector<1x16xf32>,
    %swap3A_311 = vector.shape_cast %swap3A_310 : vector<1x16xf32> to vector<16xf32>
    %swap3A_312 = vector.shape_cast %broadcast_in_dim3A_1 : vector<16xf32> to vector<1x16xf32>
    tpu.vector_store %arg9[%swap3A_308, %swap3A_309], %swap3A_312 {strides = array<i32>} : memref<16x128xf32, #tpu.memory_space<vmem>>, vector<1x16xf32>,
    %swap3A_313 = arith.constant 6 : i32
    %swap3A_314 = arith.index_cast %swap3A_313 : i32 to index
    %swap3A_315 = arith.constant 64 : index
    %swap3A_316 = tpu.vector_load %arg9[%swap3A_314, %swap3A_315] {strides = array<i32>} : memref<16x128xf32, #tpu.memory_space<vmem>>, vector<1x16xf32>,
    %swap3A_317 = vector.shape_cast %swap3A_316 : vector<1x16xf32> to vector<16xf32>
    %swap3A_318 = vector.shape_cast %broadcast_in_dim3A_1 : vector<16xf32> to vector<1x16xf32>
    tpu.vector_store %arg9[%swap3A_314, %swap3A_315], %swap3A_318 {strides = array<i32>} : memref<16x128xf32, #tpu.memory_space<vmem>>, vector<1x16xf32>,
    %swap3A_319 = arith.constant 6 : i32
    %swap3A_320 = arith.index_cast %swap3A_319 : i32 to index
    %swap3A_321 = arith.constant 80 : index
    %swap3A_322 = tpu.vector_load %arg9[%swap3A_320, %swap3A_321] {strides = array<i32>} : memref<16x128xf32, #tpu.memory_space<vmem>>, vector<1x16xf32>,
    %swap3A_323 = vector.shape_cast %swap3A_322 : vector<1x16xf32> to vector<16xf32>
    %swap3A_324 = vector.shape_cast %broadcast_in_dim3A_1 : vector<16xf32> to vector<1x16xf32>
    tpu.vector_store %arg9[%swap3A_320, %swap3A_321], %swap3A_324 {strides = array<i32>} : memref<16x128xf32, #tpu.memory_space<vmem>>, vector<1x16xf32>,
    %swap3A_325 = arith.constant 6 : i32
    %swap3A_326 = arith.index_cast %swap3A_325 : i32 to index
    %swap3A_327 = arith.constant 96 : index
    %swap3A_328 = tpu.vector_load %arg9[%swap3A_326, %swap3A_327] {strides = array<i32>} : memref<16x128xf32, #tpu.memory_space<vmem>>, vector<1x16xf32>,
    %swap3A_329 = vector.shape_cast %swap3A_328 : vector<1x16xf32> to vector<16xf32>
    %swap3A_330 = vector.shape_cast %broadcast_in_dim3A_1 : vector<16xf32> to vector<1x16xf32>
    tpu.vector_store %arg9[%swap3A_326, %swap3A_327], %swap3A_330 {strides = array<i32>} : memref<16x128xf32, #tpu.memory_space<vmem>>, vector<1x16xf32>,
    %swap3A_331 = arith.constant 6 : i32
    %swap3A_332 = arith.index_cast %swap3A_331 : i32 to index
    %swap3A_333 = arith.constant 112 : index
    %swap3A_334 = tpu.vector_load %arg9[%swap3A_332, %swap3A_333] {strides = array<i32>} : memref<16x128xf32, #tpu.memory_space<vmem>>, vector<1x16xf32>,
    %swap3A_335 = vector.shape_cast %swap3A_334 : vector<1x16xf32> to vector<16xf32>
    %swap3A_336 = vector.shape_cast %broadcast_in_dim3A_1 : vector<16xf32> to vector<1x16xf32>
    tpu.vector_store %arg9[%swap3A_332, %swap3A_333], %swap3A_336 {strides = array<i32>} : memref<16x128xf32, #tpu.memory_space<vmem>>, vector<1x16xf32>,
    %swap3A_337 = arith.constant 7 : i32
    %swap3A_338 = arith.index_cast %swap3A_337 : i32 to index
    %swap3A_339 = arith.constant 0 : index
    %swap3A_340 = tpu.vector_load %arg9[%swap3A_338, %swap3A_339] {strides = array<i32>} : memref<16x128xf32, #tpu.memory_space<vmem>>, vector<1x16xf32>,
    %swap3A_341 = vector.shape_cast %swap3A_340 : vector<1x16xf32> to vector<16xf32>
    %swap3A_342 = vector.shape_cast %broadcast_in_dim3A_1 : vector<16xf32> to vector<1x16xf32>
    tpu.vector_store %arg9[%swap3A_338, %swap3A_339], %swap3A_342 {strides = array<i32>} : memref<16x128xf32, #tpu.memory_space<vmem>>, vector<1x16xf32>,
    %swap3A_343 = arith.constant 7 : i32
    %swap3A_344 = arith.index_cast %swap3A_343 : i32 to index
    %swap3A_345 = arith.constant 16 : index
    %swap3A_346 = tpu.vector_load %arg9[%swap3A_344, %swap3A_345] {strides = array<i32>} : memref<16x128xf32, #tpu.memory_space<vmem>>, vector<1x16xf32>,
    %swap3A_347 = vector.shape_cast %swap3A_346 : vector<1x16xf32> to vector<16xf32>
    %swap3A_348 = vector.shape_cast %broadcast_in_dim3A_1 : vector<16xf32> to vector<1x16xf32>
    tpu.vector_store %arg9[%swap3A_344, %swap3A_345], %swap3A_348 {strides = array<i32>} : memref<16x128xf32, #tpu.memory_space<vmem>>, vector<1x16xf32>,
    %swap3A_349 = arith.constant 7 : i32
    %swap3A_350 = arith.index_cast %swap3A_349 : i32 to index
    %swap3A_351 = arith.constant 32 : index
    %swap3A_352 = tpu.vector_load %arg9[%swap3A_350, %swap3A_351] {strides = array<i32>} : memref<16x128xf32, #tpu.memory_space<vmem>>, vector<1x16xf32>,
    %swap3A_353 = vector.shape_cast %swap3A_352 : vector<1x16xf32> to vector<16xf32>
    %swap3A_354 = vector.shape_cast %broadcast_in_dim3A_1 : vector<16xf32> to vector<1x16xf32>
    tpu.vector_store %arg9[%swap3A_350, %swap3A_351], %swap3A_354 {strides = array<i32>} : memref<16x128xf32, #tpu.memory_space<vmem>>, vector<1x16xf32>,
    %swap3A_355 = arith.constant 7 : i32
    %swap3A_356 = arith.index_cast %swap3A_355 : i32 to index
    %swap3A_357 = arith.constant 48 : index
    %swap3A_358 = tpu.vector_load %arg9[%swap3A_356, %swap3A_357] {strides = array<i32>} : memref<16x128xf32, #tpu.memory_space<vmem>>, vector<1x16xf32>,
    %swap3A_359 = vector.shape_cast %swap3A_358 : vector<1x16xf32> to vector<16xf32>
    %swap3A_360 = vector.shape_cast %broadcast_in_dim3A_1 : vector<16xf32> to vector<1x16xf32>
    tpu.vector_store %arg9[%swap3A_356, %swap3A_357], %swap3A_360 {strides = array<i32>} : memref<16x128xf32, #tpu.memory_space<vmem>>, vector<1x16xf32>,
    %swap3A_361 = arith.constant 7 : i32
    %swap3A_362 = arith.index_cast %swap3A_361 : i32 to index
    %swap3A_363 = arith.constant 64 : index
    %swap3A_364 = tpu.vector_load %arg9[%swap3A_362, %swap3A_363] {strides = array<i32>} : memref<16x128xf32, #tpu.memory_space<vmem>>, vector<1x16xf32>,
    %swap3A_365 = vector.shape_cast %swap3A_364 : vector<1x16xf32> to vector<16xf32>
    %swap3A_366 = vector.shape_cast %broadcast_in_dim3A_1 : vector<16xf32> to vector<1x16xf32>
    tpu.vector_store %arg9[%swap3A_362, %swap3A_363], %swap3A_366 {strides = array<i32>} : memref<16x128xf32, #tpu.memory_space<vmem>>, vector<1x16xf32>,
    %swap3A_367 = arith.constant 7 : i32
    %swap3A_368 = arith.index_cast %swap3A_367 : i32 to index
    %swap3A_369 = arith.constant 80 : index
    %swap3A_370 = tpu.vector_load %arg9[%swap3A_368, %swap3A_369] {strides = array<i32>} : memref<16x128xf32, #tpu.memory_space<vmem>>, vector<1x16xf32>,
    %swap3A_371 = vector.shape_cast %swap3A_370 : vector<1x16xf32> to vector<16xf32>
    %swap3A_372 = vector.shape_cast %broadcast_in_dim3A_1 : vector<16xf32> to vector<1x16xf32>
    tpu.vector_store %arg9[%swap3A_368, %swap3A_369], %swap3A_372 {strides = array<i32>} : memref<16x128xf32, #tpu.memory_space<vmem>>, vector<1x16xf32>,
    %swap3A_373 = arith.constant 7 : i32
    %swap3A_374 = arith.index_cast %swap3A_373 : i32 to index
    %swap3A_375 = arith.constant 96 : index
    %swap3A_376 = tpu.vector_load %arg9[%swap3A_374, %swap3A_375] {strides = array<i32>} : memref<16x128xf32, #tpu.memory_space<vmem>>, vector<1x16xf32>,
    %swap3A_377 = vector.shape_cast %swap3A_376 : vector<1x16xf32> to vector<16xf32>
    %swap3A_378 = vector.shape_cast %broadcast_in_dim3A_1 : vector<16xf32> to vector<1x16xf32>
    tpu.vector_store %arg9[%swap3A_374, %swap3A_375], %swap3A_378 {strides = array<i32>} : memref<16x128xf32, #tpu.memory_space<vmem>>, vector<1x16xf32>,
    %swap3A_379 = arith.constant 7 : i32
    %swap3A_380 = arith.index_cast %swap3A_379 : i32 to index
    %swap3A_381 = arith.constant 112 : index
    %swap3A_382 = tpu.vector_load %arg9[%swap3A_380, %swap3A_381] {strides = array<i32>} : memref<16x128xf32, #tpu.memory_space<vmem>>, vector<1x16xf32>,
    %swap3A_383 = vector.shape_cast %swap3A_382 : vector<1x16xf32> to vector<16xf32>
    %swap3A_384 = vector.shape_cast %broadcast_in_dim3A_1 : vector<16xf32> to vector<1x16xf32>
    tpu.vector_store %arg9[%swap3A_380, %swap3A_381], %swap3A_384 {strides = array<i32>} : memref<16x128xf32, #tpu.memory_space<vmem>>, vector<1x16xf32>,
    %swap3A_385 = arith.constant 8 : i32
    %swap3A_386 = arith.index_cast %swap3A_385 : i32 to index
    %swap3A_387 = arith.constant 0 : index
    %swap3A_388 = tpu.vector_load %arg9[%swap3A_386, %swap3A_387] {strides = array<i32>} : memref<16x128xf32, #tpu.memory_space<vmem>>, vector<1x16xf32>,
    %swap3A_389 = vector.shape_cast %swap3A_388 : vector<1x16xf32> to vector<16xf32>
    %swap3A_390 = vector.shape_cast %broadcast_in_dim3A_1 : vector<16xf32> to vector<1x16xf32>
    tpu.vector_store %arg9[%swap3A_386, %swap3A_387], %swap3A_390 {strides = array<i32>} : memref<16x128xf32, #tpu.memory_space<vmem>>, vector<1x16xf32>,
    %swap3A_391 = arith.constant 8 : i32
    %swap3A_392 = arith.index_cast %swap3A_391 : i32 to index
    %swap3A_393 = arith.constant 16 : index
    %swap3A_394 = tpu.vector_load %arg9[%swap3A_392, %swap3A_393] {strides = array<i32>} : memref<16x128xf32, #tpu.memory_space<vmem>>, vector<1x16xf32>,
    %swap3A_395 = vector.shape_cast %swap3A_394 : vector<1x16xf32> to vector<16xf32>
    %swap3A_396 = vector.shape_cast %broadcast_in_dim3A_1 : vector<16xf32> to vector<1x16xf32>
    tpu.vector_store %arg9[%swap3A_392, %swap3A_393], %swap3A_396 {strides = array<i32>} : memref<16x128xf32, #tpu.memory_space<vmem>>, vector<1x16xf32>,
    %swap3A_397 = arith.constant 8 : i32
    %swap3A_398 = arith.index_cast %swap3A_397 : i32 to index
    %swap3A_399 = arith.constant 32 : index
    %swap3A_400 = tpu.vector_load %arg9[%swap3A_398, %swap3A_399] {strides = array<i32>} : memref<16x128xf32, #tpu.memory_space<vmem>>, vector<1x16xf32>,
    %swap3A_401 = vector.shape_cast %swap3A_400 : vector<1x16xf32> to vector<16xf32>
    %swap3A_402 = vector.shape_cast %broadcast_in_dim3A_1 : vector<16xf32> to vector<1x16xf32>
    tpu.vector_store %arg9[%swap3A_398, %swap3A_399], %swap3A_402 {strides = array<i32>} : memref<16x128xf32, #tpu.memory_space<vmem>>, vector<1x16xf32>,
    %swap3A_403 = arith.constant 8 : i32
    %swap3A_404 = arith.index_cast %swap3A_403 : i32 to index
    %swap3A_405 = arith.constant 48 : index
    %swap3A_406 = tpu.vector_load %arg9[%swap3A_404, %swap3A_405] {strides = array<i32>} : memref<16x128xf32, #tpu.memory_space<vmem>>, vector<1x16xf32>,
    %swap3A_407 = vector.shape_cast %swap3A_406 : vector<1x16xf32> to vector<16xf32>
    %swap3A_408 = vector.shape_cast %broadcast_in_dim3A_1 : vector<16xf32> to vector<1x16xf32>
    tpu.vector_store %arg9[%swap3A_404, %swap3A_405], %swap3A_408 {strides = array<i32>} : memref<16x128xf32, #tpu.memory_space<vmem>>, vector<1x16xf32>,
    %swap3A_409 = arith.constant 8 : i32
    %swap3A_410 = arith.index_cast %swap3A_409 : i32 to index
    %swap3A_411 = arith.constant 64 : index
    %swap3A_412 = tpu.vector_load %arg9[%swap3A_410, %swap3A_411] {strides = array<i32>} : memref<16x128xf32, #tpu.memory_space<vmem>>, vector<1x16xf32>,
    %swap3A_413 = vector.shape_cast %swap3A_412 : vector<1x16xf32> to vector<16xf32>
    %swap3A_414 = vector.shape_cast %broadcast_in_dim3A_1 : vector<16xf32> to vector<1x16xf32>
    tpu.vector_store %arg9[%swap3A_410, %swap3A_411], %swap3A_414 {strides = array<i32>} : memref<16x128xf32, #tpu.memory_space<vmem>>, vector<1x16xf32>,
    %swap3A_415 = arith.constant 8 : i32
    %swap3A_416 = arith.index_cast %swap3A_415 : i32 to index
    %swap3A_417 = arith.constant 80 : index
    %swap3A_418 = tpu.vector_load %arg9[%swap3A_416, %swap3A_417] {strides = array<i32>} : memref<16x128xf32, #tpu.memory_space<vmem>>, vector<1x16xf32>,
    %swap3A_419 = vector.shape_cast %swap3A_418 : vector<1x16xf32> to vector<16xf32>
    %swap3A_420 = vector.shape_cast %broadcast_in_dim3A_1 : vector<16xf32> to vector<1x16xf32>
    tpu.vector_store %arg9[%swap3A_416, %swap3A_417], %swap3A_420 {strides = array<i32>} : memref<16x128xf32, #tpu.memory_space<vmem>>, vector<1x16xf32>,
    %swap3A_421 = arith.constant 8 : i32
    %swap3A_422 = arith.index_cast %swap3A_421 : i32 to index
    %swap3A_423 = arith.constant 96 : index
    %swap3A_424 = tpu.vector_load %arg9[%swap3A_422, %swap3A_423] {strides = array<i32>} : memref<16x128xf32, #tpu.memory_space<vmem>>, vector<1x16xf32>,
    %swap3A_425 = vector.shape_cast %swap3A_424 : vector<1x16xf32> to vector<16xf32>
    %swap3A_426 = vector.shape_cast %broadcast_in_dim3A_1 : vector<16xf32> to vector<1x16xf32>
    tpu.vector_store %arg9[%swap3A_422, %swap3A_423], %swap3A_426 {strides = array<i32>} : memref<16x128xf32, #tpu.memory_space<vmem>>, vector<1x16xf32>,
    %swap3A_427 = arith.constant 8 : i32
    %swap3A_428 = arith.index_cast %swap3A_427 : i32 to index
    %swap3A_429 = arith.constant 112 : index
    %swap3A_430 = tpu.vector_load %arg9[%swap3A_428, %swap3A_429] {strides = array<i32>} : memref<16x128xf32, #tpu.memory_space<vmem>>, vector<1x16xf32>,
    %swap3A_431 = vector.shape_cast %swap3A_430 : vector<1x16xf32> to vector<16xf32>
    %swap3A_432 = vector.shape_cast %broadcast_in_dim3A_1 : vector<16xf32> to vector<1x16xf32>
    tpu.vector_store %arg9[%swap3A_428, %swap3A_429], %swap3A_432 {strides = array<i32>} : memref<16x128xf32, #tpu.memory_space<vmem>>, vector<1x16xf32>,
    %swap3A_433 = arith.constant 9 : i32
    %swap3A_434 = arith.index_cast %swap3A_433 : i32 to index
    %swap3A_435 = arith.constant 0 : index
    %swap3A_436 = tpu.vector_load %arg9[%swap3A_434, %swap3A_435] {strides = array<i32>} : memref<16x128xf32, #tpu.memory_space<vmem>>, vector<1x16xf32>,
    %swap3A_437 = vector.shape_cast %swap3A_436 : vector<1x16xf32> to vector<16xf32>
    %swap3A_438 = vector.shape_cast %broadcast_in_dim3A_1 : vector<16xf32> to vector<1x16xf32>
    tpu.vector_store %arg9[%swap3A_434, %swap3A_435], %swap3A_438 {strides = array<i32>} : memref<16x128xf32, #tpu.memory_space<vmem>>, vector<1x16xf32>,
    %swap3A_439 = arith.constant 9 : i32
    %swap3A_440 = arith.index_cast %swap3A_439 : i32 to index
    %swap3A_441 = arith.constant 16 : index
    %swap3A_442 = tpu.vector_load %arg9[%swap3A_440, %swap3A_441] {strides = array<i32>} : memref<16x128xf32, #tpu.memory_space<vmem>>, vector<1x16xf32>,
    %swap3A_443 = vector.shape_cast %swap3A_442 : vector<1x16xf32> to vector<16xf32>
    %swap3A_444 = vector.shape_cast %broadcast_in_dim3A_1 : vector<16xf32> to vector<1x16xf32>
    tpu.vector_store %arg9[%swap3A_440, %swap3A_441], %swap3A_444 {strides = array<i32>} : memref<16x128xf32, #tpu.memory_space<vmem>>, vector<1x16xf32>,
    %swap3A_445 = arith.constant 9 : i32
    %swap3A_446 = arith.index_cast %swap3A_445 : i32 to index
    %swap3A_447 = arith.constant 32 : index
    %swap3A_448 = tpu.vector_load %arg9[%swap3A_446, %swap3A_447] {strides = array<i32>} : memref<16x128xf32, #tpu.memory_space<vmem>>, vector<1x16xf32>,
    %swap3A_449 = vector.shape_cast %swap3A_448 : vector<1x16xf32> to vector<16xf32>
    %swap3A_450 = vector.shape_cast %broadcast_in_dim3A_1 : vector<16xf32> to vector<1x16xf32>
    tpu.vector_store %arg9[%swap3A_446, %swap3A_447], %swap3A_450 {strides = array<i32>} : memref<16x128xf32, #tpu.memory_space<vmem>>, vector<1x16xf32>,
    %swap3A_451 = arith.constant 9 : i32
    %swap3A_452 = arith.index_cast %swap3A_451 : i32 to index
    %swap3A_453 = arith.constant 48 : index
    %swap3A_454 = tpu.vector_load %arg9[%swap3A_452, %swap3A_453] {strides = array<i32>} : memref<16x128xf32, #tpu.memory_space<vmem>>, vector<1x16xf32>,
    %swap3A_455 = vector.shape_cast %swap3A_454 : vector<1x16xf32> to vector<16xf32>
    %swap3A_456 = vector.shape_cast %broadcast_in_dim3A_1 : vector<16xf32> to vector<1x16xf32>
    tpu.vector_store %arg9[%swap3A_452, %swap3A_453], %swap3A_456 {strides = array<i32>} : memref<16x128xf32, #tpu.memory_space<vmem>>, vector<1x16xf32>,
    %swap3A_457 = arith.constant 9 : i32
    %swap3A_458 = arith.index_cast %swap3A_457 : i32 to index
    %swap3A_459 = arith.constant 64 : index
    %swap3A_460 = tpu.vector_load %arg9[%swap3A_458, %swap3A_459] {strides = array<i32>} : memref<16x128xf32, #tpu.memory_space<vmem>>, vector<1x16xf32>,
    %swap3A_461 = vector.shape_cast %swap3A_460 : vector<1x16xf32> to vector<16xf32>
    %swap3A_462 = vector.shape_cast %broadcast_in_dim3A_1 : vector<16xf32> to vector<1x16xf32>
    tpu.vector_store %arg9[%swap3A_458, %swap3A_459], %swap3A_462 {strides = array<i32>} : memref<16x128xf32, #tpu.memory_space<vmem>>, vector<1x16xf32>,
    %swap3A_463 = arith.constant 9 : i32
    %swap3A_464 = arith.index_cast %swap3A_463 : i32 to index
    %swap3A_465 = arith.constant 80 : index
    %swap3A_466 = tpu.vector_load %arg9[%swap3A_464, %swap3A_465] {strides = array<i32>} : memref<16x128xf32, #tpu.memory_space<vmem>>, vector<1x16xf32>,
    %swap3A_467 = vector.shape_cast %swap3A_466 : vector<1x16xf32> to vector<16xf32>
    %swap3A_468 = vector.shape_cast %broadcast_in_dim3A_1 : vector<16xf32> to vector<1x16xf32>
    tpu.vector_store %arg9[%swap3A_464, %swap3A_465], %swap3A_468 {strides = array<i32>} : memref<16x128xf32, #tpu.memory_space<vmem>>, vector<1x16xf32>,
    %swap3A_469 = arith.constant 9 : i32
    %swap3A_470 = arith.index_cast %swap3A_469 : i32 to index
    %swap3A_471 = arith.constant 96 : index
    %swap3A_472 = tpu.vector_load %arg9[%swap3A_470, %swap3A_471] {strides = array<i32>} : memref<16x128xf32, #tpu.memory_space<vmem>>, vector<1x16xf32>,
    %swap3A_473 = vector.shape_cast %swap3A_472 : vector<1x16xf32> to vector<16xf32>
    %swap3A_474 = vector.shape_cast %broadcast_in_dim3A_1 : vector<16xf32> to vector<1x16xf32>
    tpu.vector_store %arg9[%swap3A_470, %swap3A_471], %swap3A_474 {strides = array<i32>} : memref<16x128xf32, #tpu.memory_space<vmem>>, vector<1x16xf32>,
    %swap3A_475 = arith.constant 9 : i32
    %swap3A_476 = arith.index_cast %swap3A_475 : i32 to index
    %swap3A_477 = arith.constant 112 : index
    %swap3A_478 = tpu.vector_load %arg9[%swap3A_476, %swap3A_477] {strides = array<i32>} : memref<16x128xf32, #tpu.memory_space<vmem>>, vector<1x16xf32>,
    %swap3A_479 = vector.shape_cast %swap3A_478 : vector<1x16xf32> to vector<16xf32>
    %swap3A_480 = vector.shape_cast %broadcast_in_dim3A_1 : vector<16xf32> to vector<1x16xf32>
    tpu.vector_store %arg9[%swap3A_476, %swap3A_477], %swap3A_480 {strides = array<i32>} : memref<16x128xf32, #tpu.memory_space<vmem>>, vector<1x16xf32>,
    %swap3A_481 = arith.constant 10 : i32
    %swap3A_482 = arith.index_cast %swap3A_481 : i32 to index
    %swap3A_483 = arith.constant 0 : index
    %swap3A_484 = tpu.vector_load %arg9[%swap3A_482, %swap3A_483] {strides = array<i32>} : memref<16x128xf32, #tpu.memory_space<vmem>>, vector<1x16xf32>,
    %swap3A_485 = vector.shape_cast %swap3A_484 : vector<1x16xf32> to vector<16xf32>
    %swap3A_486 = vector.shape_cast %broadcast_in_dim3A_1 : vector<16xf32> to vector<1x16xf32>
    tpu.vector_store %arg9[%swap3A_482, %swap3A_483], %swap3A_486 {strides = array<i32>} : memref<16x128xf32, #tpu.memory_space<vmem>>, vector<1x16xf32>,
    %swap3A_487 = arith.constant 10 : i32
    %swap3A_488 = arith.index_cast %swap3A_487 : i32 to index
    %swap3A_489 = arith.constant 16 : index
    %swap3A_490 = tpu.vector_load %arg9[%swap3A_488, %swap3A_489] {strides = array<i32>} : memref<16x128xf32, #tpu.memory_space<vmem>>, vector<1x16xf32>,
    %swap3A_491 = vector.shape_cast %swap3A_490 : vector<1x16xf32> to vector<16xf32>
    %swap3A_492 = vector.shape_cast %broadcast_in_dim3A_1 : vector<16xf32> to vector<1x16xf32>
    tpu.vector_store %arg9[%swap3A_488, %swap3A_489], %swap3A_492 {strides = array<i32>} : memref<16x128xf32, #tpu.memory_space<vmem>>, vector<1x16xf32>,
    %swap3A_493 = arith.constant 10 : i32
    %swap3A_494 = arith.index_cast %swap3A_493 : i32 to index
    %swap3A_495 = arith.constant 32 : index
    %swap3A_496 = tpu.vector_load %arg9[%swap3A_494, %swap3A_495] {strides = array<i32>} : memref<16x128xf32, #tpu.memory_space<vmem>>, vector<1x16xf32>,
    %swap3A_497 = vector.shape_cast %swap3A_496 : vector<1x16xf32> to vector<16xf32>
    %swap3A_498 = vector.shape_cast %broadcast_in_dim3A_1 : vector<16xf32> to vector<1x16xf32>
    tpu.vector_store %arg9[%swap3A_494, %swap3A_495], %swap3A_498 {strides = array<i32>} : memref<16x128xf32, #tpu.memory_space<vmem>>, vector<1x16xf32>,
    %swap3A_499 = arith.constant 10 : i32
    %swap3A_500 = arith.index_cast %swap3A_499 : i32 to index
    %swap3A_501 = arith.constant 48 : index
    %swap3A_502 = tpu.vector_load %arg9[%swap3A_500, %swap3A_501] {strides = array<i32>} : memref<16x128xf32, #tpu.memory_space<vmem>>, vector<1x16xf32>,
    %swap3A_503 = vector.shape_cast %swap3A_502 : vector<1x16xf32> to vector<16xf32>
    %swap3A_504 = vector.shape_cast %broadcast_in_dim3A_1 : vector<16xf32> to vector<1x16xf32>
    tpu.vector_store %arg9[%swap3A_500, %swap3A_501], %swap3A_504 {strides = array<i32>} : memref<16x128xf32, #tpu.memory_space<vmem>>, vector<1x16xf32>,
    %swap3A_505 = arith.constant 10 : i32
    %swap3A_506 = arith.index_cast %swap3A_505 : i32 to index
    %swap3A_507 = arith.constant 64 : index
    %swap3A_508 = tpu.vector_load %arg9[%swap3A_506, %swap3A_507] {strides = array<i32>} : memref<16x128xf32, #tpu.memory_space<vmem>>, vector<1x16xf32>,
    %swap3A_509 = vector.shape_cast %swap3A_508 : vector<1x16xf32> to vector<16xf32>
    %swap3A_510 = vector.shape_cast %broadcast_in_dim3A_1 : vector<16xf32> to vector<1x16xf32>
    tpu.vector_store %arg9[%swap3A_506, %swap3A_507], %swap3A_510 {strides = array<i32>} : memref<16x128xf32, #tpu.memory_space<vmem>>, vector<1x16xf32>,
    %swap3A_511 = arith.constant 10 : i32
    %swap3A_512 = arith.index_cast %swap3A_511 : i32 to index
    %swap3A_513 = arith.constant 80 : index
    %swap3A_514 = tpu.vector_load %arg9[%swap3A_512, %swap3A_513] {strides = array<i32>} : memref<16x128xf32, #tpu.memory_space<vmem>>, vector<1x16xf32>,
    %swap3A_515 = vector.shape_cast %swap3A_514 : vector<1x16xf32> to vector<16xf32>
    %swap3A_516 = vector.shape_cast %broadcast_in_dim3A_1 : vector<16xf32> to vector<1x16xf32>
    tpu.vector_store %arg9[%swap3A_512, %swap3A_513], %swap3A_516 {strides = array<i32>} : memref<16x128xf32, #tpu.memory_space<vmem>>, vector<1x16xf32>,
    %swap3A_517 = arith.constant 10 : i32
    %swap3A_518 = arith.index_cast %swap3A_517 : i32 to index
    %swap3A_519 = arith.constant 96 : index
    %swap3A_520 = tpu.vector_load %arg9[%swap3A_518, %swap3A_519] {strides = array<i32>} : memref<16x128xf32, #tpu.memory_space<vmem>>, vector<1x16xf32>,
    %swap3A_521 = vector.shape_cast %swap3A_520 : vector<1x16xf32> to vector<16xf32>
    %swap3A_522 = vector.shape_cast %broadcast_in_dim3A_1 : vector<16xf32> to vector<1x16xf32>
    tpu.vector_store %arg9[%swap3A_518, %swap3A_519], %swap3A_522 {strides = array<i32>} : memref<16x128xf32, #tpu.memory_space<vmem>>, vector<1x16xf32>,
    %swap3A_523 = arith.constant 10 : i32
    %swap3A_524 = arith.index_cast %swap3A_523 : i32 to index
    %swap3A_525 = arith.constant 112 : index
    %swap3A_526 = tpu.vector_load %arg9[%swap3A_524, %swap3A_525] {strides = array<i32>} : memref<16x128xf32, #tpu.memory_space<vmem>>, vector<1x16xf32>,
    %swap3A_527 = vector.shape_cast %swap3A_526 : vector<1x16xf32> to vector<16xf32>
    %swap3A_528 = vector.shape_cast %broadcast_in_dim3A_1 : vector<16xf32> to vector<1x16xf32>
    tpu.vector_store %arg9[%swap3A_524, %swap3A_525], %swap3A_528 {strides = array<i32>} : memref<16x128xf32, #tpu.memory_space<vmem>>, vector<1x16xf32>,
    %swap3A_529 = arith.constant 11 : i32
    %swap3A_530 = arith.index_cast %swap3A_529 : i32 to index
    %swap3A_531 = arith.constant 0 : index
    %swap3A_532 = tpu.vector_load %arg9[%swap3A_530, %swap3A_531] {strides = array<i32>} : memref<16x128xf32, #tpu.memory_space<vmem>>, vector<1x16xf32>,
    %swap3A_533 = vector.shape_cast %swap3A_532 : vector<1x16xf32> to vector<16xf32>
    %swap3A_534 = vector.shape_cast %broadcast_in_dim3A_1 : vector<16xf32> to vector<1x16xf32>
    tpu.vector_store %arg9[%swap3A_530, %swap3A_531], %swap3A_534 {strides = array<i32>} : memref<16x128xf32, #tpu.memory_space<vmem>>, vector<1x16xf32>,
    %swap3A_535 = arith.constant 11 : i32
    %swap3A_536 = arith.index_cast %swap3A_535 : i32 to index
    %swap3A_537 = arith.constant 16 : index
    %swap3A_538 = tpu.vector_load %arg9[%swap3A_536, %swap3A_537] {strides = array<i32>} : memref<16x128xf32, #tpu.memory_space<vmem>>, vector<1x16xf32>,
    %swap3A_539 = vector.shape_cast %swap3A_538 : vector<1x16xf32> to vector<16xf32>
    %swap3A_540 = vector.shape_cast %broadcast_in_dim3A_1 : vector<16xf32> to vector<1x16xf32>
    tpu.vector_store %arg9[%swap3A_536, %swap3A_537], %swap3A_540 {strides = array<i32>} : memref<16x128xf32, #tpu.memory_space<vmem>>, vector<1x16xf32>,
    %swap3A_541 = arith.constant 11 : i32
    %swap3A_542 = arith.index_cast %swap3A_541 : i32 to index
    %swap3A_543 = arith.constant 32 : index
    %swap3A_544 = tpu.vector_load %arg9[%swap3A_542, %swap3A_543] {strides = array<i32>} : memref<16x128xf32, #tpu.memory_space<vmem>>, vector<1x16xf32>,
    %swap3A_545 = vector.shape_cast %swap3A_544 : vector<1x16xf32> to vector<16xf32>
    %swap3A_546 = vector.shape_cast %broadcast_in_dim3A_1 : vector<16xf32> to vector<1x16xf32>
    tpu.vector_store %arg9[%swap3A_542, %swap3A_543], %swap3A_546 {strides = array<i32>} : memref<16x128xf32, #tpu.memory_space<vmem>>, vector<1x16xf32>,
    %swap3A_547 = arith.constant 11 : i32
    %swap3A_548 = arith.index_cast %swap3A_547 : i32 to index
    %swap3A_549 = arith.constant 48 : index
    %swap3A_550 = tpu.vector_load %arg9[%swap3A_548, %swap3A_549] {strides = array<i32>} : memref<16x128xf32, #tpu.memory_space<vmem>>, vector<1x16xf32>,
    %swap3A_551 = vector.shape_cast %swap3A_550 : vector<1x16xf32> to vector<16xf32>
    %swap3A_552 = vector.shape_cast %broadcast_in_dim3A_1 : vector<16xf32> to vector<1x16xf32>
    tpu.vector_store %arg9[%swap3A_548, %swap3A_549], %swap3A_552 {strides = array<i32>} : memref<16x128xf32, #tpu.memory_space<vmem>>, vector<1x16xf32>,
    %swap3A_553 = arith.constant 11 : i32
    %swap3A_554 = arith.index_cast %swap3A_553 : i32 to index
    %swap3A_555 = arith.constant 64 : index
    %swap3A_556 = tpu.vector_load %arg9[%swap3A_554, %swap3A_555] {strides = array<i32>} : memref<16x128xf32, #tpu.memory_space<vmem>>, vector<1x16xf32>,
    %swap3A_557 = vector.shape_cast %swap3A_556 : vector<1x16xf32> to vector<16xf32>
    %swap3A_558 = vector.shape_cast %broadcast_in_dim3A_1 : vector<16xf32> to vector<1x16xf32>
    tpu.vector_store %arg9[%swap3A_554, %swap3A_555], %swap3A_558 {strides = array<i32>} : memref<16x128xf32, #tpu.memory_space<vmem>>, vector<1x16xf32>,
    %swap3A_559 = arith.constant 11 : i32
    %swap3A_560 = arith.index_cast %swap3A_559 : i32 to index
    %swap3A_561 = arith.constant 80 : index
    %swap3A_562 = tpu.vector_load %arg9[%swap3A_560, %swap3A_561] {strides = array<i32>} : memref<16x128xf32, #tpu.memory_space<vmem>>, vector<1x16xf32>,
    %swap3A_563 = vector.shape_cast %swap3A_562 : vector<1x16xf32> to vector<16xf32>
    %swap3A_564 = vector.shape_cast %broadcast_in_dim3A_1 : vector<16xf32> to vector<1x16xf32>
    tpu.vector_store %arg9[%swap3A_560, %swap3A_561], %swap3A_564 {strides = array<i32>} : memref<16x128xf32, #tpu.memory_space<vmem>>, vector<1x16xf32>,
    %swap3A_565 = arith.constant 11 : i32
    %swap3A_566 = arith.index_cast %swap3A_565 : i32 to index
    %swap3A_567 = arith.constant 96 : index
    %swap3A_568 = tpu.vector_load %arg9[%swap3A_566, %swap3A_567] {strides = array<i32>} : memref<16x128xf32, #tpu.memory_space<vmem>>, vector<1x16xf32>,
    %swap3A_569 = vector.shape_cast %swap3A_568 : vector<1x16xf32> to vector<16xf32>
    %swap3A_570 = vector.shape_cast %broadcast_in_dim3A_1 : vector<16xf32> to vector<1x16xf32>
    tpu.vector_store %arg9[%swap3A_566, %swap3A_567], %swap3A_570 {strides = array<i32>} : memref<16x128xf32, #tpu.memory_space<vmem>>, vector<1x16xf32>,
    %swap3A_571 = arith.constant 11 : i32
    %swap3A_572 = arith.index_cast %swap3A_571 : i32 to index
    %swap3A_573 = arith.constant 112 : index
    %swap3A_574 = tpu.vector_load %arg9[%swap3A_572, %swap3A_573] {strides = array<i32>} : memref<16x128xf32, #tpu.memory_space<vmem>>, vector<1x16xf32>,
    %swap3A_575 = vector.shape_cast %swap3A_574 : vector<1x16xf32> to vector<16xf32>
    %swap3A_576 = vector.shape_cast %broadcast_in_dim3A_1 : vector<16xf32> to vector<1x16xf32>
    tpu.vector_store %arg9[%swap3A_572, %swap3A_573], %swap3A_576 {strides = array<i32>} : memref<16x128xf32, #tpu.memory_space<vmem>>, vector<1x16xf32>,
    %swap3A_577 = arith.constant 12 : i32
    %swap3A_578 = arith.index_cast %swap3A_577 : i32 to index
    %swap3A_579 = arith.constant 0 : index
    %swap3A_580 = tpu.vector_load %arg9[%swap3A_578, %swap3A_579] {strides = array<i32>} : memref<16x128xf32, #tpu.memory_space<vmem>>, vector<1x16xf32>,
    %swap3A_581 = vector.shape_cast %swap3A_580 : vector<1x16xf32> to vector<16xf32>
    %swap3A_582 = vector.shape_cast %broadcast_in_dim3A_1 : vector<16xf32> to vector<1x16xf32>
    tpu.vector_store %arg9[%swap3A_578, %swap3A_579], %swap3A_582 {strides = array<i32>} : memref<16x128xf32, #tpu.memory_space<vmem>>, vector<1x16xf32>,
    %swap3A_583 = arith.constant 12 : i32
    %swap3A_584 = arith.index_cast %swap3A_583 : i32 to index
    %swap3A_585 = arith.constant 16 : index
    %swap3A_586 = tpu.vector_load %arg9[%swap3A_584, %swap3A_585] {strides = array<i32>} : memref<16x128xf32, #tpu.memory_space<vmem>>, vector<1x16xf32>,
    %swap3A_587 = vector.shape_cast %swap3A_586 : vector<1x16xf32> to vector<16xf32>
    %swap3A_588 = vector.shape_cast %broadcast_in_dim3A_1 : vector<16xf32> to vector<1x16xf32>
    tpu.vector_store %arg9[%swap3A_584, %swap3A_585], %swap3A_588 {strides = array<i32>} : memref<16x128xf32, #tpu.memory_space<vmem>>, vector<1x16xf32>,
    %swap3A_589 = arith.constant 12 : i32
    %swap3A_590 = arith.index_cast %swap3A_589 : i32 to index
    %swap3A_591 = arith.constant 32 : index
    %swap3A_592 = tpu.vector_load %arg9[%swap3A_590, %swap3A_591] {strides = array<i32>} : memref<16x128xf32, #tpu.memory_space<vmem>>, vector<1x16xf32>,
    %swap3A_593 = vector.shape_cast %swap3A_592 : vector<1x16xf32> to vector<16xf32>
    %swap3A_594 = vector.shape_cast %broadcast_in_dim3A_1 : vector<16xf32> to vector<1x16xf32>
    tpu.vector_store %arg9[%swap3A_590, %swap3A_591], %swap3A_594 {strides = array<i32>} : memref<16x128xf32, #tpu.memory_space<vmem>>, vector<1x16xf32>,
    %swap3A_595 = arith.constant 12 : i32
    %swap3A_596 = arith.index_cast %swap3A_595 : i32 to index
    %swap3A_597 = arith.constant 48 : index
    %swap3A_598 = tpu.vector_load %arg9[%swap3A_596, %swap3A_597] {strides = array<i32>} : memref<16x128xf32, #tpu.memory_space<vmem>>, vector<1x16xf32>,
    %swap3A_599 = vector.shape_cast %swap3A_598 : vector<1x16xf32> to vector<16xf32>
    %swap3A_600 = vector.shape_cast %broadcast_in_dim3A_1 : vector<16xf32> to vector<1x16xf32>
    tpu.vector_store %arg9[%swap3A_596, %swap3A_597], %swap3A_600 {strides = array<i32>} : memref<16x128xf32, #tpu.memory_space<vmem>>, vector<1x16xf32>,
    %swap3A_601 = arith.constant 12 : i32
    %swap3A_602 = arith.index_cast %swap3A_601 : i32 to index
    %swap3A_603 = arith.constant 64 : index
    %swap3A_604 = tpu.vector_load %arg9[%swap3A_602, %swap3A_603] {strides = array<i32>} : memref<16x128xf32, #tpu.memory_space<vmem>>, vector<1x16xf32>,
    %swap3A_605 = vector.shape_cast %swap3A_604 : vector<1x16xf32> to vector<16xf32>
    %swap3A_606 = vector.shape_cast %broadcast_in_dim3A_1 : vector<16xf32> to vector<1x16xf32>
    tpu.vector_store %arg9[%swap3A_602, %swap3A_603], %swap3A_606 {strides = array<i32>} : memref<16x128xf32, #tpu.memory_space<vmem>>, vector<1x16xf32>,
    %swap3A_607 = arith.constant 12 : i32
    %swap3A_608 = arith.index_cast %swap3A_607 : i32 to index
    %swap3A_609 = arith.constant 80 : index
    %swap3A_610 = tpu.vector_load %arg9[%swap3A_608, %swap3A_609] {strides = array<i32>} : memref<16x128xf32, #tpu.memory_space<vmem>>, vector<1x16xf32>,
    %swap3A_611 = vector.shape_cast %swap3A_610 : vector<1x16xf32> to vector<16xf32>
    %swap3A_612 = vector.shape_cast %broadcast_in_dim3A_1 : vector<16xf32> to vector<1x16xf32>
    tpu.vector_store %arg9[%swap3A_608, %swap3A_609], %swap3A_612 {strides = array<i32>} : memref<16x128xf32, #tpu.memory_space<vmem>>, vector<1x16xf32>,
    %swap3A_613 = arith.constant 12 : i32
    %swap3A_614 = arith.index_cast %swap3A_613 : i32 to index
    %swap3A_615 = arith.constant 96 : index
    %swap3A_616 = tpu.vector_load %arg9[%swap3A_614, %swap3A_615] {strides = array<i32>} : memref<16x128xf32, #tpu.memory_space<vmem>>, vector<1x16xf32>,
    %swap3A_617 = vector.shape_cast %swap3A_616 : vector<1x16xf32> to vector<16xf32>
    %swap3A_618 = vector.shape_cast %broadcast_in_dim3A_1 : vector<16xf32> to vector<1x16xf32>
    tpu.vector_store %arg9[%swap3A_614, %swap3A_615], %swap3A_618 {strides = array<i32>} : memref<16x128xf32, #tpu.memory_space<vmem>>, vector<1x16xf32>,
    %swap3A_619 = arith.constant 12 : i32
    %swap3A_620 = arith.index_cast %swap3A_619 : i32 to index
    %swap3A_621 = arith.constant 112 : index
    %swap3A_622 = tpu.vector_load %arg9[%swap3A_620, %swap3A_621] {strides = array<i32>} : memref<16x128xf32, #tpu.memory_space<vmem>>, vector<1x16xf32>,
    %swap3A_623 = vector.shape_cast %swap3A_622 : vector<1x16xf32> to vector<16xf32>
    %swap3A_624 = vector.shape_cast %broadcast_in_dim3A_1 : vector<16xf32> to vector<1x16xf32>
    tpu.vector_store %arg9[%swap3A_620, %swap3A_621], %swap3A_624 {strides = array<i32>} : memref<16x128xf32, #tpu.memory_space<vmem>>, vector<1x16xf32>,
    %swap3A_625 = arith.constant 13 : i32
    %swap3A_626 = arith.index_cast %swap3A_625 : i32 to index
    %swap3A_627 = arith.constant 0 : index
    %swap3A_628 = tpu.vector_load %arg9[%swap3A_626, %swap3A_627] {strides = array<i32>} : memref<16x128xf32, #tpu.memory_space<vmem>>, vector<1x16xf32>,
    %swap3A_629 = vector.shape_cast %swap3A_628 : vector<1x16xf32> to vector<16xf32>
    %swap3A_630 = vector.shape_cast %broadcast_in_dim3A_1 : vector<16xf32> to vector<1x16xf32>
    tpu.vector_store %arg9[%swap3A_626, %swap3A_627], %swap3A_630 {strides = array<i32>} : memref<16x128xf32, #tpu.memory_space<vmem>>, vector<1x16xf32>,
    %swap3A_631 = arith.constant 13 : i32
    %swap3A_632 = arith.index_cast %swap3A_631 : i32 to index
    %swap3A_633 = arith.constant 16 : index
    %swap3A_634 = tpu.vector_load %arg9[%swap3A_632, %swap3A_633] {strides = array<i32>} : memref<16x128xf32, #tpu.memory_space<vmem>>, vector<1x16xf32>,
    %swap3A_635 = vector.shape_cast %swap3A_634 : vector<1x16xf32> to vector<16xf32>
    %swap3A_636 = vector.shape_cast %broadcast_in_dim3A_1 : vector<16xf32> to vector<1x16xf32>
    tpu.vector_store %arg9[%swap3A_632, %swap3A_633], %swap3A_636 {strides = array<i32>} : memref<16x128xf32, #tpu.memory_space<vmem>>, vector<1x16xf32>,
    %swap3A_637 = arith.constant 13 : i32
    %swap3A_638 = arith.index_cast %swap3A_637 : i32 to index
    %swap3A_639 = arith.constant 32 : index
    %swap3A_640 = tpu.vector_load %arg9[%swap3A_638, %swap3A_639] {strides = array<i32>} : memref<16x128xf32, #tpu.memory_space<vmem>>, vector<1x16xf32>,
    %swap3A_641 = vector.shape_cast %swap3A_640 : vector<1x16xf32> to vector<16xf32>
    %swap3A_642 = vector.shape_cast %broadcast_in_dim3A_1 : vector<16xf32> to vector<1x16xf32>
    tpu.vector_store %arg9[%swap3A_638, %swap3A_639], %swap3A_642 {strides = array<i32>} : memref<16x128xf32, #tpu.memory_space<vmem>>, vector<1x16xf32>,
    %swap3A_643 = arith.constant 13 : i32
    %swap3A_644 = arith.index_cast %swap3A_643 : i32 to index
    %swap3A_645 = arith.constant 48 : index
    %swap3A_646 = tpu.vector_load %arg9[%swap3A_644, %swap3A_645] {strides = array<i32>} : memref<16x128xf32, #tpu.memory_space<vmem>>, vector<1x16xf32>,
    %swap3A_647 = vector.shape_cast %swap3A_646 : vector<1x16xf32> to vector<16xf32>
    %swap3A_648 = vector.shape_cast %broadcast_in_dim3A_1 : vector<16xf32> to vector<1x16xf32>
    tpu.vector_store %arg9[%swap3A_644, %swap3A_645], %swap3A_648 {strides = array<i32>} : memref<16x128xf32, #tpu.memory_space<vmem>>, vector<1x16xf32>,
    %swap3A_649 = arith.constant 13 : i32
    %swap3A_650 = arith.index_cast %swap3A_649 : i32 to index
    %swap3A_651 = arith.constant 64 : index
    %swap3A_652 = tpu.vector_load %arg9[%swap3A_650, %swap3A_651] {strides = array<i32>} : memref<16x128xf32, #tpu.memory_space<vmem>>, vector<1x16xf32>,
    %swap3A_653 = vector.shape_cast %swap3A_652 : vector<1x16xf32> to vector<16xf32>
    %swap3A_654 = vector.shape_cast %broadcast_in_dim3A_1 : vector<16xf32> to vector<1x16xf32>
    tpu.vector_store %arg9[%swap3A_650, %swap3A_651], %swap3A_654 {strides = array<i32>} : memref<16x128xf32, #tpu.memory_space<vmem>>, vector<1x16xf32>,
    %swap3A_655 = arith.constant 13 : i32
    %swap3A_656 = arith.index_cast %swap3A_655 : i32 to index
    %swap3A_657 = arith.constant 80 : index
    %swap3A_658 = tpu.vector_load %arg9[%swap3A_656, %swap3A_657] {strides = array<i32>} : memref<16x128xf32, #tpu.memory_space<vmem>>, vector<1x16xf32>,
    %swap3A_659 = vector.shape_cast %swap3A_658 : vector<1x16xf32> to vector<16xf32>
    %swap3A_660 = vector.shape_cast %broadcast_in_dim3A_1 : vector<16xf32> to vector<1x16xf32>
    tpu.vector_store %arg9[%swap3A_656, %swap3A_657], %swap3A_660 {strides = array<i32>} : memref<16x128xf32, #tpu.memory_space<vmem>>, vector<1x16xf32>,
    %swap3A_661 = arith.constant 13 : i32
    %swap3A_662 = arith.index_cast %swap3A_661 : i32 to index
    %swap3A_663 = arith.constant 96 : index
    %swap3A_664 = tpu.vector_load %arg9[%swap3A_662, %swap3A_663] {strides = array<i32>} : memref<16x128xf32, #tpu.memory_space<vmem>>, vector<1x16xf32>,
    %swap3A_665 = vector.shape_cast %swap3A_664 : vector<1x16xf32> to vector<16xf32>
    %swap3A_666 = vector.shape_cast %broadcast_in_dim3A_1 : vector<16xf32> to vector<1x16xf32>
    tpu.vector_store %arg9[%swap3A_662, %swap3A_663], %swap3A_666 {strides = array<i32>} : memref<16x128xf32, #tpu.memory_space<vmem>>, vector<1x16xf32>,
    %swap3A_667 = arith.constant 13 : i32
    %swap3A_668 = arith.index_cast %swap3A_667 : i32 to index
    %swap3A_669 = arith.constant 112 : index
    %swap3A_670 = tpu.vector_load %arg9[%swap3A_668, %swap3A_669] {strides = array<i32>} : memref<16x128xf32, #tpu.memory_space<vmem>>, vector<1x16xf32>,
    %swap3A_671 = vector.shape_cast %swap3A_670 : vector<1x16xf32> to vector<16xf32>
    %swap3A_672 = vector.shape_cast %broadcast_in_dim3A_1 : vector<16xf32> to vector<1x16xf32>
    tpu.vector_store %arg9[%swap3A_668, %swap3A_669], %swap3A_672 {strides = array<i32>} : memref<16x128xf32, #tpu.memory_space<vmem>>, vector<1x16xf32>,
    %swap3A_673 = arith.constant 14 : i32
    %swap3A_674 = arith.index_cast %swap3A_673 : i32 to index
    %swap3A_675 = arith.constant 0 : index
    %swap3A_676 = tpu.vector_load %arg9[%swap3A_674, %swap3A_675] {strides = array<i32>} : memref<16x128xf32, #tpu.memory_space<vmem>>, vector<1x16xf32>,
    %swap3A_677 = vector.shape_cast %swap3A_676 : vector<1x16xf32> to vector<16xf32>
    %swap3A_678 = vector.shape_cast %broadcast_in_dim3A_1 : vector<16xf32> to vector<1x16xf32>
    tpu.vector_store %arg9[%swap3A_674, %swap3A_675], %swap3A_678 {strides = array<i32>} : memref<16x128xf32, #tpu.memory_space<vmem>>, vector<1x16xf32>,
    %swap3A_679 = arith.constant 14 : i32
    %swap3A_680 = arith.index_cast %swap3A_679 : i32 to index
    %swap3A_681 = arith.constant 16 : index
    %swap3A_682 = tpu.vector_load %arg9[%swap3A_680, %swap3A_681] {strides = array<i32>} : memref<16x128xf32, #tpu.memory_space<vmem>>, vector<1x16xf32>,
    %swap3A_683 = vector.shape_cast %swap3A_682 : vector<1x16xf32> to vector<16xf32>
    %swap3A_684 = vector.shape_cast %broadcast_in_dim3A_1 : vector<16xf32> to vector<1x16xf32>
    tpu.vector_store %arg9[%swap3A_680, %swap3A_681], %swap3A_684 {strides = array<i32>} : memref<16x128xf32, #tpu.memory_space<vmem>>, vector<1x16xf32>,
    %swap3A_685 = arith.constant 14 : i32
    %swap3A_686 = arith.index_cast %swap3A_685 : i32 to index
    %swap3A_687 = arith.constant 32 : index
    %swap3A_688 = tpu.vector_load %arg9[%swap3A_686, %swap3A_687] {strides = array<i32>} : memref<16x128xf32, #tpu.memory_space<vmem>>, vector<1x16xf32>,
    %swap3A_689 = vector.shape_cast %swap3A_688 : vector<1x16xf32> to vector<16xf32>
    %swap3A_690 = vector.shape_cast %broadcast_in_dim3A_1 : vector<16xf32> to vector<1x16xf32>
    tpu.vector_store %arg9[%swap3A_686, %swap3A_687], %swap3A_690 {strides = array<i32>} : memref<16x128xf32, #tpu.memory_space<vmem>>, vector<1x16xf32>,
    %swap3A_691 = arith.constant 14 : i32
    %swap3A_692 = arith.index_cast %swap3A_691 : i32 to index
    %swap3A_693 = arith.constant 48 : index
    %swap3A_694 = tpu.vector_load %arg9[%swap3A_692, %swap3A_693] {strides = array<i32>} : memref<16x128xf32, #tpu.memory_space<vmem>>, vector<1x16xf32>,
    %swap3A_695 = vector.shape_cast %swap3A_694 : vector<1x16xf32> to vector<16xf32>
    %swap3A_696 = vector.shape_cast %broadcast_in_dim3A_1 : vector<16xf32> to vector<1x16xf32>
    tpu.vector_store %arg9[%swap3A_692, %swap3A_693], %swap3A_696 {strides = array<i32>} : memref<16x128xf32, #tpu.memory_space<vmem>>, vector<1x16xf32>,
    %swap3A_697 = arith.constant 14 : i32
    %swap3A_698 = arith.index_cast %swap3A_697 : i32 to index
    %swap3A_699 = arith.constant 64 : index
    %swap3A_700 = tpu.vector_load %arg9[%swap3A_698, %swap3A_699] {strides = array<i32>} : memref<16x128xf32, #tpu.memory_space<vmem>>, vector<1x16xf32>,
    %swap3A_701 = vector.shape_cast %swap3A_700 : vector<1x16xf32> to vector<16xf32>
    %swap3A_702 = vector.shape_cast %broadcast_in_dim3A_1 : vector<16xf32> to vector<1x16xf32>
    tpu.vector_store %arg9[%swap3A_698, %swap3A_699], %swap3A_702 {strides = array<i32>} : memref<16x128xf32, #tpu.memory_space<vmem>>, vector<1x16xf32>,
    %swap3A_703 = arith.constant 14 : i32
    %swap3A_704 = arith.index_cast %swap3A_703 : i32 to index
    %swap3A_705 = arith.constant 80 : index
    %swap3A_706 = tpu.vector_load %arg9[%swap3A_704, %swap3A_705] {strides = array<i32>} : memref<16x128xf32, #tpu.memory_space<vmem>>, vector<1x16xf32>,
    %swap3A_707 = vector.shape_cast %swap3A_706 : vector<1x16xf32> to vector<16xf32>
    %swap3A_708 = vector.shape_cast %broadcast_in_dim3A_1 : vector<16xf32> to vector<1x16xf32>
    tpu.vector_store %arg9[%swap3A_704, %swap3A_705], %swap3A_708 {strides = array<i32>} : memref<16x128xf32, #tpu.memory_space<vmem>>, vector<1x16xf32>,
    %swap3A_709 = arith.constant 14 : i32
    %swap3A_710 = arith.index_cast %swap3A_709 : i32 to index
    %swap3A_711 = arith.constant 96 : index
    %swap3A_712 = tpu.vector_load %arg9[%swap3A_710, %swap3A_711] {strides = array<i32>} : memref<16x128xf32, #tpu.memory_space<vmem>>, vector<1x16xf32>,
    %swap3A_713 = vector.shape_cast %swap3A_712 : vector<1x16xf32> to vector<16xf32>
    %swap3A_714 = vector.shape_cast %broadcast_in_dim3A_1 : vector<16xf32> to vector<1x16xf32>
    tpu.vector_store %arg9[%swap3A_710, %swap3A_711], %swap3A_714 {strides = array<i32>} : memref<16x128xf32, #tpu.memory_space<vmem>>, vector<1x16xf32>,
    %swap3A_715 = arith.constant 14 : i32
    %swap3A_716 = arith.index_cast %swap3A_715 : i32 to index
    %swap3A_717 = arith.constant 112 : index
    %swap3A_718 = tpu.vector_load %arg9[%swap3A_716, %swap3A_717] {strides = array<i32>} : memref<16x128xf32, #tpu.memory_space<vmem>>, vector<1x16xf32>,
    %swap3A_719 = vector.shape_cast %swap3A_718 : vector<1x16xf32> to vector<16xf32>
    %swap3A_720 = vector.shape_cast %broadcast_in_dim3A_1 : vector<16xf32> to vector<1x16xf32>
    tpu.vector_store %arg9[%swap3A_716, %swap3A_717], %swap3A_720 {strides = array<i32>} : memref<16x128xf32, #tpu.memory_space<vmem>>, vector<1x16xf32>,
    %swap3A_721 = arith.constant 15 : i32
    %swap3A_722 = arith.index_cast %swap3A_721 : i32 to index
    %swap3A_723 = arith.constant 0 : index
    %swap3A_724 = tpu.vector_load %arg9[%swap3A_722, %swap3A_723] {strides = array<i32>} : memref<16x128xf32, #tpu.memory_space<vmem>>, vector<1x16xf32>,
    %swap3A_725 = vector.shape_cast %swap3A_724 : vector<1x16xf32> to vector<16xf32>
    %swap3A_726 = vector.shape_cast %broadcast_in_dim3A_1 : vector<16xf32> to vector<1x16xf32>
    tpu.vector_store %arg9[%swap3A_722, %swap3A_723], %swap3A_726 {strides = array<i32>} : memref<16x128xf32, #tpu.memory_space<vmem>>, vector<1x16xf32>,
    %swap3A_727 = arith.constant 15 : i32
    %swap3A_728 = arith.index_cast %swap3A_727 : i32 to index
    %swap3A_729 = arith.constant 16 : index
    %swap3A_730 = tpu.vector_load %arg9[%swap3A_728, %swap3A_729] {strides = array<i32>} : memref<16x128xf32, #tpu.memory_space<vmem>>, vector<1x16xf32>,
    %swap3A_731 = vector.shape_cast %swap3A_730 : vector<1x16xf32> to vector<16xf32>
    %swap3A_732 = vector.shape_cast %broadcast_in_dim3A_1 : vector<16xf32> to vector<1x16xf32>
    tpu.vector_store %arg9[%swap3A_728, %swap3A_729], %swap3A_732 {strides = array<i32>} : memref<16x128xf32, #tpu.memory_space<vmem>>, vector<1x16xf32>,
    %swap3A_733 = arith.constant 15 : i32
    %swap3A_734 = arith.index_cast %swap3A_733 : i32 to index
    %swap3A_735 = arith.constant 32 : index
    %swap3A_736 = tpu.vector_load %arg9[%swap3A_734, %swap3A_735] {strides = array<i32>} : memref<16x128xf32, #tpu.memory_space<vmem>>, vector<1x16xf32>,
    %swap3A_737 = vector.shape_cast %swap3A_736 : vector<1x16xf32> to vector<16xf32>
    %swap3A_738 = vector.shape_cast %broadcast_in_dim3A_1 : vector<16xf32> to vector<1x16xf32>
    tpu.vector_store %arg9[%swap3A_734, %swap3A_735], %swap3A_738 {strides = array<i32>} : memref<16x128xf32, #tpu.memory_space<vmem>>, vector<1x16xf32>,
    %swap3A_739 = arith.constant 15 : i32
    %swap3A_740 = arith.index_cast %swap3A_739 : i32 to index
    %swap3A_741 = arith.constant 48 : index
    %swap3A_742 = tpu.vector_load %arg9[%swap3A_740, %swap3A_741] {strides = array<i32>} : memref<16x128xf32, #tpu.memory_space<vmem>>, vector<1x16xf32>,
    %swap3A_743 = vector.shape_cast %swap3A_742 : vector<1x16xf32> to vector<16xf32>
    %swap3A_744 = vector.shape_cast %broadcast_in_dim3A_1 : vector<16xf32> to vector<1x16xf32>
    tpu.vector_store %arg9[%swap3A_740, %swap3A_741], %swap3A_744 {strides = array<i32>} : memref<16x128xf32, #tpu.memory_space<vmem>>, vector<1x16xf32>,
    %swap3A_745 = arith.constant 15 : i32
    %swap3A_746 = arith.index_cast %swap3A_745 : i32 to index
    %swap3A_747 = arith.constant 64 : index
    %swap3A_748 = tpu.vector_load %arg9[%swap3A_746, %swap3A_747] {strides = array<i32>} : memref<16x128xf32, #tpu.memory_space<vmem>>, vector<1x16xf32>,
    %swap3A_749 = vector.shape_cast %swap3A_748 : vector<1x16xf32> to vector<16xf32>
    %swap3A_750 = vector.shape_cast %broadcast_in_dim3A_1 : vector<16xf32> to vector<1x16xf32>
    tpu.vector_store %arg9[%swap3A_746, %swap3A_747], %swap3A_750 {strides = array<i32>} : memref<16x128xf32, #tpu.memory_space<vmem>>, vector<1x16xf32>,
    %swap3A_751 = arith.constant 15 : i32
    %swap3A_752 = arith.index_cast %swap3A_751 : i32 to index
    %swap3A_753 = arith.constant 80 : index
    %swap3A_754 = tpu.vector_load %arg9[%swap3A_752, %swap3A_753] {strides = array<i32>} : memref<16x128xf32, #tpu.memory_space<vmem>>, vector<1x16xf32>,
    %swap3A_755 = vector.shape_cast %swap3A_754 : vector<1x16xf32> to vector<16xf32>
    %swap3A_756 = vector.shape_cast %broadcast_in_dim3A_1 : vector<16xf32> to vector<1x16xf32>
    tpu.vector_store %arg9[%swap3A_752, %swap3A_753], %swap3A_756 {strides = array<i32>} : memref<16x128xf32, #tpu.memory_space<vmem>>, vector<1x16xf32>,
    %swap3A_757 = arith.constant 15 : i32
    %swap3A_758 = arith.index_cast %swap3A_757 : i32 to index
    %swap3A_759 = arith.constant 96 : index
    %swap3A_760 = tpu.vector_load %arg9[%swap3A_758, %swap3A_759] {strides = array<i32>} : memref<16x128xf32, #tpu.memory_space<vmem>>, vector<1x16xf32>,
    %swap3A_761 = vector.shape_cast %swap3A_760 : vector<1x16xf32> to vector<16xf32>
    %swap3A_762 = vector.shape_cast %broadcast_in_dim3A_1 : vector<16xf32> to vector<1x16xf32>
    tpu.vector_store %arg9[%swap3A_758, %swap3A_759], %swap3A_762 {strides = array<i32>} : memref<16x128xf32, #tpu.memory_space<vmem>>, vector<1x16xf32>,
    %swap3A_763 = arith.constant 15 : i32
    %swap3A_764 = arith.index_cast %swap3A_763 : i32 to index
    %swap3A_765 = arith.constant 112 : index
    %swap3A_766 = tpu.vector_load %arg9[%swap3A_764, %swap3A_765] {strides = array<i32>} : memref<16x128xf32, #tpu.memory_space<vmem>>, vector<1x16xf32>,
    %swap3A_767 = vector.shape_cast %swap3A_766 : vector<1x16xf32> to vector<16xf32>
    %swap3A_768 = vector.shape_cast %broadcast_in_dim3A_1 : vector<16xf32> to vector<1x16xf32>
    tpu.vector_store %arg9[%swap3A_764, %swap3A_765], %swap3A_768 {strides = array<i32>} : memref<16x128xf32, #tpu.memory_space<vmem>>, vector<1x16xf32>,
    %mul3A_769 = arith.constant 640 : i32
    %mul3A_770 = arith.muli %arg1, %mul3A_769 : i32
    %scan3A = arith.constant 0 : i32
    %scan3A_771 = arith.constant 0 : i32
    %scan3A_772 = arith.constant 40 : i32
    %scan3A_773 = arith.addi %scan3A_771, %scan3A_772 : i32
    %scan3A_774 = arith.constant 1 : i32
    scf.for %scan3A_788 = %scan3A_771 to %scan3A_773 step %scan3A_774  : i32 {
      %mul3A_789 = arith.constant 16 : i32
      %mul3A_790 = arith.muli %scan3A_788, %mul3A_789 : i32
      %add3A_791 = arith.addi %mul3A_770, %mul3A_790 : i32
      "tpu.region"() ({
        %run_scoped3A = tpu.sem_alloc : memref<!tpu.dma_semaphore, #tpu.memory_space<semaphore_mem>>
        %dma_start3A = arith.constant 0 : i32
        %dma_start3A_792 = tpu.memref_slice %arg10[%add3A_791, %dma_start3A] : memref<10240x128xf32, #tpu.memory_space<vmem_shared>> -> memref<16x128xf32, #tpu.memory_space<vmem_shared>>
        %dma_start3A_793 = arith.constant 0 : i32
        %dma_start3A_794 = tpu.memref_slice %arg10[%add3A_791, %dma_start3A_793] : memref<10240x128xf32, #tpu.memory_space<vmem_shared>> -> memref<16x128xf32, #tpu.memory_space<vmem_shared>>
        tpu.enqueue_dma source(%arg9 : memref<16x128xf32, #tpu.memory_space<vmem>>) target(%dma_start3A_794 : memref<16x128xf32, #tpu.memory_space<vmem_shared>>) target_semaphore(%run_scoped3A : memref<!tpu.dma_semaphore, #tpu.memory_space<semaphore_mem>>)
        %dma_wait3A = arith.constant 0 : i32
        %dma_wait3A_795 = tpu.memref_slice %arg10[%add3A_791, %dma_wait3A] : memref<10240x128xf32, #tpu.memory_space<vmem_shared>> -> memref<16x128xf32, #tpu.memory_space<vmem_shared>>
        %dma_wait3A_796 = arith.constant 0 : i32
        %dma_wait3A_797 = tpu.memref_slice %arg10[%add3A_791, %dma_wait3A_796] : memref<10240x128xf32, #tpu.memory_space<vmem_shared>> -> memref<16x128xf32, #tpu.memory_space<vmem_shared>>
        tpu.wait_dma2 semaphore(%run_scoped3A : memref<!tpu.dma_semaphore, #tpu.memory_space<semaphore_mem>>) src(%arg9 : memref<16x128xf32, #tpu.memory_space<vmem>>) dst(%dma_wait3A_797 : memref<16x128xf32, #tpu.memory_space<vmem_shared>>)
        tpu.yield
      }) : () -> ()
    }
    %scan3A_775 = arith.constant 40 : i32
    %barrier3A = arith.constant 0 : index
    tpu.barrier barrier_id(%barrier3A)
    %mul3A_776 = arith.constant 80 : i32
    %mul3A_777 = arith.muli %add3A, %mul3A_776 : i32
    "tpu.region"() ({
      %run_scoped3A = tpu.sem_alloc : memref<!tpu.dma_semaphore, #tpu.memory_space<semaphore_mem>>
      %dma_start3A = arith.constant 0 : i32
      %dma_start3A_788 = tpu.memref_slice %arg3[%mul3A_777, %dma_start3A] : memref<2560x128xi32, #tpu.memory_space<hbm>> -> memref<80x128xi32, #tpu.memory_space<hbm>>
      %dma_start3A_789 = arith.constant 0 : i32
      %dma_start3A_790 = tpu.memref_slice %arg3[%mul3A_777, %dma_start3A_789] : memref<2560x128xi32, #tpu.memory_space<hbm>> -> memref<80x128xi32, #tpu.memory_space<hbm>>
      tpu.enqueue_dma source(%dma_start3A_790 : memref<80x128xi32, #tpu.memory_space<hbm>>) target(%arg6 : memref<80x128xi32, #tpu.memory_space<vmem>>) target_semaphore(%run_scoped3A : memref<!tpu.dma_semaphore, #tpu.memory_space<semaphore_mem>>)
      %dma_wait3A = arith.constant 0 : i32
      %dma_wait3A_791 = tpu.memref_slice %arg3[%mul3A_777, %dma_wait3A] : memref<2560x128xi32, #tpu.memory_space<hbm>> -> memref<80x128xi32, #tpu.memory_space<hbm>>
      %dma_wait3A_792 = arith.constant 0 : i32
      %dma_wait3A_793 = tpu.memref_slice %arg3[%mul3A_777, %dma_wait3A_792] : memref<2560x128xi32, #tpu.memory_space<hbm>> -> memref<80x128xi32, #tpu.memory_space<hbm>>
      tpu.wait_dma2 semaphore(%run_scoped3A : memref<!tpu.dma_semaphore, #tpu.memory_space<semaphore_mem>>) src(%dma_wait3A_793 : memref<80x128xi32, #tpu.memory_space<hbm>>) dst(%arg6 : memref<80x128xi32, #tpu.memory_space<vmem>>)
      tpu.yield
    }) : () -> ()
    "tpu.region"() ({
      %run_scoped3A = tpu.sem_alloc : memref<!tpu.dma_semaphore, #tpu.memory_space<semaphore_mem>>
      %dma_start3A = arith.constant 0 : i32
      %dma_start3A_788 = tpu.memref_slice %arg4[%mul3A_777, %dma_start3A] : memref<2560x128xi32, #tpu.memory_space<hbm>> -> memref<80x128xi32, #tpu.memory_space<hbm>>
      %dma_start3A_789 = arith.constant 0 : i32
      %dma_start3A_790 = tpu.memref_slice %arg4[%mul3A_777, %dma_start3A_789] : memref<2560x128xi32, #tpu.memory_space<hbm>> -> memref<80x128xi32, #tpu.memory_space<hbm>>
      tpu.enqueue_dma source(%dma_start3A_790 : memref<80x128xi32, #tpu.memory_space<hbm>>) target(%arg7 : memref<80x128xi32, #tpu.memory_space<vmem>>) target_semaphore(%run_scoped3A : memref<!tpu.dma_semaphore, #tpu.memory_space<semaphore_mem>>)
      %dma_wait3A = arith.constant 0 : i32
      %dma_wait3A_791 = tpu.memref_slice %arg4[%mul3A_777, %dma_wait3A] : memref<2560x128xi32, #tpu.memory_space<hbm>> -> memref<80x128xi32, #tpu.memory_space<hbm>>
      %dma_wait3A_792 = arith.constant 0 : i32
      %dma_wait3A_793 = tpu.memref_slice %arg4[%mul3A_777, %dma_wait3A_792] : memref<2560x128xi32, #tpu.memory_space<hbm>> -> memref<80x128xi32, #tpu.memory_space<hbm>>
      tpu.wait_dma2 semaphore(%run_scoped3A : memref<!tpu.dma_semaphore, #tpu.memory_space<semaphore_mem>>) src(%dma_wait3A_793 : memref<80x128xi32, #tpu.memory_space<hbm>>) dst(%arg7 : memref<80x128xi32, #tpu.memory_space<vmem>>)
      tpu.yield
    }) : () -> ()
    %scan3A_778 = arith.constant 0 : i32
    %scan3A_779 = arith.constant 0 : i32
    %scan3A_780 = arith.constant 80 : i32
    %scan3A_781 = arith.addi %scan3A_779, %scan3A_780 : i32
    %scan3A_782 = arith.constant 1 : i32
    scf.for %scan3A_788 = %scan3A_779 to %scan3A_781 step %scan3A_782  : i32 {
      %dma_start3A = arith.constant 0 : i32
      %dma_start3A_789 = tpu.memref_slice %arg6[%scan3A_788, %dma_start3A] : memref<80x128xi32, #tpu.memory_space<vmem>> -> memref<1x128xi32, #tpu.memory_space<vmem>>
      %dma_start3A_790 = tpu.memref_squeeze %dma_start3A_789 : memref<1x128xi32, #tpu.memory_space<vmem>> -> memref<128xi32, #tpu.memory_space<vmem>>
      %dma_start3A_791 = arith.constant 0 : i32
      %dma_start3A_792 = arith.constant 0 : i32
      %dma_start3A_793 = tpu.memref_slice %arg2[%dma_start3A_791, %dma_start3A_792] : memref<10000x128xf32, #tpu.memory_space<hbm>> -> memref<10000x128xf32, #tpu.memory_space<hbm>>
      tpu.enqueue_indirect_dma source(%dma_start3A_793 : memref<10000x128xf32, #tpu.memory_space<hbm>>) target(%arg8 : memref<128x128xf32, #tpu.memory_space<vmem>>) offsets(%dma_start3A_790 : memref<128xi32, #tpu.memory_space<vmem>>) semaphore(%arg11 : memref<!tpu.dma_semaphore, #tpu.memory_space<semaphore_mem>>)
      %dma_wait3A = arith.constant 0 : i32
      %dma_wait3A_794 = tpu.memref_slice %arg6[%scan3A_788, %dma_wait3A] : memref<80x128xi32, #tpu.memory_space<vmem>> -> memref<1x128xi32, #tpu.memory_space<vmem>>
      %dma_wait3A_795 = tpu.memref_squeeze %dma_wait3A_794 : memref<1x128xi32, #tpu.memory_space<vmem>> -> memref<128xi32, #tpu.memory_space<vmem>>
      %dma_wait3A_796 = arith.constant 0 : i32
      %dma_wait3A_797 = arith.constant 0 : i32
      %dma_wait3A_798 = tpu.memref_slice %arg2[%dma_wait3A_796, %dma_wait3A_797] : memref<10000x128xf32, #tpu.memory_space<hbm>> -> memref<10000x128xf32, #tpu.memory_space<hbm>>
      tpu.wait_indirect_dma semaphore(%arg11 : memref<!tpu.dma_semaphore, #tpu.memory_space<semaphore_mem>>) src(%dma_wait3A_798 : memref<10000x128xf32, #tpu.memory_space<hbm>>) dst(%arg8 : memref<128x128xf32, #tpu.memory_space<vmem>>)
      "tpu.region"() ({
        %run_scoped3A = tpu.sem_alloc : memref<!tpu.dma_semaphore, #tpu.memory_space<semaphore_mem>>
        %dma_start3A_799 = arith.constant 0 : i32
        %dma_start3A_800 = tpu.memref_slice %arg7[%scan3A_788, %dma_start3A_799] : memref<80x128xi32, #tpu.memory_space<vmem>> -> memref<1x128xi32, #tpu.memory_space<vmem>>
        %dma_start3A_801 = tpu.memref_squeeze %dma_start3A_800 : memref<1x128xi32, #tpu.memory_space<vmem>> -> memref<128xi32, #tpu.memory_space<vmem>>
        %dma_start3A_802 = arith.constant 0 : i32
        %dma_start3A_803 = arith.constant 0 : i32
        %dma_start3A_804 = tpu.memref_slice %arg10[%dma_start3A_802, %dma_start3A_803] : memref<10240x128xf32, #tpu.memory_space<vmem_shared>> -> memref<10240x128xf32, #tpu.memory_space<vmem_shared>>
        tpu.enqueue_indirect_dma source(%arg8 : memref<128x128xf32, #tpu.memory_space<vmem>>) target(%dma_start3A_804 : memref<10240x128xf32, #tpu.memory_space<vmem_shared>>) offsets(%dma_start3A_801 : memref<128xi32, #tpu.memory_space<vmem>>) semaphore(%run_scoped3A : memref<!tpu.dma_semaphore, #tpu.memory_space<semaphore_mem>>) {add = true}
        %dma_wait3A_805 = arith.constant 0 : i32
        %dma_wait3A_806 = tpu.memref_slice %arg7[%scan3A_788, %dma_wait3A_805] : memref<80x128xi32, #tpu.memory_space<vmem>> -> memref<1x128xi32, #tpu.memory_space<vmem>>
        %dma_wait3A_807 = tpu.memref_squeeze %dma_wait3A_806 : memref<1x128xi32, #tpu.memory_space<vmem>> -> memref<128xi32, #tpu.memory_space<vmem>>
        %dma_wait3A_808 = arith.constant 0 : i32
        %dma_wait3A_809 = arith.constant 0 : i32
        %dma_wait3A_810 = tpu.memref_slice %arg10[%dma_wait3A_808, %dma_wait3A_809] : memref<10240x128xf32, #tpu.memory_space<vmem_shared>> -> memref<10240x128xf32, #tpu.memory_space<vmem_shared>>
        tpu.wait_indirect_dma semaphore(%run_scoped3A : memref<!tpu.dma_semaphore, #tpu.memory_space<semaphore_mem>>) src(%arg8 : memref<128x128xf32, #tpu.memory_space<vmem>>) dst(%dma_wait3A_810 : memref<10240x128xf32, #tpu.memory_space<vmem_shared>>)
        tpu.yield
      }) : () -> ()
    }
    %scan3A_783 = arith.constant 80 : i32
    %barrier3A_784 = arith.constant 0 : index
    tpu.barrier barrier_id(%barrier3A_784)
    %mul3A_785 = arith.constant 10240 : i32
    %mul3A_786 = arith.muli %arg0, %mul3A_785 : i32
    %add3A_787 = arith.addi %mul3A_786, %mul3A_770 : i32
    "tpu.region"() ({
      %run_scoped3A = tpu.sem_alloc : memref<!tpu.dma_semaphore, #tpu.memory_space<semaphore_mem>>
      %dma_start3A = arith.constant 0 : i32
      %dma_start3A_788 = tpu.memref_slice %arg5[%add3A_787, %dma_start3A] : memref<20480x128xf32, #tpu.memory_space<hbm>> -> memref<640x128xf32, #tpu.memory_space<hbm>>
      %dma_start3A_789 = arith.constant 0 : i32
      %dma_start3A_790 = tpu.memref_slice %arg10[%mul3A_770, %dma_start3A_789] : memref<10240x128xf32, #tpu.memory_space<vmem_shared>> -> memref<640x128xf32, #tpu.memory_space<vmem_shared>>
      tpu.enqueue_dma source(%dma_start3A_790 : memref<640x128xf32, #tpu.memory_space<vmem_shared>>) target(%dma_start3A_788 : memref<640x128xf32, #tpu.memory_space<hbm>>) target_semaphore(%run_scoped3A : memref<!tpu.dma_semaphore, #tpu.memory_space<semaphore_mem>>)
      %dma_wait3A = arith.constant 0 : i32
      %dma_wait3A_791 = tpu.memref_slice %arg5[%add3A_787, %dma_wait3A] : memref<20480x128xf32, #tpu.memory_space<hbm>> -> memref<640x128xf32, #tpu.memory_space<hbm>>
      %dma_wait3A_792 = arith.constant 0 : i32
      %dma_wait3A_793 = tpu.memref_slice %arg10[%mul3A_770, %dma_wait3A_792] : memref<10240x128xf32, #tpu.memory_space<vmem_shared>> -> memref<640x128xf32, #tpu.memory_space<vmem_shared>>
      tpu.wait_dma2 semaphore(%run_scoped3A : memref<!tpu.dma_semaphore, #tpu.memory_space<semaphore_mem>>) src(%dma_wait3A_793 : memref<640x128xf32, #tpu.memory_space<vmem_shared>>) dst(%dma_wait3A_791 : memref<640x128xf32, #tpu.memory_space<hbm>>)
      tpu.yield
    }) : () -> ()
    return
  }
}

#map = affine_map<(d0, d1) -> (0, 0)>
module attributes {stable_mosaic.version = 14 : i64} {
  func.func @_segsum_body(%arg0: i32, %arg1: i32, %arg2: memref<10000x128xf32, #tpu.memory_space<hbm>>, %arg3: memref<2560x128xi32, #tpu.memory_space<hbm>>, %arg4: memref<2560x128xi32, #tpu.memory_space<hbm>>, %arg5: memref<20480x128xf32, #tpu.memory_space<hbm>>, %arg6: memref<80x128xi32, #tpu.memory_space<vmem>>, %arg7: memref<80x128xi32, #tpu.memory_space<vmem>>, %arg8: memref<128x128xf32, #tpu.memory_space<vmem>>, %arg9: memref<16x128xf32, #tpu.memory_space<vmem>>, %arg10: memref<10240x128xf32, #tpu.memory_space<vmem_shared>>, %arg11: memref<!tpu.dma_semaphore, #tpu.memory_space<semaphore_mem>>) attributes {dimension_semantics = [#tpu.dimension_semantics<core_parallel>, #tpu.dimension_semantics<subcore_parallel>], iteration_bounds = array<i64: 2, 16>, scalar_prefetch = 0 : i64, scratch_operands = 6 : i64, tpu.core_type = #tpu.core_type<sc_vector_subcore>, window_params = [{transform_indices = #map}, {transform_indices = #map}, {transform_indices = #map}, {transform_indices = #map}]} {
    %mul3A = arith.constant 2 : i32
    %mul3A_0 = arith.muli %arg1, %mul3A : i32
    %add3A = arith.addi %mul3A_0, %arg0 : i32
    %broadcast_in_dim3A = arith.constant 0.000000e+00 : f32
    %broadcast_in_dim3A_1 = vector.broadcast %broadcast_in_dim3A : f32 to vector<16xf32>
    %swap3A = arith.constant 0 : i32
    %swap3A_2 = arith.index_cast %swap3A : i32 to index
    %swap3A_3 = arith.constant 0 : index
    %swap3A_4 = tpu.vector_load %arg9[%swap3A_2, %swap3A_3] {strides = array<i32>} : memref<16x128xf32, #tpu.memory_space<vmem>>, vector<1x16xf32>,
    %swap3A_5 = vector.shape_cast %swap3A_4 : vector<1x16xf32> to vector<16xf32>
    %swap3A_6 = vector.shape_cast %broadcast_in_dim3A_1 : vector<16xf32> to vector<1x16xf32>
    tpu.vector_store %arg9[%swap3A_2, %swap3A_3], %swap3A_6 {strides = array<i32>} : memref<16x128xf32, #tpu.memory_space<vmem>>, vector<1x16xf32>,
    %swap3A_7 = arith.constant 0 : i32
    %swap3A_8 = arith.index_cast %swap3A_7 : i32 to index
    %swap3A_9 = arith.constant 16 : index
    %swap3A_10 = tpu.vector_load %arg9[%swap3A_8, %swap3A_9] {strides = array<i32>} : memref<16x128xf32, #tpu.memory_space<vmem>>, vector<1x16xf32>,
    %swap3A_11 = vector.shape_cast %swap3A_10 : vector<1x16xf32> to vector<16xf32>
    %swap3A_12 = vector.shape_cast %broadcast_in_dim3A_1 : vector<16xf32> to vector<1x16xf32>
    tpu.vector_store %arg9[%swap3A_8, %swap3A_9], %swap3A_12 {strides = array<i32>} : memref<16x128xf32, #tpu.memory_space<vmem>>, vector<1x16xf32>,
    %swap3A_13 = arith.constant 0 : i32
    %swap3A_14 = arith.index_cast %swap3A_13 : i32 to index
    %swap3A_15 = arith.constant 32 : index
    %swap3A_16 = tpu.vector_load %arg9[%swap3A_14, %swap3A_15] {strides = array<i32>} : memref<16x128xf32, #tpu.memory_space<vmem>>, vector<1x16xf32>,
    %swap3A_17 = vector.shape_cast %swap3A_16 : vector<1x16xf32> to vector<16xf32>
    %swap3A_18 = vector.shape_cast %broadcast_in_dim3A_1 : vector<16xf32> to vector<1x16xf32>
    tpu.vector_store %arg9[%swap3A_14, %swap3A_15], %swap3A_18 {strides = array<i32>} : memref<16x128xf32, #tpu.memory_space<vmem>>, vector<1x16xf32>,
    %swap3A_19 = arith.constant 0 : i32
    %swap3A_20 = arith.index_cast %swap3A_19 : i32 to index
    %swap3A_21 = arith.constant 48 : index
    %swap3A_22 = tpu.vector_load %arg9[%swap3A_20, %swap3A_21] {strides = array<i32>} : memref<16x128xf32, #tpu.memory_space<vmem>>, vector<1x16xf32>,
    %swap3A_23 = vector.shape_cast %swap3A_22 : vector<1x16xf32> to vector<16xf32>
    %swap3A_24 = vector.shape_cast %broadcast_in_dim3A_1 : vector<16xf32> to vector<1x16xf32>
    tpu.vector_store %arg9[%swap3A_20, %swap3A_21], %swap3A_24 {strides = array<i32>} : memref<16x128xf32, #tpu.memory_space<vmem>>, vector<1x16xf32>,
    %swap3A_25 = arith.constant 0 : i32
    %swap3A_26 = arith.index_cast %swap3A_25 : i32 to index
    %swap3A_27 = arith.constant 64 : index
    %swap3A_28 = tpu.vector_load %arg9[%swap3A_26, %swap3A_27] {strides = array<i32>} : memref<16x128xf32, #tpu.memory_space<vmem>>, vector<1x16xf32>,
    %swap3A_29 = vector.shape_cast %swap3A_28 : vector<1x16xf32> to vector<16xf32>
    %swap3A_30 = vector.shape_cast %broadcast_in_dim3A_1 : vector<16xf32> to vector<1x16xf32>
    tpu.vector_store %arg9[%swap3A_26, %swap3A_27], %swap3A_30 {strides = array<i32>} : memref<16x128xf32, #tpu.memory_space<vmem>>, vector<1x16xf32>,
    %swap3A_31 = arith.constant 0 : i32
    %swap3A_32 = arith.index_cast %swap3A_31 : i32 to index
    %swap3A_33 = arith.constant 80 : index
    %swap3A_34 = tpu.vector_load %arg9[%swap3A_32, %swap3A_33] {strides = array<i32>} : memref<16x128xf32, #tpu.memory_space<vmem>>, vector<1x16xf32>,
    %swap3A_35 = vector.shape_cast %swap3A_34 : vector<1x16xf32> to vector<16xf32>
    %swap3A_36 = vector.shape_cast %broadcast_in_dim3A_1 : vector<16xf32> to vector<1x16xf32>
    tpu.vector_store %arg9[%swap3A_32, %swap3A_33], %swap3A_36 {strides = array<i32>} : memref<16x128xf32, #tpu.memory_space<vmem>>, vector<1x16xf32>,
    %swap3A_37 = arith.constant 0 : i32
    %swap3A_38 = arith.index_cast %swap3A_37 : i32 to index
    %swap3A_39 = arith.constant 96 : index
    %swap3A_40 = tpu.vector_load %arg9[%swap3A_38, %swap3A_39] {strides = array<i32>} : memref<16x128xf32, #tpu.memory_space<vmem>>, vector<1x16xf32>,
    %swap3A_41 = vector.shape_cast %swap3A_40 : vector<1x16xf32> to vector<16xf32>
    %swap3A_42 = vector.shape_cast %broadcast_in_dim3A_1 : vector<16xf32> to vector<1x16xf32>
    tpu.vector_store %arg9[%swap3A_38, %swap3A_39], %swap3A_42 {strides = array<i32>} : memref<16x128xf32, #tpu.memory_space<vmem>>, vector<1x16xf32>,
    %swap3A_43 = arith.constant 0 : i32
    %swap3A_44 = arith.index_cast %swap3A_43 : i32 to index
    %swap3A_45 = arith.constant 112 : index
    %swap3A_46 = tpu.vector_load %arg9[%swap3A_44, %swap3A_45] {strides = array<i32>} : memref<16x128xf32, #tpu.memory_space<vmem>>, vector<1x16xf32>,
    %swap3A_47 = vector.shape_cast %swap3A_46 : vector<1x16xf32> to vector<16xf32>
    %swap3A_48 = vector.shape_cast %broadcast_in_dim3A_1 : vector<16xf32> to vector<1x16xf32>
    tpu.vector_store %arg9[%swap3A_44, %swap3A_45], %swap3A_48 {strides = array<i32>} : memref<16x128xf32, #tpu.memory_space<vmem>>, vector<1x16xf32>,
    %swap3A_49 = arith.constant 1 : i32
    %swap3A_50 = arith.index_cast %swap3A_49 : i32 to index
    %swap3A_51 = arith.constant 0 : index
    %swap3A_52 = tpu.vector_load %arg9[%swap3A_50, %swap3A_51] {strides = array<i32>} : memref<16x128xf32, #tpu.memory_space<vmem>>, vector<1x16xf32>,
    %swap3A_53 = vector.shape_cast %swap3A_52 : vector<1x16xf32> to vector<16xf32>
    %swap3A_54 = vector.shape_cast %broadcast_in_dim3A_1 : vector<16xf32> to vector<1x16xf32>
    tpu.vector_store %arg9[%swap3A_50, %swap3A_51], %swap3A_54 {strides = array<i32>} : memref<16x128xf32, #tpu.memory_space<vmem>>, vector<1x16xf32>,
    %swap3A_55 = arith.constant 1 : i32
    %swap3A_56 = arith.index_cast %swap3A_55 : i32 to index
    %swap3A_57 = arith.constant 16 : index
    %swap3A_58 = tpu.vector_load %arg9[%swap3A_56, %swap3A_57] {strides = array<i32>} : memref<16x128xf32, #tpu.memory_space<vmem>>, vector<1x16xf32>,
    %swap3A_59 = vector.shape_cast %swap3A_58 : vector<1x16xf32> to vector<16xf32>
    %swap3A_60 = vector.shape_cast %broadcast_in_dim3A_1 : vector<16xf32> to vector<1x16xf32>
    tpu.vector_store %arg9[%swap3A_56, %swap3A_57], %swap3A_60 {strides = array<i32>} : memref<16x128xf32, #tpu.memory_space<vmem>>, vector<1x16xf32>,
    %swap3A_61 = arith.constant 1 : i32
    %swap3A_62 = arith.index_cast %swap3A_61 : i32 to index
    %swap3A_63 = arith.constant 32 : index
    %swap3A_64 = tpu.vector_load %arg9[%swap3A_62, %swap3A_63] {strides = array<i32>} : memref<16x128xf32, #tpu.memory_space<vmem>>, vector<1x16xf32>,
    %swap3A_65 = vector.shape_cast %swap3A_64 : vector<1x16xf32> to vector<16xf32>
    %swap3A_66 = vector.shape_cast %broadcast_in_dim3A_1 : vector<16xf32> to vector<1x16xf32>
    tpu.vector_store %arg9[%swap3A_62, %swap3A_63], %swap3A_66 {strides = array<i32>} : memref<16x128xf32, #tpu.memory_space<vmem>>, vector<1x16xf32>,
    %swap3A_67 = arith.constant 1 : i32
    %swap3A_68 = arith.index_cast %swap3A_67 : i32 to index
    %swap3A_69 = arith.constant 48 : index
    %swap3A_70 = tpu.vector_load %arg9[%swap3A_68, %swap3A_69] {strides = array<i32>} : memref<16x128xf32, #tpu.memory_space<vmem>>, vector<1x16xf32>,
    %swap3A_71 = vector.shape_cast %swap3A_70 : vector<1x16xf32> to vector<16xf32>
    %swap3A_72 = vector.shape_cast %broadcast_in_dim3A_1 : vector<16xf32> to vector<1x16xf32>
    tpu.vector_store %arg9[%swap3A_68, %swap3A_69], %swap3A_72 {strides = array<i32>} : memref<16x128xf32, #tpu.memory_space<vmem>>, vector<1x16xf32>,
    %swap3A_73 = arith.constant 1 : i32
    %swap3A_74 = arith.index_cast %swap3A_73 : i32 to index
    %swap3A_75 = arith.constant 64 : index
    %swap3A_76 = tpu.vector_load %arg9[%swap3A_74, %swap3A_75] {strides = array<i32>} : memref<16x128xf32, #tpu.memory_space<vmem>>, vector<1x16xf32>,
    %swap3A_77 = vector.shape_cast %swap3A_76 : vector<1x16xf32> to vector<16xf32>
    %swap3A_78 = vector.shape_cast %broadcast_in_dim3A_1 : vector<16xf32> to vector<1x16xf32>
    tpu.vector_store %arg9[%swap3A_74, %swap3A_75], %swap3A_78 {strides = array<i32>} : memref<16x128xf32, #tpu.memory_space<vmem>>, vector<1x16xf32>,
    %swap3A_79 = arith.constant 1 : i32
    %swap3A_80 = arith.index_cast %swap3A_79 : i32 to index
    %swap3A_81 = arith.constant 80 : index
    %swap3A_82 = tpu.vector_load %arg9[%swap3A_80, %swap3A_81] {strides = array<i32>} : memref<16x128xf32, #tpu.memory_space<vmem>>, vector<1x16xf32>,
    %swap3A_83 = vector.shape_cast %swap3A_82 : vector<1x16xf32> to vector<16xf32>
    %swap3A_84 = vector.shape_cast %broadcast_in_dim3A_1 : vector<16xf32> to vector<1x16xf32>
    tpu.vector_store %arg9[%swap3A_80, %swap3A_81], %swap3A_84 {strides = array<i32>} : memref<16x128xf32, #tpu.memory_space<vmem>>, vector<1x16xf32>,
    %swap3A_85 = arith.constant 1 : i32
    %swap3A_86 = arith.index_cast %swap3A_85 : i32 to index
    %swap3A_87 = arith.constant 96 : index
    %swap3A_88 = tpu.vector_load %arg9[%swap3A_86, %swap3A_87] {strides = array<i32>} : memref<16x128xf32, #tpu.memory_space<vmem>>, vector<1x16xf32>,
    %swap3A_89 = vector.shape_cast %swap3A_88 : vector<1x16xf32> to vector<16xf32>
    %swap3A_90 = vector.shape_cast %broadcast_in_dim3A_1 : vector<16xf32> to vector<1x16xf32>
    tpu.vector_store %arg9[%swap3A_86, %swap3A_87], %swap3A_90 {strides = array<i32>} : memref<16x128xf32, #tpu.memory_space<vmem>>, vector<1x16xf32>,
    %swap3A_91 = arith.constant 1 : i32
    %swap3A_92 = arith.index_cast %swap3A_91 : i32 to index
    %swap3A_93 = arith.constant 112 : index
    %swap3A_94 = tpu.vector_load %arg9[%swap3A_92, %swap3A_93] {strides = array<i32>} : memref<16x128xf32, #tpu.memory_space<vmem>>, vector<1x16xf32>,
    %swap3A_95 = vector.shape_cast %swap3A_94 : vector<1x16xf32> to vector<16xf32>
    %swap3A_96 = vector.shape_cast %broadcast_in_dim3A_1 : vector<16xf32> to vector<1x16xf32>
    tpu.vector_store %arg9[%swap3A_92, %swap3A_93], %swap3A_96 {strides = array<i32>} : memref<16x128xf32, #tpu.memory_space<vmem>>, vector<1x16xf32>,
    %swap3A_97 = arith.constant 2 : i32
    %swap3A_98 = arith.index_cast %swap3A_97 : i32 to index
    %swap3A_99 = arith.constant 0 : index
    %swap3A_100 = tpu.vector_load %arg9[%swap3A_98, %swap3A_99] {strides = array<i32>} : memref<16x128xf32, #tpu.memory_space<vmem>>, vector<1x16xf32>,
    %swap3A_101 = vector.shape_cast %swap3A_100 : vector<1x16xf32> to vector<16xf32>
    %swap3A_102 = vector.shape_cast %broadcast_in_dim3A_1 : vector<16xf32> to vector<1x16xf32>
    tpu.vector_store %arg9[%swap3A_98, %swap3A_99], %swap3A_102 {strides = array<i32>} : memref<16x128xf32, #tpu.memory_space<vmem>>, vector<1x16xf32>,
    %swap3A_103 = arith.constant 2 : i32
    %swap3A_104 = arith.index_cast %swap3A_103 : i32 to index
    %swap3A_105 = arith.constant 16 : index
    %swap3A_106 = tpu.vector_load %arg9[%swap3A_104, %swap3A_105] {strides = array<i32>} : memref<16x128xf32, #tpu.memory_space<vmem>>, vector<1x16xf32>,
    %swap3A_107 = vector.shape_cast %swap3A_106 : vector<1x16xf32> to vector<16xf32>
    %swap3A_108 = vector.shape_cast %broadcast_in_dim3A_1 : vector<16xf32> to vector<1x16xf32>
    tpu.vector_store %arg9[%swap3A_104, %swap3A_105], %swap3A_108 {strides = array<i32>} : memref<16x128xf32, #tpu.memory_space<vmem>>, vector<1x16xf32>,
    %swap3A_109 = arith.constant 2 : i32
    %swap3A_110 = arith.index_cast %swap3A_109 : i32 to index
    %swap3A_111 = arith.constant 32 : index
    %swap3A_112 = tpu.vector_load %arg9[%swap3A_110, %swap3A_111] {strides = array<i32>} : memref<16x128xf32, #tpu.memory_space<vmem>>, vector<1x16xf32>,
    %swap3A_113 = vector.shape_cast %swap3A_112 : vector<1x16xf32> to vector<16xf32>
    %swap3A_114 = vector.shape_cast %broadcast_in_dim3A_1 : vector<16xf32> to vector<1x16xf32>
    tpu.vector_store %arg9[%swap3A_110, %swap3A_111], %swap3A_114 {strides = array<i32>} : memref<16x128xf32, #tpu.memory_space<vmem>>, vector<1x16xf32>,
    %swap3A_115 = arith.constant 2 : i32
    %swap3A_116 = arith.index_cast %swap3A_115 : i32 to index
    %swap3A_117 = arith.constant 48 : index
    %swap3A_118 = tpu.vector_load %arg9[%swap3A_116, %swap3A_117] {strides = array<i32>} : memref<16x128xf32, #tpu.memory_space<vmem>>, vector<1x16xf32>,
    %swap3A_119 = vector.shape_cast %swap3A_118 : vector<1x16xf32> to vector<16xf32>
    %swap3A_120 = vector.shape_cast %broadcast_in_dim3A_1 : vector<16xf32> to vector<1x16xf32>
    tpu.vector_store %arg9[%swap3A_116, %swap3A_117], %swap3A_120 {strides = array<i32>} : memref<16x128xf32, #tpu.memory_space<vmem>>, vector<1x16xf32>,
    %swap3A_121 = arith.constant 2 : i32
    %swap3A_122 = arith.index_cast %swap3A_121 : i32 to index
    %swap3A_123 = arith.constant 64 : index
    %swap3A_124 = tpu.vector_load %arg9[%swap3A_122, %swap3A_123] {strides = array<i32>} : memref<16x128xf32, #tpu.memory_space<vmem>>, vector<1x16xf32>,
    %swap3A_125 = vector.shape_cast %swap3A_124 : vector<1x16xf32> to vector<16xf32>
    %swap3A_126 = vector.shape_cast %broadcast_in_dim3A_1 : vector<16xf32> to vector<1x16xf32>
    tpu.vector_store %arg9[%swap3A_122, %swap3A_123], %swap3A_126 {strides = array<i32>} : memref<16x128xf32, #tpu.memory_space<vmem>>, vector<1x16xf32>,
    %swap3A_127 = arith.constant 2 : i32
    %swap3A_128 = arith.index_cast %swap3A_127 : i32 to index
    %swap3A_129 = arith.constant 80 : index
    %swap3A_130 = tpu.vector_load %arg9[%swap3A_128, %swap3A_129] {strides = array<i32>} : memref<16x128xf32, #tpu.memory_space<vmem>>, vector<1x16xf32>,
    %swap3A_131 = vector.shape_cast %swap3A_130 : vector<1x16xf32> to vector<16xf32>
    %swap3A_132 = vector.shape_cast %broadcast_in_dim3A_1 : vector<16xf32> to vector<1x16xf32>
    tpu.vector_store %arg9[%swap3A_128, %swap3A_129], %swap3A_132 {strides = array<i32>} : memref<16x128xf32, #tpu.memory_space<vmem>>, vector<1x16xf32>,
    %swap3A_133 = arith.constant 2 : i32
    %swap3A_134 = arith.index_cast %swap3A_133 : i32 to index
    %swap3A_135 = arith.constant 96 : index
    %swap3A_136 = tpu.vector_load %arg9[%swap3A_134, %swap3A_135] {strides = array<i32>} : memref<16x128xf32, #tpu.memory_space<vmem>>, vector<1x16xf32>,
    %swap3A_137 = vector.shape_cast %swap3A_136 : vector<1x16xf32> to vector<16xf32>
    %swap3A_138 = vector.shape_cast %broadcast_in_dim3A_1 : vector<16xf32> to vector<1x16xf32>
    tpu.vector_store %arg9[%swap3A_134, %swap3A_135], %swap3A_138 {strides = array<i32>} : memref<16x128xf32, #tpu.memory_space<vmem>>, vector<1x16xf32>,
    %swap3A_139 = arith.constant 2 : i32
    %swap3A_140 = arith.index_cast %swap3A_139 : i32 to index
    %swap3A_141 = arith.constant 112 : index
    %swap3A_142 = tpu.vector_load %arg9[%swap3A_140, %swap3A_141] {strides = array<i32>} : memref<16x128xf32, #tpu.memory_space<vmem>>, vector<1x16xf32>,
    %swap3A_143 = vector.shape_cast %swap3A_142 : vector<1x16xf32> to vector<16xf32>
    %swap3A_144 = vector.shape_cast %broadcast_in_dim3A_1 : vector<16xf32> to vector<1x16xf32>
    tpu.vector_store %arg9[%swap3A_140, %swap3A_141], %swap3A_144 {strides = array<i32>} : memref<16x128xf32, #tpu.memory_space<vmem>>, vector<1x16xf32>,
    %swap3A_145 = arith.constant 3 : i32
    %swap3A_146 = arith.index_cast %swap3A_145 : i32 to index
    %swap3A_147 = arith.constant 0 : index
    %swap3A_148 = tpu.vector_load %arg9[%swap3A_146, %swap3A_147] {strides = array<i32>} : memref<16x128xf32, #tpu.memory_space<vmem>>, vector<1x16xf32>,
    %swap3A_149 = vector.shape_cast %swap3A_148 : vector<1x16xf32> to vector<16xf32>
    %swap3A_150 = vector.shape_cast %broadcast_in_dim3A_1 : vector<16xf32> to vector<1x16xf32>
    tpu.vector_store %arg9[%swap3A_146, %swap3A_147], %swap3A_150 {strides = array<i32>} : memref<16x128xf32, #tpu.memory_space<vmem>>, vector<1x16xf32>,
    %swap3A_151 = arith.constant 3 : i32
    %swap3A_152 = arith.index_cast %swap3A_151 : i32 to index
    %swap3A_153 = arith.constant 16 : index
    %swap3A_154 = tpu.vector_load %arg9[%swap3A_152, %swap3A_153] {strides = array<i32>} : memref<16x128xf32, #tpu.memory_space<vmem>>, vector<1x16xf32>,
    %swap3A_155 = vector.shape_cast %swap3A_154 : vector<1x16xf32> to vector<16xf32>
    %swap3A_156 = vector.shape_cast %broadcast_in_dim3A_1 : vector<16xf32> to vector<1x16xf32>
    tpu.vector_store %arg9[%swap3A_152, %swap3A_153], %swap3A_156 {strides = array<i32>} : memref<16x128xf32, #tpu.memory_space<vmem>>, vector<1x16xf32>,
    %swap3A_157 = arith.constant 3 : i32
    %swap3A_158 = arith.index_cast %swap3A_157 : i32 to index
    %swap3A_159 = arith.constant 32 : index
    %swap3A_160 = tpu.vector_load %arg9[%swap3A_158, %swap3A_159] {strides = array<i32>} : memref<16x128xf32, #tpu.memory_space<vmem>>, vector<1x16xf32>,
    %swap3A_161 = vector.shape_cast %swap3A_160 : vector<1x16xf32> to vector<16xf32>
    %swap3A_162 = vector.shape_cast %broadcast_in_dim3A_1 : vector<16xf32> to vector<1x16xf32>
    tpu.vector_store %arg9[%swap3A_158, %swap3A_159], %swap3A_162 {strides = array<i32>} : memref<16x128xf32, #tpu.memory_space<vmem>>, vector<1x16xf32>,
    %swap3A_163 = arith.constant 3 : i32
    %swap3A_164 = arith.index_cast %swap3A_163 : i32 to index
    %swap3A_165 = arith.constant 48 : index
    %swap3A_166 = tpu.vector_load %arg9[%swap3A_164, %swap3A_165] {strides = array<i32>} : memref<16x128xf32, #tpu.memory_space<vmem>>, vector<1x16xf32>,
    %swap3A_167 = vector.shape_cast %swap3A_166 : vector<1x16xf32> to vector<16xf32>
    %swap3A_168 = vector.shape_cast %broadcast_in_dim3A_1 : vector<16xf32> to vector<1x16xf32>
    tpu.vector_store %arg9[%swap3A_164, %swap3A_165], %swap3A_168 {strides = array<i32>} : memref<16x128xf32, #tpu.memory_space<vmem>>, vector<1x16xf32>,
    %swap3A_169 = arith.constant 3 : i32
    %swap3A_170 = arith.index_cast %swap3A_169 : i32 to index
    %swap3A_171 = arith.constant 64 : index
    %swap3A_172 = tpu.vector_load %arg9[%swap3A_170, %swap3A_171] {strides = array<i32>} : memref<16x128xf32, #tpu.memory_space<vmem>>, vector<1x16xf32>,
    %swap3A_173 = vector.shape_cast %swap3A_172 : vector<1x16xf32> to vector<16xf32>
    %swap3A_174 = vector.shape_cast %broadcast_in_dim3A_1 : vector<16xf32> to vector<1x16xf32>
    tpu.vector_store %arg9[%swap3A_170, %swap3A_171], %swap3A_174 {strides = array<i32>} : memref<16x128xf32, #tpu.memory_space<vmem>>, vector<1x16xf32>,
    %swap3A_175 = arith.constant 3 : i32
    %swap3A_176 = arith.index_cast %swap3A_175 : i32 to index
    %swap3A_177 = arith.constant 80 : index
    %swap3A_178 = tpu.vector_load %arg9[%swap3A_176, %swap3A_177] {strides = array<i32>} : memref<16x128xf32, #tpu.memory_space<vmem>>, vector<1x16xf32>,
    %swap3A_179 = vector.shape_cast %swap3A_178 : vector<1x16xf32> to vector<16xf32>
    %swap3A_180 = vector.shape_cast %broadcast_in_dim3A_1 : vector<16xf32> to vector<1x16xf32>
    tpu.vector_store %arg9[%swap3A_176, %swap3A_177], %swap3A_180 {strides = array<i32>} : memref<16x128xf32, #tpu.memory_space<vmem>>, vector<1x16xf32>,
    %swap3A_181 = arith.constant 3 : i32
    %swap3A_182 = arith.index_cast %swap3A_181 : i32 to index
    %swap3A_183 = arith.constant 96 : index
    %swap3A_184 = tpu.vector_load %arg9[%swap3A_182, %swap3A_183] {strides = array<i32>} : memref<16x128xf32, #tpu.memory_space<vmem>>, vector<1x16xf32>,
    %swap3A_185 = vector.shape_cast %swap3A_184 : vector<1x16xf32> to vector<16xf32>
    %swap3A_186 = vector.shape_cast %broadcast_in_dim3A_1 : vector<16xf32> to vector<1x16xf32>
    tpu.vector_store %arg9[%swap3A_182, %swap3A_183], %swap3A_186 {strides = array<i32>} : memref<16x128xf32, #tpu.memory_space<vmem>>, vector<1x16xf32>,
    %swap3A_187 = arith.constant 3 : i32
    %swap3A_188 = arith.index_cast %swap3A_187 : i32 to index
    %swap3A_189 = arith.constant 112 : index
    %swap3A_190 = tpu.vector_load %arg9[%swap3A_188, %swap3A_189] {strides = array<i32>} : memref<16x128xf32, #tpu.memory_space<vmem>>, vector<1x16xf32>,
    %swap3A_191 = vector.shape_cast %swap3A_190 : vector<1x16xf32> to vector<16xf32>
    %swap3A_192 = vector.shape_cast %broadcast_in_dim3A_1 : vector<16xf32> to vector<1x16xf32>
    tpu.vector_store %arg9[%swap3A_188, %swap3A_189], %swap3A_192 {strides = array<i32>} : memref<16x128xf32, #tpu.memory_space<vmem>>, vector<1x16xf32>,
    %swap3A_193 = arith.constant 4 : i32
    %swap3A_194 = arith.index_cast %swap3A_193 : i32 to index
    %swap3A_195 = arith.constant 0 : index
    %swap3A_196 = tpu.vector_load %arg9[%swap3A_194, %swap3A_195] {strides = array<i32>} : memref<16x128xf32, #tpu.memory_space<vmem>>, vector<1x16xf32>,
    %swap3A_197 = vector.shape_cast %swap3A_196 : vector<1x16xf32> to vector<16xf32>
    %swap3A_198 = vector.shape_cast %broadcast_in_dim3A_1 : vector<16xf32> to vector<1x16xf32>
    tpu.vector_store %arg9[%swap3A_194, %swap3A_195], %swap3A_198 {strides = array<i32>} : memref<16x128xf32, #tpu.memory_space<vmem>>, vector<1x16xf32>,
    %swap3A_199 = arith.constant 4 : i32
    %swap3A_200 = arith.index_cast %swap3A_199 : i32 to index
    %swap3A_201 = arith.constant 16 : index
    %swap3A_202 = tpu.vector_load %arg9[%swap3A_200, %swap3A_201] {strides = array<i32>} : memref<16x128xf32, #tpu.memory_space<vmem>>, vector<1x16xf32>,
    %swap3A_203 = vector.shape_cast %swap3A_202 : vector<1x16xf32> to vector<16xf32>
    %swap3A_204 = vector.shape_cast %broadcast_in_dim3A_1 : vector<16xf32> to vector<1x16xf32>
    tpu.vector_store %arg9[%swap3A_200, %swap3A_201], %swap3A_204 {strides = array<i32>} : memref<16x128xf32, #tpu.memory_space<vmem>>, vector<1x16xf32>,
    %swap3A_205 = arith.constant 4 : i32
    %swap3A_206 = arith.index_cast %swap3A_205 : i32 to index
    %swap3A_207 = arith.constant 32 : index
    %swap3A_208 = tpu.vector_load %arg9[%swap3A_206, %swap3A_207] {strides = array<i32>} : memref<16x128xf32, #tpu.memory_space<vmem>>, vector<1x16xf32>,
    %swap3A_209 = vector.shape_cast %swap3A_208 : vector<1x16xf32> to vector<16xf32>
    %swap3A_210 = vector.shape_cast %broadcast_in_dim3A_1 : vector<16xf32> to vector<1x16xf32>
    tpu.vector_store %arg9[%swap3A_206, %swap3A_207], %swap3A_210 {strides = array<i32>} : memref<16x128xf32, #tpu.memory_space<vmem>>, vector<1x16xf32>,
    %swap3A_211 = arith.constant 4 : i32
    %swap3A_212 = arith.index_cast %swap3A_211 : i32 to index
    %swap3A_213 = arith.constant 48 : index
    %swap3A_214 = tpu.vector_load %arg9[%swap3A_212, %swap3A_213] {strides = array<i32>} : memref<16x128xf32, #tpu.memory_space<vmem>>, vector<1x16xf32>,
    %swap3A_215 = vector.shape_cast %swap3A_214 : vector<1x16xf32> to vector<16xf32>
    %swap3A_216 = vector.shape_cast %broadcast_in_dim3A_1 : vector<16xf32> to vector<1x16xf32>
    tpu.vector_store %arg9[%swap3A_212, %swap3A_213], %swap3A_216 {strides = array<i32>} : memref<16x128xf32, #tpu.memory_space<vmem>>, vector<1x16xf32>,
    %swap3A_217 = arith.constant 4 : i32
    %swap3A_218 = arith.index_cast %swap3A_217 : i32 to index
    %swap3A_219 = arith.constant 64 : index
    %swap3A_220 = tpu.vector_load %arg9[%swap3A_218, %swap3A_219] {strides = array<i32>} : memref<16x128xf32, #tpu.memory_space<vmem>>, vector<1x16xf32>,
    %swap3A_221 = vector.shape_cast %swap3A_220 : vector<1x16xf32> to vector<16xf32>
    %swap3A_222 = vector.shape_cast %broadcast_in_dim3A_1 : vector<16xf32> to vector<1x16xf32>
    tpu.vector_store %arg9[%swap3A_218, %swap3A_219], %swap3A_222 {strides = array<i32>} : memref<16x128xf32, #tpu.memory_space<vmem>>, vector<1x16xf32>,
    %swap3A_223 = arith.constant 4 : i32
    %swap3A_224 = arith.index_cast %swap3A_223 : i32 to index
    %swap3A_225 = arith.constant 80 : index
    %swap3A_226 = tpu.vector_load %arg9[%swap3A_224, %swap3A_225] {strides = array<i32>} : memref<16x128xf32, #tpu.memory_space<vmem>>, vector<1x16xf32>,
    %swap3A_227 = vector.shape_cast %swap3A_226 : vector<1x16xf32> to vector<16xf32>
    %swap3A_228 = vector.shape_cast %broadcast_in_dim3A_1 : vector<16xf32> to vector<1x16xf32>
    tpu.vector_store %arg9[%swap3A_224, %swap3A_225], %swap3A_228 {strides = array<i32>} : memref<16x128xf32, #tpu.memory_space<vmem>>, vector<1x16xf32>,
    %swap3A_229 = arith.constant 4 : i32
    %swap3A_230 = arith.index_cast %swap3A_229 : i32 to index
    %swap3A_231 = arith.constant 96 : index
    %swap3A_232 = tpu.vector_load %arg9[%swap3A_230, %swap3A_231] {strides = array<i32>} : memref<16x128xf32, #tpu.memory_space<vmem>>, vector<1x16xf32>,
    %swap3A_233 = vector.shape_cast %swap3A_232 : vector<1x16xf32> to vector<16xf32>
    %swap3A_234 = vector.shape_cast %broadcast_in_dim3A_1 : vector<16xf32> to vector<1x16xf32>
    tpu.vector_store %arg9[%swap3A_230, %swap3A_231], %swap3A_234 {strides = array<i32>} : memref<16x128xf32, #tpu.memory_space<vmem>>, vector<1x16xf32>,
    %swap3A_235 = arith.constant 4 : i32
    %swap3A_236 = arith.index_cast %swap3A_235 : i32 to index
    %swap3A_237 = arith.constant 112 : index
    %swap3A_238 = tpu.vector_load %arg9[%swap3A_236, %swap3A_237] {strides = array<i32>} : memref<16x128xf32, #tpu.memory_space<vmem>>, vector<1x16xf32>,
    %swap3A_239 = vector.shape_cast %swap3A_238 : vector<1x16xf32> to vector<16xf32>
    %swap3A_240 = vector.shape_cast %broadcast_in_dim3A_1 : vector<16xf32> to vector<1x16xf32>
    tpu.vector_store %arg9[%swap3A_236, %swap3A_237], %swap3A_240 {strides = array<i32>} : memref<16x128xf32, #tpu.memory_space<vmem>>, vector<1x16xf32>,
    %swap3A_241 = arith.constant 5 : i32
    %swap3A_242 = arith.index_cast %swap3A_241 : i32 to index
    %swap3A_243 = arith.constant 0 : index
    %swap3A_244 = tpu.vector_load %arg9[%swap3A_242, %swap3A_243] {strides = array<i32>} : memref<16x128xf32, #tpu.memory_space<vmem>>, vector<1x16xf32>,
    %swap3A_245 = vector.shape_cast %swap3A_244 : vector<1x16xf32> to vector<16xf32>
    %swap3A_246 = vector.shape_cast %broadcast_in_dim3A_1 : vector<16xf32> to vector<1x16xf32>
    tpu.vector_store %arg9[%swap3A_242, %swap3A_243], %swap3A_246 {strides = array<i32>} : memref<16x128xf32, #tpu.memory_space<vmem>>, vector<1x16xf32>,
    %swap3A_247 = arith.constant 5 : i32
    %swap3A_248 = arith.index_cast %swap3A_247 : i32 to index
    %swap3A_249 = arith.constant 16 : index
    %swap3A_250 = tpu.vector_load %arg9[%swap3A_248, %swap3A_249] {strides = array<i32>} : memref<16x128xf32, #tpu.memory_space<vmem>>, vector<1x16xf32>,
    %swap3A_251 = vector.shape_cast %swap3A_250 : vector<1x16xf32> to vector<16xf32>
    %swap3A_252 = vector.shape_cast %broadcast_in_dim3A_1 : vector<16xf32> to vector<1x16xf32>
    tpu.vector_store %arg9[%swap3A_248, %swap3A_249], %swap3A_252 {strides = array<i32>} : memref<16x128xf32, #tpu.memory_space<vmem>>, vector<1x16xf32>,
    %swap3A_253 = arith.constant 5 : i32
    %swap3A_254 = arith.index_cast %swap3A_253 : i32 to index
    %swap3A_255 = arith.constant 32 : index
    %swap3A_256 = tpu.vector_load %arg9[%swap3A_254, %swap3A_255] {strides = array<i32>} : memref<16x128xf32, #tpu.memory_space<vmem>>, vector<1x16xf32>,
    %swap3A_257 = vector.shape_cast %swap3A_256 : vector<1x16xf32> to vector<16xf32>
    %swap3A_258 = vector.shape_cast %broadcast_in_dim3A_1 : vector<16xf32> to vector<1x16xf32>
    tpu.vector_store %arg9[%swap3A_254, %swap3A_255], %swap3A_258 {strides = array<i32>} : memref<16x128xf32, #tpu.memory_space<vmem>>, vector<1x16xf32>,
    %swap3A_259 = arith.constant 5 : i32
    %swap3A_260 = arith.index_cast %swap3A_259 : i32 to index
    %swap3A_261 = arith.constant 48 : index
    %swap3A_262 = tpu.vector_load %arg9[%swap3A_260, %swap3A_261] {strides = array<i32>} : memref<16x128xf32, #tpu.memory_space<vmem>>, vector<1x16xf32>,
    %swap3A_263 = vector.shape_cast %swap3A_262 : vector<1x16xf32> to vector<16xf32>
    %swap3A_264 = vector.shape_cast %broadcast_in_dim3A_1 : vector<16xf32> to vector<1x16xf32>
    tpu.vector_store %arg9[%swap3A_260, %swap3A_261], %swap3A_264 {strides = array<i32>} : memref<16x128xf32, #tpu.memory_space<vmem>>, vector<1x16xf32>,
    %swap3A_265 = arith.constant 5 : i32
    %swap3A_266 = arith.index_cast %swap3A_265 : i32 to index
    %swap3A_267 = arith.constant 64 : index
    %swap3A_268 = tpu.vector_load %arg9[%swap3A_266, %swap3A_267] {strides = array<i32>} : memref<16x128xf32, #tpu.memory_space<vmem>>, vector<1x16xf32>,
    %swap3A_269 = vector.shape_cast %swap3A_268 : vector<1x16xf32> to vector<16xf32>
    %swap3A_270 = vector.shape_cast %broadcast_in_dim3A_1 : vector<16xf32> to vector<1x16xf32>
    tpu.vector_store %arg9[%swap3A_266, %swap3A_267], %swap3A_270 {strides = array<i32>} : memref<16x128xf32, #tpu.memory_space<vmem>>, vector<1x16xf32>,
    %swap3A_271 = arith.constant 5 : i32
    %swap3A_272 = arith.index_cast %swap3A_271 : i32 to index
    %swap3A_273 = arith.constant 80 : index
    %swap3A_274 = tpu.vector_load %arg9[%swap3A_272, %swap3A_273] {strides = array<i32>} : memref<16x128xf32, #tpu.memory_space<vmem>>, vector<1x16xf32>,
    %swap3A_275 = vector.shape_cast %swap3A_274 : vector<1x16xf32> to vector<16xf32>
    %swap3A_276 = vector.shape_cast %broadcast_in_dim3A_1 : vector<16xf32> to vector<1x16xf32>
    tpu.vector_store %arg9[%swap3A_272, %swap3A_273], %swap3A_276 {strides = array<i32>} : memref<16x128xf32, #tpu.memory_space<vmem>>, vector<1x16xf32>,
    %swap3A_277 = arith.constant 5 : i32
    %swap3A_278 = arith.index_cast %swap3A_277 : i32 to index
    %swap3A_279 = arith.constant 96 : index
    %swap3A_280 = tpu.vector_load %arg9[%swap3A_278, %swap3A_279] {strides = array<i32>} : memref<16x128xf32, #tpu.memory_space<vmem>>, vector<1x16xf32>,
    %swap3A_281 = vector.shape_cast %swap3A_280 : vector<1x16xf32> to vector<16xf32>
    %swap3A_282 = vector.shape_cast %broadcast_in_dim3A_1 : vector<16xf32> to vector<1x16xf32>
    tpu.vector_store %arg9[%swap3A_278, %swap3A_279], %swap3A_282 {strides = array<i32>} : memref<16x128xf32, #tpu.memory_space<vmem>>, vector<1x16xf32>,
    %swap3A_283 = arith.constant 5 : i32
    %swap3A_284 = arith.index_cast %swap3A_283 : i32 to index
    %swap3A_285 = arith.constant 112 : index
    %swap3A_286 = tpu.vector_load %arg9[%swap3A_284, %swap3A_285] {strides = array<i32>} : memref<16x128xf32, #tpu.memory_space<vmem>>, vector<1x16xf32>,
    %swap3A_287 = vector.shape_cast %swap3A_286 : vector<1x16xf32> to vector<16xf32>
    %swap3A_288 = vector.shape_cast %broadcast_in_dim3A_1 : vector<16xf32> to vector<1x16xf32>
    tpu.vector_store %arg9[%swap3A_284, %swap3A_285], %swap3A_288 {strides = array<i32>} : memref<16x128xf32, #tpu.memory_space<vmem>>, vector<1x16xf32>,
    %swap3A_289 = arith.constant 6 : i32
    %swap3A_290 = arith.index_cast %swap3A_289 : i32 to index
    %swap3A_291 = arith.constant 0 : index
    %swap3A_292 = tpu.vector_load %arg9[%swap3A_290, %swap3A_291] {strides = array<i32>} : memref<16x128xf32, #tpu.memory_space<vmem>>, vector<1x16xf32>,
    %swap3A_293 = vector.shape_cast %swap3A_292 : vector<1x16xf32> to vector<16xf32>
    %swap3A_294 = vector.shape_cast %broadcast_in_dim3A_1 : vector<16xf32> to vector<1x16xf32>
    tpu.vector_store %arg9[%swap3A_290, %swap3A_291], %swap3A_294 {strides = array<i32>} : memref<16x128xf32, #tpu.memory_space<vmem>>, vector<1x16xf32>,
    %swap3A_295 = arith.constant 6 : i32
    %swap3A_296 = arith.index_cast %swap3A_295 : i32 to index
    %swap3A_297 = arith.constant 16 : index
    %swap3A_298 = tpu.vector_load %arg9[%swap3A_296, %swap3A_297] {strides = array<i32>} : memref<16x128xf32, #tpu.memory_space<vmem>>, vector<1x16xf32>,
    %swap3A_299 = vector.shape_cast %swap3A_298 : vector<1x16xf32> to vector<16xf32>
    %swap3A_300 = vector.shape_cast %broadcast_in_dim3A_1 : vector<16xf32> to vector<1x16xf32>
    tpu.vector_store %arg9[%swap3A_296, %swap3A_297], %swap3A_300 {strides = array<i32>} : memref<16x128xf32, #tpu.memory_space<vmem>>, vector<1x16xf32>,
    %swap3A_301 = arith.constant 6 : i32
    %swap3A_302 = arith.index_cast %swap3A_301 : i32 to index
    %swap3A_303 = arith.constant 32 : index
    %swap3A_304 = tpu.vector_load %arg9[%swap3A_302, %swap3A_303] {strides = array<i32>} : memref<16x128xf32, #tpu.memory_space<vmem>>, vector<1x16xf32>,
    %swap3A_305 = vector.shape_cast %swap3A_304 : vector<1x16xf32> to vector<16xf32>
    %swap3A_306 = vector.shape_cast %broadcast_in_dim3A_1 : vector<16xf32> to vector<1x16xf32>
    tpu.vector_store %arg9[%swap3A_302, %swap3A_303], %swap3A_306 {strides = array<i32>} : memref<16x128xf32, #tpu.memory_space<vmem>>, vector<1x16xf32>,
    %swap3A_307 = arith.constant 6 : i32
    %swap3A_308 = arith.index_cast %swap3A_307 : i32 to index
    %swap3A_309 = arith.constant 48 : index
    %swap3A_310 = tpu.vector_load %arg9[%swap3A_308, %swap3A_309] {strides = array<i32>} : memref<16x128xf32, #tpu.memory_space<vmem>>, vector<1x16xf32>,
    %swap3A_311 = vector.shape_cast %swap3A_310 : vector<1x16xf32> to vector<16xf32>
    %swap3A_312 = vector.shape_cast %broadcast_in_dim3A_1 : vector<16xf32> to vector<1x16xf32>
    tpu.vector_store %arg9[%swap3A_308, %swap3A_309], %swap3A_312 {strides = array<i32>} : memref<16x128xf32, #tpu.memory_space<vmem>>, vector<1x16xf32>,
    %swap3A_313 = arith.constant 6 : i32
    %swap3A_314 = arith.index_cast %swap3A_313 : i32 to index
    %swap3A_315 = arith.constant 64 : index
    %swap3A_316 = tpu.vector_load %arg9[%swap3A_314, %swap3A_315] {strides = array<i32>} : memref<16x128xf32, #tpu.memory_space<vmem>>, vector<1x16xf32>,
    %swap3A_317 = vector.shape_cast %swap3A_316 : vector<1x16xf32> to vector<16xf32>
    %swap3A_318 = vector.shape_cast %broadcast_in_dim3A_1 : vector<16xf32> to vector<1x16xf32>
    tpu.vector_store %arg9[%swap3A_314, %swap3A_315], %swap3A_318 {strides = array<i32>} : memref<16x128xf32, #tpu.memory_space<vmem>>, vector<1x16xf32>,
    %swap3A_319 = arith.constant 6 : i32
    %swap3A_320 = arith.index_cast %swap3A_319 : i32 to index
    %swap3A_321 = arith.constant 80 : index
    %swap3A_322 = tpu.vector_load %arg9[%swap3A_320, %swap3A_321] {strides = array<i32>} : memref<16x128xf32, #tpu.memory_space<vmem>>, vector<1x16xf32>,
    %swap3A_323 = vector.shape_cast %swap3A_322 : vector<1x16xf32> to vector<16xf32>
    %swap3A_324 = vector.shape_cast %broadcast_in_dim3A_1 : vector<16xf32> to vector<1x16xf32>
    tpu.vector_store %arg9[%swap3A_320, %swap3A_321], %swap3A_324 {strides = array<i32>} : memref<16x128xf32, #tpu.memory_space<vmem>>, vector<1x16xf32>,
    %swap3A_325 = arith.constant 6 : i32
    %swap3A_326 = arith.index_cast %swap3A_325 : i32 to index
    %swap3A_327 = arith.constant 96 : index
    %swap3A_328 = tpu.vector_load %arg9[%swap3A_326, %swap3A_327] {strides = array<i32>} : memref<16x128xf32, #tpu.memory_space<vmem>>, vector<1x16xf32>,
    %swap3A_329 = vector.shape_cast %swap3A_328 : vector<1x16xf32> to vector<16xf32>
    %swap3A_330 = vector.shape_cast %broadcast_in_dim3A_1 : vector<16xf32> to vector<1x16xf32>
    tpu.vector_store %arg9[%swap3A_326, %swap3A_327], %swap3A_330 {strides = array<i32>} : memref<16x128xf32, #tpu.memory_space<vmem>>, vector<1x16xf32>,
    %swap3A_331 = arith.constant 6 : i32
    %swap3A_332 = arith.index_cast %swap3A_331 : i32 to index
    %swap3A_333 = arith.constant 112 : index
    %swap3A_334 = tpu.vector_load %arg9[%swap3A_332, %swap3A_333] {strides = array<i32>} : memref<16x128xf32, #tpu.memory_space<vmem>>, vector<1x16xf32>,
    %swap3A_335 = vector.shape_cast %swap3A_334 : vector<1x16xf32> to vector<16xf32>
    %swap3A_336 = vector.shape_cast %broadcast_in_dim3A_1 : vector<16xf32> to vector<1x16xf32>
    tpu.vector_store %arg9[%swap3A_332, %swap3A_333], %swap3A_336 {strides = array<i32>} : memref<16x128xf32, #tpu.memory_space<vmem>>, vector<1x16xf32>,
    %swap3A_337 = arith.constant 7 : i32
    %swap3A_338 = arith.index_cast %swap3A_337 : i32 to index
    %swap3A_339 = arith.constant 0 : index
    %swap3A_340 = tpu.vector_load %arg9[%swap3A_338, %swap3A_339] {strides = array<i32>} : memref<16x128xf32, #tpu.memory_space<vmem>>, vector<1x16xf32>,
    %swap3A_341 = vector.shape_cast %swap3A_340 : vector<1x16xf32> to vector<16xf32>
    %swap3A_342 = vector.shape_cast %broadcast_in_dim3A_1 : vector<16xf32> to vector<1x16xf32>
    tpu.vector_store %arg9[%swap3A_338, %swap3A_339], %swap3A_342 {strides = array<i32>} : memref<16x128xf32, #tpu.memory_space<vmem>>, vector<1x16xf32>,
    %swap3A_343 = arith.constant 7 : i32
    %swap3A_344 = arith.index_cast %swap3A_343 : i32 to index
    %swap3A_345 = arith.constant 16 : index
    %swap3A_346 = tpu.vector_load %arg9[%swap3A_344, %swap3A_345] {strides = array<i32>} : memref<16x128xf32, #tpu.memory_space<vmem>>, vector<1x16xf32>,
    %swap3A_347 = vector.shape_cast %swap3A_346 : vector<1x16xf32> to vector<16xf32>
    %swap3A_348 = vector.shape_cast %broadcast_in_dim3A_1 : vector<16xf32> to vector<1x16xf32>
    tpu.vector_store %arg9[%swap3A_344, %swap3A_345], %swap3A_348 {strides = array<i32>} : memref<16x128xf32, #tpu.memory_space<vmem>>, vector<1x16xf32>,
    %swap3A_349 = arith.constant 7 : i32
    %swap3A_350 = arith.index_cast %swap3A_349 : i32 to index
    %swap3A_351 = arith.constant 32 : index
    %swap3A_352 = tpu.vector_load %arg9[%swap3A_350, %swap3A_351] {strides = array<i32>} : memref<16x128xf32, #tpu.memory_space<vmem>>, vector<1x16xf32>,
    %swap3A_353 = vector.shape_cast %swap3A_352 : vector<1x16xf32> to vector<16xf32>
    %swap3A_354 = vector.shape_cast %broadcast_in_dim3A_1 : vector<16xf32> to vector<1x16xf32>
    tpu.vector_store %arg9[%swap3A_350, %swap3A_351], %swap3A_354 {strides = array<i32>} : memref<16x128xf32, #tpu.memory_space<vmem>>, vector<1x16xf32>,
    %swap3A_355 = arith.constant 7 : i32
    %swap3A_356 = arith.index_cast %swap3A_355 : i32 to index
    %swap3A_357 = arith.constant 48 : index
    %swap3A_358 = tpu.vector_load %arg9[%swap3A_356, %swap3A_357] {strides = array<i32>} : memref<16x128xf32, #tpu.memory_space<vmem>>, vector<1x16xf32>,
    %swap3A_359 = vector.shape_cast %swap3A_358 : vector<1x16xf32> to vector<16xf32>
    %swap3A_360 = vector.shape_cast %broadcast_in_dim3A_1 : vector<16xf32> to vector<1x16xf32>
    tpu.vector_store %arg9[%swap3A_356, %swap3A_357], %swap3A_360 {strides = array<i32>} : memref<16x128xf32, #tpu.memory_space<vmem>>, vector<1x16xf32>,
    %swap3A_361 = arith.constant 7 : i32
    %swap3A_362 = arith.index_cast %swap3A_361 : i32 to index
    %swap3A_363 = arith.constant 64 : index
    %swap3A_364 = tpu.vector_load %arg9[%swap3A_362, %swap3A_363] {strides = array<i32>} : memref<16x128xf32, #tpu.memory_space<vmem>>, vector<1x16xf32>,
    %swap3A_365 = vector.shape_cast %swap3A_364 : vector<1x16xf32> to vector<16xf32>
    %swap3A_366 = vector.shape_cast %broadcast_in_dim3A_1 : vector<16xf32> to vector<1x16xf32>
    tpu.vector_store %arg9[%swap3A_362, %swap3A_363], %swap3A_366 {strides = array<i32>} : memref<16x128xf32, #tpu.memory_space<vmem>>, vector<1x16xf32>,
    %swap3A_367 = arith.constant 7 : i32
    %swap3A_368 = arith.index_cast %swap3A_367 : i32 to index
    %swap3A_369 = arith.constant 80 : index
    %swap3A_370 = tpu.vector_load %arg9[%swap3A_368, %swap3A_369] {strides = array<i32>} : memref<16x128xf32, #tpu.memory_space<vmem>>, vector<1x16xf32>,
    %swap3A_371 = vector.shape_cast %swap3A_370 : vector<1x16xf32> to vector<16xf32>
    %swap3A_372 = vector.shape_cast %broadcast_in_dim3A_1 : vector<16xf32> to vector<1x16xf32>
    tpu.vector_store %arg9[%swap3A_368, %swap3A_369], %swap3A_372 {strides = array<i32>} : memref<16x128xf32, #tpu.memory_space<vmem>>, vector<1x16xf32>,
    %swap3A_373 = arith.constant 7 : i32
    %swap3A_374 = arith.index_cast %swap3A_373 : i32 to index
    %swap3A_375 = arith.constant 96 : index
    %swap3A_376 = tpu.vector_load %arg9[%swap3A_374, %swap3A_375] {strides = array<i32>} : memref<16x128xf32, #tpu.memory_space<vmem>>, vector<1x16xf32>,
    %swap3A_377 = vector.shape_cast %swap3A_376 : vector<1x16xf32> to vector<16xf32>
    %swap3A_378 = vector.shape_cast %broadcast_in_dim3A_1 : vector<16xf32> to vector<1x16xf32>
    tpu.vector_store %arg9[%swap3A_374, %swap3A_375], %swap3A_378 {strides = array<i32>} : memref<16x128xf32, #tpu.memory_space<vmem>>, vector<1x16xf32>,
    %swap3A_379 = arith.constant 7 : i32
    %swap3A_380 = arith.index_cast %swap3A_379 : i32 to index
    %swap3A_381 = arith.constant 112 : index
    %swap3A_382 = tpu.vector_load %arg9[%swap3A_380, %swap3A_381] {strides = array<i32>} : memref<16x128xf32, #tpu.memory_space<vmem>>, vector<1x16xf32>,
    %swap3A_383 = vector.shape_cast %swap3A_382 : vector<1x16xf32> to vector<16xf32>
    %swap3A_384 = vector.shape_cast %broadcast_in_dim3A_1 : vector<16xf32> to vector<1x16xf32>
    tpu.vector_store %arg9[%swap3A_380, %swap3A_381], %swap3A_384 {strides = array<i32>} : memref<16x128xf32, #tpu.memory_space<vmem>>, vector<1x16xf32>,
    %swap3A_385 = arith.constant 8 : i32
    %swap3A_386 = arith.index_cast %swap3A_385 : i32 to index
    %swap3A_387 = arith.constant 0 : index
    %swap3A_388 = tpu.vector_load %arg9[%swap3A_386, %swap3A_387] {strides = array<i32>} : memref<16x128xf32, #tpu.memory_space<vmem>>, vector<1x16xf32>,
    %swap3A_389 = vector.shape_cast %swap3A_388 : vector<1x16xf32> to vector<16xf32>
    %swap3A_390 = vector.shape_cast %broadcast_in_dim3A_1 : vector<16xf32> to vector<1x16xf32>
    tpu.vector_store %arg9[%swap3A_386, %swap3A_387], %swap3A_390 {strides = array<i32>} : memref<16x128xf32, #tpu.memory_space<vmem>>, vector<1x16xf32>,
    %swap3A_391 = arith.constant 8 : i32
    %swap3A_392 = arith.index_cast %swap3A_391 : i32 to index
    %swap3A_393 = arith.constant 16 : index
    %swap3A_394 = tpu.vector_load %arg9[%swap3A_392, %swap3A_393] {strides = array<i32>} : memref<16x128xf32, #tpu.memory_space<vmem>>, vector<1x16xf32>,
    %swap3A_395 = vector.shape_cast %swap3A_394 : vector<1x16xf32> to vector<16xf32>
    %swap3A_396 = vector.shape_cast %broadcast_in_dim3A_1 : vector<16xf32> to vector<1x16xf32>
    tpu.vector_store %arg9[%swap3A_392, %swap3A_393], %swap3A_396 {strides = array<i32>} : memref<16x128xf32, #tpu.memory_space<vmem>>, vector<1x16xf32>,
    %swap3A_397 = arith.constant 8 : i32
    %swap3A_398 = arith.index_cast %swap3A_397 : i32 to index
    %swap3A_399 = arith.constant 32 : index
    %swap3A_400 = tpu.vector_load %arg9[%swap3A_398, %swap3A_399] {strides = array<i32>} : memref<16x128xf32, #tpu.memory_space<vmem>>, vector<1x16xf32>,
    %swap3A_401 = vector.shape_cast %swap3A_400 : vector<1x16xf32> to vector<16xf32>
    %swap3A_402 = vector.shape_cast %broadcast_in_dim3A_1 : vector<16xf32> to vector<1x16xf32>
    tpu.vector_store %arg9[%swap3A_398, %swap3A_399], %swap3A_402 {strides = array<i32>} : memref<16x128xf32, #tpu.memory_space<vmem>>, vector<1x16xf32>,
    %swap3A_403 = arith.constant 8 : i32
    %swap3A_404 = arith.index_cast %swap3A_403 : i32 to index
    %swap3A_405 = arith.constant 48 : index
    %swap3A_406 = tpu.vector_load %arg9[%swap3A_404, %swap3A_405] {strides = array<i32>} : memref<16x128xf32, #tpu.memory_space<vmem>>, vector<1x16xf32>,
    %swap3A_407 = vector.shape_cast %swap3A_406 : vector<1x16xf32> to vector<16xf32>
    %swap3A_408 = vector.shape_cast %broadcast_in_dim3A_1 : vector<16xf32> to vector<1x16xf32>
    tpu.vector_store %arg9[%swap3A_404, %swap3A_405], %swap3A_408 {strides = array<i32>} : memref<16x128xf32, #tpu.memory_space<vmem>>, vector<1x16xf32>,
    %swap3A_409 = arith.constant 8 : i32
    %swap3A_410 = arith.index_cast %swap3A_409 : i32 to index
    %swap3A_411 = arith.constant 64 : index
    %swap3A_412 = tpu.vector_load %arg9[%swap3A_410, %swap3A_411] {strides = array<i32>} : memref<16x128xf32, #tpu.memory_space<vmem>>, vector<1x16xf32>,
    %swap3A_413 = vector.shape_cast %swap3A_412 : vector<1x16xf32> to vector<16xf32>
    %swap3A_414 = vector.shape_cast %broadcast_in_dim3A_1 : vector<16xf32> to vector<1x16xf32>
    tpu.vector_store %arg9[%swap3A_410, %swap3A_411], %swap3A_414 {strides = array<i32>} : memref<16x128xf32, #tpu.memory_space<vmem>>, vector<1x16xf32>,
    %swap3A_415 = arith.constant 8 : i32
    %swap3A_416 = arith.index_cast %swap3A_415 : i32 to index
    %swap3A_417 = arith.constant 80 : index
    %swap3A_418 = tpu.vector_load %arg9[%swap3A_416, %swap3A_417] {strides = array<i32>} : memref<16x128xf32, #tpu.memory_space<vmem>>, vector<1x16xf32>,
    %swap3A_419 = vector.shape_cast %swap3A_418 : vector<1x16xf32> to vector<16xf32>
    %swap3A_420 = vector.shape_cast %broadcast_in_dim3A_1 : vector<16xf32> to vector<1x16xf32>
    tpu.vector_store %arg9[%swap3A_416, %swap3A_417], %swap3A_420 {strides = array<i32>} : memref<16x128xf32, #tpu.memory_space<vmem>>, vector<1x16xf32>,
    %swap3A_421 = arith.constant 8 : i32
    %swap3A_422 = arith.index_cast %swap3A_421 : i32 to index
    %swap3A_423 = arith.constant 96 : index
    %swap3A_424 = tpu.vector_load %arg9[%swap3A_422, %swap3A_423] {strides = array<i32>} : memref<16x128xf32, #tpu.memory_space<vmem>>, vector<1x16xf32>,
    %swap3A_425 = vector.shape_cast %swap3A_424 : vector<1x16xf32> to vector<16xf32>
    %swap3A_426 = vector.shape_cast %broadcast_in_dim3A_1 : vector<16xf32> to vector<1x16xf32>
    tpu.vector_store %arg9[%swap3A_422, %swap3A_423], %swap3A_426 {strides = array<i32>} : memref<16x128xf32, #tpu.memory_space<vmem>>, vector<1x16xf32>,
    %swap3A_427 = arith.constant 8 : i32
    %swap3A_428 = arith.index_cast %swap3A_427 : i32 to index
    %swap3A_429 = arith.constant 112 : index
    %swap3A_430 = tpu.vector_load %arg9[%swap3A_428, %swap3A_429] {strides = array<i32>} : memref<16x128xf32, #tpu.memory_space<vmem>>, vector<1x16xf32>,
    %swap3A_431 = vector.shape_cast %swap3A_430 : vector<1x16xf32> to vector<16xf32>
    %swap3A_432 = vector.shape_cast %broadcast_in_dim3A_1 : vector<16xf32> to vector<1x16xf32>
    tpu.vector_store %arg9[%swap3A_428, %swap3A_429], %swap3A_432 {strides = array<i32>} : memref<16x128xf32, #tpu.memory_space<vmem>>, vector<1x16xf32>,
    %swap3A_433 = arith.constant 9 : i32
    %swap3A_434 = arith.index_cast %swap3A_433 : i32 to index
    %swap3A_435 = arith.constant 0 : index
    %swap3A_436 = tpu.vector_load %arg9[%swap3A_434, %swap3A_435] {strides = array<i32>} : memref<16x128xf32, #tpu.memory_space<vmem>>, vector<1x16xf32>,
    %swap3A_437 = vector.shape_cast %swap3A_436 : vector<1x16xf32> to vector<16xf32>
    %swap3A_438 = vector.shape_cast %broadcast_in_dim3A_1 : vector<16xf32> to vector<1x16xf32>
    tpu.vector_store %arg9[%swap3A_434, %swap3A_435], %swap3A_438 {strides = array<i32>} : memref<16x128xf32, #tpu.memory_space<vmem>>, vector<1x16xf32>,
    %swap3A_439 = arith.constant 9 : i32
    %swap3A_440 = arith.index_cast %swap3A_439 : i32 to index
    %swap3A_441 = arith.constant 16 : index
    %swap3A_442 = tpu.vector_load %arg9[%swap3A_440, %swap3A_441] {strides = array<i32>} : memref<16x128xf32, #tpu.memory_space<vmem>>, vector<1x16xf32>,
    %swap3A_443 = vector.shape_cast %swap3A_442 : vector<1x16xf32> to vector<16xf32>
    %swap3A_444 = vector.shape_cast %broadcast_in_dim3A_1 : vector<16xf32> to vector<1x16xf32>
    tpu.vector_store %arg9[%swap3A_440, %swap3A_441], %swap3A_444 {strides = array<i32>} : memref<16x128xf32, #tpu.memory_space<vmem>>, vector<1x16xf32>,
    %swap3A_445 = arith.constant 9 : i32
    %swap3A_446 = arith.index_cast %swap3A_445 : i32 to index
    %swap3A_447 = arith.constant 32 : index
    %swap3A_448 = tpu.vector_load %arg9[%swap3A_446, %swap3A_447] {strides = array<i32>} : memref<16x128xf32, #tpu.memory_space<vmem>>, vector<1x16xf32>,
    %swap3A_449 = vector.shape_cast %swap3A_448 : vector<1x16xf32> to vector<16xf32>
    %swap3A_450 = vector.shape_cast %broadcast_in_dim3A_1 : vector<16xf32> to vector<1x16xf32>
    tpu.vector_store %arg9[%swap3A_446, %swap3A_447], %swap3A_450 {strides = array<i32>} : memref<16x128xf32, #tpu.memory_space<vmem>>, vector<1x16xf32>,
    %swap3A_451 = arith.constant 9 : i32
    %swap3A_452 = arith.index_cast %swap3A_451 : i32 to index
    %swap3A_453 = arith.constant 48 : index
    %swap3A_454 = tpu.vector_load %arg9[%swap3A_452, %swap3A_453] {strides = array<i32>} : memref<16x128xf32, #tpu.memory_space<vmem>>, vector<1x16xf32>,
    %swap3A_455 = vector.shape_cast %swap3A_454 : vector<1x16xf32> to vector<16xf32>
    %swap3A_456 = vector.shape_cast %broadcast_in_dim3A_1 : vector<16xf32> to vector<1x16xf32>
    tpu.vector_store %arg9[%swap3A_452, %swap3A_453], %swap3A_456 {strides = array<i32>} : memref<16x128xf32, #tpu.memory_space<vmem>>, vector<1x16xf32>,
    %swap3A_457 = arith.constant 9 : i32
    %swap3A_458 = arith.index_cast %swap3A_457 : i32 to index
    %swap3A_459 = arith.constant 64 : index
    %swap3A_460 = tpu.vector_load %arg9[%swap3A_458, %swap3A_459] {strides = array<i32>} : memref<16x128xf32, #tpu.memory_space<vmem>>, vector<1x16xf32>,
    %swap3A_461 = vector.shape_cast %swap3A_460 : vector<1x16xf32> to vector<16xf32>
    %swap3A_462 = vector.shape_cast %broadcast_in_dim3A_1 : vector<16xf32> to vector<1x16xf32>
    tpu.vector_store %arg9[%swap3A_458, %swap3A_459], %swap3A_462 {strides = array<i32>} : memref<16x128xf32, #tpu.memory_space<vmem>>, vector<1x16xf32>,
    %swap3A_463 = arith.constant 9 : i32
    %swap3A_464 = arith.index_cast %swap3A_463 : i32 to index
    %swap3A_465 = arith.constant 80 : index
    %swap3A_466 = tpu.vector_load %arg9[%swap3A_464, %swap3A_465] {strides = array<i32>} : memref<16x128xf32, #tpu.memory_space<vmem>>, vector<1x16xf32>,
    %swap3A_467 = vector.shape_cast %swap3A_466 : vector<1x16xf32> to vector<16xf32>
    %swap3A_468 = vector.shape_cast %broadcast_in_dim3A_1 : vector<16xf32> to vector<1x16xf32>
    tpu.vector_store %arg9[%swap3A_464, %swap3A_465], %swap3A_468 {strides = array<i32>} : memref<16x128xf32, #tpu.memory_space<vmem>>, vector<1x16xf32>,
    %swap3A_469 = arith.constant 9 : i32
    %swap3A_470 = arith.index_cast %swap3A_469 : i32 to index
    %swap3A_471 = arith.constant 96 : index
    %swap3A_472 = tpu.vector_load %arg9[%swap3A_470, %swap3A_471] {strides = array<i32>} : memref<16x128xf32, #tpu.memory_space<vmem>>, vector<1x16xf32>,
    %swap3A_473 = vector.shape_cast %swap3A_472 : vector<1x16xf32> to vector<16xf32>
    %swap3A_474 = vector.shape_cast %broadcast_in_dim3A_1 : vector<16xf32> to vector<1x16xf32>
    tpu.vector_store %arg9[%swap3A_470, %swap3A_471], %swap3A_474 {strides = array<i32>} : memref<16x128xf32, #tpu.memory_space<vmem>>, vector<1x16xf32>,
    %swap3A_475 = arith.constant 9 : i32
    %swap3A_476 = arith.index_cast %swap3A_475 : i32 to index
    %swap3A_477 = arith.constant 112 : index
    %swap3A_478 = tpu.vector_load %arg9[%swap3A_476, %swap3A_477] {strides = array<i32>} : memref<16x128xf32, #tpu.memory_space<vmem>>, vector<1x16xf32>,
    %swap3A_479 = vector.shape_cast %swap3A_478 : vector<1x16xf32> to vector<16xf32>
    %swap3A_480 = vector.shape_cast %broadcast_in_dim3A_1 : vector<16xf32> to vector<1x16xf32>
    tpu.vector_store %arg9[%swap3A_476, %swap3A_477], %swap3A_480 {strides = array<i32>} : memref<16x128xf32, #tpu.memory_space<vmem>>, vector<1x16xf32>,
    %swap3A_481 = arith.constant 10 : i32
    %swap3A_482 = arith.index_cast %swap3A_481 : i32 to index
    %swap3A_483 = arith.constant 0 : index
    %swap3A_484 = tpu.vector_load %arg9[%swap3A_482, %swap3A_483] {strides = array<i32>} : memref<16x128xf32, #tpu.memory_space<vmem>>, vector<1x16xf32>,
    %swap3A_485 = vector.shape_cast %swap3A_484 : vector<1x16xf32> to vector<16xf32>
    %swap3A_486 = vector.shape_cast %broadcast_in_dim3A_1 : vector<16xf32> to vector<1x16xf32>
    tpu.vector_store %arg9[%swap3A_482, %swap3A_483], %swap3A_486 {strides = array<i32>} : memref<16x128xf32, #tpu.memory_space<vmem>>, vector<1x16xf32>,
    %swap3A_487 = arith.constant 10 : i32
    %swap3A_488 = arith.index_cast %swap3A_487 : i32 to index
    %swap3A_489 = arith.constant 16 : index
    %swap3A_490 = tpu.vector_load %arg9[%swap3A_488, %swap3A_489] {strides = array<i32>} : memref<16x128xf32, #tpu.memory_space<vmem>>, vector<1x16xf32>,
    %swap3A_491 = vector.shape_cast %swap3A_490 : vector<1x16xf32> to vector<16xf32>
    %swap3A_492 = vector.shape_cast %broadcast_in_dim3A_1 : vector<16xf32> to vector<1x16xf32>
    tpu.vector_store %arg9[%swap3A_488, %swap3A_489], %swap3A_492 {strides = array<i32>} : memref<16x128xf32, #tpu.memory_space<vmem>>, vector<1x16xf32>,
    %swap3A_493 = arith.constant 10 : i32
    %swap3A_494 = arith.index_cast %swap3A_493 : i32 to index
    %swap3A_495 = arith.constant 32 : index
    %swap3A_496 = tpu.vector_load %arg9[%swap3A_494, %swap3A_495] {strides = array<i32>} : memref<16x128xf32, #tpu.memory_space<vmem>>, vector<1x16xf32>,
    %swap3A_497 = vector.shape_cast %swap3A_496 : vector<1x16xf32> to vector<16xf32>
    %swap3A_498 = vector.shape_cast %broadcast_in_dim3A_1 : vector<16xf32> to vector<1x16xf32>
    tpu.vector_store %arg9[%swap3A_494, %swap3A_495], %swap3A_498 {strides = array<i32>} : memref<16x128xf32, #tpu.memory_space<vmem>>, vector<1x16xf32>,
    %swap3A_499 = arith.constant 10 : i32
    %swap3A_500 = arith.index_cast %swap3A_499 : i32 to index
    %swap3A_501 = arith.constant 48 : index
    %swap3A_502 = tpu.vector_load %arg9[%swap3A_500, %swap3A_501] {strides = array<i32>} : memref<16x128xf32, #tpu.memory_space<vmem>>, vector<1x16xf32>,
    %swap3A_503 = vector.shape_cast %swap3A_502 : vector<1x16xf32> to vector<16xf32>
    %swap3A_504 = vector.shape_cast %broadcast_in_dim3A_1 : vector<16xf32> to vector<1x16xf32>
    tpu.vector_store %arg9[%swap3A_500, %swap3A_501], %swap3A_504 {strides = array<i32>} : memref<16x128xf32, #tpu.memory_space<vmem>>, vector<1x16xf32>,
    %swap3A_505 = arith.constant 10 : i32
    %swap3A_506 = arith.index_cast %swap3A_505 : i32 to index
    %swap3A_507 = arith.constant 64 : index
    %swap3A_508 = tpu.vector_load %arg9[%swap3A_506, %swap3A_507] {strides = array<i32>} : memref<16x128xf32, #tpu.memory_space<vmem>>, vector<1x16xf32>,
    %swap3A_509 = vector.shape_cast %swap3A_508 : vector<1x16xf32> to vector<16xf32>
    %swap3A_510 = vector.shape_cast %broadcast_in_dim3A_1 : vector<16xf32> to vector<1x16xf32>
    tpu.vector_store %arg9[%swap3A_506, %swap3A_507], %swap3A_510 {strides = array<i32>} : memref<16x128xf32, #tpu.memory_space<vmem>>, vector<1x16xf32>,
    %swap3A_511 = arith.constant 10 : i32
    %swap3A_512 = arith.index_cast %swap3A_511 : i32 to index
    %swap3A_513 = arith.constant 80 : index
    %swap3A_514 = tpu.vector_load %arg9[%swap3A_512, %swap3A_513] {strides = array<i32>} : memref<16x128xf32, #tpu.memory_space<vmem>>, vector<1x16xf32>,
    %swap3A_515 = vector.shape_cast %swap3A_514 : vector<1x16xf32> to vector<16xf32>
    %swap3A_516 = vector.shape_cast %broadcast_in_dim3A_1 : vector<16xf32> to vector<1x16xf32>
    tpu.vector_store %arg9[%swap3A_512, %swap3A_513], %swap3A_516 {strides = array<i32>} : memref<16x128xf32, #tpu.memory_space<vmem>>, vector<1x16xf32>,
    %swap3A_517 = arith.constant 10 : i32
    %swap3A_518 = arith.index_cast %swap3A_517 : i32 to index
    %swap3A_519 = arith.constant 96 : index
    %swap3A_520 = tpu.vector_load %arg9[%swap3A_518, %swap3A_519] {strides = array<i32>} : memref<16x128xf32, #tpu.memory_space<vmem>>, vector<1x16xf32>,
    %swap3A_521 = vector.shape_cast %swap3A_520 : vector<1x16xf32> to vector<16xf32>
    %swap3A_522 = vector.shape_cast %broadcast_in_dim3A_1 : vector<16xf32> to vector<1x16xf32>
    tpu.vector_store %arg9[%swap3A_518, %swap3A_519], %swap3A_522 {strides = array<i32>} : memref<16x128xf32, #tpu.memory_space<vmem>>, vector<1x16xf32>,
    %swap3A_523 = arith.constant 10 : i32
    %swap3A_524 = arith.index_cast %swap3A_523 : i32 to index
    %swap3A_525 = arith.constant 112 : index
    %swap3A_526 = tpu.vector_load %arg9[%swap3A_524, %swap3A_525] {strides = array<i32>} : memref<16x128xf32, #tpu.memory_space<vmem>>, vector<1x16xf32>,
    %swap3A_527 = vector.shape_cast %swap3A_526 : vector<1x16xf32> to vector<16xf32>
    %swap3A_528 = vector.shape_cast %broadcast_in_dim3A_1 : vector<16xf32> to vector<1x16xf32>
    tpu.vector_store %arg9[%swap3A_524, %swap3A_525], %swap3A_528 {strides = array<i32>} : memref<16x128xf32, #tpu.memory_space<vmem>>, vector<1x16xf32>,
    %swap3A_529 = arith.constant 11 : i32
    %swap3A_530 = arith.index_cast %swap3A_529 : i32 to index
    %swap3A_531 = arith.constant 0 : index
    %swap3A_532 = tpu.vector_load %arg9[%swap3A_530, %swap3A_531] {strides = array<i32>} : memref<16x128xf32, #tpu.memory_space<vmem>>, vector<1x16xf32>,
    %swap3A_533 = vector.shape_cast %swap3A_532 : vector<1x16xf32> to vector<16xf32>
    %swap3A_534 = vector.shape_cast %broadcast_in_dim3A_1 : vector<16xf32> to vector<1x16xf32>
    tpu.vector_store %arg9[%swap3A_530, %swap3A_531], %swap3A_534 {strides = array<i32>} : memref<16x128xf32, #tpu.memory_space<vmem>>, vector<1x16xf32>,
    %swap3A_535 = arith.constant 11 : i32
    %swap3A_536 = arith.index_cast %swap3A_535 : i32 to index
    %swap3A_537 = arith.constant 16 : index
    %swap3A_538 = tpu.vector_load %arg9[%swap3A_536, %swap3A_537] {strides = array<i32>} : memref<16x128xf32, #tpu.memory_space<vmem>>, vector<1x16xf32>,
    %swap3A_539 = vector.shape_cast %swap3A_538 : vector<1x16xf32> to vector<16xf32>
    %swap3A_540 = vector.shape_cast %broadcast_in_dim3A_1 : vector<16xf32> to vector<1x16xf32>
    tpu.vector_store %arg9[%swap3A_536, %swap3A_537], %swap3A_540 {strides = array<i32>} : memref<16x128xf32, #tpu.memory_space<vmem>>, vector<1x16xf32>,
    %swap3A_541 = arith.constant 11 : i32
    %swap3A_542 = arith.index_cast %swap3A_541 : i32 to index
    %swap3A_543 = arith.constant 32 : index
    %swap3A_544 = tpu.vector_load %arg9[%swap3A_542, %swap3A_543] {strides = array<i32>} : memref<16x128xf32, #tpu.memory_space<vmem>>, vector<1x16xf32>,
    %swap3A_545 = vector.shape_cast %swap3A_544 : vector<1x16xf32> to vector<16xf32>
    %swap3A_546 = vector.shape_cast %broadcast_in_dim3A_1 : vector<16xf32> to vector<1x16xf32>
    tpu.vector_store %arg9[%swap3A_542, %swap3A_543], %swap3A_546 {strides = array<i32>} : memref<16x128xf32, #tpu.memory_space<vmem>>, vector<1x16xf32>,
    %swap3A_547 = arith.constant 11 : i32
    %swap3A_548 = arith.index_cast %swap3A_547 : i32 to index
    %swap3A_549 = arith.constant 48 : index
    %swap3A_550 = tpu.vector_load %arg9[%swap3A_548, %swap3A_549] {strides = array<i32>} : memref<16x128xf32, #tpu.memory_space<vmem>>, vector<1x16xf32>,
    %swap3A_551 = vector.shape_cast %swap3A_550 : vector<1x16xf32> to vector<16xf32>
    %swap3A_552 = vector.shape_cast %broadcast_in_dim3A_1 : vector<16xf32> to vector<1x16xf32>
    tpu.vector_store %arg9[%swap3A_548, %swap3A_549], %swap3A_552 {strides = array<i32>} : memref<16x128xf32, #tpu.memory_space<vmem>>, vector<1x16xf32>,
    %swap3A_553 = arith.constant 11 : i32
    %swap3A_554 = arith.index_cast %swap3A_553 : i32 to index
    %swap3A_555 = arith.constant 64 : index
    %swap3A_556 = tpu.vector_load %arg9[%swap3A_554, %swap3A_555] {strides = array<i32>} : memref<16x128xf32, #tpu.memory_space<vmem>>, vector<1x16xf32>,
    %swap3A_557 = vector.shape_cast %swap3A_556 : vector<1x16xf32> to vector<16xf32>
    %swap3A_558 = vector.shape_cast %broadcast_in_dim3A_1 : vector<16xf32> to vector<1x16xf32>
    tpu.vector_store %arg9[%swap3A_554, %swap3A_555], %swap3A_558 {strides = array<i32>} : memref<16x128xf32, #tpu.memory_space<vmem>>, vector<1x16xf32>,
    %swap3A_559 = arith.constant 11 : i32
    %swap3A_560 = arith.index_cast %swap3A_559 : i32 to index
    %swap3A_561 = arith.constant 80 : index
    %swap3A_562 = tpu.vector_load %arg9[%swap3A_560, %swap3A_561] {strides = array<i32>} : memref<16x128xf32, #tpu.memory_space<vmem>>, vector<1x16xf32>,
    %swap3A_563 = vector.shape_cast %swap3A_562 : vector<1x16xf32> to vector<16xf32>
    %swap3A_564 = vector.shape_cast %broadcast_in_dim3A_1 : vector<16xf32> to vector<1x16xf32>
    tpu.vector_store %arg9[%swap3A_560, %swap3A_561], %swap3A_564 {strides = array<i32>} : memref<16x128xf32, #tpu.memory_space<vmem>>, vector<1x16xf32>,
    %swap3A_565 = arith.constant 11 : i32
    %swap3A_566 = arith.index_cast %swap3A_565 : i32 to index
    %swap3A_567 = arith.constant 96 : index
    %swap3A_568 = tpu.vector_load %arg9[%swap3A_566, %swap3A_567] {strides = array<i32>} : memref<16x128xf32, #tpu.memory_space<vmem>>, vector<1x16xf32>,
    %swap3A_569 = vector.shape_cast %swap3A_568 : vector<1x16xf32> to vector<16xf32>
    %swap3A_570 = vector.shape_cast %broadcast_in_dim3A_1 : vector<16xf32> to vector<1x16xf32>
    tpu.vector_store %arg9[%swap3A_566, %swap3A_567], %swap3A_570 {strides = array<i32>} : memref<16x128xf32, #tpu.memory_space<vmem>>, vector<1x16xf32>,
    %swap3A_571 = arith.constant 11 : i32
    %swap3A_572 = arith.index_cast %swap3A_571 : i32 to index
    %swap3A_573 = arith.constant 112 : index
    %swap3A_574 = tpu.vector_load %arg9[%swap3A_572, %swap3A_573] {strides = array<i32>} : memref<16x128xf32, #tpu.memory_space<vmem>>, vector<1x16xf32>,
    %swap3A_575 = vector.shape_cast %swap3A_574 : vector<1x16xf32> to vector<16xf32>
    %swap3A_576 = vector.shape_cast %broadcast_in_dim3A_1 : vector<16xf32> to vector<1x16xf32>
    tpu.vector_store %arg9[%swap3A_572, %swap3A_573], %swap3A_576 {strides = array<i32>} : memref<16x128xf32, #tpu.memory_space<vmem>>, vector<1x16xf32>,
    %swap3A_577 = arith.constant 12 : i32
    %swap3A_578 = arith.index_cast %swap3A_577 : i32 to index
    %swap3A_579 = arith.constant 0 : index
    %swap3A_580 = tpu.vector_load %arg9[%swap3A_578, %swap3A_579] {strides = array<i32>} : memref<16x128xf32, #tpu.memory_space<vmem>>, vector<1x16xf32>,
    %swap3A_581 = vector.shape_cast %swap3A_580 : vector<1x16xf32> to vector<16xf32>
    %swap3A_582 = vector.shape_cast %broadcast_in_dim3A_1 : vector<16xf32> to vector<1x16xf32>
    tpu.vector_store %arg9[%swap3A_578, %swap3A_579], %swap3A_582 {strides = array<i32>} : memref<16x128xf32, #tpu.memory_space<vmem>>, vector<1x16xf32>,
    %swap3A_583 = arith.constant 12 : i32
    %swap3A_584 = arith.index_cast %swap3A_583 : i32 to index
    %swap3A_585 = arith.constant 16 : index
    %swap3A_586 = tpu.vector_load %arg9[%swap3A_584, %swap3A_585] {strides = array<i32>} : memref<16x128xf32, #tpu.memory_space<vmem>>, vector<1x16xf32>,
    %swap3A_587 = vector.shape_cast %swap3A_586 : vector<1x16xf32> to vector<16xf32>
    %swap3A_588 = vector.shape_cast %broadcast_in_dim3A_1 : vector<16xf32> to vector<1x16xf32>
    tpu.vector_store %arg9[%swap3A_584, %swap3A_585], %swap3A_588 {strides = array<i32>} : memref<16x128xf32, #tpu.memory_space<vmem>>, vector<1x16xf32>,
    %swap3A_589 = arith.constant 12 : i32
    %swap3A_590 = arith.index_cast %swap3A_589 : i32 to index
    %swap3A_591 = arith.constant 32 : index
    %swap3A_592 = tpu.vector_load %arg9[%swap3A_590, %swap3A_591] {strides = array<i32>} : memref<16x128xf32, #tpu.memory_space<vmem>>, vector<1x16xf32>,
    %swap3A_593 = vector.shape_cast %swap3A_592 : vector<1x16xf32> to vector<16xf32>
    %swap3A_594 = vector.shape_cast %broadcast_in_dim3A_1 : vector<16xf32> to vector<1x16xf32>
    tpu.vector_store %arg9[%swap3A_590, %swap3A_591], %swap3A_594 {strides = array<i32>} : memref<16x128xf32, #tpu.memory_space<vmem>>, vector<1x16xf32>,
    %swap3A_595 = arith.constant 12 : i32
    %swap3A_596 = arith.index_cast %swap3A_595 : i32 to index
    %swap3A_597 = arith.constant 48 : index
    %swap3A_598 = tpu.vector_load %arg9[%swap3A_596, %swap3A_597] {strides = array<i32>} : memref<16x128xf32, #tpu.memory_space<vmem>>, vector<1x16xf32>,
    %swap3A_599 = vector.shape_cast %swap3A_598 : vector<1x16xf32> to vector<16xf32>
    %swap3A_600 = vector.shape_cast %broadcast_in_dim3A_1 : vector<16xf32> to vector<1x16xf32>
    tpu.vector_store %arg9[%swap3A_596, %swap3A_597], %swap3A_600 {strides = array<i32>} : memref<16x128xf32, #tpu.memory_space<vmem>>, vector<1x16xf32>,
    %swap3A_601 = arith.constant 12 : i32
    %swap3A_602 = arith.index_cast %swap3A_601 : i32 to index
    %swap3A_603 = arith.constant 64 : index
    %swap3A_604 = tpu.vector_load %arg9[%swap3A_602, %swap3A_603] {strides = array<i32>} : memref<16x128xf32, #tpu.memory_space<vmem>>, vector<1x16xf32>,
    %swap3A_605 = vector.shape_cast %swap3A_604 : vector<1x16xf32> to vector<16xf32>
    %swap3A_606 = vector.shape_cast %broadcast_in_dim3A_1 : vector<16xf32> to vector<1x16xf32>
    tpu.vector_store %arg9[%swap3A_602, %swap3A_603], %swap3A_606 {strides = array<i32>} : memref<16x128xf32, #tpu.memory_space<vmem>>, vector<1x16xf32>,
    %swap3A_607 = arith.constant 12 : i32
    %swap3A_608 = arith.index_cast %swap3A_607 : i32 to index
    %swap3A_609 = arith.constant 80 : index
    %swap3A_610 = tpu.vector_load %arg9[%swap3A_608, %swap3A_609] {strides = array<i32>} : memref<16x128xf32, #tpu.memory_space<vmem>>, vector<1x16xf32>,
    %swap3A_611 = vector.shape_cast %swap3A_610 : vector<1x16xf32> to vector<16xf32>
    %swap3A_612 = vector.shape_cast %broadcast_in_dim3A_1 : vector<16xf32> to vector<1x16xf32>
    tpu.vector_store %arg9[%swap3A_608, %swap3A_609], %swap3A_612 {strides = array<i32>} : memref<16x128xf32, #tpu.memory_space<vmem>>, vector<1x16xf32>,
    %swap3A_613 = arith.constant 12 : i32
    %swap3A_614 = arith.index_cast %swap3A_613 : i32 to index
    %swap3A_615 = arith.constant 96 : index
    %swap3A_616 = tpu.vector_load %arg9[%swap3A_614, %swap3A_615] {strides = array<i32>} : memref<16x128xf32, #tpu.memory_space<vmem>>, vector<1x16xf32>,
    %swap3A_617 = vector.shape_cast %swap3A_616 : vector<1x16xf32> to vector<16xf32>
    %swap3A_618 = vector.shape_cast %broadcast_in_dim3A_1 : vector<16xf32> to vector<1x16xf32>
    tpu.vector_store %arg9[%swap3A_614, %swap3A_615], %swap3A_618 {strides = array<i32>} : memref<16x128xf32, #tpu.memory_space<vmem>>, vector<1x16xf32>,
    %swap3A_619 = arith.constant 12 : i32
    %swap3A_620 = arith.index_cast %swap3A_619 : i32 to index
    %swap3A_621 = arith.constant 112 : index
    %swap3A_622 = tpu.vector_load %arg9[%swap3A_620, %swap3A_621] {strides = array<i32>} : memref<16x128xf32, #tpu.memory_space<vmem>>, vector<1x16xf32>,
    %swap3A_623 = vector.shape_cast %swap3A_622 : vector<1x16xf32> to vector<16xf32>
    %swap3A_624 = vector.shape_cast %broadcast_in_dim3A_1 : vector<16xf32> to vector<1x16xf32>
    tpu.vector_store %arg9[%swap3A_620, %swap3A_621], %swap3A_624 {strides = array<i32>} : memref<16x128xf32, #tpu.memory_space<vmem>>, vector<1x16xf32>,
    %swap3A_625 = arith.constant 13 : i32
    %swap3A_626 = arith.index_cast %swap3A_625 : i32 to index
    %swap3A_627 = arith.constant 0 : index
    %swap3A_628 = tpu.vector_load %arg9[%swap3A_626, %swap3A_627] {strides = array<i32>} : memref<16x128xf32, #tpu.memory_space<vmem>>, vector<1x16xf32>,
    %swap3A_629 = vector.shape_cast %swap3A_628 : vector<1x16xf32> to vector<16xf32>
    %swap3A_630 = vector.shape_cast %broadcast_in_dim3A_1 : vector<16xf32> to vector<1x16xf32>
    tpu.vector_store %arg9[%swap3A_626, %swap3A_627], %swap3A_630 {strides = array<i32>} : memref<16x128xf32, #tpu.memory_space<vmem>>, vector<1x16xf32>,
    %swap3A_631 = arith.constant 13 : i32
    %swap3A_632 = arith.index_cast %swap3A_631 : i32 to index
    %swap3A_633 = arith.constant 16 : index
    %swap3A_634 = tpu.vector_load %arg9[%swap3A_632, %swap3A_633] {strides = array<i32>} : memref<16x128xf32, #tpu.memory_space<vmem>>, vector<1x16xf32>,
    %swap3A_635 = vector.shape_cast %swap3A_634 : vector<1x16xf32> to vector<16xf32>
    %swap3A_636 = vector.shape_cast %broadcast_in_dim3A_1 : vector<16xf32> to vector<1x16xf32>
    tpu.vector_store %arg9[%swap3A_632, %swap3A_633], %swap3A_636 {strides = array<i32>} : memref<16x128xf32, #tpu.memory_space<vmem>>, vector<1x16xf32>,
    %swap3A_637 = arith.constant 13 : i32
    %swap3A_638 = arith.index_cast %swap3A_637 : i32 to index
    %swap3A_639 = arith.constant 32 : index
    %swap3A_640 = tpu.vector_load %arg9[%swap3A_638, %swap3A_639] {strides = array<i32>} : memref<16x128xf32, #tpu.memory_space<vmem>>, vector<1x16xf32>,
    %swap3A_641 = vector.shape_cast %swap3A_640 : vector<1x16xf32> to vector<16xf32>
    %swap3A_642 = vector.shape_cast %broadcast_in_dim3A_1 : vector<16xf32> to vector<1x16xf32>
    tpu.vector_store %arg9[%swap3A_638, %swap3A_639], %swap3A_642 {strides = array<i32>} : memref<16x128xf32, #tpu.memory_space<vmem>>, vector<1x16xf32>,
    %swap3A_643 = arith.constant 13 : i32
    %swap3A_644 = arith.index_cast %swap3A_643 : i32 to index
    %swap3A_645 = arith.constant 48 : index
    %swap3A_646 = tpu.vector_load %arg9[%swap3A_644, %swap3A_645] {strides = array<i32>} : memref<16x128xf32, #tpu.memory_space<vmem>>, vector<1x16xf32>,
    %swap3A_647 = vector.shape_cast %swap3A_646 : vector<1x16xf32> to vector<16xf32>
    %swap3A_648 = vector.shape_cast %broadcast_in_dim3A_1 : vector<16xf32> to vector<1x16xf32>
    tpu.vector_store %arg9[%swap3A_644, %swap3A_645], %swap3A_648 {strides = array<i32>} : memref<16x128xf32, #tpu.memory_space<vmem>>, vector<1x16xf32>,
    %swap3A_649 = arith.constant 13 : i32
    %swap3A_650 = arith.index_cast %swap3A_649 : i32 to index
    %swap3A_651 = arith.constant 64 : index
    %swap3A_652 = tpu.vector_load %arg9[%swap3A_650, %swap3A_651] {strides = array<i32>} : memref<16x128xf32, #tpu.memory_space<vmem>>, vector<1x16xf32>,
    %swap3A_653 = vector.shape_cast %swap3A_652 : vector<1x16xf32> to vector<16xf32>
    %swap3A_654 = vector.shape_cast %broadcast_in_dim3A_1 : vector<16xf32> to vector<1x16xf32>
    tpu.vector_store %arg9[%swap3A_650, %swap3A_651], %swap3A_654 {strides = array<i32>} : memref<16x128xf32, #tpu.memory_space<vmem>>, vector<1x16xf32>,
    %swap3A_655 = arith.constant 13 : i32
    %swap3A_656 = arith.index_cast %swap3A_655 : i32 to index
    %swap3A_657 = arith.constant 80 : index
    %swap3A_658 = tpu.vector_load %arg9[%swap3A_656, %swap3A_657] {strides = array<i32>} : memref<16x128xf32, #tpu.memory_space<vmem>>, vector<1x16xf32>,
    %swap3A_659 = vector.shape_cast %swap3A_658 : vector<1x16xf32> to vector<16xf32>
    %swap3A_660 = vector.shape_cast %broadcast_in_dim3A_1 : vector<16xf32> to vector<1x16xf32>
    tpu.vector_store %arg9[%swap3A_656, %swap3A_657], %swap3A_660 {strides = array<i32>} : memref<16x128xf32, #tpu.memory_space<vmem>>, vector<1x16xf32>,
    %swap3A_661 = arith.constant 13 : i32
    %swap3A_662 = arith.index_cast %swap3A_661 : i32 to index
    %swap3A_663 = arith.constant 96 : index
    %swap3A_664 = tpu.vector_load %arg9[%swap3A_662, %swap3A_663] {strides = array<i32>} : memref<16x128xf32, #tpu.memory_space<vmem>>, vector<1x16xf32>,
    %swap3A_665 = vector.shape_cast %swap3A_664 : vector<1x16xf32> to vector<16xf32>
    %swap3A_666 = vector.shape_cast %broadcast_in_dim3A_1 : vector<16xf32> to vector<1x16xf32>
    tpu.vector_store %arg9[%swap3A_662, %swap3A_663], %swap3A_666 {strides = array<i32>} : memref<16x128xf32, #tpu.memory_space<vmem>>, vector<1x16xf32>,
    %swap3A_667 = arith.constant 13 : i32
    %swap3A_668 = arith.index_cast %swap3A_667 : i32 to index
    %swap3A_669 = arith.constant 112 : index
    %swap3A_670 = tpu.vector_load %arg9[%swap3A_668, %swap3A_669] {strides = array<i32>} : memref<16x128xf32, #tpu.memory_space<vmem>>, vector<1x16xf32>,
    %swap3A_671 = vector.shape_cast %swap3A_670 : vector<1x16xf32> to vector<16xf32>
    %swap3A_672 = vector.shape_cast %broadcast_in_dim3A_1 : vector<16xf32> to vector<1x16xf32>
    tpu.vector_store %arg9[%swap3A_668, %swap3A_669], %swap3A_672 {strides = array<i32>} : memref<16x128xf32, #tpu.memory_space<vmem>>, vector<1x16xf32>,
    %swap3A_673 = arith.constant 14 : i32
    %swap3A_674 = arith.index_cast %swap3A_673 : i32 to index
    %swap3A_675 = arith.constant 0 : index
    %swap3A_676 = tpu.vector_load %arg9[%swap3A_674, %swap3A_675] {strides = array<i32>} : memref<16x128xf32, #tpu.memory_space<vmem>>, vector<1x16xf32>,
    %swap3A_677 = vector.shape_cast %swap3A_676 : vector<1x16xf32> to vector<16xf32>
    %swap3A_678 = vector.shape_cast %broadcast_in_dim3A_1 : vector<16xf32> to vector<1x16xf32>
    tpu.vector_store %arg9[%swap3A_674, %swap3A_675], %swap3A_678 {strides = array<i32>} : memref<16x128xf32, #tpu.memory_space<vmem>>, vector<1x16xf32>,
    %swap3A_679 = arith.constant 14 : i32
    %swap3A_680 = arith.index_cast %swap3A_679 : i32 to index
    %swap3A_681 = arith.constant 16 : index
    %swap3A_682 = tpu.vector_load %arg9[%swap3A_680, %swap3A_681] {strides = array<i32>} : memref<16x128xf32, #tpu.memory_space<vmem>>, vector<1x16xf32>,
    %swap3A_683 = vector.shape_cast %swap3A_682 : vector<1x16xf32> to vector<16xf32>
    %swap3A_684 = vector.shape_cast %broadcast_in_dim3A_1 : vector<16xf32> to vector<1x16xf32>
    tpu.vector_store %arg9[%swap3A_680, %swap3A_681], %swap3A_684 {strides = array<i32>} : memref<16x128xf32, #tpu.memory_space<vmem>>, vector<1x16xf32>,
    %swap3A_685 = arith.constant 14 : i32
    %swap3A_686 = arith.index_cast %swap3A_685 : i32 to index
    %swap3A_687 = arith.constant 32 : index
    %swap3A_688 = tpu.vector_load %arg9[%swap3A_686, %swap3A_687] {strides = array<i32>} : memref<16x128xf32, #tpu.memory_space<vmem>>, vector<1x16xf32>,
    %swap3A_689 = vector.shape_cast %swap3A_688 : vector<1x16xf32> to vector<16xf32>
    %swap3A_690 = vector.shape_cast %broadcast_in_dim3A_1 : vector<16xf32> to vector<1x16xf32>
    tpu.vector_store %arg9[%swap3A_686, %swap3A_687], %swap3A_690 {strides = array<i32>} : memref<16x128xf32, #tpu.memory_space<vmem>>, vector<1x16xf32>,
    %swap3A_691 = arith.constant 14 : i32
    %swap3A_692 = arith.index_cast %swap3A_691 : i32 to index
    %swap3A_693 = arith.constant 48 : index
    %swap3A_694 = tpu.vector_load %arg9[%swap3A_692, %swap3A_693] {strides = array<i32>} : memref<16x128xf32, #tpu.memory_space<vmem>>, vector<1x16xf32>,
    %swap3A_695 = vector.shape_cast %swap3A_694 : vector<1x16xf32> to vector<16xf32>
    %swap3A_696 = vector.shape_cast %broadcast_in_dim3A_1 : vector<16xf32> to vector<1x16xf32>
    tpu.vector_store %arg9[%swap3A_692, %swap3A_693], %swap3A_696 {strides = array<i32>} : memref<16x128xf32, #tpu.memory_space<vmem>>, vector<1x16xf32>,
    %swap3A_697 = arith.constant 14 : i32
    %swap3A_698 = arith.index_cast %swap3A_697 : i32 to index
    %swap3A_699 = arith.constant 64 : index
    %swap3A_700 = tpu.vector_load %arg9[%swap3A_698, %swap3A_699] {strides = array<i32>} : memref<16x128xf32, #tpu.memory_space<vmem>>, vector<1x16xf32>,
    %swap3A_701 = vector.shape_cast %swap3A_700 : vector<1x16xf32> to vector<16xf32>
    %swap3A_702 = vector.shape_cast %broadcast_in_dim3A_1 : vector<16xf32> to vector<1x16xf32>
    tpu.vector_store %arg9[%swap3A_698, %swap3A_699], %swap3A_702 {strides = array<i32>} : memref<16x128xf32, #tpu.memory_space<vmem>>, vector<1x16xf32>,
    %swap3A_703 = arith.constant 14 : i32
    %swap3A_704 = arith.index_cast %swap3A_703 : i32 to index
    %swap3A_705 = arith.constant 80 : index
    %swap3A_706 = tpu.vector_load %arg9[%swap3A_704, %swap3A_705] {strides = array<i32>} : memref<16x128xf32, #tpu.memory_space<vmem>>, vector<1x16xf32>,
    %swap3A_707 = vector.shape_cast %swap3A_706 : vector<1x16xf32> to vector<16xf32>
    %swap3A_708 = vector.shape_cast %broadcast_in_dim3A_1 : vector<16xf32> to vector<1x16xf32>
    tpu.vector_store %arg9[%swap3A_704, %swap3A_705], %swap3A_708 {strides = array<i32>} : memref<16x128xf32, #tpu.memory_space<vmem>>, vector<1x16xf32>,
    %swap3A_709 = arith.constant 14 : i32
    %swap3A_710 = arith.index_cast %swap3A_709 : i32 to index
    %swap3A_711 = arith.constant 96 : index
    %swap3A_712 = tpu.vector_load %arg9[%swap3A_710, %swap3A_711] {strides = array<i32>} : memref<16x128xf32, #tpu.memory_space<vmem>>, vector<1x16xf32>,
    %swap3A_713 = vector.shape_cast %swap3A_712 : vector<1x16xf32> to vector<16xf32>
    %swap3A_714 = vector.shape_cast %broadcast_in_dim3A_1 : vector<16xf32> to vector<1x16xf32>
    tpu.vector_store %arg9[%swap3A_710, %swap3A_711], %swap3A_714 {strides = array<i32>} : memref<16x128xf32, #tpu.memory_space<vmem>>, vector<1x16xf32>,
    %swap3A_715 = arith.constant 14 : i32
    %swap3A_716 = arith.index_cast %swap3A_715 : i32 to index
    %swap3A_717 = arith.constant 112 : index
    %swap3A_718 = tpu.vector_load %arg9[%swap3A_716, %swap3A_717] {strides = array<i32>} : memref<16x128xf32, #tpu.memory_space<vmem>>, vector<1x16xf32>,
    %swap3A_719 = vector.shape_cast %swap3A_718 : vector<1x16xf32> to vector<16xf32>
    %swap3A_720 = vector.shape_cast %broadcast_in_dim3A_1 : vector<16xf32> to vector<1x16xf32>
    tpu.vector_store %arg9[%swap3A_716, %swap3A_717], %swap3A_720 {strides = array<i32>} : memref<16x128xf32, #tpu.memory_space<vmem>>, vector<1x16xf32>,
    %swap3A_721 = arith.constant 15 : i32
    %swap3A_722 = arith.index_cast %swap3A_721 : i32 to index
    %swap3A_723 = arith.constant 0 : index
    %swap3A_724 = tpu.vector_load %arg9[%swap3A_722, %swap3A_723] {strides = array<i32>} : memref<16x128xf32, #tpu.memory_space<vmem>>, vector<1x16xf32>,
    %swap3A_725 = vector.shape_cast %swap3A_724 : vector<1x16xf32> to vector<16xf32>
    %swap3A_726 = vector.shape_cast %broadcast_in_dim3A_1 : vector<16xf32> to vector<1x16xf32>
    tpu.vector_store %arg9[%swap3A_722, %swap3A_723], %swap3A_726 {strides = array<i32>} : memref<16x128xf32, #tpu.memory_space<vmem>>, vector<1x16xf32>,
    %swap3A_727 = arith.constant 15 : i32
    %swap3A_728 = arith.index_cast %swap3A_727 : i32 to index
    %swap3A_729 = arith.constant 16 : index
    %swap3A_730 = tpu.vector_load %arg9[%swap3A_728, %swap3A_729] {strides = array<i32>} : memref<16x128xf32, #tpu.memory_space<vmem>>, vector<1x16xf32>,
    %swap3A_731 = vector.shape_cast %swap3A_730 : vector<1x16xf32> to vector<16xf32>
    %swap3A_732 = vector.shape_cast %broadcast_in_dim3A_1 : vector<16xf32> to vector<1x16xf32>
    tpu.vector_store %arg9[%swap3A_728, %swap3A_729], %swap3A_732 {strides = array<i32>} : memref<16x128xf32, #tpu.memory_space<vmem>>, vector<1x16xf32>,
    %swap3A_733 = arith.constant 15 : i32
    %swap3A_734 = arith.index_cast %swap3A_733 : i32 to index
    %swap3A_735 = arith.constant 32 : index
    %swap3A_736 = tpu.vector_load %arg9[%swap3A_734, %swap3A_735] {strides = array<i32>} : memref<16x128xf32, #tpu.memory_space<vmem>>, vector<1x16xf32>,
    %swap3A_737 = vector.shape_cast %swap3A_736 : vector<1x16xf32> to vector<16xf32>
    %swap3A_738 = vector.shape_cast %broadcast_in_dim3A_1 : vector<16xf32> to vector<1x16xf32>
    tpu.vector_store %arg9[%swap3A_734, %swap3A_735], %swap3A_738 {strides = array<i32>} : memref<16x128xf32, #tpu.memory_space<vmem>>, vector<1x16xf32>,
    %swap3A_739 = arith.constant 15 : i32
    %swap3A_740 = arith.index_cast %swap3A_739 : i32 to index
    %swap3A_741 = arith.constant 48 : index
    %swap3A_742 = tpu.vector_load %arg9[%swap3A_740, %swap3A_741] {strides = array<i32>} : memref<16x128xf32, #tpu.memory_space<vmem>>, vector<1x16xf32>,
    %swap3A_743 = vector.shape_cast %swap3A_742 : vector<1x16xf32> to vector<16xf32>
    %swap3A_744 = vector.shape_cast %broadcast_in_dim3A_1 : vector<16xf32> to vector<1x16xf32>
    tpu.vector_store %arg9[%swap3A_740, %swap3A_741], %swap3A_744 {strides = array<i32>} : memref<16x128xf32, #tpu.memory_space<vmem>>, vector<1x16xf32>,
    %swap3A_745 = arith.constant 15 : i32
    %swap3A_746 = arith.index_cast %swap3A_745 : i32 to index
    %swap3A_747 = arith.constant 64 : index
    %swap3A_748 = tpu.vector_load %arg9[%swap3A_746, %swap3A_747] {strides = array<i32>} : memref<16x128xf32, #tpu.memory_space<vmem>>, vector<1x16xf32>,
    %swap3A_749 = vector.shape_cast %swap3A_748 : vector<1x16xf32> to vector<16xf32>
    %swap3A_750 = vector.shape_cast %broadcast_in_dim3A_1 : vector<16xf32> to vector<1x16xf32>
    tpu.vector_store %arg9[%swap3A_746, %swap3A_747], %swap3A_750 {strides = array<i32>} : memref<16x128xf32, #tpu.memory_space<vmem>>, vector<1x16xf32>,
    %swap3A_751 = arith.constant 15 : i32
    %swap3A_752 = arith.index_cast %swap3A_751 : i32 to index
    %swap3A_753 = arith.constant 80 : index
    %swap3A_754 = tpu.vector_load %arg9[%swap3A_752, %swap3A_753] {strides = array<i32>} : memref<16x128xf32, #tpu.memory_space<vmem>>, vector<1x16xf32>,
    %swap3A_755 = vector.shape_cast %swap3A_754 : vector<1x16xf32> to vector<16xf32>
    %swap3A_756 = vector.shape_cast %broadcast_in_dim3A_1 : vector<16xf32> to vector<1x16xf32>
    tpu.vector_store %arg9[%swap3A_752, %swap3A_753], %swap3A_756 {strides = array<i32>} : memref<16x128xf32, #tpu.memory_space<vmem>>, vector<1x16xf32>,
    %swap3A_757 = arith.constant 15 : i32
    %swap3A_758 = arith.index_cast %swap3A_757 : i32 to index
    %swap3A_759 = arith.constant 96 : index
    %swap3A_760 = tpu.vector_load %arg9[%swap3A_758, %swap3A_759] {strides = array<i32>} : memref<16x128xf32, #tpu.memory_space<vmem>>, vector<1x16xf32>,
    %swap3A_761 = vector.shape_cast %swap3A_760 : vector<1x16xf32> to vector<16xf32>
    %swap3A_762 = vector.shape_cast %broadcast_in_dim3A_1 : vector<16xf32> to vector<1x16xf32>
    tpu.vector_store %arg9[%swap3A_758, %swap3A_759], %swap3A_762 {strides = array<i32>} : memref<16x128xf32, #tpu.memory_space<vmem>>, vector<1x16xf32>,
    %swap3A_763 = arith.constant 15 : i32
    %swap3A_764 = arith.index_cast %swap3A_763 : i32 to index
    %swap3A_765 = arith.constant 112 : index
    %swap3A_766 = tpu.vector_load %arg9[%swap3A_764, %swap3A_765] {strides = array<i32>} : memref<16x128xf32, #tpu.memory_space<vmem>>, vector<1x16xf32>,
    %swap3A_767 = vector.shape_cast %swap3A_766 : vector<1x16xf32> to vector<16xf32>
    %swap3A_768 = vector.shape_cast %broadcast_in_dim3A_1 : vector<16xf32> to vector<1x16xf32>
    tpu.vector_store %arg9[%swap3A_764, %swap3A_765], %swap3A_768 {strides = array<i32>} : memref<16x128xf32, #tpu.memory_space<vmem>>, vector<1x16xf32>,
    %mul3A_769 = arith.constant 640 : i32
    %mul3A_770 = arith.muli %arg1, %mul3A_769 : i32
    %scan3A = arith.constant 0 : i32
    %scan3A_771 = arith.constant 0 : i32
    %scan3A_772 = arith.constant 40 : i32
    %scan3A_773 = arith.addi %scan3A_771, %scan3A_772 : i32
    %scan3A_774 = arith.constant 1 : i32
    scf.for %scan3A_788 = %scan3A_771 to %scan3A_773 step %scan3A_774  : i32 {
      %mul3A_789 = arith.constant 16 : i32
      %mul3A_790 = arith.muli %scan3A_788, %mul3A_789 : i32
      %add3A_791 = arith.addi %mul3A_770, %mul3A_790 : i32
      "tpu.region"() ({
        %run_scoped3A = tpu.sem_alloc : memref<!tpu.dma_semaphore, #tpu.memory_space<semaphore_mem>>
        %dma_start3A = arith.constant 0 : i32
        %dma_start3A_792 = tpu.memref_slice %arg10[%add3A_791, %dma_start3A] : memref<10240x128xf32, #tpu.memory_space<vmem_shared>> -> memref<16x128xf32, #tpu.memory_space<vmem_shared>>
        %dma_start3A_793 = arith.constant 0 : i32
        %dma_start3A_794 = tpu.memref_slice %arg10[%add3A_791, %dma_start3A_793] : memref<10240x128xf32, #tpu.memory_space<vmem_shared>> -> memref<16x128xf32, #tpu.memory_space<vmem_shared>>
        tpu.enqueue_dma source(%arg9 : memref<16x128xf32, #tpu.memory_space<vmem>>) target(%dma_start3A_794 : memref<16x128xf32, #tpu.memory_space<vmem_shared>>) target_semaphore(%run_scoped3A : memref<!tpu.dma_semaphore, #tpu.memory_space<semaphore_mem>>)
        %dma_wait3A = arith.constant 0 : i32
        %dma_wait3A_795 = tpu.memref_slice %arg10[%add3A_791, %dma_wait3A] : memref<10240x128xf32, #tpu.memory_space<vmem_shared>> -> memref<16x128xf32, #tpu.memory_space<vmem_shared>>
        %dma_wait3A_796 = arith.constant 0 : i32
        %dma_wait3A_797 = tpu.memref_slice %arg10[%add3A_791, %dma_wait3A_796] : memref<10240x128xf32, #tpu.memory_space<vmem_shared>> -> memref<16x128xf32, #tpu.memory_space<vmem_shared>>
        tpu.wait_dma2 semaphore(%run_scoped3A : memref<!tpu.dma_semaphore, #tpu.memory_space<semaphore_mem>>) src(%arg9 : memref<16x128xf32, #tpu.memory_space<vmem>>) dst(%dma_wait3A_797 : memref<16x128xf32, #tpu.memory_space<vmem_shared>>)
        tpu.yield
      }) : () -> ()
    }
    %scan3A_775 = arith.constant 40 : i32
    %barrier3A = arith.constant 0 : index
    tpu.barrier barrier_id(%barrier3A)
    %mul3A_776 = arith.constant 80 : i32
    %mul3A_777 = arith.muli %add3A, %mul3A_776 : i32
    "tpu.region"() ({
      %run_scoped3A = tpu.sem_alloc : memref<!tpu.dma_semaphore, #tpu.memory_space<semaphore_mem>>
      %dma_start3A = arith.constant 0 : i32
      %dma_start3A_788 = tpu.memref_slice %arg3[%mul3A_777, %dma_start3A] : memref<2560x128xi32, #tpu.memory_space<hbm>> -> memref<80x128xi32, #tpu.memory_space<hbm>>
      %dma_start3A_789 = arith.constant 0 : i32
      %dma_start3A_790 = tpu.memref_slice %arg3[%mul3A_777, %dma_start3A_789] : memref<2560x128xi32, #tpu.memory_space<hbm>> -> memref<80x128xi32, #tpu.memory_space<hbm>>
      tpu.enqueue_dma source(%dma_start3A_790 : memref<80x128xi32, #tpu.memory_space<hbm>>) target(%arg6 : memref<80x128xi32, #tpu.memory_space<vmem>>) target_semaphore(%run_scoped3A : memref<!tpu.dma_semaphore, #tpu.memory_space<semaphore_mem>>)
      %dma_wait3A = arith.constant 0 : i32
      %dma_wait3A_791 = tpu.memref_slice %arg3[%mul3A_777, %dma_wait3A] : memref<2560x128xi32, #tpu.memory_space<hbm>> -> memref<80x128xi32, #tpu.memory_space<hbm>>
      %dma_wait3A_792 = arith.constant 0 : i32
      %dma_wait3A_793 = tpu.memref_slice %arg3[%mul3A_777, %dma_wait3A_792] : memref<2560x128xi32, #tpu.memory_space<hbm>> -> memref<80x128xi32, #tpu.memory_space<hbm>>
      tpu.wait_dma2 semaphore(%run_scoped3A : memref<!tpu.dma_semaphore, #tpu.memory_space<semaphore_mem>>) src(%dma_wait3A_793 : memref<80x128xi32, #tpu.memory_space<hbm>>) dst(%arg6 : memref<80x128xi32, #tpu.memory_space<vmem>>)
      tpu.yield
    }) : () -> ()
    "tpu.region"() ({
      %run_scoped3A = tpu.sem_alloc : memref<!tpu.dma_semaphore, #tpu.memory_space<semaphore_mem>>
      %dma_start3A = arith.constant 0 : i32
      %dma_start3A_788 = tpu.memref_slice %arg4[%mul3A_777, %dma_start3A] : memref<2560x128xi32, #tpu.memory_space<hbm>> -> memref<80x128xi32, #tpu.memory_space<hbm>>
      %dma_start3A_789 = arith.constant 0 : i32
      %dma_start3A_790 = tpu.memref_slice %arg4[%mul3A_777, %dma_start3A_789] : memref<2560x128xi32, #tpu.memory_space<hbm>> -> memref<80x128xi32, #tpu.memory_space<hbm>>
      tpu.enqueue_dma source(%dma_start3A_790 : memref<80x128xi32, #tpu.memory_space<hbm>>) target(%arg7 : memref<80x128xi32, #tpu.memory_space<vmem>>) target_semaphore(%run_scoped3A : memref<!tpu.dma_semaphore, #tpu.memory_space<semaphore_mem>>)
      %dma_wait3A = arith.constant 0 : i32
      %dma_wait3A_791 = tpu.memref_slice %arg4[%mul3A_777, %dma_wait3A] : memref<2560x128xi32, #tpu.memory_space<hbm>> -> memref<80x128xi32, #tpu.memory_space<hbm>>
      %dma_wait3A_792 = arith.constant 0 : i32
      %dma_wait3A_793 = tpu.memref_slice %arg4[%mul3A_777, %dma_wait3A_792] : memref<2560x128xi32, #tpu.memory_space<hbm>> -> memref<80x128xi32, #tpu.memory_space<hbm>>
      tpu.wait_dma2 semaphore(%run_scoped3A : memref<!tpu.dma_semaphore, #tpu.memory_space<semaphore_mem>>) src(%dma_wait3A_793 : memref<80x128xi32, #tpu.memory_space<hbm>>) dst(%arg7 : memref<80x128xi32, #tpu.memory_space<vmem>>)
      tpu.yield
    }) : () -> ()
    %scan3A_778 = arith.constant 0 : i32
    %scan3A_779 = arith.constant 0 : i32
    %scan3A_780 = arith.constant 80 : i32
    %scan3A_781 = arith.addi %scan3A_779, %scan3A_780 : i32
    %scan3A_782 = arith.constant 1 : i32
    scf.for %scan3A_788 = %scan3A_779 to %scan3A_781 step %scan3A_782  : i32 {
      %dma_start3A = arith.constant 0 : i32
      %dma_start3A_789 = tpu.memref_slice %arg6[%scan3A_788, %dma_start3A] : memref<80x128xi32, #tpu.memory_space<vmem>> -> memref<1x128xi32, #tpu.memory_space<vmem>>
      %dma_start3A_790 = tpu.memref_squeeze %dma_start3A_789 : memref<1x128xi32, #tpu.memory_space<vmem>> -> memref<128xi32, #tpu.memory_space<vmem>>
      %dma_start3A_791 = arith.constant 0 : i32
      %dma_start3A_792 = arith.constant 0 : i32
      %dma_start3A_793 = tpu.memref_slice %arg2[%dma_start3A_791, %dma_start3A_792] : memref<10000x128xf32, #tpu.memory_space<hbm>> -> memref<10000x128xf32, #tpu.memory_space<hbm>>
      tpu.enqueue_indirect_dma source(%dma_start3A_793 : memref<10000x128xf32, #tpu.memory_space<hbm>>) target(%arg8 : memref<128x128xf32, #tpu.memory_space<vmem>>) offsets(%dma_start3A_790 : memref<128xi32, #tpu.memory_space<vmem>>) semaphore(%arg11 : memref<!tpu.dma_semaphore, #tpu.memory_space<semaphore_mem>>)
      %dma_wait3A = arith.constant 0 : i32
      %dma_wait3A_794 = tpu.memref_slice %arg6[%scan3A_788, %dma_wait3A] : memref<80x128xi32, #tpu.memory_space<vmem>> -> memref<1x128xi32, #tpu.memory_space<vmem>>
      %dma_wait3A_795 = tpu.memref_squeeze %dma_wait3A_794 : memref<1x128xi32, #tpu.memory_space<vmem>> -> memref<128xi32, #tpu.memory_space<vmem>>
      %dma_wait3A_796 = arith.constant 0 : i32
      %dma_wait3A_797 = arith.constant 0 : i32
      %dma_wait3A_798 = tpu.memref_slice %arg2[%dma_wait3A_796, %dma_wait3A_797] : memref<10000x128xf32, #tpu.memory_space<hbm>> -> memref<10000x128xf32, #tpu.memory_space<hbm>>
      tpu.wait_indirect_dma semaphore(%arg11 : memref<!tpu.dma_semaphore, #tpu.memory_space<semaphore_mem>>) src(%dma_wait3A_798 : memref<10000x128xf32, #tpu.memory_space<hbm>>) dst(%arg8 : memref<128x128xf32, #tpu.memory_space<vmem>>)
      "tpu.region"() ({
        %run_scoped3A = tpu.sem_alloc : memref<!tpu.dma_semaphore, #tpu.memory_space<semaphore_mem>>
        %dma_start3A_799 = arith.constant 0 : i32
        %dma_start3A_800 = tpu.memref_slice %arg7[%scan3A_788, %dma_start3A_799] : memref<80x128xi32, #tpu.memory_space<vmem>> -> memref<1x128xi32, #tpu.memory_space<vmem>>
        %dma_start3A_801 = tpu.memref_squeeze %dma_start3A_800 : memref<1x128xi32, #tpu.memory_space<vmem>> -> memref<128xi32, #tpu.memory_space<vmem>>
        %dma_start3A_802 = arith.constant 0 : i32
        %dma_start3A_803 = arith.constant 0 : i32
        %dma_start3A_804 = tpu.memref_slice %arg10[%dma_start3A_802, %dma_start3A_803] : memref<10240x128xf32, #tpu.memory_space<vmem_shared>> -> memref<10240x128xf32, #tpu.memory_space<vmem_shared>>
        tpu.enqueue_indirect_dma source(%arg8 : memref<128x128xf32, #tpu.memory_space<vmem>>) target(%dma_start3A_804 : memref<10240x128xf32, #tpu.memory_space<vmem_shared>>) offsets(%dma_start3A_801 : memref<128xi32, #tpu.memory_space<vmem>>) semaphore(%run_scoped3A : memref<!tpu.dma_semaphore, #tpu.memory_space<semaphore_mem>>) {add = true}
        %dma_wait3A_805 = arith.constant 0 : i32
        %dma_wait3A_806 = tpu.memref_slice %arg7[%scan3A_788, %dma_wait3A_805] : memref<80x128xi32, #tpu.memory_space<vmem>> -> memref<1x128xi32, #tpu.memory_space<vmem>>
        %dma_wait3A_807 = tpu.memref_squeeze %dma_wait3A_806 : memref<1x128xi32, #tpu.memory_space<vmem>> -> memref<128xi32, #tpu.memory_space<vmem>>
        %dma_wait3A_808 = arith.constant 0 : i32
        %dma_wait3A_809 = arith.constant 0 : i32
        %dma_wait3A_810 = tpu.memref_slice %arg10[%dma_wait3A_808, %dma_wait3A_809] : memref<10240x128xf32, #tpu.memory_space<vmem_shared>> -> memref<10240x128xf32, #tpu.memory_space<vmem_shared>>
        tpu.wait_indirect_dma semaphore(%run_scoped3A : memref<!tpu.dma_semaphore, #tpu.memory_space<semaphore_mem>>) src(%arg8 : memref<128x128xf32, #tpu.memory_space<vmem>>) dst(%dma_wait3A_810 : memref<10240x128xf32, #tpu.memory_space<vmem_shared>>)
        tpu.yield
      }) : () -> ()
    }
    %scan3A_783 = arith.constant 80 : i32
    %barrier3A_784 = arith.constant 0 : index
    tpu.barrier barrier_id(%barrier3A_784)
    %mul3A_785 = arith.constant 10240 : i32
    %mul3A_786 = arith.muli %arg0, %mul3A_785 : i32
    %add3A_787 = arith.addi %mul3A_786, %mul3A_770 : i32
    "tpu.region"() ({
      %run_scoped3A = tpu.sem_alloc : memref<!tpu.dma_semaphore, #tpu.memory_space<semaphore_mem>>
      %dma_start3A = arith.constant 0 : i32
      %dma_start3A_788 = tpu.memref_slice %arg5[%add3A_787, %dma_start3A] : memref<20480x128xf32, #tpu.memory_space<hbm>> -> memref<640x128xf32, #tpu.memory_space<hbm>>
      %dma_start3A_789 = arith.constant 0 : i32
      %dma_start3A_790 = tpu.memref_slice %arg10[%mul3A_770, %dma_start3A_789] : memref<10240x128xf32, #tpu.memory_space<vmem_shared>> -> memref<640x128xf32, #tpu.memory_space<vmem_shared>>
      tpu.enqueue_dma source(%dma_start3A_790 : memref<640x128xf32, #tpu.memory_space<vmem_shared>>) target(%dma_start3A_788 : memref<640x128xf32, #tpu.memory_space<hbm>>) target_semaphore(%run_scoped3A : memref<!tpu.dma_semaphore, #tpu.memory_space<semaphore_mem>>)
      %dma_wait3A = arith.constant 0 : i32
      %dma_wait3A_791 = tpu.memref_slice %arg5[%add3A_787, %dma_wait3A] : memref<20480x128xf32, #tpu.memory_space<hbm>> -> memref<640x128xf32, #tpu.memory_space<hbm>>
      %dma_wait3A_792 = arith.constant 0 : i32
      %dma_wait3A_793 = tpu.memref_slice %arg10[%mul3A_770, %dma_wait3A_792] : memref<10240x128xf32, #tpu.memory_space<vmem_shared>> -> memref<640x128xf32, #tpu.memory_space<vmem_shared>>
      tpu.wait_dma2 semaphore(%run_scoped3A : memref<!tpu.dma_semaphore, #tpu.memory_space<semaphore_mem>>) src(%dma_wait3A_793 : memref<640x128xf32, #tpu.memory_space<vmem_shared>>) dst(%dma_wait3A_791 : memref<640x128xf32, #tpu.memory_space<hbm>>)
      tpu.yield
    }) : () -> ()
    return
  }
}

module attributes {stable_mosaic.version = 14 : i64} {
  func.func @_mlp_body(%arg0: i32, %arg1: memref<1000x128xf32, #tpu.memory_space<vmem>>, %arg2: memref<1000x128xf32, #tpu.memory_space<vmem>>, %arg3: memref<1000x128xf32, #tpu.memory_space<vmem>>, %arg4: memref<128x128xf32, #tpu.memory_space<vmem>>, %arg5: memref<1x128xf32, #tpu.memory_space<vmem>>, %arg6: memref<128x128xf32, #tpu.memory_space<vmem>>, %arg7: memref<1x128xf32, #tpu.memory_space<vmem>>, %arg8: memref<1000x128xf32, #tpu.memory_space<vmem>>) attributes {dimension_semantics = [#tpu.dimension_semantics<arbitrary>], iteration_bounds = array<i64: 10>, scalar_prefetch = 0 : i64, scratch_operands = 0 : i64, tpu.core_type = #tpu.core_type<tc>, window_params = [{transform_indices = @transform_0, window_bounds = array<i64: 1000, 128>}, {transform_indices = @transform_1, window_bounds = array<i64: 1000, 128>}, {transform_indices = @transform_2, window_bounds = array<i64: 1000, 128>}, {pipeline_mode = #tpu.pipeline_mode<synchronous>, transform_indices = @transform_3, window_bounds = array<i64: 128, 128>}, {pipeline_mode = #tpu.pipeline_mode<synchronous>, transform_indices = @transform_4, window_bounds = array<i64: 1, 128>}, {pipeline_mode = #tpu.pipeline_mode<synchronous>, transform_indices = @transform_5, window_bounds = array<i64: 128, 128>}, {pipeline_mode = #tpu.pipeline_mode<synchronous>, transform_indices = @transform_6, window_bounds = array<i64: 1, 128>}, {transform_indices = @transform_7, window_bounds = array<i64: 1000, 128>}]} {
    %get3A = arith.constant 0 : index
    %get3A_0 = arith.constant 0 : index
    %get3A_1 = vector.load %arg1[%get3A, %get3A_0] : memref<1000x128xf32, #tpu.memory_space<vmem>>, vector<1000x128xf32>
    %get3A_2 = arith.constant 0 : index
    %get3A_3 = arith.constant 0 : index
    %get3A_4 = vector.load %arg2[%get3A_2, %get3A_3] : memref<1000x128xf32, #tpu.memory_space<vmem>>, vector<1000x128xf32>
    %add3A = arith.addf %get3A_1, %get3A_4 : vector<1000x128xf32>
    %get3A_5 = arith.constant 0 : index
    %get3A_6 = arith.constant 0 : index
    %get3A_7 = vector.load %arg3[%get3A_5, %get3A_6] : memref<1000x128xf32, #tpu.memory_space<vmem>>, vector<1000x128xf32>
    %add3A_8 = arith.addf %add3A, %get3A_7 : vector<1000x128xf32>
    %get3A_9 = arith.constant 0 : index
    %get3A_10 = arith.constant 0 : index
    %get3A_11 = vector.load %arg4[%get3A_9, %get3A_10] : memref<128x128xf32, #tpu.memory_space<vmem>>, vector<128x128xf32>
    %dot_general3A = arith.constant dense<0.000000e+00> : vector<1000x128xf32>
    %dot_general3A_12 = tpu.matmul %add3A_8, %get3A_11, %dot_general3A {dimension_numbers = #tpu.dot_dimension_numbers<[1], [0], [0], [1], [0, 0, 1, 1], [], []>, transpose_lhs_hint = false} : vector<1000x128xf32>, vector<128x128xf32>, vector<1000x128xf32> -> vector<1000x128xf32>
    %get3A_13 = arith.constant 0 : index
    %get3A_14 = arith.constant 0 : index
    %get3A_15 = vector.load %arg5[%get3A_13, %get3A_14] : memref<1x128xf32, #tpu.memory_space<vmem>>, vector<1x128xf32>
    %add3A_16 = vector.broadcast %get3A_15 : vector<1x128xf32> to vector<1000x128xf32>
    %add3A_17 = arith.addf %dot_general3A_12, %add3A_16 : vector<1000x128xf32>
    %max3A = arith.constant 0.000000e+00 : f32
    %max3A_18 = vector.broadcast %max3A : f32 to vector<1000x128xf32>
    %max3A_19 = arith.maximumf %add3A_17, %max3A_18 : vector<1000x128xf32>
    %get3A_20 = arith.constant 0 : index
    %get3A_21 = arith.constant 0 : index
    %get3A_22 = vector.load %arg6[%get3A_20, %get3A_21] : memref<128x128xf32, #tpu.memory_space<vmem>>, vector<128x128xf32>
    %dot_general3A_23 = arith.constant dense<0.000000e+00> : vector<1000x128xf32>
    %dot_general3A_24 = tpu.matmul %max3A_19, %get3A_22, %dot_general3A_23 {dimension_numbers = #tpu.dot_dimension_numbers<[1], [0], [0], [1], [0, 0, 1, 1], [], []>, transpose_lhs_hint = false} : vector<1000x128xf32>, vector<128x128xf32>, vector<1000x128xf32> -> vector<1000x128xf32>
    %get3A_25 = arith.constant 0 : index
    %get3A_26 = arith.constant 0 : index
    %get3A_27 = vector.load %arg7[%get3A_25, %get3A_26] : memref<1x128xf32, #tpu.memory_space<vmem>>, vector<1x128xf32>
    %add3A_28 = vector.broadcast %get3A_27 : vector<1x128xf32> to vector<1000x128xf32>
    %add3A_29 = arith.addf %dot_general3A_24, %add3A_28 : vector<1000x128xf32>
    %max3A_30 = arith.constant 0.000000e+00 : f32
    %max3A_31 = vector.broadcast %max3A_30 : f32 to vector<1000x128xf32>
    %max3A_32 = arith.maximumf %add3A_29, %max3A_31 : vector<1000x128xf32>
    %swap3A = arith.constant 0 : index
    %swap3A_33 = arith.constant 0 : index
    %swap3A_34 = vector.load %arg8[%swap3A, %swap3A_33] : memref<1000x128xf32, #tpu.memory_space<vmem>>, vector<1000x128xf32>
    tpu.vector_store %arg8[%swap3A, %swap3A_33], %max3A_32 {strides = array<i32>} : memref<1000x128xf32, #tpu.memory_space<vmem>>, vector<1000x128xf32>,
    return
  }
  func.func @transform_0(%arg0: i32) -> (i32, i32) {
    %c0_i32 = arith.constant 0 : i32
    %c0_i32_0 = arith.constant 0 : i32
    return %arg0, %c0_i32 : i32, i32
  }
  func.func @transform_1(%arg0: i32) -> (i32, i32) {
    %c0_i32 = arith.constant 0 : i32
    %c0_i32_0 = arith.constant 0 : i32
    return %arg0, %c0_i32 : i32, i32
  }
  func.func @transform_2(%arg0: i32) -> (i32, i32) {
    %c0_i32 = arith.constant 0 : i32
    %c0_i32_0 = arith.constant 0 : i32
    return %arg0, %c0_i32 : i32, i32
  }
  func.func @transform_3(%arg0: i32) -> (i32, i32) {
    %c0_i32 = arith.constant 0 : i32
    %c0_i32_0 = arith.constant 0 : i32
    %c0_i32_1 = arith.constant 0 : i32
    return %c0_i32, %c0_i32_0 : i32, i32
  }
  func.func @transform_4(%arg0: i32) -> (i32, i32) {
    %c0_i32 = arith.constant 0 : i32
    %c0_i32_0 = arith.constant 0 : i32
    %c0_i32_1 = arith.constant 0 : i32
    return %c0_i32, %c0_i32_0 : i32, i32
  }
  func.func @transform_5(%arg0: i32) -> (i32, i32) {
    %c0_i32 = arith.constant 0 : i32
    %c0_i32_0 = arith.constant 0 : i32
    %c0_i32_1 = arith.constant 0 : i32
    return %c0_i32, %c0_i32_0 : i32, i32
  }
  func.func @transform_6(%arg0: i32) -> (i32, i32) {
    %c0_i32 = arith.constant 0 : i32
    %c0_i32_0 = arith.constant 0 : i32
    %c0_i32_1 = arith.constant 0 : i32
    return %c0_i32, %c0_i32_0 : i32, i32
  }
  func.func @transform_7(%arg0: i32) -> (i32, i32) {
    %c0_i32 = arith.constant 0 : i32
    %c0_i32_0 = arith.constant 0 : i32
    return %arg0, %c0_i32 : i32, i32
  }
}

module attributes {stable_mosaic.version = 14 : i64} {
  func.func @_mlp_body(%arg0: i32, %arg1: memref<1000x128xf32, #tpu.memory_space<vmem>>, %arg2: memref<1000x128xf32, #tpu.memory_space<vmem>>, %arg3: memref<1000x128xf32, #tpu.memory_space<vmem>>, %arg4: memref<128x128xf32, #tpu.memory_space<vmem>>, %arg5: memref<1x128xf32, #tpu.memory_space<vmem>>, %arg6: memref<128x128xf32, #tpu.memory_space<vmem>>, %arg7: memref<1x128xf32, #tpu.memory_space<vmem>>, %arg8: memref<1000x256xf32, #tpu.memory_space<vmem>>) attributes {dimension_semantics = [#tpu.dimension_semantics<arbitrary>], iteration_bounds = array<i64: 10>, scalar_prefetch = 0 : i64, scratch_operands = 0 : i64, tpu.core_type = #tpu.core_type<tc>, window_params = [{transform_indices = @transform_0, window_bounds = array<i64: 1000, 128>}, {transform_indices = @transform_1, window_bounds = array<i64: 1000, 128>}, {transform_indices = @transform_2, window_bounds = array<i64: 1000, 128>}, {pipeline_mode = #tpu.pipeline_mode<synchronous>, transform_indices = @transform_3, window_bounds = array<i64: 128, 128>}, {pipeline_mode = #tpu.pipeline_mode<synchronous>, transform_indices = @transform_4, window_bounds = array<i64: 1, 128>}, {pipeline_mode = #tpu.pipeline_mode<synchronous>, transform_indices = @transform_5, window_bounds = array<i64: 128, 128>}, {pipeline_mode = #tpu.pipeline_mode<synchronous>, transform_indices = @transform_6, window_bounds = array<i64: 1, 128>}, {transform_indices = @transform_7, window_bounds = array<i64: 1000, 256>}]} {
    %get3A = arith.constant 0 : index
    %get3A_0 = arith.constant 0 : index
    %get3A_1 = vector.load %arg1[%get3A, %get3A_0] : memref<1000x128xf32, #tpu.memory_space<vmem>>, vector<1000x128xf32>
    %get3A_2 = arith.constant 0 : index
    %get3A_3 = arith.constant 0 : index
    %get3A_4 = vector.load %arg2[%get3A_2, %get3A_3] : memref<1000x128xf32, #tpu.memory_space<vmem>>, vector<1000x128xf32>
    %add3A = arith.addf %get3A_1, %get3A_4 : vector<1000x128xf32>
    %get3A_5 = arith.constant 0 : index
    %get3A_6 = arith.constant 0 : index
    %get3A_7 = vector.load %arg3[%get3A_5, %get3A_6] : memref<1000x128xf32, #tpu.memory_space<vmem>>, vector<1000x128xf32>
    %add3A_8 = arith.addf %add3A, %get3A_7 : vector<1000x128xf32>
    %get3A_9 = arith.constant 0 : index
    %get3A_10 = arith.constant 0 : index
    %get3A_11 = vector.load %arg4[%get3A_9, %get3A_10] : memref<128x128xf32, #tpu.memory_space<vmem>>, vector<128x128xf32>
    %dot_general3A = arith.constant dense<0.000000e+00> : vector<1000x128xf32>
    %dot_general3A_12 = tpu.matmul %add3A_8, %get3A_11, %dot_general3A {dimension_numbers = #tpu.dot_dimension_numbers<[1], [0], [0], [1], [0, 0, 1, 1], [], []>, transpose_lhs_hint = false} : vector<1000x128xf32>, vector<128x128xf32>, vector<1000x128xf32> -> vector<1000x128xf32>
    %get3A_13 = arith.constant 0 : index
    %get3A_14 = arith.constant 0 : index
    %get3A_15 = vector.load %arg5[%get3A_13, %get3A_14] : memref<1x128xf32, #tpu.memory_space<vmem>>, vector<1x128xf32>
    %add3A_16 = vector.broadcast %get3A_15 : vector<1x128xf32> to vector<1000x128xf32>
    %add3A_17 = arith.addf %dot_general3A_12, %add3A_16 : vector<1000x128xf32>
    %max3A = arith.constant 0.000000e+00 : f32
    %max3A_18 = vector.broadcast %max3A : f32 to vector<1000x128xf32>
    %max3A_19 = arith.maximumf %add3A_17, %max3A_18 : vector<1000x128xf32>
    %get3A_20 = arith.constant 0 : index
    %get3A_21 = arith.constant 0 : index
    %get3A_22 = vector.load %arg6[%get3A_20, %get3A_21] : memref<128x128xf32, #tpu.memory_space<vmem>>, vector<128x128xf32>
    %dot_general3A_23 = arith.constant dense<0.000000e+00> : vector<1000x128xf32>
    %dot_general3A_24 = tpu.matmul %max3A_19, %get3A_22, %dot_general3A_23 {dimension_numbers = #tpu.dot_dimension_numbers<[1], [0], [0], [1], [0, 0, 1, 1], [], []>, transpose_lhs_hint = false} : vector<1000x128xf32>, vector<128x128xf32>, vector<1000x128xf32> -> vector<1000x128xf32>
    %get3A_25 = arith.constant 0 : index
    %get3A_26 = arith.constant 0 : index
    %get3A_27 = vector.load %arg7[%get3A_25, %get3A_26] : memref<1x128xf32, #tpu.memory_space<vmem>>, vector<1x128xf32>
    %add3A_28 = vector.broadcast %get3A_27 : vector<1x128xf32> to vector<1000x128xf32>
    %add3A_29 = arith.addf %dot_general3A_24, %add3A_28 : vector<1000x128xf32>
    %max3A_30 = arith.constant 0.000000e+00 : f32
    %max3A_31 = vector.broadcast %max3A_30 : f32 to vector<1000x128xf32>
    %max3A_32 = arith.maximumf %add3A_29, %max3A_31 : vector<1000x128xf32>
    %swap3A = arith.constant 0 : index
    %swap3A_33 = arith.constant 0 : index
    %swap3A_34 = vector.load %arg8[%swap3A, %swap3A_33] : memref<1000x256xf32, #tpu.memory_space<vmem>>, vector<1000x128xf32>
    tpu.vector_store %arg8[%swap3A, %swap3A_33], %get3A_1 {strides = array<i32>} : memref<1000x256xf32, #tpu.memory_space<vmem>>, vector<1000x128xf32>,
    %swap3A_35 = arith.constant 0 : index
    %swap3A_36 = arith.constant 128 : index
    %swap3A_37 = vector.load %arg8[%swap3A_35, %swap3A_36] : memref<1000x256xf32, #tpu.memory_space<vmem>>, vector<1000x128xf32>
    tpu.vector_store %arg8[%swap3A_35, %swap3A_36], %max3A_32 {strides = array<i32>} : memref<1000x256xf32, #tpu.memory_space<vmem>>, vector<1000x128xf32>,
    return
  }
  func.func @transform_0(%arg0: i32) -> (i32, i32) {
    %c0_i32 = arith.constant 0 : i32
    %c0_i32_0 = arith.constant 0 : i32
    return %arg0, %c0_i32 : i32, i32
  }
  func.func @transform_1(%arg0: i32) -> (i32, i32) {
    %c0_i32 = arith.constant 0 : i32
    %c0_i32_0 = arith.constant 0 : i32
    return %arg0, %c0_i32 : i32, i32
  }
  func.func @transform_2(%arg0: i32) -> (i32, i32) {
    %c0_i32 = arith.constant 0 : i32
    %c0_i32_0 = arith.constant 0 : i32
    return %arg0, %c0_i32 : i32, i32
  }
  func.func @transform_3(%arg0: i32) -> (i32, i32) {
    %c0_i32 = arith.constant 0 : i32
    %c0_i32_0 = arith.constant 0 : i32
    %c0_i32_1 = arith.constant 0 : i32
    return %c0_i32, %c0_i32_0 : i32, i32
  }
  func.func @transform_4(%arg0: i32) -> (i32, i32) {
    %c0_i32 = arith.constant 0 : i32
    %c0_i32_0 = arith.constant 0 : i32
    %c0_i32_1 = arith.constant 0 : i32
    return %c0_i32, %c0_i32_0 : i32, i32
  }
  func.func @transform_5(%arg0: i32) -> (i32, i32) {
    %c0_i32 = arith.constant 0 : i32
    %c0_i32_0 = arith.constant 0 : i32
    %c0_i32_1 = arith.constant 0 : i32
    return %c0_i32, %c0_i32_0 : i32, i32
  }
  func.func @transform_6(%arg0: i32) -> (i32, i32) {
    %c0_i32 = arith.constant 0 : i32
    %c0_i32_0 = arith.constant 0 : i32
    %c0_i32_1 = arith.constant 0 : i32
    return %c0_i32, %c0_i32_0 : i32, i32
  }
  func.func @transform_7(%arg0: i32) -> (i32, i32) {
    %c0_i32 = arith.constant 0 : i32
    %c0_i32_0 = arith.constant 0 : i32
    return %arg0, %c0_i32 : i32, i32
  }
}

module attributes {stable_mosaic.version = 14 : i64} {
  func.func @_loss_body(%arg0: memref<500x12x256xf32, #tpu.memory_space<vmem>>, %arg1: memref<1x1xf32, #tpu.memory_space<vmem>>) attributes {dimension_semantics = [], scalar_prefetch = 0 : i64, scratch_operands = 0 : i64, tpu.core_type = #tpu.core_type<tc>} {
    %get3A = arith.constant 0 : index
    %get3A_0 = arith.constant 0 : index
    %get3A_1 = arith.constant 0 : index
    %get3A_2 = vector.load %arg0[%get3A, %get3A_0, %get3A_1] : memref<500x12x256xf32, #tpu.memory_space<vmem>>, vector<500x1x256xf32>
    %get3A_3 = vector.shape_cast %get3A_2 : vector<500x1x256xf32> to vector<500x256xf32>
    %mul3A = arith.mulf %get3A_3, %get3A_3 : vector<500x256xf32>
    %reduce_sum3A = arith.constant dense<0.000000e+00> : vector<500xf32>
    %reduce_sum3A_4 = vector.multi_reduction <add>, %mul3A, %reduce_sum3A [1] : vector<500x256xf32> to vector<500xf32>
    %broadcast_in_dim3A = vector.shape_cast %reduce_sum3A_4 : vector<500xf32> to vector<500x1xf32>
    %sqrt3A = math.sqrt %broadcast_in_dim3A : vector<500x1xf32>
    %max3A = arith.constant 9.99999993E-9 : f32
    %max3A_5 = vector.broadcast %max3A : f32 to vector<500x1xf32>
    %max3A_6 = arith.maximumf %sqrt3A, %max3A_5 : vector<500x1xf32>
    %get3A_7 = arith.constant 0 : index
    %get3A_8 = arith.constant 1 : index
    %get3A_9 = arith.constant 0 : index
    %get3A_10 = vector.load %arg0[%get3A_7, %get3A_8, %get3A_9] : memref<500x12x256xf32, #tpu.memory_space<vmem>>, vector<500x1x256xf32>
    %get3A_11 = vector.shape_cast %get3A_10 : vector<500x1x256xf32> to vector<500x256xf32>
    %mul3A_12 = arith.mulf %get3A_3, %get3A_11 : vector<500x256xf32>
    %reduce_sum3A_13 = arith.constant dense<0.000000e+00> : vector<500xf32>
    %reduce_sum3A_14 = vector.multi_reduction <add>, %mul3A_12, %reduce_sum3A_13 [1] : vector<500x256xf32> to vector<500xf32>
    %broadcast_in_dim3A_15 = vector.shape_cast %reduce_sum3A_14 : vector<500xf32> to vector<500x1xf32>
    %mul3A_16 = arith.mulf %get3A_11, %get3A_11 : vector<500x256xf32>
    %reduce_sum3A_17 = arith.constant dense<0.000000e+00> : vector<500xf32>
    %reduce_sum3A_18 = vector.multi_reduction <add>, %mul3A_16, %reduce_sum3A_17 [1] : vector<500x256xf32> to vector<500xf32>
    %broadcast_in_dim3A_19 = vector.shape_cast %reduce_sum3A_18 : vector<500xf32> to vector<500x1xf32>
    %sqrt3A_20 = math.sqrt %broadcast_in_dim3A_19 : vector<500x1xf32>
    %max3A_21 = arith.constant 9.99999993E-9 : f32
    %max3A_22 = vector.broadcast %max3A_21 : f32 to vector<500x1xf32>
    %max3A_23 = arith.maximumf %sqrt3A_20, %max3A_22 : vector<500x1xf32>
    %mul3A_24 = arith.mulf %max3A_6, %max3A_23 : vector<500x1xf32>
    %div3A = arith.divf %broadcast_in_dim3A_15, %mul3A_24 : vector<500x1xf32>
    %exp3A = math.exp %div3A : vector<500x1xf32>
    %div3A_25 = arith.constant 1.000000e+01 : f32
    %div3A_26 = vector.broadcast %div3A_25 : f32 to vector<500x1xf32>
    %div3A_27 = arith.divf %exp3A, %div3A_26 : vector<500x1xf32>
    %get3A_28 = arith.constant 0 : index
    %get3A_29 = arith.constant 2 : index
    %get3A_30 = arith.constant 0 : index
    %get3A_31 = vector.load %arg0[%get3A_28, %get3A_29, %get3A_30] : memref<500x12x256xf32, #tpu.memory_space<vmem>>, vector<500x1x256xf32>
    %get3A_32 = vector.shape_cast %get3A_31 : vector<500x1x256xf32> to vector<500x256xf32>
    %mul3A_33 = arith.mulf %get3A_3, %get3A_32 : vector<500x256xf32>
    %reduce_sum3A_34 = arith.constant dense<0.000000e+00> : vector<500xf32>
    %reduce_sum3A_35 = vector.multi_reduction <add>, %mul3A_33, %reduce_sum3A_34 [1] : vector<500x256xf32> to vector<500xf32>
    %broadcast_in_dim3A_36 = vector.shape_cast %reduce_sum3A_35 : vector<500xf32> to vector<500x1xf32>
    %mul3A_37 = arith.mulf %get3A_32, %get3A_32 : vector<500x256xf32>
    %reduce_sum3A_38 = arith.constant dense<0.000000e+00> : vector<500xf32>
    %reduce_sum3A_39 = vector.multi_reduction <add>, %mul3A_37, %reduce_sum3A_38 [1] : vector<500x256xf32> to vector<500xf32>
    %broadcast_in_dim3A_40 = vector.shape_cast %reduce_sum3A_39 : vector<500xf32> to vector<500x1xf32>
    %sqrt3A_41 = math.sqrt %broadcast_in_dim3A_40 : vector<500x1xf32>
    %max3A_42 = arith.constant 9.99999993E-9 : f32
    %max3A_43 = vector.broadcast %max3A_42 : f32 to vector<500x1xf32>
    %max3A_44 = arith.maximumf %sqrt3A_41, %max3A_43 : vector<500x1xf32>
    %mul3A_45 = arith.mulf %max3A_6, %max3A_44 : vector<500x1xf32>
    %div3A_46 = arith.divf %broadcast_in_dim3A_36, %mul3A_45 : vector<500x1xf32>
    %exp3A_47 = math.exp %div3A_46 : vector<500x1xf32>
    %div3A_48 = arith.constant 1.000000e+01 : f32
    %div3A_49 = vector.broadcast %div3A_48 : f32 to vector<500x1xf32>
    %div3A_50 = arith.divf %exp3A_47, %div3A_49 : vector<500x1xf32>
    %get3A_51 = arith.constant 0 : index
    %get3A_52 = arith.constant 3 : index
    %get3A_53 = arith.constant 0 : index
    %get3A_54 = vector.load %arg0[%get3A_51, %get3A_52, %get3A_53] : memref<500x12x256xf32, #tpu.memory_space<vmem>>, vector<500x1x256xf32>
    %get3A_55 = vector.shape_cast %get3A_54 : vector<500x1x256xf32> to vector<500x256xf32>
    %mul3A_56 = arith.mulf %get3A_3, %get3A_55 : vector<500x256xf32>
    %reduce_sum3A_57 = arith.constant dense<0.000000e+00> : vector<500xf32>
    %reduce_sum3A_58 = vector.multi_reduction <add>, %mul3A_56, %reduce_sum3A_57 [1] : vector<500x256xf32> to vector<500xf32>
    %broadcast_in_dim3A_59 = vector.shape_cast %reduce_sum3A_58 : vector<500xf32> to vector<500x1xf32>
    %mul3A_60 = arith.mulf %get3A_55, %get3A_55 : vector<500x256xf32>
    %reduce_sum3A_61 = arith.constant dense<0.000000e+00> : vector<500xf32>
    %reduce_sum3A_62 = vector.multi_reduction <add>, %mul3A_60, %reduce_sum3A_61 [1] : vector<500x256xf32> to vector<500xf32>
    %broadcast_in_dim3A_63 = vector.shape_cast %reduce_sum3A_62 : vector<500xf32> to vector<500x1xf32>
    %sqrt3A_64 = math.sqrt %broadcast_in_dim3A_63 : vector<500x1xf32>
    %max3A_65 = arith.constant 9.99999993E-9 : f32
    %max3A_66 = vector.broadcast %max3A_65 : f32 to vector<500x1xf32>
    %max3A_67 = arith.maximumf %sqrt3A_64, %max3A_66 : vector<500x1xf32>
    %mul3A_68 = arith.mulf %max3A_6, %max3A_67 : vector<500x1xf32>
    %div3A_69 = arith.divf %broadcast_in_dim3A_59, %mul3A_68 : vector<500x1xf32>
    %exp3A_70 = math.exp %div3A_69 : vector<500x1xf32>
    %div3A_71 = arith.constant 1.000000e+01 : f32
    %div3A_72 = vector.broadcast %div3A_71 : f32 to vector<500x1xf32>
    %div3A_73 = arith.divf %exp3A_70, %div3A_72 : vector<500x1xf32>
    %get3A_74 = arith.constant 0 : index
    %get3A_75 = arith.constant 4 : index
    %get3A_76 = arith.constant 0 : index
    %get3A_77 = vector.load %arg0[%get3A_74, %get3A_75, %get3A_76] : memref<500x12x256xf32, #tpu.memory_space<vmem>>, vector<500x1x256xf32>
    %get3A_78 = vector.shape_cast %get3A_77 : vector<500x1x256xf32> to vector<500x256xf32>
    %mul3A_79 = arith.mulf %get3A_3, %get3A_78 : vector<500x256xf32>
    %reduce_sum3A_80 = arith.constant dense<0.000000e+00> : vector<500xf32>
    %reduce_sum3A_81 = vector.multi_reduction <add>, %mul3A_79, %reduce_sum3A_80 [1] : vector<500x256xf32> to vector<500xf32>
    %broadcast_in_dim3A_82 = vector.shape_cast %reduce_sum3A_81 : vector<500xf32> to vector<500x1xf32>
    %mul3A_83 = arith.mulf %get3A_78, %get3A_78 : vector<500x256xf32>
    %reduce_sum3A_84 = arith.constant dense<0.000000e+00> : vector<500xf32>
    %reduce_sum3A_85 = vector.multi_reduction <add>, %mul3A_83, %reduce_sum3A_84 [1] : vector<500x256xf32> to vector<500xf32>
    %broadcast_in_dim3A_86 = vector.shape_cast %reduce_sum3A_85 : vector<500xf32> to vector<500x1xf32>
    %sqrt3A_87 = math.sqrt %broadcast_in_dim3A_86 : vector<500x1xf32>
    %max3A_88 = arith.constant 9.99999993E-9 : f32
    %max3A_89 = vector.broadcast %max3A_88 : f32 to vector<500x1xf32>
    %max3A_90 = arith.maximumf %sqrt3A_87, %max3A_89 : vector<500x1xf32>
    %mul3A_91 = arith.mulf %max3A_6, %max3A_90 : vector<500x1xf32>
    %div3A_92 = arith.divf %broadcast_in_dim3A_82, %mul3A_91 : vector<500x1xf32>
    %exp3A_93 = math.exp %div3A_92 : vector<500x1xf32>
    %div3A_94 = arith.constant 1.000000e+01 : f32
    %div3A_95 = vector.broadcast %div3A_94 : f32 to vector<500x1xf32>
    %div3A_96 = arith.divf %exp3A_93, %div3A_95 : vector<500x1xf32>
    %get3A_97 = arith.constant 0 : index
    %get3A_98 = arith.constant 5 : index
    %get3A_99 = arith.constant 0 : index
    %get3A_100 = vector.load %arg0[%get3A_97, %get3A_98, %get3A_99] : memref<500x12x256xf32, #tpu.memory_space<vmem>>, vector<500x1x256xf32>
    %get3A_101 = vector.shape_cast %get3A_100 : vector<500x1x256xf32> to vector<500x256xf32>
    %mul3A_102 = arith.mulf %get3A_3, %get3A_101 : vector<500x256xf32>
    %reduce_sum3A_103 = arith.constant dense<0.000000e+00> : vector<500xf32>
    %reduce_sum3A_104 = vector.multi_reduction <add>, %mul3A_102, %reduce_sum3A_103 [1] : vector<500x256xf32> to vector<500xf32>
    %broadcast_in_dim3A_105 = vector.shape_cast %reduce_sum3A_104 : vector<500xf32> to vector<500x1xf32>
    %mul3A_106 = arith.mulf %get3A_101, %get3A_101 : vector<500x256xf32>
    %reduce_sum3A_107 = arith.constant dense<0.000000e+00> : vector<500xf32>
    %reduce_sum3A_108 = vector.multi_reduction <add>, %mul3A_106, %reduce_sum3A_107 [1] : vector<500x256xf32> to vector<500xf32>
    %broadcast_in_dim3A_109 = vector.shape_cast %reduce_sum3A_108 : vector<500xf32> to vector<500x1xf32>
    %sqrt3A_110 = math.sqrt %broadcast_in_dim3A_109 : vector<500x1xf32>
    %max3A_111 = arith.constant 9.99999993E-9 : f32
    %max3A_112 = vector.broadcast %max3A_111 : f32 to vector<500x1xf32>
    %max3A_113 = arith.maximumf %sqrt3A_110, %max3A_112 : vector<500x1xf32>
    %mul3A_114 = arith.mulf %max3A_6, %max3A_113 : vector<500x1xf32>
    %div3A_115 = arith.divf %broadcast_in_dim3A_105, %mul3A_114 : vector<500x1xf32>
    %exp3A_116 = math.exp %div3A_115 : vector<500x1xf32>
    %div3A_117 = arith.constant 1.000000e+01 : f32
    %div3A_118 = vector.broadcast %div3A_117 : f32 to vector<500x1xf32>
    %div3A_119 = arith.divf %exp3A_116, %div3A_118 : vector<500x1xf32>
    %get3A_120 = arith.constant 0 : index
    %get3A_121 = arith.constant 6 : index
    %get3A_122 = arith.constant 0 : index
    %get3A_123 = vector.load %arg0[%get3A_120, %get3A_121, %get3A_122] : memref<500x12x256xf32, #tpu.memory_space<vmem>>, vector<500x1x256xf32>
    %get3A_124 = vector.shape_cast %get3A_123 : vector<500x1x256xf32> to vector<500x256xf32>
    %mul3A_125 = arith.mulf %get3A_3, %get3A_124 : vector<500x256xf32>
    %reduce_sum3A_126 = arith.constant dense<0.000000e+00> : vector<500xf32>
    %reduce_sum3A_127 = vector.multi_reduction <add>, %mul3A_125, %reduce_sum3A_126 [1] : vector<500x256xf32> to vector<500xf32>
    %broadcast_in_dim3A_128 = vector.shape_cast %reduce_sum3A_127 : vector<500xf32> to vector<500x1xf32>
    %mul3A_129 = arith.mulf %get3A_124, %get3A_124 : vector<500x256xf32>
    %reduce_sum3A_130 = arith.constant dense<0.000000e+00> : vector<500xf32>
    %reduce_sum3A_131 = vector.multi_reduction <add>, %mul3A_129, %reduce_sum3A_130 [1] : vector<500x256xf32> to vector<500xf32>
    %broadcast_in_dim3A_132 = vector.shape_cast %reduce_sum3A_131 : vector<500xf32> to vector<500x1xf32>
    %sqrt3A_133 = math.sqrt %broadcast_in_dim3A_132 : vector<500x1xf32>
    %max3A_134 = arith.constant 9.99999993E-9 : f32
    %max3A_135 = vector.broadcast %max3A_134 : f32 to vector<500x1xf32>
    %max3A_136 = arith.maximumf %sqrt3A_133, %max3A_135 : vector<500x1xf32>
    %mul3A_137 = arith.mulf %max3A_6, %max3A_136 : vector<500x1xf32>
    %div3A_138 = arith.divf %broadcast_in_dim3A_128, %mul3A_137 : vector<500x1xf32>
    %exp3A_139 = math.exp %div3A_138 : vector<500x1xf32>
    %div3A_140 = arith.constant 1.000000e+01 : f32
    %div3A_141 = vector.broadcast %div3A_140 : f32 to vector<500x1xf32>
    %div3A_142 = arith.divf %exp3A_139, %div3A_141 : vector<500x1xf32>
    %get3A_143 = arith.constant 0 : index
    %get3A_144 = arith.constant 7 : index
    %get3A_145 = arith.constant 0 : index
    %get3A_146 = vector.load %arg0[%get3A_143, %get3A_144, %get3A_145] : memref<500x12x256xf32, #tpu.memory_space<vmem>>, vector<500x1x256xf32>
    %get3A_147 = vector.shape_cast %get3A_146 : vector<500x1x256xf32> to vector<500x256xf32>
    %mul3A_148 = arith.mulf %get3A_3, %get3A_147 : vector<500x256xf32>
    %reduce_sum3A_149 = arith.constant dense<0.000000e+00> : vector<500xf32>
    %reduce_sum3A_150 = vector.multi_reduction <add>, %mul3A_148, %reduce_sum3A_149 [1] : vector<500x256xf32> to vector<500xf32>
    %broadcast_in_dim3A_151 = vector.shape_cast %reduce_sum3A_150 : vector<500xf32> to vector<500x1xf32>
    %mul3A_152 = arith.mulf %get3A_147, %get3A_147 : vector<500x256xf32>
    %reduce_sum3A_153 = arith.constant dense<0.000000e+00> : vector<500xf32>
    %reduce_sum3A_154 = vector.multi_reduction <add>, %mul3A_152, %reduce_sum3A_153 [1] : vector<500x256xf32> to vector<500xf32>
    %broadcast_in_dim3A_155 = vector.shape_cast %reduce_sum3A_154 : vector<500xf32> to vector<500x1xf32>
    %sqrt3A_156 = math.sqrt %broadcast_in_dim3A_155 : vector<500x1xf32>
    %max3A_157 = arith.constant 9.99999993E-9 : f32
    %max3A_158 = vector.broadcast %max3A_157 : f32 to vector<500x1xf32>
    %max3A_159 = arith.maximumf %sqrt3A_156, %max3A_158 : vector<500x1xf32>
    %mul3A_160 = arith.mulf %max3A_6, %max3A_159 : vector<500x1xf32>
    %div3A_161 = arith.divf %broadcast_in_dim3A_151, %mul3A_160 : vector<500x1xf32>
    %exp3A_162 = math.exp %div3A_161 : vector<500x1xf32>
    %div3A_163 = arith.constant 1.000000e+01 : f32
    %div3A_164 = vector.broadcast %div3A_163 : f32 to vector<500x1xf32>
    %div3A_165 = arith.divf %exp3A_162, %div3A_164 : vector<500x1xf32>
    %get3A_166 = arith.constant 0 : index
    %get3A_167 = arith.constant 8 : index
    %get3A_168 = arith.constant 0 : index
    %get3A_169 = vector.load %arg0[%get3A_166, %get3A_167, %get3A_168] : memref<500x12x256xf32, #tpu.memory_space<vmem>>, vector<500x1x256xf32>
    %get3A_170 = vector.shape_cast %get3A_169 : vector<500x1x256xf32> to vector<500x256xf32>
    %mul3A_171 = arith.mulf %get3A_3, %get3A_170 : vector<500x256xf32>
    %reduce_sum3A_172 = arith.constant dense<0.000000e+00> : vector<500xf32>
    %reduce_sum3A_173 = vector.multi_reduction <add>, %mul3A_171, %reduce_sum3A_172 [1] : vector<500x256xf32> to vector<500xf32>
    %broadcast_in_dim3A_174 = vector.shape_cast %reduce_sum3A_173 : vector<500xf32> to vector<500x1xf32>
    %mul3A_175 = arith.mulf %get3A_170, %get3A_170 : vector<500x256xf32>
    %reduce_sum3A_176 = arith.constant dense<0.000000e+00> : vector<500xf32>
    %reduce_sum3A_177 = vector.multi_reduction <add>, %mul3A_175, %reduce_sum3A_176 [1] : vector<500x256xf32> to vector<500xf32>
    %broadcast_in_dim3A_178 = vector.shape_cast %reduce_sum3A_177 : vector<500xf32> to vector<500x1xf32>
    %sqrt3A_179 = math.sqrt %broadcast_in_dim3A_178 : vector<500x1xf32>
    %max3A_180 = arith.constant 9.99999993E-9 : f32
    %max3A_181 = vector.broadcast %max3A_180 : f32 to vector<500x1xf32>
    %max3A_182 = arith.maximumf %sqrt3A_179, %max3A_181 : vector<500x1xf32>
    %mul3A_183 = arith.mulf %max3A_6, %max3A_182 : vector<500x1xf32>
    %div3A_184 = arith.divf %broadcast_in_dim3A_174, %mul3A_183 : vector<500x1xf32>
    %exp3A_185 = math.exp %div3A_184 : vector<500x1xf32>
    %div3A_186 = arith.constant 1.000000e+01 : f32
    %div3A_187 = vector.broadcast %div3A_186 : f32 to vector<500x1xf32>
    %div3A_188 = arith.divf %exp3A_185, %div3A_187 : vector<500x1xf32>
    %get3A_189 = arith.constant 0 : index
    %get3A_190 = arith.constant 9 : index
    %get3A_191 = arith.constant 0 : index
    %get3A_192 = vector.load %arg0[%get3A_189, %get3A_190, %get3A_191] : memref<500x12x256xf32, #tpu.memory_space<vmem>>, vector<500x1x256xf32>
    %get3A_193 = vector.shape_cast %get3A_192 : vector<500x1x256xf32> to vector<500x256xf32>
    %mul3A_194 = arith.mulf %get3A_3, %get3A_193 : vector<500x256xf32>
    %reduce_sum3A_195 = arith.constant dense<0.000000e+00> : vector<500xf32>
    %reduce_sum3A_196 = vector.multi_reduction <add>, %mul3A_194, %reduce_sum3A_195 [1] : vector<500x256xf32> to vector<500xf32>
    %broadcast_in_dim3A_197 = vector.shape_cast %reduce_sum3A_196 : vector<500xf32> to vector<500x1xf32>
    %mul3A_198 = arith.mulf %get3A_193, %get3A_193 : vector<500x256xf32>
    %reduce_sum3A_199 = arith.constant dense<0.000000e+00> : vector<500xf32>
    %reduce_sum3A_200 = vector.multi_reduction <add>, %mul3A_198, %reduce_sum3A_199 [1] : vector<500x256xf32> to vector<500xf32>
    %broadcast_in_dim3A_201 = vector.shape_cast %reduce_sum3A_200 : vector<500xf32> to vector<500x1xf32>
    %sqrt3A_202 = math.sqrt %broadcast_in_dim3A_201 : vector<500x1xf32>
    %max3A_203 = arith.constant 9.99999993E-9 : f32
    %max3A_204 = vector.broadcast %max3A_203 : f32 to vector<500x1xf32>
    %max3A_205 = arith.maximumf %sqrt3A_202, %max3A_204 : vector<500x1xf32>
    %mul3A_206 = arith.mulf %max3A_6, %max3A_205 : vector<500x1xf32>
    %div3A_207 = arith.divf %broadcast_in_dim3A_197, %mul3A_206 : vector<500x1xf32>
    %exp3A_208 = math.exp %div3A_207 : vector<500x1xf32>
    %div3A_209 = arith.constant 1.000000e+01 : f32
    %div3A_210 = vector.broadcast %div3A_209 : f32 to vector<500x1xf32>
    %div3A_211 = arith.divf %exp3A_208, %div3A_210 : vector<500x1xf32>
    %get3A_212 = arith.constant 0 : index
    %get3A_213 = arith.constant 10 : index
    %get3A_214 = arith.constant 0 : index
    %get3A_215 = vector.load %arg0[%get3A_212, %get3A_213, %get3A_214] : memref<500x12x256xf32, #tpu.memory_space<vmem>>, vector<500x1x256xf32>
    %get3A_216 = vector.shape_cast %get3A_215 : vector<500x1x256xf32> to vector<500x256xf32>
    %mul3A_217 = arith.mulf %get3A_3, %get3A_216 : vector<500x256xf32>
    %reduce_sum3A_218 = arith.constant dense<0.000000e+00> : vector<500xf32>
    %reduce_sum3A_219 = vector.multi_reduction <add>, %mul3A_217, %reduce_sum3A_218 [1] : vector<500x256xf32> to vector<500xf32>
    %broadcast_in_dim3A_220 = vector.shape_cast %reduce_sum3A_219 : vector<500xf32> to vector<500x1xf32>
    %mul3A_221 = arith.mulf %get3A_216, %get3A_216 : vector<500x256xf32>
    %reduce_sum3A_222 = arith.constant dense<0.000000e+00> : vector<500xf32>
    %reduce_sum3A_223 = vector.multi_reduction <add>, %mul3A_221, %reduce_sum3A_222 [1] : vector<500x256xf32> to vector<500xf32>
    %broadcast_in_dim3A_224 = vector.shape_cast %reduce_sum3A_223 : vector<500xf32> to vector<500x1xf32>
    %sqrt3A_225 = math.sqrt %broadcast_in_dim3A_224 : vector<500x1xf32>
    %max3A_226 = arith.constant 9.99999993E-9 : f32
    %max3A_227 = vector.broadcast %max3A_226 : f32 to vector<500x1xf32>
    %max3A_228 = arith.maximumf %sqrt3A_225, %max3A_227 : vector<500x1xf32>
    %mul3A_229 = arith.mulf %max3A_6, %max3A_228 : vector<500x1xf32>
    %div3A_230 = arith.divf %broadcast_in_dim3A_220, %mul3A_229 : vector<500x1xf32>
    %exp3A_231 = math.exp %div3A_230 : vector<500x1xf32>
    %div3A_232 = arith.constant 1.000000e+01 : f32
    %div3A_233 = vector.broadcast %div3A_232 : f32 to vector<500x1xf32>
    %div3A_234 = arith.divf %exp3A_231, %div3A_233 : vector<500x1xf32>
    %get3A_235 = arith.constant 0 : index
    %get3A_236 = arith.constant 11 : index
    %get3A_237 = arith.constant 0 : index
    %get3A_238 = vector.load %arg0[%get3A_235, %get3A_236, %get3A_237] : memref<500x12x256xf32, #tpu.memory_space<vmem>>, vector<500x1x256xf32>
    %get3A_239 = vector.shape_cast %get3A_238 : vector<500x1x256xf32> to vector<500x256xf32>
    %mul3A_240 = arith.mulf %get3A_3, %get3A_239 : vector<500x256xf32>
    %reduce_sum3A_241 = arith.constant dense<0.000000e+00> : vector<500xf32>
    %reduce_sum3A_242 = vector.multi_reduction <add>, %mul3A_240, %reduce_sum3A_241 [1] : vector<500x256xf32> to vector<500xf32>
    %broadcast_in_dim3A_243 = vector.shape_cast %reduce_sum3A_242 : vector<500xf32> to vector<500x1xf32>
    %mul3A_244 = arith.mulf %get3A_239, %get3A_239 : vector<500x256xf32>
    %reduce_sum3A_245 = arith.constant dense<0.000000e+00> : vector<500xf32>
    %reduce_sum3A_246 = vector.multi_reduction <add>, %mul3A_244, %reduce_sum3A_245 [1] : vector<500x256xf32> to vector<500xf32>
    %broadcast_in_dim3A_247 = vector.shape_cast %reduce_sum3A_246 : vector<500xf32> to vector<500x1xf32>
    %sqrt3A_248 = math.sqrt %broadcast_in_dim3A_247 : vector<500x1xf32>
    %max3A_249 = arith.constant 9.99999993E-9 : f32
    %max3A_250 = vector.broadcast %max3A_249 : f32 to vector<500x1xf32>
    %max3A_251 = arith.maximumf %sqrt3A_248, %max3A_250 : vector<500x1xf32>
    %mul3A_252 = arith.mulf %max3A_6, %max3A_251 : vector<500x1xf32>
    %div3A_253 = arith.divf %broadcast_in_dim3A_243, %mul3A_252 : vector<500x1xf32>
    %exp3A_254 = math.exp %div3A_253 : vector<500x1xf32>
    %div3A_255 = arith.constant 1.000000e+01 : f32
    %div3A_256 = vector.broadcast %div3A_255 : f32 to vector<500x1xf32>
    %div3A_257 = arith.divf %exp3A_254, %div3A_256 : vector<500x1xf32>
    %add3A = arith.addf %div3A_50, %div3A_73 : vector<500x1xf32>
    %add3A_258 = arith.addf %add3A, %div3A_96 : vector<500x1xf32>
    %add3A_259 = arith.addf %add3A_258, %div3A_119 : vector<500x1xf32>
    %add3A_260 = arith.addf %add3A_259, %div3A_142 : vector<500x1xf32>
    %add3A_261 = arith.addf %add3A_260, %div3A_165 : vector<500x1xf32>
    %add3A_262 = arith.addf %add3A_261, %div3A_188 : vector<500x1xf32>
    %add3A_263 = arith.addf %add3A_262, %div3A_211 : vector<500x1xf32>
    %add3A_264 = arith.addf %add3A_263, %div3A_234 : vector<500x1xf32>
    %add3A_265 = arith.addf %add3A_264, %div3A_257 : vector<500x1xf32>
    %div3A_266 = arith.divf %div3A_27, %add3A_265 : vector<500x1xf32>
    %log3A = math.log %div3A_266 : vector<500x1xf32>
    %neg3A = arith.constant 0.000000e+00 : f32
    %neg3A_267 = vector.broadcast %neg3A : f32 to vector<500x1xf32>
    %neg3A_268 = arith.subf %neg3A_267, %log3A : vector<500x1xf32>
    %reduce_sum3A_269 = vector.shape_cast %neg3A_268 : vector<500x1xf32> to vector<1x500x1xf32>
    %reduce_sum3A_270 = arith.constant dense<0.000000e+00> : vector<1xf32>
    %reduce_sum3A_271 = vector.multi_reduction <add>, %reduce_sum3A_269, %reduce_sum3A_270 [1, 2] : vector<1x500x1xf32> to vector<1xf32>
    %reduce_sum3A_272 = vector.shape_cast %reduce_sum3A_271 : vector<1xf32> to vector<1x1x1xf32>
    %reduce_sum3A_273 = vector.extract %reduce_sum3A_272[0, 0, 0] : f32 from vector<1x1x1xf32>
    %div3A_274 = arith.constant 5.000000e+02 : f32
    %div3A_275 = arith.divf %reduce_sum3A_273, %div3A_274 : f32
    %broadcast_in_dim3A_276 = vector.broadcast %div3A_275 : f32 to vector<1x1xf32>
    %swap3A = arith.constant 0 : index
    %swap3A_277 = arith.constant 0 : index
    %swap3A_278 = vector.load %arg1[%swap3A, %swap3A_277] : memref<1x1xf32, #tpu.memory_space<vmem>>, vector<1x1xf32>
    tpu.vector_store %arg1[%swap3A, %swap3A_277], %broadcast_in_dim3A_276 {strides = array<i32>} : memref<1x1xf32, #tpu.memory_space<vmem>>, vector<1x1xf32>,
    return
  }
}

</mosaic_0001>

<sc_bundles>
// kernel: kernel.11.cloned.1.call-start
scs
__scs_entry_jumppad:
0x0: {  	(pc) =	sbr.rel $0x88, $3  }
0x1: {  	(tag) =	ssettag $0x0;
	lr =	simm.s32 $0x1  }
0x2: {  	[smem:$0x3F95] =	sst lr;
	_ =	strace $0xD0000000  }
0x3: {  	_ = 	snop  }
0x4: {  	_ = 	snop  }
0x5: {  	_ = 	snop  }
0x6: {  	_ = 	snop  }
0x7: {  	_ = 	snop  }
__scs_overlays_trampoline_lowered:
0x8: {  	[smem:$0x3FA4] =	sst s0  }
0x9: {  	[smem:$0x3FA5] =	sst s1  }
0xa: {  	[smem:$0x3FA6] =	sst s2  }
0xb: {  	[smem:$0x3FA7] =	sst s3  }
0xc: {  	[smem:$0x3FA8] =	sst s4  }
0xd: {  	[smem:$0x3FA9] =	sst s5  }
0xe: {  	[smem:$0x3FAA] =	sst s6  }
0xf: {  	[smem:$0x3FAB] =	sst s7  }
0x10: {  	[smem:$0x3FAC] =	sst s8  }
0x11: {  	[smem:$0x3FAD] =	sst s9;
	s0 =	simm.s32 @!p0 $0x0  }
0x12: {  	s1 =	sld [smem:$0x3F93];
	s0 =	simm.s32 @p0 $0x1  }
0x13: {  	[smem:$0x3FAE] =	sst s0;
	s0 =	simm.s32 @!p1 $0x0  }
0x14: {  	s2 =	sld [smem:$0x3F92];
	s0 =	simm.s32 @p1 $0x1  }
0x15: {  	[smem:$0x3FAF] =	sst s0;
	s0 =	simm.s32 @!p2 $0x0  }
0x16: {  	s3 =	sld [smem:$0x3FDB];
	s0 =	simm.s32 @p2 $0x1  }
0x17: {  	s4 =	simm.s32 $0x1BF5;
	[smem:$0x3FB1] =	sst s0  }
0x18: {  	s0 =	sld [smem:$0x3F94];
	_ =	swait.ge [sflag:s4], $0x0  }
0x19: {  	s7 =	sld [smem:$0x3F95]  }
0x1a: {  	s8 =	sadd.s32 $0xFFFFE003, lr  }
0x1b: {  	s9 =	sadd.s32 $0xFFFFFEF7, lr;
	s5 =	simm.s32 $0xFFFFFFFF;
	p2 =	slt.u32 s8, $0xFFFFF086  }
0x1c: {  	p1 =	slt.u32 s9, $0xF7A;
	s5 =	simm.s32 @!p2 $0x0  }
0x1d: {  	s5 =	simm.s32 @p1 $0x1;
	p0 =	seq.s32 s7, s2  }
0x1e: {  	s7 =	smul.u32 @!p0 $0xF7A, s2;
	p2 =	seq.s32 @!p0 s5, $0x0  }
0x1f: {  	s9 =	smul.u32 $0xF7A, s1;
	s8 =	simm.s32 @!p0 $0x1BF5;
	p2 =	por !p2, p0  }
0x20: {  	[sflag:s8] =	ssyncset.s32 @!p0 $0xFFFFF086;
	s6 =	sadd.s32 @!p0 s3, s7;
	s7 =	simm.s32 @!p0 $0x108  }
0x21: {  	s3 =	sadd.s32 s3, s9;
	s6 =	sadd.s32 @!p0 $0x88, s6;
	s7 =	simm.s32 @p2 $0x1082  }
0x22: {  	[simem:s7], [sflag:s8] =	dma.local @!p0 [hbm:s6], $0xF7A  }
0x23: {  	s9 =	sor.u32 $0xD0000000, s2;
	s6 =	simm.s32 $0x108;
	_ =	swait.ge @!p0 [sflag:s8], $0x0  }
0x24: {  	s3 =	sadd.s32 $0x88, s3;
	s6 =	simm.s32 @!p1 $0x1082;
	[sflag:s4] =	ssyncset.s32 $0xFFFFF086  }
0x25: {  	[simem:s6], [sflag:s4] =	dma.local [hbm:s3], $0xF7A  }
0x26: {  	[smem:$0x3F95] =	sst s1;
	(tag) =	ssettag s2;
	_ =	strace s9  }
0x27: {  	s1 =	sld [smem:$0x3FA5]  }
0x28: {  	s2 =	sld [smem:$0x3FA6]  }
0x29: {  	s4 =	sld [smem:$0x3FA8]  }
0x2a: {  	p0 =	seq.s32 s5, $0x0;
	s5 =	sld [smem:$0x3FA9]  }
0x2b: {  	s6 =	sld [smem:$0x3FAA]  }
0x2c: {  	s7 =	sld [smem:$0x3FAB]  }
0x2d: {  	s3 =	simm.s32 $0x108;
	s8 =	sld [smem:$0x3FAC]  }
0x2e: {  	s3 =	simm.s32 @!p0 $0x1082;
	s9 =	sld [smem:$0x3FAD]  }
0x2f: {  	lr =	sadd.s32 s0, s3;
	s0 =	sld [smem:$0x3FA4]  }
0x30: {  	s3 =	sld [smem:$0x3FA7]  }
0x31: {  	[smem:$0x3FB0] =	sst s10  }
0x32: {  	s10 =	sld [smem:$0x3FAE];
	_ =	sdelay $0x3  }
0x33: {  	p0 =	seq.s32 s10, $0x1;
	s10 =	sld [smem:$0x3FB0];
	_ =	sdelay $0x3  }
0x34: {  	[smem:$0x3FB0] =	sst s10  }
0x35: {  	s10 =	sld [smem:$0x3FAF];
	_ =	sdelay $0x3  }
0x36: {  	p1 =	seq.s32 s10, $0x1;
	s10 =	sld [smem:$0x3FB0];
	_ =	sdelay $0x3  }
0x37: {  	[smem:$0x3FB0] =	sst s10  }
0x38: {  	s10 =	sld [smem:$0x3FB1]  }
0x39: {  	_ = 	snop;
	(pc) =	sbr.ind lr, $3  }
0x3a: {  	_ = 	snop  }
0x3b: {  	_ = 	snop  }
0x3c: {  	p2 =	seq.s32 s10, $0x1;
	s10 =	sld [smem:$0x3FB0]  }
0x3d: {  	_ =	shalt  }
0x3e: {  	_ =	shalt  }
0x3f: {  	_ =	shalt  }
0x40: {  	_ =	shalt  }
0x41: {  	_ =	shalt  }
0x42: {  	_ =	shalt  }
0x43: {  	_ =	shalt  }
0x44: {  	_ =	shalt  }
0x45: {  	_ =	shalt  }
0x46: {  	_ =	shalt  }
0x47: {  	_ =	shalt  }
0x48: {  	_ =	shalt  }
0x49: {  	_ =	shalt  }
0x4a: {  	_ =	shalt  }
0x4b: {  	_ =	shalt  }
0x4c: {  	_ =	shalt  }
0x4d: {  	_ =	shalt  }
0x4e: {  	_ =	shalt  }
0x4f: {  	_ =	shalt  }
0x50: {  	_ =	shalt  }
0x51: {  	_ =	shalt  }
0x52: {  	_ =	shalt  }
0x53: {  	_ =	shalt  }
0x54: {  	_ =	shalt  }
0x55: {  	_ =	shalt  }
0x56: {  	_ =	shalt  }
0x57: {  	_ =	shalt  }
0x58: {  	_ =	shalt  }
0x59: {  	_ =	shalt  }
0x5a: {  	_ =	shalt  }
0x5b: {  	_ =	shalt  }
0x5c: {  	_ =	shalt  }
0x5d: {  	_ =	shalt  }
0x5e: {  	_ =	shalt  }
0x5f: {  	_ =	shalt  }
0x60: {  	_ =	shalt  }
0x61: {  	_ =	shalt  }
0x62: {  	_ =	shalt  }
0x63: {  	_ =	shalt  }
0x64: {  	_ =	shalt  }
0x65: {  	_ =	shalt  }
0x66: {  	_ =	shalt  }
0x67: {  	_ =	shalt  }
0x68: {  	_ =	shalt  }
0x69: {  	_ =	shalt  }
0x6a: {  	_ =	shalt  }
0x6b: {  	_ =	shalt  }
0x6c: {  	_ =	shalt  }
0x6d: {  	_ =	shalt  }
0x6e: {  	_ =	shalt  }
0x6f: {  	_ =	shalt  }
0x70: {  	_ =	shalt  }
0x71: {  	_ =	shalt  }
0x72: {  	_ =	shalt  }
0x73: {  	_ =	shalt  }
0x74: {  	_ =	shalt  }
0x75: {  	_ =	shalt  }
0x76: {  	_ =	shalt  }
0x77: {  	_ =	shalt  }
0x78: {  	_ =	shalt  }
0x79: {  	_ =	shalt  }
0x7a: {  	_ =	shalt  }
0x7b: {  	_ =	shalt  }
0x7c: {  	_ =	shalt  }
0x7d: {  	_ =	shalt  }
0x7e: {  	_ =	shalt  }
0x7f: {  	_ =	shalt  }
0x80: {  	_ =	shalt  }
0x81: {  	_ =	shalt  }
0x82: {  	_ =	shalt  }
0x83: {  	_ =	shalt  }
0x84: {  	_ =	shalt  }
0x85: {  	_ =	shalt  }
0x86: {  	_ =	shalt  }
0x87: {  	_ =	shalt  }
.Lfunc_end0:
.L_simem_size_0:
called_computation.1_lowered:
.L_overlay_start_0:
0x88: {  	s2 =	sld [smem:$0x3FD9]  }
0x89: {  	s3 =	sld [smem:$0x3FFE];
	_ =	sdelay $0x1  }
0x8a: {  	s1 =	srdreg.scid  }
0x8b: {  	s0 =	sand.u32 $0x1, s1  }
0x8c: {  	s16 =	sshll.u32 s0, $0xA;
	s2 =	sadd.s32 s3, s2  }
0x8d: {  	s2 =	sadd.s32 s2, s16  }
0x8e: {  	[smem:$0x3FBC] =	sst s2  }
0x8f: {  	_ = 	snop  }
0x90: {  	(tm) =	ssettm $0x1  }
0x91: {  	s17 =	sld [smem:$0x3FFB];
	_ =	sdelay $0x3  }
0x92: {  	_ =	strace s17  }
0x93: {  	s2 =	sld [smem:$0x3FFC];
	_ =	sdelay $0x3  }
0x94: {  	_ =	strace s2  }
0x95: {  	s2 =	sld [smem:$0x3FFD];
	_ =	sdelay $0x3  }
0x96: {  	_ =	strace s2  }
0x97: {  	_ =	strace $0x8FFFFFFF  }
0x98: {  	s18 =	sld [smem:$0x3FDB];
	_ =	sdelay $0x1  }
0x99: {  	s19 =	simm.s32 $_scs_section_size  }
0x9a: {  	s4 =	simm.s32 $_size__tile_overlayer_lowered;
	s5 =	simm.s32 $_tile_overlayer_lowered  }
0x9b: {  	s22 =	simm.s32 $0x1BFF;
	s21 =	sshll.u32 s5, $0x1;
	s2 =	sadd.s32 s19, s18  }
0x9c: {  	s6 =	simm.s32 $0x0;
	s20 =	sshll.u32 s4, $0x1;
	s4 =	sadd.s32 s21, s2  }
0x9d: {  	[timem:s6], [sflag:s22] =	dma.local [hbm:s4], s20  }
0x9e: {  	_ =	swait.ge [sflag:s22], s20  }
0x9f: {  	s3 =	ssub.s32 $0x0, s20;
	[sflag:s22] =	ssyncset.done $0x0  }
0xa0: {  	[sflag:s22] =	ssyncadd.s32 s3;
	_ =	sdelay $0x1  }
0xa1: {  	s23 =	simm.s32 $0x1B8B  }
0xa2: {  	_ =	swait.ge [sflag:s23], $0x1  }
0xa3: {  	[sflag:s23] =	ssyncset.done $0x0  }
0xa4: {  	s25 =	simm.s32 $0x1B8E;
	s24 =	sld [smem:$0x3FFE];
	[sflag:s23] =	ssyncadd.s32 $0xFFFFFFFF  }
0xa5: {  	s26 =	simm.s32 $execute0_lowered;
	[smem:$0x3FD2] =	sst s25  }
0xa6: {  	s4 =	sshll.u32 s26, $0x1;
	_ =	strace $0x80000049;
	[dreg:$0x1] =	wrdreg $0xFFFFFFFF  }
0xa7: {  	s28 =	simm.s32 $_size_execute0_lowered;
	s2 =	sadd.s32 s2, s4;
	[dreg:$0x0] =	wrdreg $0x0  }
0xa8: {  	s4 =	sshll.u32 s28, $0x1;
	[dreg:$0x2] =	wrdreg s2  }
0xa9: {  	[dreg:$0x3] =	wrdreg s4  }
0xaa: {  	[dreg:$0x4] =	wrdreg $0xC0  }
0xab: {  	_ =	task [dreg:s6], $0x5FFFF  }
0xac: {  	[dreg:$0x1] =	wrdreg $0xFFFFFFFF  }
0xad: {  	[dreg:$0x0] =	wrdreg $0x60  }
0xae: {  	[dreg:$0x2] =	wrdreg s24  }
0xaf: {  	[dreg:$0x3] =	wrdreg $0x98000  }
0xb0: {  	[dreg:$0x4] =	wrdreg $0x9  }
0xb1: {  	_ =	task.clear_ibuf [dreg:s6], $0x5FFFF;
	_ =	strace $0x90000049  }
0xb2: {  	s29 =	simm.s32 $0x9;
	_ =	strace $0x8000004B  }
0xb3: {  	_ =	swait.ge [sflag:s29], $0x1  }
0xb4: {  	[sflag:s29] =	ssyncadd.s32 $0xFFFFFFFF  }
0xb5: {  	_ =	strace $0x9000004B  }
0xb6: {  	_ =	sfence  }
0xb7: {  	s30 =	sld [smem:$0x0];
	_ =	sdelay $0x2  }
0xb8: {  	s31 =	sshll.u32 s1, $0xD;
	s1 =	sshrl.u32 s1, $0x2  }
0xb9: {  	s3 =	sand.u32 $0x4000, s31;
	s1 =	sadd.s32 s1, s30  }
0xba: {  	s0 =	sor.u32 s3, s0;
	s1 =	sshll.u32 s1, $0x11  }
0xbb: {  	s0 =	sor.u32 s1, s0  }
0xbc: {  	s0 =	sadd.s32 $0x8F2B, s0  }
0xbd: {  	[sflag:s0] =	ssyncadd.remote.s32 $0x1  }
0xbe: {  	_ =	sfence.sel $0xFFFF  }
0xbf: {  	[dreg:$0x0] =	wrdreg $0xFFFFFFFF;
	(pc) =	sbr.abs _section_cstart, $3  }
0xc0: {  	[dreg:$0x1] =	wrdreg $0xFFFFFFFF  }
0xc1: {  	_ =	task.clear_ibuf [dreg:s6], $0x2FFFF;
	_ =	strace $0x9FFFFFFF  }
0xc2: {  	(tm) =	ssettm $0x7FFFFFFF  }
0xc3: {  	_ =	shalt  }
tec
execute0_lowered:
.L_overlay_start_1:
0x0: {  	(tag) =	ssettag $0x1  }
0x1: {  	s1 =	srdreg.scid;
	s6 =	rddreg [dreg:$0x0]  }
0x2: {  	s0 =	stileid.u32;
	s2 =	rddreg [dreg:$0x1]  }
0x3: {  	s3 =	simm.s32 $0x0;
	s11 =	simm.s32 $0x2;
	s12 =	simm.s32 $0x2800  }
0x4: {  	s13 =	simm.s32 $0x80;
	s14 =	simm.s32 $0x5000;
	s15 =	simm.s32 $0x1  }
0x5: {  	s5 =	sand.u32 $0x1, s1;
	s28 =	sshll.u32 s0, $0x1;
	s8 =	smul.u32 $0x2800, s0  }
0x6: {  	[smem:$0x7FF] =	sst s3;
	s4 =	sadd.s32 $0x17400, s6;
	s10 =	smul.u32 $0x50000, s0  }
0x7: {  	s16 =	sshll.u32 s0, $0x6;
	s1 =	sor.u32 s5, s28;
	s9 =	smul.u32 $0x28000, s5  }
0x8: {  	s5 =	ssub.s32 $0x2, s5;
	s16 =	sor.u32 $0x1C02, s16;
	s7 =	smul.u32 $0x500, s1  }
0x9: {  	s1 =	rddreg [dreg:$0x2];
	_ =	strace $0x8000004A;
	s29 =	sshrl.u32 s5, $0x1  }
0xa: {  	s30 =	sshrl.u32 s10, $0x2;
	s10 =	simm.s32 $0x9000;
	s8 =	sadd.s32 s8, s9  }
0xb: {  	s31 =	ssub.s32 s5, s29;
	s5 =	sadd.s32 s30, s2;
	s7 =	sadd.s32 s7, s6  }
0xc: {  	s8 =	sadd.s32 s8, s6;
	s9 =	smax.u32 s31, $0x1;
	s17 =	sshrl.u32 s5, $0x3  }
0xd: {  	v0 =	vimm.f32 $0.0e+00;
	s6 =	sadd.s32 $0xD400, s7;
	s7 =	sadd.s32 $0x3400, s7;
	s8 =	sadd.s32 $0x3E600, s8  }
.LBB2_1:
0xe: {  	[tilespmem:$0x9000] =	vst v0  }
0xf: {  	[tilespmem:$0x9010] =	vst v0  }
0x10: {  	[tilespmem:$0x9020] =	vst v0  }
0x11: {  	[tilespmem:$0x9030] =	vst v0  }
0x12: {  	[tilespmem:$0x9040] =	vst v0  }
0x13: {  	[tilespmem:$0x9050] =	vst v0  }
0x14: {  	[tilespmem:$0x9060] =	vst v0  }
0x15: {  	[tilespmem:$0x9070] =	vst v0  }
0x16: {  	[tilespmem:$0x9080] =	vst v0  }
0x17: {  	[tilespmem:$0x9090] =	vst v0  }
0x18: {  	[tilespmem:$0x90A0] =	vst v0  }
0x19: {  	[tilespmem:$0x90B0] =	vst v0  }
0x1a: {  	[tilespmem:$0x90C0] =	vst v0  }
0x1b: {  	[tilespmem:$0x90D0] =	vst v0  }
0x1c: {  	[tilespmem:$0x90E0] =	vst v0  }
0x1d: {  	[tilespmem:$0x90F0] =	vst v0  }
0x1e: {  	[tilespmem:$0x9100] =	vst v0  }
0x1f: {  	[tilespmem:$0x9110] =	vst v0  }
0x20: {  	[tilespmem:$0x9120] =	vst v0  }
0x21: {  	[tilespmem:$0x9130] =	vst v0  }
0x22: {  	[tilespmem:$0x9140] =	vst v0  }
0x23: {  	[tilespmem:$0x9150] =	vst v0  }
0x24: {  	[tilespmem:$0x9160] =	vst v0  }
0x25: {  	[tilespmem:$0x9170] =	vst v0  }
0x26: {  	[tilespmem:$0x9180] =	vst v0  }
0x27: {  	[tilespmem:$0x9190] =	vst v0  }
0x28: {  	[tilespmem:$0x91A0] =	vst v0  }
0x29: {  	[tilespmem:$0x91B0] =	vst v0  }
0x2a: {  	[tilespmem:$0x91C0] =	vst v0  }
0x2b: {  	[tilespmem:$0x91D0] =	vst v0  }
0x2c: {  	[tilespmem:$0x91E0] =	vst v0  }
0x2d: {  	[tilespmem:$0x91F0] =	vst v0  }
0x2e: {  	[tilespmem:$0x9200] =	vst v0  }
0x2f: {  	[tilespmem:$0x9210] =	vst v0  }
0x30: {  	[tilespmem:$0x9220] =	vst v0  }
0x31: {  	[tilespmem:$0x9230] =	vst v0  }
0x32: {  	[tilespmem:$0x9240] =	vst v0  }
0x33: {  	[tilespmem:$0x9250] =	vst v0  }
0x34: {  	[tilespmem:$0x9260] =	vst v0  }
0x35: {  	[tilespmem:$0x9270] =	vst v0  }
0x36: {  	[tilespmem:$0x9280] =	vst v0  }
0x37: {  	[tilespmem:$0x9290] =	vst v0  }
0x38: {  	[tilespmem:$0x92A0] =	vst v0  }
0x39: {  	[tilespmem:$0x92B0] =	vst v0  }
0x3a: {  	[tilespmem:$0x92C0] =	vst v0  }
0x3b: {  	[tilespmem:$0x92D0] =	vst v0  }
0x3c: {  	[tilespmem:$0x92E0] =	vst v0  }
0x3d: {  	[tilespmem:$0x92F0] =	vst v0  }
0x3e: {  	[tilespmem:$0x9300] =	vst v0  }
0x3f: {  	[tilespmem:$0x9310] =	vst v0  }
0x40: {  	[tilespmem:$0x9320] =	vst v0  }
0x41: {  	[tilespmem:$0x9330] =	vst v0  }
0x42: {  	[tilespmem:$0x9340] =	vst v0  }
0x43: {  	[tilespmem:$0x9350] =	vst v0  }
0x44: {  	[tilespmem:$0x9360] =	vst v0  }
0x45: {  	[tilespmem:$0x9370] =	vst v0  }
0x46: {  	[tilespmem:$0x9380] =	vst v0  }
0x47: {  	[tilespmem:$0x9390] =	vst v0  }
0x48: {  	[tilespmem:$0x93A0] =	vst v0  }
0x49: {  	[tilespmem:$0x93B0] =	vst v0  }
0x4a: {  	[tilespmem:$0x93C0] =	vst v0  }
0x4b: {  	[tilespmem:$0x93D0] =	vst v0  }
0x4c: {  	[tilespmem:$0x93E0] =	vst v0  }
0x4d: {  	[tilespmem:$0x93F0] =	vst v0  }
0x4e: {  	[tilespmem:$0x9400] =	vst v0  }
0x4f: {  	[tilespmem:$0x9410] =	vst v0  }
0x50: {  	[tilespmem:$0x9420] =	vst v0  }
0x51: {  	[tilespmem:$0x9430] =	vst v0  }
0x52: {  	[tilespmem:$0x9440] =	vst v0  }
0x53: {  	[tilespmem:$0x9450] =	vst v0  }
0x54: {  	[tilespmem:$0x9460] =	vst v0  }
0x55: {  	[tilespmem:$0x9470] =	vst v0  }
0x56: {  	[tilespmem:$0x9480] =	vst v0  }
0x57: {  	[tilespmem:$0x9490] =	vst v0  }
0x58: {  	[tilespmem:$0x94A0] =	vst v0  }
0x59: {  	[tilespmem:$0x94B0] =	vst v0  }
0x5a: {  	[tilespmem:$0x94C0] =	vst v0  }
0x5b: {  	[tilespmem:$0x94D0] =	vst v0  }
0x5c: {  	[tilespmem:$0x94E0] =	vst v0  }
0x5d: {  	[tilespmem:$0x94F0] =	vst v0  }
0x5e: {  	[tilespmem:$0x9500] =	vst v0  }
0x5f: {  	[tilespmem:$0x9510] =	vst v0  }
0x60: {  	[tilespmem:$0x9520] =	vst v0  }
0x61: {  	[tilespmem:$0x9530] =	vst v0  }
0x62: {  	[tilespmem:$0x9540] =	vst v0  }
0x63: {  	[tilespmem:$0x9550] =	vst v0  }
0x64: {  	[tilespmem:$0x9560] =	vst v0  }
0x65: {  	[tilespmem:$0x9570] =	vst v0  }
0x66: {  	[tilespmem:$0x9580] =	vst v0  }
0x67: {  	[tilespmem:$0x9590] =	vst v0  }
0x68: {  	[tilespmem:$0x95A0] =	vst v0  }
0x69: {  	[tilespmem:$0x95B0] =	vst v0  }
0x6a: {  	[tilespmem:$0x95C0] =	vst v0  }
0x6b: {  	[tilespmem:$0x95D0] =	vst v0  }
0x6c: {  	[tilespmem:$0x95E0] =	vst v0  }
0x6d: {  	[tilespmem:$0x95F0] =	vst v0  }
0x6e: {  	[tilespmem:$0x9600] =	vst v0  }
0x6f: {  	[tilespmem:$0x9610] =	vst v0  }
0x70: {  	[tilespmem:$0x9620] =	vst v0  }
0x71: {  	[tilespmem:$0x9630] =	vst v0  }
0x72: {  	[tilespmem:$0x9640] =	vst v0  }
0x73: {  	[tilespmem:$0x9650] =	vst v0  }
0x74: {  	[tilespmem:$0x9660] =	vst v0  }
0x75: {  	[tilespmem:$0x9670] =	vst v0  }
0x76: {  	[tilespmem:$0x9680] =	vst v0  }
0x77: {  	[tilespmem:$0x9690] =	vst v0  }
0x78: {  	[tilespmem:$0x96A0] =	vst v0  }
0x79: {  	[tilespmem:$0x96B0] =	vst v0  }
0x7a: {  	[tilespmem:$0x96C0] =	vst v0  }
0x7b: {  	[tilespmem:$0x96D0] =	vst v0  }
0x7c: {  	[tilespmem:$0x96E0] =	vst v0  }
0x7d: {  	[tilespmem:$0x96F0] =	vst v0  }
0x7e: {  	[tilespmem:$0x9700] =	vst v0  }
0x7f: {  	[tilespmem:$0x9710] =	vst v0  }
0x80: {  	[tilespmem:$0x9720] =	vst v0  }
0x81: {  	[tilespmem:$0x9730] =	vst v0  }
0x82: {  	[tilespmem:$0x9740] =	vst v0  }
0x83: {  	[tilespmem:$0x9750] =	vst v0  }
0x84: {  	[tilespmem:$0x9760] =	vst v0  }
0x85: {  	[tilespmem:$0x9770] =	vst v0  }
0x86: {  	[tilespmem:$0x9780] =	vst v0  }
0x87: {  	[tilespmem:$0x9790] =	vst v0  }
0x88: {  	[tilespmem:$0x97A0] =	vst v0  }
0x89: {  	[tilespmem:$0x97B0] =	vst v0  }
0x8a: {  	[tilespmem:$0x97C0] =	vst v0  }
0x8b: {  	[tilespmem:$0x97D0] =	vst v0  }
0x8c: {  	[tilespmem:$0x97E0] =	vst v0  }
0x8d: {  	[tilespmem:$0x97F0] =	vst v0;
	s18 =	sadd.s32 $0x0, s5  }
0x8e: {  	[spmem:s18] =	stream.linear.scatter [tilespmem:s10], [sflag:$0x2], $0x800, $0x38;
	[tilespmem:$0x1D800] =	vst v63  }
0x8f: {  	s18 =	simm.s32 $0x2000;
	_ =	swait.ge [sflag:s11], $0x800  }
.LBB2_2:
0x90: {  	s19 =	sshra.s32 s18, $0x2;
	[sflag:s11] =	ssyncset.done $0x0;
	p0 =	sne.s32 s18, $0x4E000  }
.Ltmp0:
0x91: {  	s19 =	sadd.s32 s19, s5;
	[sflag:s11] =	ssyncadd.s32 $0xFFFFF800;
	(pc) =	sbr.rel @p0 .LBB2_2-.Ltmp0, $3  }
0x92: {  	[spmem:s19] =	stream.linear.scatter [tilespmem:s10], [sflag:$0x2], $0x800, $0x38;
	[tilespmem:$0x1D800] =	vst v63  }
0x93: {  	s18 =	sadd.s32 $0x2000, s18;
	_ =	sdelay $0x1  }
0x94: {  	_ =	swait.ge [sflag:s11], $0x800  }
0x95: {  	[sflag:s11] =	ssyncset.done $0x0  }
0x96: {  	[sflag:s11] =	ssyncadd.s32 $0xFFFFF800  }
0x97: {  	s18 =	simm.s32 $0x0;
	[bflag:$0x0] =	sbarrier.arrive $0xFFFF  }
0x98: {  	[tilespmem:s18], [sflag:$0x2] =	stream.linear.gather [hbm4b:s6+s18], $0x2800, $0x38;
	[tilespmem:$0x1D800] =	vst v63  }
0x99: {  	_ =	swait.ge [sflag:s11], $0x2800  }
0x9a: {  	[sflag:s11] =	ssyncset.done $0x0  }
0x9b: {  	[sflag:s11] =	ssyncadd.s32 $0xFFFFD800  }
0x9c: {  	[tilespmem:s12], [sflag:$0x2] =	stream.linear.gather [hbm4b:s7+s18], $0x2800, $0x38;
	[tilespmem:$0x1D800] =	vst v63  }
0x9d: {  	_ =	swait.ge [sflag:s11], $0x2800  }
0x9e: {  	[sflag:s11] =	ssyncset.done $0x0  }
0x9f: {  	s30 =	simm.s32 $0x0;
	[sflag:s11] =	ssyncadd.s32 $0xFFFFD800  }
0xa0: {  	[tilespmem:s14], [sflag:$0x1] =	stream.indirect.gather [hbm4b:s4+s13], $0x80, s30, s13, $0xb8;
	[tilespmem:$0x1D800] =	vst v63  }
0xa1: {  	_ =	swait.ge [sflag:s15], $0x4000  }
0xa2: {  	[sflag:s15] =	ssyncset.done $0x0  }
0xa3: {  	s31 =	simm.s32 $0x2800;
	[sflag:s15] =	ssyncadd.s32 $0xFFFFC000  }
0xa4: {  	[spmem:s2] =	stream.indirect.scatter.add.f32 [tilespmem:s14], [sflag:$0x2], $0x80, s31, s13, $0xb8;
	[tilespmem:$0x1D800] =	vst v63  }
0xa5: {  	_ =	swait.ge [sflag:s11], $0x4000  }
0xa6: {  	s19 =	simm.s32 $0x400;
	s18 =	simm.s32 $0x200;
	[sflag:s11] =	ssyncset.done $0x0  }
.LBB2_4:
0xa7: {  	s20 =	sshra.s32 s18, $0x2  }
0xa8: {  	[sflag:s11] =	ssyncadd.s32 $0xFFFFC000;
	s18 =	smov.u32 s19;
	s21 =	sadd.s32 $0x200, s19  }
0xa9: {  	[tilespmem:s14], [sflag:$0x1] =	stream.indirect.gather [hbm4b:s4+s13], $0x80, s20, s13, $0xb8;
	[tilespmem:$0x1D800] =	vst v63  }
0xaa: {  	p0 =	sne.s32 s19, $0x9E00;
	_ =	swait.ge [sflag:s15], $0x4000  }
.Ltmp1:
0xab: {  	[sflag:s15] =	ssyncset.done $0x0;
	(pc) =	sbr.rel @p0 .LBB2_4-.Ltmp1, $4  }
0xac: {  	s19 =	sadd.s32 $0x2800, s20;
	[sflag:s15] =	ssyncadd.s32 $0xFFFFC000  }
0xad: {  	[spmem:s2] =	stream.indirect.scatter.add.f32 [tilespmem:s14], [sflag:$0x2], $0x80, s19, s13, $0xb8;
	[tilespmem:$0x1D800] =	vst v63  }
0xae: {  	_ =	swait.ge [sflag:s11], $0x4000  }
0xaf: {  	s19 =	smov.u32 s21;
	[sflag:s11] =	ssyncset.done $0x0  }
0xb0: {  	s18 =	sshra.s32 s18, $0x2;
	[sflag:s11] =	ssyncadd.s32 $0xFFFFC000  }
0xb1: {  	[tilespmem:s14], [sflag:$0x1] =	stream.indirect.gather [hbm4b:s4+s13], $0x80, s18, s13, $0xb8;
	[tilespmem:$0x1D800] =	vst v63  }
0xb2: {  	_ =	swait.ge [sflag:s15], $0x4000  }
0xb3: {  	[sflag:s15] =	ssyncset.done $0x0  }
0xb4: {  	s18 =	sadd.s32 $0x2800, s18;
	[sflag:s15] =	ssyncadd.s32 $0xFFFFC000  }
0xb5: {  	[spmem:s2] =	stream.indirect.scatter.add.f32 [tilespmem:s14], [sflag:$0x2], $0x80, s18, s13, $0xb8;
	[tilespmem:$0x1D800] =	vst v63  }
0xb6: {  	_ =	swait.ge [sflag:s11], $0x4000  }
0xb7: {  	s3 =	sadd.s32 $0x1, s3;
	[sflag:s11] =	ssyncset.done $0x0  }
0xb8: {  	p0 =	sne.s32 s3, s9;
	[sflag:s11] =	ssyncadd.s32 $0xFFFFC000  }
.Ltmp2:
0xb9: {  	[bflag:$0x0] =	sbarrier.arrive $0xFFFF;
	(pc) =	sbr.rel @p0 .LBB2_1-.Ltmp2, $4  }
0xba: {  	[hbm:s8], [sflag:s16] =	dma.local [spmem:s17], $0x2800  }
0xbb: {  	_ =	swait.ge [sflag:s11], $0x2800  }
0xbc: {  	[sflag:s11] =	ssyncset.done $0x0  }
0xbd: {  	[sflag:s11] =	ssyncadd.s32 $0xFFFFD800  }
0xbe: {  	_ =	sfence.sel $0x180000  }
0xbf: {  	[bflag:$0x0] =	sbarrier.arrive $0xFFFF  }
0xc0: {  	p0 =	sne.s32 s0, $0x0;
	_ =	strace $0x9000004A  }
0xc1: {  	s0 =	sadd.s32 @!p0 $0x100000, s1;
	[bflag:$0x2] =	sbarrier.arrive $0xFFFF  }
0xc2: {  	[sflag:s0] =	ssyncadd.tile.s32 @!p0 $0x1;
	_ =	shalt  }
.Lfunc_end2:
_tile_overlayer_lowered:
.L_overlay_start_2:
0xc3: {  	(tag) =	ssettag $0x2  }
0xc4: {  	s0 =	rddreg [dreg:$0x0];
	s2 =	stileid.u32  }
0xc5: {  	s1 =	rddreg [dreg:$0x1];
	p0 =	sne.s32 s2, $0x0  }
0xc6: {  	s3 =	rddreg [dreg:$0x2];
	[bflag:$0x3] =	sbarrier.arrive $0xFFFF;
	s2 =	simm.s32 @!p0 $0x1C02  }
0xc7: {  	[timem:s3], [sflag:s2] =	dma.local @!p0 [hbm:s0], s1  }
0xc8: {  	s0 =	simm.s32 @!p0 $0x2  }
0xc9: {  	_ =	swait.ge @!p0 [sflag:s0], s1  }
0xca: {  	s1 =	ssub.s32 @!p0 $0x0, s1;
	[sflag:s0] =	ssyncset.done @!p0 $0x0  }
0xcb: {  	[sflag:s0] =	ssyncadd.s32 @!p0 s1  }
0xcc: {  	[bflag:$0x3] =	sbarrier.arrive $0xFFFF  }
0xcd: {  	_ =	shalt  }

// kernel: kernel.14.cloned.1.call-start
scs
__scs_entry_jumppad:
0x0: {  	(pc) =	sbr.rel $0x88, $3  }
0x1: {  	(tag) =	ssettag $0x0;
	lr =	simm.s32 $0x1  }
0x2: {  	[smem:$0x3F95] =	sst lr;
	_ =	strace $0xD0000000  }
0x3: {  	_ = 	snop  }
0x4: {  	_ = 	snop  }
0x5: {  	_ = 	snop  }
0x6: {  	_ = 	snop  }
0x7: {  	_ = 	snop  }
__scs_overlays_trampoline_lowered:
0x8: {  	[smem:$0x3FA4] =	sst s0  }
0x9: {  	[smem:$0x3FA5] =	sst s1  }
0xa: {  	[smem:$0x3FA6] =	sst s2  }
0xb: {  	[smem:$0x3FA7] =	sst s3  }
0xc: {  	[smem:$0x3FA8] =	sst s4  }
0xd: {  	[smem:$0x3FA9] =	sst s5  }
0xe: {  	[smem:$0x3FAA] =	sst s6  }
0xf: {  	[smem:$0x3FAB] =	sst s7  }
0x10: {  	[smem:$0x3FAC] =	sst s8  }
0x11: {  	[smem:$0x3FAD] =	sst s9;
	s0 =	simm.s32 @!p0 $0x0  }
0x12: {  	s1 =	sld [smem:$0x3F93];
	s0 =	simm.s32 @p0 $0x1  }
0x13: {  	[smem:$0x3FAE] =	sst s0;
	s0 =	simm.s32 @!p1 $0x0  }
0x14: {  	s2 =	sld [smem:$0x3F92];
	s0 =	simm.s32 @p1 $0x1  }
0x15: {  	[smem:$0x3FAF] =	sst s0;
	s0 =	simm.s32 @!p2 $0x0  }
0x16: {  	s3 =	sld [smem:$0x3FDB];
	s0 =	simm.s32 @p2 $0x1  }
0x17: {  	s4 =	simm.s32 $0x1BF5;
	[smem:$0x3FB1] =	sst s0  }
0x18: {  	s0 =	sld [smem:$0x3F94];
	_ =	swait.ge [sflag:s4], $0x0  }
0x19: {  	s7 =	sld [smem:$0x3F95]  }
0x1a: {  	s8 =	sadd.s32 $0xFFFFE003, lr  }
0x1b: {  	s9 =	sadd.s32 $0xFFFFFEF7, lr;
	s5 =	simm.s32 $0xFFFFFFFF;
	p2 =	slt.u32 s8, $0xFFFFF086  }
0x1c: {  	p1 =	slt.u32 s9, $0xF7A;
	s5 =	simm.s32 @!p2 $0x0  }
0x1d: {  	s5 =	simm.s32 @p1 $0x1;
	p0 =	seq.s32 s7, s2  }
0x1e: {  	s7 =	smul.u32 @!p0 $0xF7A, s2;
	p2 =	seq.s32 @!p0 s5, $0x0  }
0x1f: {  	s9 =	smul.u32 $0xF7A, s1;
	s8 =	simm.s32 @!p0 $0x1BF5;
	p2 =	por !p2, p0  }
0x20: {  	[sflag:s8] =	ssyncset.s32 @!p0 $0xFFFFF086;
	s6 =	sadd.s32 @!p0 s3, s7;
	s7 =	simm.s32 @!p0 $0x108  }
0x21: {  	s3 =	sadd.s32 s3, s9;
	s6 =	sadd.s32 @!p0 $0x88, s6;
	s7 =	simm.s32 @p2 $0x1082  }
0x22: {  	[simem:s7], [sflag:s8] =	dma.local @!p0 [hbm:s6], $0xF7A  }
0x23: {  	s9 =	sor.u32 $0xD0000000, s2;
	s6 =	simm.s32 $0x108;
	_ =	swait.ge @!p0 [sflag:s8], $0x0  }
0x24: {  	s3 =	sadd.s32 $0x88, s3;
	s6 =	simm.s32 @!p1 $0x1082;
	[sflag:s4] =	ssyncset.s32 $0xFFFFF086  }
0x25: {  	[simem:s6], [sflag:s4] =	dma.local [hbm:s3], $0xF7A  }
0x26: {  	[smem:$0x3F95] =	sst s1;
	(tag) =	ssettag s2;
	_ =	strace s9  }
0x27: {  	s1 =	sld [smem:$0x3FA5]  }
0x28: {  	s2 =	sld [smem:$0x3FA6]  }
0x29: {  	s4 =	sld [smem:$0x3FA8]  }
0x2a: {  	p0 =	seq.s32 s5, $0x0;
	s5 =	sld [smem:$0x3FA9]  }
0x2b: {  	s6 =	sld [smem:$0x3FAA]  }
0x2c: {  	s7 =	sld [smem:$0x3FAB]  }
0x2d: {  	s3 =	simm.s32 $0x108;
	s8 =	sld [smem:$0x3FAC]  }
0x2e: {  	s3 =	simm.s32 @!p0 $0x1082;
	s9 =	sld [smem:$0x3FAD]  }
0x2f: {  	lr =	sadd.s32 s0, s3;
	s0 =	sld [smem:$0x3FA4]  }
0x30: {  	s3 =	sld [smem:$0x3FA7]  }
0x31: {  	[smem:$0x3FB0] =	sst s10  }
0x32: {  	s10 =	sld [smem:$0x3FAE];
	_ =	sdelay $0x3  }
0x33: {  	p0 =	seq.s32 s10, $0x1;
	s10 =	sld [smem:$0x3FB0];
	_ =	sdelay $0x3  }
0x34: {  	[smem:$0x3FB0] =	sst s10  }
0x35: {  	s10 =	sld [smem:$0x3FAF];
	_ =	sdelay $0x3  }
0x36: {  	p1 =	seq.s32 s10, $0x1;
	s10 =	sld [smem:$0x3FB0];
	_ =	sdelay $0x3  }
0x37: {  	[smem:$0x3FB0] =	sst s10  }
0x38: {  	s10 =	sld [smem:$0x3FB1]  }
0x39: {  	_ = 	snop;
	(pc) =	sbr.ind lr, $3  }
0x3a: {  	_ = 	snop  }
0x3b: {  	_ = 	snop  }
0x3c: {  	p2 =	seq.s32 s10, $0x1;
	s10 =	sld [smem:$0x3FB0]  }
0x3d: {  	_ =	shalt  }
0x3e: {  	_ =	shalt  }
0x3f: {  	_ =	shalt  }
0x40: {  	_ =	shalt  }
0x41: {  	_ =	shalt  }
0x42: {  	_ =	shalt  }
0x43: {  	_ =	shalt  }
0x44: {  	_ =	shalt  }
0x45: {  	_ =	shalt  }
0x46: {  	_ =	shalt  }
0x47: {  	_ =	shalt  }
0x48: {  	_ =	shalt  }
0x49: {  	_ =	shalt  }
0x4a: {  	_ =	shalt  }
0x4b: {  	_ =	shalt  }
0x4c: {  	_ =	shalt  }
0x4d: {  	_ =	shalt  }
0x4e: {  	_ =	shalt  }
0x4f: {  	_ =	shalt  }
0x50: {  	_ =	shalt  }
0x51: {  	_ =	shalt  }
0x52: {  	_ =	shalt  }
0x53: {  	_ =	shalt  }
0x54: {  	_ =	shalt  }
0x55: {  	_ =	shalt  }
0x56: {  	_ =	shalt  }
0x57: {  	_ =	shalt  }
0x58: {  	_ =	shalt  }
0x59: {  	_ =	shalt  }
0x5a: {  	_ =	shalt  }
0x5b: {  	_ =	shalt  }
0x5c: {  	_ =	shalt  }
0x5d: {  	_ =	shalt  }
0x5e: {  	_ =	shalt  }
0x5f: {  	_ =	shalt  }
0x60: {  	_ =	shalt  }
0x61: {  	_ =	shalt  }
0x62: {  	_ =	shalt  }
0x63: {  	_ =	shalt  }
0x64: {  	_ =	shalt  }
0x65: {  	_ =	shalt  }
0x66: {  	_ =	shalt  }
0x67: {  	_ =	shalt  }
0x68: {  	_ =	shalt  }
0x69: {  	_ =	shalt  }
0x6a: {  	_ =	shalt  }
0x6b: {  	_ =	shalt  }
0x6c: {  	_ =	shalt  }
0x6d: {  	_ =	shalt  }
0x6e: {  	_ =	shalt  }
0x6f: {  	_ =	shalt  }
0x70: {  	_ =	shalt  }
0x71: {  	_ =	shalt  }
0x72: {  	_ =	shalt  }
0x73: {  	_ =	shalt  }
0x74: {  	_ =	shalt  }
0x75: {  	_ =	shalt  }
0x76: {  	_ =	shalt  }
0x77: {  	_ =	shalt  }
0x78: {  	_ =	shalt  }
0x79: {  	_ =	shalt  }
0x7a: {  	_ =	shalt  }
0x7b: {  	_ =	shalt  }
0x7c: {  	_ =	shalt  }
0x7d: {  	_ =	shalt  }
0x7e: {  	_ =	shalt  }
0x7f: {  	_ =	shalt  }
0x80: {  	_ =	shalt  }
0x81: {  	_ =	shalt  }
0x82: {  	_ =	shalt  }
0x83: {  	_ =	shalt  }
0x84: {  	_ =	shalt  }
0x85: {  	_ =	shalt  }
0x86: {  	_ =	shalt  }
0x87: {  	_ =	shalt  }
.Lfunc_end0:
.L_simem_size_0:
called_computation.2_lowered:
.L_overlay_start_0:
0x88: {  	s2 =	sld [smem:$0x3FD9]  }
0x89: {  	s3 =	sld [smem:$0x3FFE];
	_ =	sdelay $0x1  }
0x8a: {  	s1 =	srdreg.scid  }
0x8b: {  	s0 =	sand.u32 $0x1, s1  }
0x8c: {  	s16 =	sshll.u32 s0, $0xA;
	s2 =	sadd.s32 s3, s2  }
0x8d: {  	s2 =	sadd.s32 s2, s16  }
0x8e: {  	[smem:$0x3FBC] =	sst s2  }
0x8f: {  	_ = 	snop  }
0x90: {  	(tm) =	ssettm $0x1  }
0x91: {  	s17 =	sld [smem:$0x3FFB];
	_ =	sdelay $0x3  }
0x92: {  	_ =	strace s17  }
0x93: {  	s2 =	sld [smem:$0x3FFC];
	_ =	sdelay $0x3  }
0x94: {  	_ =	strace s2  }
0x95: {  	s2 =	sld [smem:$0x3FFD];
	_ =	sdelay $0x3  }
0x96: {  	_ =	strace s2  }
0x97: {  	_ =	strace $0x8FFFFFFF  }
0x98: {  	s18 =	sld [smem:$0x3FDB];
	_ =	sdelay $0x1  }
0x99: {  	s19 =	simm.s32 $_scs_section_size  }
0x9a: {  	s4 =	simm.s32 $_size__tile_overlayer_lowered;
	s5 =	simm.s32 $_tile_overlayer_lowered  }
0x9b: {  	s22 =	simm.s32 $0x1BFF;
	s21 =	sshll.u32 s5, $0x1;
	s2 =	sadd.s32 s19, s18  }
0x9c: {  	s6 =	simm.s32 $0x0;
	s20 =	sshll.u32 s4, $0x1;
	s4 =	sadd.s32 s21, s2  }
0x9d: {  	[timem:s6], [sflag:s22] =	dma.local [hbm:s4], s20  }
0x9e: {  	_ =	swait.ge [sflag:s22], s20  }
0x9f: {  	s3 =	ssub.s32 $0x0, s20;
	[sflag:s22] =	ssyncset.done $0x0  }
0xa0: {  	[sflag:s22] =	ssyncadd.s32 s3;
	_ =	sdelay $0x1  }
0xa1: {  	s23 =	simm.s32 $0x1B8B  }
0xa2: {  	_ =	swait.ge [sflag:s23], $0x1  }
0xa3: {  	[sflag:s23] =	ssyncset.done $0x0  }
0xa4: {  	s25 =	simm.s32 $0x1B8E;
	s24 =	sld [smem:$0x3FFE];
	[sflag:s23] =	ssyncadd.s32 $0xFFFFFFFF  }
0xa5: {  	s26 =	simm.s32 $execute0_lowered;
	[smem:$0x3FD2] =	sst s25  }
0xa6: {  	s4 =	sshll.u32 s26, $0x1;
	_ =	strace $0x8000004C;
	[dreg:$0x1] =	wrdreg $0xFFFFFFFF  }
0xa7: {  	s28 =	simm.s32 $_size_execute0_lowered;
	s2 =	sadd.s32 s2, s4;
	[dreg:$0x0] =	wrdreg $0x0  }
0xa8: {  	s4 =	sshll.u32 s28, $0x1;
	[dreg:$0x2] =	wrdreg s2  }
0xa9: {  	[dreg:$0x3] =	wrdreg s4  }
0xaa: {  	[dreg:$0x4] =	wrdreg $0xC0  }
0xab: {  	_ =	task [dreg:s6], $0x5FFFF  }
0xac: {  	[dreg:$0x1] =	wrdreg $0xFFFFFFFF  }
0xad: {  	[dreg:$0x0] =	wrdreg $0x60  }
0xae: {  	[dreg:$0x2] =	wrdreg s24  }
0xaf: {  	[dreg:$0x3] =	wrdreg $0x9  }
0xb0: {  	_ =	task.clear_ibuf [dreg:s6], $0x4FFFF;
	_ =	strace $0x9000004C  }
0xb1: {  	s29 =	simm.s32 $0x9;
	_ =	strace $0x8000004E  }
0xb2: {  	_ =	swait.ge [sflag:s29], $0x1  }
0xb3: {  	[sflag:s29] =	ssyncadd.s32 $0xFFFFFFFF  }
0xb4: {  	_ =	strace $0x9000004E  }
0xb5: {  	_ =	sfence  }
0xb6: {  	s30 =	sld [smem:$0x0];
	_ =	sdelay $0x2  }
0xb7: {  	s31 =	sshll.u32 s1, $0xD;
	s1 =	sshrl.u32 s1, $0x2  }
0xb8: {  	s3 =	sand.u32 $0x4000, s31;
	s1 =	sadd.s32 s1, s30  }
0xb9: {  	s0 =	sor.u32 s3, s0;
	s1 =	sshll.u32 s1, $0x11  }
0xba: {  	s0 =	sor.u32 s1, s0  }
0xbb: {  	s0 =	sadd.s32 $0x8F2B, s0  }
0xbc: {  	[sflag:s0] =	ssyncadd.remote.s32 $0x1  }
0xbd: {  	_ =	sfence.sel $0xFFFF  }
0xbe: {  	[dreg:$0x0] =	wrdreg $0xFFFFFFFF;
	(pc) =	sbr.abs _section_cstart, $3  }
0xbf: {  	[dreg:$0x1] =	wrdreg $0xFFFFFFFF  }
0xc0: {  	_ =	task.clear_ibuf [dreg:s6], $0x2FFFF;
	_ =	strace $0x9FFFFFFF  }
0xc1: {  	(tm) =	ssettm $0x7FFFFFFF  }
tec
execute0_lowered:
.L_overlay_start_1:
0x0: {  	(tag) =	ssettag $0x1  }
0x1: {  	s1 =	srdreg.scid  }
0x2: {  	s0 =	stileid.u32;
	s4 =	rddreg [dreg:$0x0];
	s2 =	simm.s32 $0x0  }
0x3: {  	s9 =	simm.s32 $0x6800;
	s10 =	simm.s32 $0x7000;
	s11 =	simm.s32 $0x1  }
0x4: {  	s12 =	simm.s32 $0x7800;
	s3 =	sand.u32 $0x1, s1;
	s5 =	sshll.u32 s0, $0x1  }
0x5: {  	s13 =	simm.s32 $0x0;
	s1 =	rddreg [dreg:$0x1];
	s5 =	sor.u32 s3, s5  }
0x6: {  	[smem:$0x7FF] =	sst s2;
	s7 =	ssub.s32 $0x2, s3;
	s6 =	smul.u32 $0xC00, s5  }
0x7: {  	_ =	strace $0x8000004D;
	s5 =	smul.u32 $0x1800, s5;
	s8 =	sshrl.u32 s7, $0x1  }
0x8: {  	v2 =	vlaneseq.u32;
	vm1 =	vcmask $0x2F20;
	vm2 =	vcmask $0xF00;
	s3 =	sadd.s32 $0x3400, s4;
	s7 =	ssub.s32 s7, s8;
	s6 =	sadd.s32 s6, s4  }
0x9: {  	vm0 =	vmmov $0xffff;
	v0 =	vand.u32 $0x7, v2;
	v1 =	vshrl.u32 v2, $0x3;
	s8 =	simm.s32 $0x6000;
	s5 =	sadd.s32 s5, s4;
	s4 =	sadd.s32 $0x8E600, s6  }
0xa: {  	v2 =	vor.u32 $0x8, v2;
	vm1 =	vmor vm2, vm1;
	v1 =	vmul.u32 $0x8, v1;
	s5 =	sadd.s32 $0x51600, s5;
	s6 =	smax.u32 s7, $0x1;
	s7 =	simm.s32 $0x2  }
.LBB2_1:
0xb: {  	[tilespmem:s2], [sflag:$0x2] =	stream.linear.gather [hbm4b:s4+s2], $0x6000, $0x38;
	[tilespmem:$0x13800] =	vst v63  }
0xc: {  	_ =	swait.ge [sflag:s7], $0x6000  }
0xd: {  	s14 =	simm.s32 $0x10;
	[sflag:s7] =	ssyncset.done $0x0  }
0xe: {  	s15 =	simm.s32 $0x0;
	s16 =	simm.s32 $0x0;
	[sflag:s7] =	ssyncadd.s32 $0xFFFFA000  }
.LBB2_2:
0xf: {  	v3 =	vld [tilespmem:s14+$0xFFFFFFF0];
	_ =	sdelay $0x4  }
0x10: {  	v4 =	vshll.u32 v3, $0x1  }
0x11: {  	v3 =	vand.u32 $0x7, v3;
	v4 =	vand.u32 $0xFFFFFFF0, v4  }
0x12: {  	v3 =	vor.u32 v3, v4  }
0x13: {  	v4 =	vperm.xlane v3, v0;
	_ =	sdelay $0x1  }
0x14: {  	v3 =	vperm.xlane v3, v2;
	v4 =	vadd.s32 v1, v4;
	_ =	sdelay $0x1  }
0x15: {  	v3 =	vadd.s32 v1, v3;
	_ =	sdelay $0x2  }
0x16: {  	[tilespmem:s8], [sflag:$0x1] =	stream.indirect_vreg.gather [hbm4b:s3+s2], $0x80, v4, vm0, $0xb8;
	[tilespmem:$0x13800] =	vst v63  }
0x17: {  	_ = 	snop  }
0x18: {  	[tilespmem:s9], [sflag:$0x1] =	stream.indirect_vreg.gather [hbm4b:s3+s2], $0x80, v3, vm0, $0xb8;
	[tilespmem:$0x13800] =	vst v63  }
0x19: {  	v3 =	vld.msk [tilespmem:s14+$0x0], $0xf;
	_ =	sdelay $0x4  }
0x1a: {  	v36 =	vshll.u32 v3, $0x1  }
0x1b: {  	v3 =	vand.u32 $0x7, v3;
	v4 =	vand.u32 $0xFFFFFFF0, v36  }
0x1c: {  	v3 =	vor.u32 v3, v4  }
0x1d: {  	v3 =	vperm.xlane v3, v0;
	_ =	sdelay $0x1  }
0x1e: {  	v3 =	vadd.s32 v1, v3;
	_ =	sdelay $0x4  }
0x1f: {  	[tilespmem:s10], [sflag:$0x1] =	stream.indirect_vreg.gather [hbm4b:s3+s2], $0x80, v3, vm1, $0xb8;
	[tilespmem:$0x13800] =	vst v63  }
0x20: {  	_ =	swait.ge [sflag:s11], $0x1400  }
0x21: {  	[sflag:s11] =	ssyncset.done $0x0  }
0x22: {  	[sflag:s11] =	ssyncadd.s32 $0xFFFFEC00  }
0x23: {  	v3 =	vld [tilespmem:$0x6000];
	_ =	sdelay $0x1  }
0x24: {  	v37 =	vld [tilespmem:$0x6080];
	_ =	sdelay $0x1  }
0x25: {  	v5 =	vld [tilespmem:$0x6100]  }
0x26: {  	v3 =	vadd.f32 $0.0e+00, v3  }
0x27: {  	v6 =	vld [tilespmem:$0x6180]  }
0x28: {  	v3 =	vadd.f32 v37, v3  }
0x29: {  	v38 =	vld [tilespmem:$0x6200]  }
0x2a: {  	v3 =	vadd.f32 v5, v3  }
0x2b: {  	v39 =	vld [tilespmem:$0x6280]  }
0x2c: {  	v3 =	vadd.f32 v6, v3  }
0x2d: {  	v40 =	vld [tilespmem:$0x6300]  }
0x2e: {  	v3 =	vadd.f32 v38, v3  }
0x2f: {  	v41 =	vld [tilespmem:$0x6380]  }
0x30: {  	v3 =	vadd.f32 v39, v3  }
0x31: {  	v42 =	vld [tilespmem:$0x6800]  }
0x32: {  	v3 =	vadd.f32 v40, v3  }
0x33: {  	v43 =	vld [tilespmem:$0x6880]  }
0x34: {  	v3 =	vadd.f32 v41, v3  }
0x35: {  	v44 =	vld [tilespmem:$0x6900]  }
0x36: {  	v3 =	vadd.f32 v42, v3  }
0x37: {  	v45 =	vld [tilespmem:$0x6980]  }
0x38: {  	v3 =	vadd.f32 v43, v3  }
0x39: {  	v46 =	vld [tilespmem:$0x6A00]  }
0x3a: {  	v3 =	vadd.f32 v44, v3  }
0x3b: {  	v47 =	vld [tilespmem:$0x6A80]  }
0x3c: {  	v3 =	vadd.f32 v45, v3  }
0x3d: {  	v48 =	vld [tilespmem:$0x6B00]  }
0x3e: {  	v3 =	vadd.f32 v46, v3  }
0x3f: {  	v49 =	vld [tilespmem:$0x6B80]  }
0x40: {  	v3 =	vadd.f32 v47, v3  }
0x41: {  	v50 =	vld [tilespmem:$0x7000]  }
0x42: {  	v3 =	vadd.f32 v48, v3  }
0x43: {  	v51 =	vld [tilespmem:$0x7080]  }
0x44: {  	v3 =	vadd.f32 v49, v3  }
0x45: {  	v52 =	vld [tilespmem:$0x7100]  }
0x46: {  	v3 =	vadd.f32 v50, v3  }
0x47: {  	v53 =	vld [tilespmem:$0x7180]  }
0x48: {  	v3 =	vadd.f32 v51, v3;
	_ =	sdelay $0x1  }
0x49: {  	v3 =	vadd.f32 v52, v3;
	_ =	sdelay $0x1  }
0x4a: {  	v3 =	vadd.f32 v53, v3;
	_ =	sdelay $0x1  }
0x4b: {  	s17 =	sand.u32 $0xF800, s16;
	s18 =	sand.u32 $0x380, s15;
	v3 =	vmul.f32 $5.000000070e-02, v3  }
0x4c: {  	s17 =	sor.u32 s18, s17  }
0x4d: {  	[tilespmem:s17+$0x7800] =	vst v3  }
0x4e: {  	v3 =	vld [tilespmem:$0x6010];
	_ =	sdelay $0x1  }
0x4f: {  	v54 =	vld [tilespmem:$0x6090];
	_ =	sdelay $0x1  }
0x50: {  	v55 =	vld [tilespmem:$0x6110]  }
0x51: {  	v3 =	vadd.f32 $0.0e+00, v3  }
0x52: {  	v56 =	vld [tilespmem:$0x6190]  }
0x53: {  	v3 =	vadd.f32 v54, v3  }
0x54: {  	v57 =	vld [tilespmem:$0x6210]  }
0x55: {  	v3 =	vadd.f32 v55, v3  }
0x56: {  	v58 =	vld [tilespmem:$0x6290]  }
0x57: {  	v3 =	vadd.f32 v56, v3  }
0x58: {  	v59 =	vld [tilespmem:$0x6310]  }
0x59: {  	v3 =	vadd.f32 v57, v3  }
0x5a: {  	v60 =	vld [tilespmem:$0x6390]  }
0x5b: {  	v3 =	vadd.f32 v58, v3  }
0x5c: {  	v61 =	vld [tilespmem:$0x6810]  }
0x5d: {  	v3 =	vadd.f32 v59, v3  }
0x5e: {  	v62 =	vld [tilespmem:$0x6890]  }
0x5f: {  	v3 =	vadd.f32 v60, v3  }
0x60: {  	v63 =	vld [tilespmem:$0x6910]  }
0x61: {  	v3 =	vadd.f32 v61, v3  }
0x62: {  	v9 =	vld [tilespmem:$0x6990]  }
0x63: {  	v3 =	vadd.f32 v62, v3  }
0x64: {  	v10 =	vld [tilespmem:$0x6A10]  }
0x65: {  	v3 =	vadd.f32 v63, v3  }
0x66: {  	v11 =	vld [tilespmem:$0x6A90]  }
0x67: {  	v3 =	vadd.f32 v9, v3  }
0x68: {  	v12 =	vld [tilespmem:$0x6B10]  }
0x69: {  	v3 =	vadd.f32 v10, v3  }
0x6a: {  	v13 =	vld [tilespmem:$0x6B90]  }
0x6b: {  	v3 =	vadd.f32 v11, v3  }
0x6c: {  	v14 =	vld [tilespmem:$0x7010]  }
0x6d: {  	v3 =	vadd.f32 v12, v3  }
0x6e: {  	v15 =	vld [tilespmem:$0x7090]  }
0x6f: {  	v3 =	vadd.f32 v13, v3  }
0x70: {  	v16 =	vld [tilespmem:$0x7110]  }
0x71: {  	v3 =	vadd.f32 v14, v3  }
0x72: {  	v17 =	vld [tilespmem:$0x7190]  }
0x73: {  	v3 =	vadd.f32 v15, v3;
	_ =	sdelay $0x1  }
0x74: {  	v3 =	vadd.f32 v16, v3;
	_ =	sdelay $0x1  }
0x75: {  	v3 =	vadd.f32 v17, v3;
	_ =	sdelay $0x1  }
0x76: {  	v3 =	vmul.f32 $5.000000070e-02, v3;
	_ =	sdelay $0x1  }
0x77: {  	[tilespmem:s17+$0x7810] =	vst v3  }
0x78: {  	v3 =	vld [tilespmem:$0x6020];
	_ =	sdelay $0x1  }
0x79: {  	v18 =	vld [tilespmem:$0x60A0];
	_ =	sdelay $0x1  }
0x7a: {  	v19 =	vld [tilespmem:$0x6120]  }
0x7b: {  	v3 =	vadd.f32 $0.0e+00, v3  }
0x7c: {  	v20 =	vld [tilespmem:$0x61A0]  }
0x7d: {  	v3 =	vadd.f32 v18, v3  }
0x7e: {  	v21 =	vld [tilespmem:$0x6220]  }
0x7f: {  	v3 =	vadd.f32 v19, v3  }
0x80: {  	v22 =	vld [tilespmem:$0x62A0]  }
0x81: {  	v3 =	vadd.f32 v20, v3  }
0x82: {  	v23 =	vld [tilespmem:$0x6320]  }
0x83: {  	v3 =	vadd.f32 v21, v3  }
0x84: {  	v24 =	vld [tilespmem:$0x63A0]  }
0x85: {  	v3 =	vadd.f32 v22, v3  }
0x86: {  	v25 =	vld [tilespmem:$0x6820]  }
0x87: {  	v3 =	vadd.f32 v23, v3  }
0x88: {  	v26 =	vld [tilespmem:$0x68A0]  }
0x89: {  	v3 =	vadd.f32 v24, v3  }
0x8a: {  	v27 =	vld [tilespmem:$0x6920]  }
0x8b: {  	v3 =	vadd.f32 v25, v3  }
0x8c: {  	v28 =	vld [tilespmem:$0x69A0]  }
0x8d: {  	v3 =	vadd.f32 v26, v3  }
0x8e: {  	v29 =	vld [tilespmem:$0x6A20]  }
0x8f: {  	v3 =	vadd.f32 v27, v3  }
0x90: {  	v30 =	vld [tilespmem:$0x6AA0]  }
0x91: {  	v3 =	vadd.f32 v28, v3  }
0x92: {  	v31 =	vld [tilespmem:$0x6B20]  }
0x93: {  	v3 =	vadd.f32 v29, v3  }
0x94: {  	v32 =	vld [tilespmem:$0x6BA0]  }
0x95: {  	v3 =	vadd.f32 v30, v3  }
0x96: {  	v33 =	vld [tilespmem:$0x7020]  }
0x97: {  	v3 =	vadd.f32 v31, v3  }
0x98: {  	v34 =	vld [tilespmem:$0x70A0]  }
0x99: {  	v3 =	vadd.f32 v32, v3  }
0x9a: {  	v35 =	vld [tilespmem:$0x7120]  }
0x9b: {  	v3 =	vadd.f32 v33, v3  }
0x9c: {  	v36 =	vld [tilespmem:$0x71A0]  }
0x9d: {  	v3 =	vadd.f32 v34, v3;
	_ =	sdelay $0x1  }
0x9e: {  	v3 =	vadd.f32 v35, v3;
	_ =	sdelay $0x1  }
0x9f: {  	v3 =	vadd.f32 v36, v3;
	_ =	sdelay $0x1  }
0xa0: {  	v3 =	vmul.f32 $5.000000070e-02, v3;
	_ =	sdelay $0x1  }
0xa1: {  	[tilespmem:s17+$0x7820] =	vst v3  }
0xa2: {  	v3 =	vld [tilespmem:$0x6030];
	_ =	sdelay $0x1  }
0xa3: {  	v37 =	vld [tilespmem:$0x60B0];
	_ =	sdelay $0x1  }
0xa4: {  	v38 =	vld [tilespmem:$0x6130]  }
0xa5: {  	v3 =	vadd.f32 $0.0e+00, v3  }
0xa6: {  	v39 =	vld [tilespmem:$0x61B0]  }
0xa7: {  	v3 =	vadd.f32 v37, v3  }
0xa8: {  	v40 =	vld [tilespmem:$0x6230]  }
0xa9: {  	v3 =	vadd.f32 v38, v3  }
0xaa: {  	v41 =	vld [tilespmem:$0x62B0]  }
0xab: {  	v3 =	vadd.f32 v39, v3  }
0xac: {  	v42 =	vld [tilespmem:$0x6330]  }
0xad: {  	v3 =	vadd.f32 v40, v3  }
0xae: {  	v43 =	vld [tilespmem:$0x63B0]  }
0xaf: {  	v3 =	vadd.f32 v41, v3  }
0xb0: {  	v44 =	vld [tilespmem:$0x6830]  }
0xb1: {  	v3 =	vadd.f32 v42, v3  }
0xb2: {  	v45 =	vld [tilespmem:$0x68B0]  }
0xb3: {  	v3 =	vadd.f32 v43, v3  }
0xb4: {  	v46 =	vld [tilespmem:$0x6930]  }
0xb5: {  	v3 =	vadd.f32 v44, v3  }
0xb6: {  	v47 =	vld [tilespmem:$0x69B0]  }
0xb7: {  	v3 =	vadd.f32 v45, v3  }
0xb8: {  	v48 =	vld [tilespmem:$0x6A30]  }
0xb9: {  	v3 =	vadd.f32 v46, v3  }
0xba: {  	v49 =	vld [tilespmem:$0x6AB0]  }
0xbb: {  	v3 =	vadd.f32 v47, v3  }
0xbc: {  	v50 =	vld [tilespmem:$0x6B30]  }
0xbd: {  	v3 =	vadd.f32 v48, v3  }
0xbe: {  	v51 =	vld [tilespmem:$0x6BB0]  }
0xbf: {  	v3 =	vadd.f32 v49, v3  }
0xc0: {  	v52 =	vld [tilespmem:$0x7030]  }
0xc1: {  	v3 =	vadd.f32 v50, v3  }
0xc2: {  	v53 =	vld [tilespmem:$0x70B0]  }
0xc3: {  	v3 =	vadd.f32 v51, v3  }
0xc4: {  	v54 =	vld [tilespmem:$0x7130]  }
0xc5: {  	v3 =	vadd.f32 v52, v3  }
0xc6: {  	v55 =	vld [tilespmem:$0x71B0]  }
0xc7: {  	v3 =	vadd.f32 v53, v3;
	_ =	sdelay $0x1  }
0xc8: {  	v3 =	vadd.f32 v54, v3;
	_ =	sdelay $0x1  }
0xc9: {  	v3 =	vadd.f32 v55, v3;
	_ =	sdelay $0x1  }
0xca: {  	v3 =	vmul.f32 $5.000000070e-02, v3;
	_ =	sdelay $0x1  }
0xcb: {  	[tilespmem:s17+$0x7830] =	vst v3  }
0xcc: {  	v3 =	vld [tilespmem:$0x6040];
	_ =	sdelay $0x1  }
0xcd: {  	v56 =	vld [tilespmem:$0x60C0];
	_ =	sdelay $0x1  }
0xce: {  	v57 =	vld [tilespmem:$0x6140]  }
0xcf: {  	v3 =	vadd.f32 $0.0e+00, v3  }
0xd0: {  	v58 =	vld [tilespmem:$0x61C0]  }
0xd1: {  	v3 =	vadd.f32 v56, v3  }
0xd2: {  	v59 =	vld [tilespmem:$0x6240]  }
0xd3: {  	v3 =	vadd.f32 v57, v3  }
0xd4: {  	v60 =	vld [tilespmem:$0x62C0]  }
0xd5: {  	v3 =	vadd.f32 v58, v3  }
0xd6: {  	v61 =	vld [tilespmem:$0x6340]  }
0xd7: {  	v3 =	vadd.f32 v59, v3  }
0xd8: {  	v62 =	vld [tilespmem:$0x63C0]  }
0xd9: {  	v3 =	vadd.f32 v60, v3  }
0xda: {  	v63 =	vld [tilespmem:$0x6840]  }
0xdb: {  	v3 =	vadd.f32 v61, v3  }
0xdc: {  	v9 =	vld [tilespmem:$0x68C0]  }
0xdd: {  	v3 =	vadd.f32 v62, v3  }
0xde: {  	v10 =	vld [tilespmem:$0x6940]  }
0xdf: {  	v3 =	vadd.f32 v63, v3  }
0xe0: {  	v11 =	vld [tilespmem:$0x69C0]  }
0xe1: {  	v3 =	vadd.f32 v9, v3  }
0xe2: {  	v12 =	vld [tilespmem:$0x6A40]  }
0xe3: {  	v3 =	vadd.f32 v10, v3  }
0xe4: {  	v13 =	vld [tilespmem:$0x6AC0]  }
0xe5: {  	v3 =	vadd.f32 v11, v3  }
0xe6: {  	v14 =	vld [tilespmem:$0x6B40]  }
0xe7: {  	v3 =	vadd.f32 v12, v3  }
0xe8: {  	v15 =	vld [tilespmem:$0x6BC0]  }
0xe9: {  	v3 =	vadd.f32 v13, v3  }
0xea: {  	v16 =	vld [tilespmem:$0x7040]  }
0xeb: {  	v3 =	vadd.f32 v14, v3  }
0xec: {  	v17 =	vld [tilespmem:$0x70C0]  }
0xed: {  	v3 =	vadd.f32 v15, v3  }
0xee: {  	v18 =	vld [tilespmem:$0x7140]  }
0xef: {  	v3 =	vadd.f32 v16, v3  }
0xf0: {  	v19 =	vld [tilespmem:$0x71C0]  }
0xf1: {  	v3 =	vadd.f32 v17, v3;
	_ =	sdelay $0x1  }
0xf2: {  	v3 =	vadd.f32 v18, v3;
	_ =	sdelay $0x1  }
0xf3: {  	v3 =	vadd.f32 v19, v3;
	_ =	sdelay $0x1  }
0xf4: {  	v3 =	vmul.f32 $5.000000070e-02, v3;
	_ =	sdelay $0x1  }
0xf5: {  	[tilespmem:s17+$0x7840] =	vst v3  }
0xf6: {  	v3 =	vld [tilespmem:$0x6050];
	_ =	sdelay $0x1  }
0xf7: {  	v20 =	vld [tilespmem:$0x60D0];
	_ =	sdelay $0x1  }
0xf8: {  	v21 =	vld [tilespmem:$0x6150]  }
0xf9: {  	v3 =	vadd.f32 $0.0e+00, v3  }
0xfa: {  	v22 =	vld [tilespmem:$0x61D0]  }
0xfb: {  	v3 =	vadd.f32 v20, v3  }
0xfc: {  	v23 =	vld [tilespmem:$0x6250]  }
0xfd: {  	v3 =	vadd.f32 v21, v3  }
0xfe: {  	v24 =	vld [tilespmem:$0x62D0]  }
0xff: {  	v3 =	vadd.f32 v22, v3  }
0x100: {  	v25 =	vld [tilespmem:$0x6350]  }
0x101: {  	v3 =	vadd.f32 v23, v3  }
0x102: {  	v26 =	vld [tilespmem:$0x63D0]  }
0x103: {  	v3 =	vadd.f32 v24, v3  }
0x104: {  	v27 =	vld [tilespmem:$0x6850]  }
0x105: {  	v3 =	vadd.f32 v25, v3  }
0x106: {  	v28 =	vld [tilespmem:$0x68D0]  }
0x107: {  	v3 =	vadd.f32 v26, v3  }
0x108: {  	v29 =	vld [tilespmem:$0x6950]  }
0x109: {  	v3 =	vadd.f32 v27, v3  }
0x10a: {  	v30 =	vld [tilespmem:$0x69D0]  }
0x10b: {  	v3 =	vadd.f32 v28, v3  }
0x10c: {  	v31 =	vld [tilespmem:$0x6A50]  }
0x10d: {  	v3 =	vadd.f32 v29, v3  }
0x10e: {  	v32 =	vld [tilespmem:$0x6AD0]  }
0x10f: {  	v3 =	vadd.f32 v30, v3  }
0x110: {  	v33 =	vld [tilespmem:$0x6B50]  }
0x111: {  	v3 =	vadd.f32 v31, v3  }
0x112: {  	v34 =	vld [tilespmem:$0x6BD0]  }
0x113: {  	v3 =	vadd.f32 v32, v3  }
0x114: {  	v35 =	vld [tilespmem:$0x7050]  }
0x115: {  	v3 =	vadd.f32 v33, v3  }
0x116: {  	v36 =	vld [tilespmem:$0x70D0]  }
0x117: {  	v3 =	vadd.f32 v34, v3  }
0x118: {  	v37 =	vld [tilespmem:$0x7150]  }
0x119: {  	v3 =	vadd.f32 v35, v3  }
0x11a: {  	v38 =	vld [tilespmem:$0x71D0]  }
0x11b: {  	v3 =	vadd.f32 v36, v3;
	_ =	sdelay $0x1  }
0x11c: {  	v3 =	vadd.f32 v37, v3;
	_ =	sdelay $0x1  }
0x11d: {  	v3 =	vadd.f32 v38, v3;
	_ =	sdelay $0x1  }
0x11e: {  	v3 =	vmul.f32 $5.000000070e-02, v3;
	_ =	sdelay $0x1  }
0x11f: {  	[tilespmem:s17+$0x7850] =	vst v3  }
0x120: {  	v3 =	vld [tilespmem:$0x6060];
	_ =	sdelay $0x1  }
0x121: {  	v39 =	vld [tilespmem:$0x60E0];
	_ =	sdelay $0x1  }
0x122: {  	v40 =	vld [tilespmem:$0x6160]  }
0x123: {  	v3 =	vadd.f32 $0.0e+00, v3  }
0x124: {  	v41 =	vld [tilespmem:$0x61E0]  }
0x125: {  	v3 =	vadd.f32 v39, v3  }
0x126: {  	v42 =	vld [tilespmem:$0x6260]  }
0x127: {  	v3 =	vadd.f32 v40, v3  }
0x128: {  	v43 =	vld [tilespmem:$0x62E0]  }
0x129: {  	v3 =	vadd.f32 v41, v3  }
0x12a: {  	v44 =	vld [tilespmem:$0x6360]  }
0x12b: {  	v3 =	vadd.f32 v42, v3  }
0x12c: {  	v45 =	vld [tilespmem:$0x63E0]  }
0x12d: {  	v3 =	vadd.f32 v43, v3  }
0x12e: {  	v46 =	vld [tilespmem:$0x6860]  }
0x12f: {  	v3 =	vadd.f32 v44, v3  }
0x130: {  	v47 =	vld [tilespmem:$0x68E0]  }
0x131: {  	v3 =	vadd.f32 v45, v3  }
0x132: {  	v48 =	vld [tilespmem:$0x6960]  }
0x133: {  	v3 =	vadd.f32 v46, v3  }
0x134: {  	v49 =	vld [tilespmem:$0x69E0]  }
0x135: {  	v3 =	vadd.f32 v47, v3  }
0x136: {  	v50 =	vld [tilespmem:$0x6A60]  }
0x137: {  	v3 =	vadd.f32 v48, v3  }
0x138: {  	v51 =	vld [tilespmem:$0x6AE0]  }
0x139: {  	v3 =	vadd.f32 v49, v3  }
0x13a: {  	v52 =	vld [tilespmem:$0x6B60]  }
0x13b: {  	v3 =	vadd.f32 v50, v3  }
0x13c: {  	v53 =	vld [tilespmem:$0x6BE0]  }
0x13d: {  	v3 =	vadd.f32 v51, v3  }
0x13e: {  	v54 =	vld [tilespmem:$0x7060]  }
0x13f: {  	v3 =	vadd.f32 v52, v3  }
0x140: {  	v55 =	vld [tilespmem:$0x70E0]  }
0x141: {  	v3 =	vadd.f32 v53, v3  }
0x142: {  	v56 =	vld [tilespmem:$0x7160]  }
0x143: {  	v3 =	vadd.f32 v54, v3  }
0x144: {  	v57 =	vld [tilespmem:$0x71E0]  }
0x145: {  	v3 =	vadd.f32 v55, v3;
	_ =	sdelay $0x1  }
0x146: {  	v3 =	vadd.f32 v56, v3;
	_ =	sdelay $0x1  }
0x147: {  	v3 =	vadd.f32 v57, v3;
	_ =	sdelay $0x1  }
0x148: {  	v3 =	vmul.f32 $5.000000070e-02, v3;
	_ =	sdelay $0x1  }
0x149: {  	[tilespmem:s17+$0x7860] =	vst v3  }
0x14a: {  	v3 =	vld [tilespmem:$0x6070];
	_ =	sdelay $0x1  }
0x14b: {  	v58 =	vld [tilespmem:$0x60F0];
	_ =	sdelay $0x1  }
0x14c: {  	v59 =	vld [tilespmem:$0x6170]  }
0x14d: {  	v3 =	vadd.f32 $0.0e+00, v3  }
0x14e: {  	v60 =	vld [tilespmem:$0x61F0]  }
0x14f: {  	v3 =	vadd.f32 v58, v3  }
0x150: {  	v61 =	vld [tilespmem:$0x6270]  }
0x151: {  	v3 =	vadd.f32 v59, v3  }
0x152: {  	v62 =	vld [tilespmem:$0x62F0]  }
0x153: {  	v3 =	vadd.f32 v60, v3  }
0x154: {  	v63 =	vld [tilespmem:$0x6370]  }
0x155: {  	v3 =	vadd.f32 v61, v3  }
0x156: {  	v9 =	vld [tilespmem:$0x63F0]  }
0x157: {  	v3 =	vadd.f32 v62, v3  }
0x158: {  	v10 =	vld [tilespmem:$0x6870]  }
0x159: {  	v3 =	vadd.f32 v63, v3  }
0x15a: {  	v11 =	vld [tilespmem:$0x68F0]  }
0x15b: {  	v3 =	vadd.f32 v9, v3  }
0x15c: {  	v12 =	vld [tilespmem:$0x6970]  }
0x15d: {  	v3 =	vadd.f32 v10, v3  }
0x15e: {  	v13 =	vld [tilespmem:$0x69F0]  }
0x15f: {  	v3 =	vadd.f32 v11, v3  }
0x160: {  	v14 =	vld [tilespmem:$0x6A70]  }
0x161: {  	v3 =	vadd.f32 v12, v3  }
0x162: {  	v15 =	vld [tilespmem:$0x6AF0]  }
0x163: {  	v3 =	vadd.f32 v13, v3  }
0x164: {  	v16 =	vld [tilespmem:$0x6B70]  }
0x165: {  	v3 =	vadd.f32 v14, v3  }
0x166: {  	v17 =	vld [tilespmem:$0x6BF0]  }
0x167: {  	v3 =	vadd.f32 v15, v3  }
0x168: {  	v18 =	vld [tilespmem:$0x7070]  }
0x169: {  	v3 =	vadd.f32 v16, v3  }
0x16a: {  	v19 =	vld [tilespmem:$0x70F0]  }
0x16b: {  	v3 =	vadd.f32 v17, v3  }
0x16c: {  	v20 =	vld [tilespmem:$0x7170]  }
0x16d: {  	v3 =	vadd.f32 v18, v3  }
0x16e: {  	v21 =	vld [tilespmem:$0x71F0]  }
0x16f: {  	v3 =	vadd.f32 v19, v3;
	_ =	sdelay $0x1  }
0x170: {  	v3 =	vadd.f32 v20, v3;
	_ =	sdelay $0x1  }
0x171: {  	v3 =	vadd.f32 v21, v3;
	_ =	sdelay $0x1  }
0x172: {  	v3 =	vmul.f32 $5.000000070e-02, v3;
	_ =	sdelay $0x1  }
0x173: {  	[tilespmem:s17+$0x7870] =	vst v3  }
0x174: {  	v3 =	vld [tilespmem:$0x6400];
	_ =	sdelay $0x1  }
0x175: {  	v22 =	vld [tilespmem:$0x6480];
	_ =	sdelay $0x1  }
0x176: {  	v23 =	vld [tilespmem:$0x6500]  }
0x177: {  	v3 =	vadd.f32 $0.0e+00, v3  }
0x178: {  	v24 =	vld [tilespmem:$0x6580]  }
0x179: {  	v3 =	vadd.f32 v22, v3  }
0x17a: {  	v25 =	vld [tilespmem:$0x6600]  }
0x17b: {  	v3 =	vadd.f32 v23, v3  }
0x17c: {  	v26 =	vld [tilespmem:$0x6680]  }
0x17d: {  	v3 =	vadd.f32 v24, v3  }
0x17e: {  	v27 =	vld [tilespmem:$0x6700]  }
0x17f: {  	v3 =	vadd.f32 v25, v3  }
0x180: {  	v28 =	vld [tilespmem:$0x6780]  }
0x181: {  	v3 =	vadd.f32 v26, v3  }
0x182: {  	v29 =	vld [tilespmem:$0x6C00]  }
0x183: {  	v3 =	vadd.f32 v27, v3  }
0x184: {  	v30 =	vld [tilespmem:$0x6C80]  }
0x185: {  	v3 =	vadd.f32 v28, v3  }
0x186: {  	v31 =	vld [tilespmem:$0x6D00]  }
0x187: {  	v3 =	vadd.f32 v29, v3  }
0x188: {  	v32 =	vld [tilespmem:$0x6D80]  }
0x189: {  	v3 =	vadd.f32 v30, v3  }
0x18a: {  	v33 =	vld [tilespmem:$0x6E00]  }
0x18b: {  	v3 =	vadd.f32 v31, v3  }
0x18c: {  	v34 =	vld [tilespmem:$0x6E80]  }
0x18d: {  	v3 =	vadd.f32 v32, v3  }
0x18e: {  	v35 =	vld [tilespmem:$0x6F00]  }
0x18f: {  	v3 =	vadd.f32 v33, v3  }
0x190: {  	v36 =	vld [tilespmem:$0x6F80]  }
0x191: {  	v3 =	vadd.f32 v34, v3  }
0x192: {  	v37 =	vld [tilespmem:$0x7400]  }
0x193: {  	v3 =	vadd.f32 v35, v3  }
0x194: {  	v38 =	vld [tilespmem:$0x7480]  }
0x195: {  	v3 =	vadd.f32 v36, v3  }
0x196: {  	v39 =	vld [tilespmem:$0x7500]  }
0x197: {  	v3 =	vadd.f32 v37, v3  }
0x198: {  	v40 =	vld [tilespmem:$0x7580]  }
0x199: {  	v3 =	vadd.f32 v38, v3;
	_ =	sdelay $0x1  }
0x19a: {  	v3 =	vadd.f32 v39, v3;
	_ =	sdelay $0x1  }
0x19b: {  	v3 =	vadd.f32 v40, v3;
	_ =	sdelay $0x1  }
0x19c: {  	v3 =	vmul.f32 $5.000000070e-02, v3;
	_ =	sdelay $0x1  }
0x19d: {  	[tilespmem:s17+$0x7C00] =	vst v3  }
0x19e: {  	v3 =	vld [tilespmem:$0x6410];
	_ =	sdelay $0x1  }
0x19f: {  	v41 =	vld [tilespmem:$0x6490];
	_ =	sdelay $0x1  }
0x1a0: {  	v42 =	vld [tilespmem:$0x6510]  }
0x1a1: {  	v3 =	vadd.f32 $0.0e+00, v3  }
0x1a2: {  	v43 =	vld [tilespmem:$0x6590]  }
0x1a3: {  	v3 =	vadd.f32 v41, v3  }
0x1a4: {  	v44 =	vld [tilespmem:$0x6610]  }
0x1a5: {  	v3 =	vadd.f32 v42, v3  }
0x1a6: {  	v45 =	vld [tilespmem:$0x6690]  }
0x1a7: {  	v3 =	vadd.f32 v43, v3  }
0x1a8: {  	v46 =	vld [tilespmem:$0x6710]  }
0x1a9: {  	v3 =	vadd.f32 v44, v3  }
0x1aa: {  	v47 =	vld [tilespmem:$0x6790]  }
0x1ab: {  	v3 =	vadd.f32 v45, v3  }
0x1ac: {  	v48 =	vld [tilespmem:$0x6C10]  }
0x1ad: {  	v3 =	vadd.f32 v46, v3  }
0x1ae: {  	v49 =	vld [tilespmem:$0x6C90]  }
0x1af: {  	v3 =	vadd.f32 v47, v3  }
0x1b0: {  	v50 =	vld [tilespmem:$0x6D10]  }
0x1b1: {  	v3 =	vadd.f32 v48, v3  }
0x1b2: {  	v51 =	vld [tilespmem:$0x6D90]  }
0x1b3: {  	v3 =	vadd.f32 v49, v3  }
0x1b4: {  	v52 =	vld [tilespmem:$0x6E10]  }
0x1b5: {  	v3 =	vadd.f32 v50, v3  }
0x1b6: {  	v53 =	vld [tilespmem:$0x6E90]  }
0x1b7: {  	v3 =	vadd.f32 v51, v3  }
0x1b8: {  	v54 =	vld [tilespmem:$0x6F10]  }
0x1b9: {  	v3 =	vadd.f32 v52, v3  }
0x1ba: {  	v55 =	vld [tilespmem:$0x6F90]  }
0x1bb: {  	v3 =	vadd.f32 v53, v3  }
0x1bc: {  	v56 =	vld [tilespmem:$0x7410]  }
0x1bd: {  	v3 =	vadd.f32 v54, v3  }
0x1be: {  	v57 =	vld [tilespmem:$0x7490]  }
0x1bf: {  	v3 =	vadd.f32 v55, v3  }
0x1c0: {  	v58 =	vld [tilespmem:$0x7510]  }
0x1c1: {  	v3 =	vadd.f32 v56, v3  }
0x1c2: {  	v59 =	vld [tilespmem:$0x7590]  }
0x1c3: {  	v3 =	vadd.f32 v57, v3;
	_ =	sdelay $0x1  }
0x1c4: {  	v3 =	vadd.f32 v58, v3;
	_ =	sdelay $0x1  }
0x1c5: {  	v3 =	vadd.f32 v59, v3;
	_ =	sdelay $0x1  }
0x1c6: {  	v3 =	vmul.f32 $5.000000070e-02, v3;
	_ =	sdelay $0x1  }
0x1c7: {  	[tilespmem:s17+$0x7C10] =	vst v3  }
0x1c8: {  	v3 =	vld [tilespmem:$0x6420];
	_ =	sdelay $0x1  }
0x1c9: {  	v60 =	vld [tilespmem:$0x64A0];
	_ =	sdelay $0x1  }
0x1ca: {  	v61 =	vld [tilespmem:$0x6520]  }
0x1cb: {  	v3 =	vadd.f32 $0.0e+00, v3  }
0x1cc: {  	v62 =	vld [tilespmem:$0x65A0]  }
0x1cd: {  	v3 =	vadd.f32 v60, v3  }
0x1ce: {  	v63 =	vld [tilespmem:$0x6620]  }
0x1cf: {  	v3 =	vadd.f32 v61, v3  }
0x1d0: {  	v9 =	vld [tilespmem:$0x66A0]  }
0x1d1: {  	v3 =	vadd.f32 v62, v3  }
0x1d2: {  	v10 =	vld [tilespmem:$0x6720]  }
0x1d3: {  	v3 =	vadd.f32 v63, v3  }
0x1d4: {  	v11 =	vld [tilespmem:$0x67A0]  }
0x1d5: {  	v3 =	vadd.f32 v9, v3  }
0x1d6: {  	v12 =	vld [tilespmem:$0x6C20]  }
0x1d7: {  	v3 =	vadd.f32 v10, v3  }
0x1d8: {  	v13 =	vld [tilespmem:$0x6CA0]  }
0x1d9: {  	v3 =	vadd.f32 v11, v3  }
0x1da: {  	v14 =	vld [tilespmem:$0x6D20]  }
0x1db: {  	v3 =	vadd.f32 v12, v3  }
0x1dc: {  	v15 =	vld [tilespmem:$0x6DA0]  }
0x1dd: {  	v3 =	vadd.f32 v13, v3  }
0x1de: {  	v16 =	vld [tilespmem:$0x6E20]  }
0x1df: {  	v3 =	vadd.f32 v14, v3  }
0x1e0: {  	v17 =	vld [tilespmem:$0x6EA0]  }
0x1e1: {  	v3 =	vadd.f32 v15, v3  }
0x1e2: {  	v18 =	vld [tilespmem:$0x6F20]  }
0x1e3: {  	v3 =	vadd.f32 v16, v3  }
0x1e4: {  	v19 =	vld [tilespmem:$0x6FA0]  }
0x1e5: {  	v3 =	vadd.f32 v17, v3  }
0x1e6: {  	v20 =	vld [tilespmem:$0x7420]  }
0x1e7: {  	v3 =	vadd.f32 v18, v3  }
0x1e8: {  	v21 =	vld [tilespmem:$0x74A0]  }
0x1e9: {  	v3 =	vadd.f32 v19, v3  }
0x1ea: {  	v22 =	vld [tilespmem:$0x7520]  }
0x1eb: {  	v3 =	vadd.f32 v20, v3  }
0x1ec: {  	v23 =	vld [tilespmem:$0x75A0]  }
0x1ed: {  	v3 =	vadd.f32 v21, v3;
	_ =	sdelay $0x1  }
0x1ee: {  	v3 =	vadd.f32 v22, v3;
	_ =	sdelay $0x1  }
0x1ef: {  	v3 =	vadd.f32 v23, v3;
	_ =	sdelay $0x1  }
0x1f0: {  	v3 =	vmul.f32 $5.000000070e-02, v3;
	_ =	sdelay $0x1  }
0x1f1: {  	[tilespmem:s17+$0x7C20] =	vst v3  }
0x1f2: {  	v3 =	vld [tilespmem:$0x6430];
	_ =	sdelay $0x1  }
0x1f3: {  	v24 =	vld [tilespmem:$0x64B0];
	_ =	sdelay $0x1  }
0x1f4: {  	v25 =	vld [tilespmem:$0x6530]  }
0x1f5: {  	v3 =	vadd.f32 $0.0e+00, v3  }
0x1f6: {  	v26 =	vld [tilespmem:$0x65B0]  }
0x1f7: {  	v3 =	vadd.f32 v24, v3  }
0x1f8: {  	v27 =	vld [tilespmem:$0x6630]  }
0x1f9: {  	v3 =	vadd.f32 v25, v3  }
0x1fa: {  	v28 =	vld [tilespmem:$0x66B0]  }
0x1fb: {  	v3 =	vadd.f32 v26, v3  }
0x1fc: {  	v29 =	vld [tilespmem:$0x6730]  }
0x1fd: {  	v3 =	vadd.f32 v27, v3  }
0x1fe: {  	v30 =	vld [tilespmem:$0x67B0]  }
0x1ff: {  	v3 =	vadd.f32 v28, v3  }
0x200: {  	v31 =	vld [tilespmem:$0x6C30]  }
0x201: {  	v3 =	vadd.f32 v29, v3  }
0x202: {  	v32 =	vld [tilespmem:$0x6CB0]  }
0x203: {  	v3 =	vadd.f32 v30, v3  }
0x204: {  	v33 =	vld [tilespmem:$0x6D30]  }
0x205: {  	v3 =	vadd.f32 v31, v3  }
0x206: {  	v34 =	vld [tilespmem:$0x6DB0]  }
0x207: {  	v3 =	vadd.f32 v32, v3  }
0x208: {  	v35 =	vld [tilespmem:$0x6E30]  }
0x209: {  	v3 =	vadd.f32 v33, v3  }
0x20a: {  	v36 =	vld [tilespmem:$0x6EB0]  }
0x20b: {  	v3 =	vadd.f32 v34, v3  }
0x20c: {  	v37 =	vld [tilespmem:$0x6F30]  }
0x20d: {  	v3 =	vadd.f32 v35, v3  }
0x20e: {  	v38 =	vld [tilespmem:$0x6FB0]  }
0x20f: {  	v3 =	vadd.f32 v36, v3  }
0x210: {  	v39 =	vld [tilespmem:$0x7430]  }
0x211: {  	v3 =	vadd.f32 v37, v3  }
0x212: {  	v40 =	vld [tilespmem:$0x74B0]  }
0x213: {  	v3 =	vadd.f32 v38, v3  }
0x214: {  	v41 =	vld [tilespmem:$0x7530]  }
0x215: {  	v3 =	vadd.f32 v39, v3  }
0x216: {  	v42 =	vld [tilespmem:$0x75B0]  }
0x217: {  	v3 =	vadd.f32 v40, v3;
	_ =	sdelay $0x1  }
0x218: {  	v3 =	vadd.f32 v41, v3;
	_ =	sdelay $0x1  }
0x219: {  	v3 =	vadd.f32 v42, v3;
	_ =	sdelay $0x1  }
0x21a: {  	v3 =	vmul.f32 $5.000000070e-02, v3;
	_ =	sdelay $0x1  }
0x21b: {  	[tilespmem:s17+$0x7C30] =	vst v3  }
0x21c: {  	v3 =	vld [tilespmem:$0x6440];
	_ =	sdelay $0x1  }
0x21d: {  	v43 =	vld [tilespmem:$0x64C0];
	_ =	sdelay $0x1  }
0x21e: {  	v44 =	vld [tilespmem:$0x6540]  }
0x21f: {  	v3 =	vadd.f32 $0.0e+00, v3  }
0x220: {  	v45 =	vld [tilespmem:$0x65C0]  }
0x221: {  	v3 =	vadd.f32 v43, v3  }
0x222: {  	v46 =	vld [tilespmem:$0x6640]  }
0x223: {  	v3 =	vadd.f32 v44, v3  }
0x224: {  	v47 =	vld [tilespmem:$0x66C0]  }
0x225: {  	v3 =	vadd.f32 v45, v3  }
0x226: {  	v48 =	vld [tilespmem:$0x6740]  }
0x227: {  	v3 =	vadd.f32 v46, v3  }
0x228: {  	v49 =	vld [tilespmem:$0x67C0]  }
0x229: {  	v3 =	vadd.f32 v47, v3  }
0x22a: {  	v50 =	vld [tilespmem:$0x6C40]  }
0x22b: {  	v3 =	vadd.f32 v48, v3  }
0x22c: {  	v51 =	vld [tilespmem:$0x6CC0]  }
0x22d: {  	v3 =	vadd.f32 v49, v3  }
0x22e: {  	v52 =	vld [tilespmem:$0x6D40]  }
0x22f: {  	v3 =	vadd.f32 v50, v3  }
0x230: {  	v53 =	vld [tilespmem:$0x6DC0]  }
0x231: {  	v3 =	vadd.f32 v51, v3  }
0x232: {  	v54 =	vld [tilespmem:$0x6E40]  }
0x233: {  	v3 =	vadd.f32 v52, v3  }
0x234: {  	v55 =	vld [tilespmem:$0x6EC0]  }
0x235: {  	v3 =	vadd.f32 v53, v3  }
0x236: {  	v56 =	vld [tilespmem:$0x6F40]  }
0x237: {  	v3 =	vadd.f32 v54, v3  }
0x238: {  	v57 =	vld [tilespmem:$0x6FC0]  }
0x239: {  	v3 =	vadd.f32 v55, v3  }
0x23a: {  	v58 =	vld [tilespmem:$0x7440]  }
0x23b: {  	v3 =	vadd.f32 v56, v3  }
0x23c: {  	v59 =	vld [tilespmem:$0x74C0]  }
0x23d: {  	v3 =	vadd.f32 v57, v3  }
0x23e: {  	v60 =	vld [tilespmem:$0x7540]  }
0x23f: {  	v3 =	vadd.f32 v58, v3  }
0x240: {  	v61 =	vld [tilespmem:$0x75C0]  }
0x241: {  	v3 =	vadd.f32 v59, v3;
	_ =	sdelay $0x1  }
0x242: {  	v3 =	vadd.f32 v60, v3;
	_ =	sdelay $0x1  }
0x243: {  	v3 =	vadd.f32 v61, v3;
	_ =	sdelay $0x1  }
0x244: {  	v3 =	vmul.f32 $5.000000070e-02, v3;
	_ =	sdelay $0x1  }
0x245: {  	[tilespmem:s17+$0x7C40] =	vst v3  }
0x246: {  	v3 =	vld [tilespmem:$0x6450];
	_ =	sdelay $0x1  }
0x247: {  	v62 =	vld [tilespmem:$0x64D0];
	_ =	sdelay $0x1  }
0x248: {  	v63 =	vld [tilespmem:$0x6550]  }
0x249: {  	v3 =	vadd.f32 $0.0e+00, v3  }
0x24a: {  	v9 =	vld [tilespmem:$0x65D0]  }
0x24b: {  	v3 =	vadd.f32 v62, v3  }
0x24c: {  	v10 =	vld [tilespmem:$0x6650]  }
0x24d: {  	v3 =	vadd.f32 v63, v3  }
0x24e: {  	v11 =	vld [tilespmem:$0x66D0]  }
0x24f: {  	v3 =	vadd.f32 v9, v3  }
0x250: {  	v12 =	vld [tilespmem:$0x6750]  }
0x251: {  	v3 =	vadd.f32 v10, v3  }
0x252: {  	v13 =	vld [tilespmem:$0x67D0]  }
0x253: {  	v3 =	vadd.f32 v11, v3  }
0x254: {  	v14 =	vld [tilespmem:$0x6C50]  }
0x255: {  	v3 =	vadd.f32 v12, v3  }
0x256: {  	v15 =	vld [tilespmem:$0x6CD0]  }
0x257: {  	v3 =	vadd.f32 v13, v3  }
0x258: {  	v16 =	vld [tilespmem:$0x6D50]  }
0x259: {  	v3 =	vadd.f32 v14, v3  }
0x25a: {  	v17 =	vld [tilespmem:$0x6DD0]  }
0x25b: {  	v3 =	vadd.f32 v15, v3  }
0x25c: {  	v18 =	vld [tilespmem:$0x6E50]  }
0x25d: {  	v3 =	vadd.f32 v16, v3  }
0x25e: {  	v19 =	vld [tilespmem:$0x6ED0]  }
0x25f: {  	v3 =	vadd.f32 v17, v3  }
0x260: {  	v20 =	vld [tilespmem:$0x6F50]  }
0x261: {  	v3 =	vadd.f32 v18, v3  }
0x262: {  	v21 =	vld [tilespmem:$0x6FD0]  }
0x263: {  	v3 =	vadd.f32 v19, v3  }
0x264: {  	v22 =	vld [tilespmem:$0x7450]  }
0x265: {  	v3 =	vadd.f32 v20, v3  }
0x266: {  	v23 =	vld [tilespmem:$0x74D0]  }
0x267: {  	v3 =	vadd.f32 v21, v3  }
0x268: {  	v24 =	vld [tilespmem:$0x7550]  }
0x269: {  	v3 =	vadd.f32 v22, v3  }
0x26a: {  	v25 =	vld [tilespmem:$0x75D0]  }
0x26b: {  	v3 =	vadd.f32 v23, v3;
	_ =	sdelay $0x1  }
0x26c: {  	v3 =	vadd.f32 v24, v3;
	_ =	sdelay $0x1  }
0x26d: {  	v3 =	vadd.f32 v25, v3;
	_ =	sdelay $0x1  }
0x26e: {  	v3 =	vmul.f32 $5.000000070e-02, v3;
	_ =	sdelay $0x1  }
0x26f: {  	[tilespmem:s17+$0x7C50] =	vst v3  }
0x270: {  	v3 =	vld [tilespmem:$0x6460];
	_ =	sdelay $0x1  }
0x271: {  	v26 =	vld [tilespmem:$0x64E0];
	_ =	sdelay $0x1  }
0x272: {  	v27 =	vld [tilespmem:$0x6560]  }
0x273: {  	v3 =	vadd.f32 $0.0e+00, v3  }
0x274: {  	v28 =	vld [tilespmem:$0x65E0]  }
0x275: {  	v3 =	vadd.f32 v26, v3  }
0x276: {  	v29 =	vld [tilespmem:$0x6660]  }
0x277: {  	v3 =	vadd.f32 v27, v3  }
0x278: {  	v30 =	vld [tilespmem:$0x66E0]  }
0x279: {  	v3 =	vadd.f32 v28, v3  }
0x27a: {  	v31 =	vld [tilespmem:$0x6760]  }
0x27b: {  	v3 =	vadd.f32 v29, v3  }
0x27c: {  	v32 =	vld [tilespmem:$0x67E0]  }
0x27d: {  	v3 =	vadd.f32 v30, v3  }
0x27e: {  	v33 =	vld [tilespmem:$0x6C60]  }
0x27f: {  	v3 =	vadd.f32 v31, v3  }
0x280: {  	v34 =	vld [tilespmem:$0x6CE0]  }
0x281: {  	v3 =	vadd.f32 v32, v3  }
0x282: {  	v35 =	vld [tilespmem:$0x6D60]  }
0x283: {  	v3 =	vadd.f32 v33, v3  }
0x284: {  	v36 =	vld [tilespmem:$0x6DE0]  }
0x285: {  	v3 =	vadd.f32 v34, v3  }
0x286: {  	v37 =	vld [tilespmem:$0x6E60]  }
0x287: {  	v3 =	vadd.f32 v35, v3  }
0x288: {  	v38 =	vld [tilespmem:$0x6EE0]  }
0x289: {  	v3 =	vadd.f32 v36, v3  }
0x28a: {  	v39 =	vld [tilespmem:$0x6F60]  }
0x28b: {  	v3 =	vadd.f32 v37, v3  }
0x28c: {  	v40 =	vld [tilespmem:$0x6FE0]  }
0x28d: {  	v3 =	vadd.f32 v38, v3  }
0x28e: {  	v41 =	vld [tilespmem:$0x7460]  }
0x28f: {  	v3 =	vadd.f32 v39, v3  }
0x290: {  	v42 =	vld [tilespmem:$0x74E0]  }
0x291: {  	v3 =	vadd.f32 v40, v3  }
0x292: {  	v43 =	vld [tilespmem:$0x7560]  }
0x293: {  	v3 =	vadd.f32 v41, v3  }
0x294: {  	v44 =	vld [tilespmem:$0x75E0]  }
0x295: {  	v3 =	vadd.f32 v42, v3;
	_ =	sdelay $0x1  }
0x296: {  	v3 =	vadd.f32 v43, v3;
	_ =	sdelay $0x1  }
0x297: {  	v3 =	vadd.f32 v44, v3;
	_ =	sdelay $0x1  }
0x298: {  	v3 =	vmul.f32 $5.000000070e-02, v3;
	_ =	sdelay $0x1  }
0x299: {  	[tilespmem:s17+$0x7C60] =	vst v3  }
0x29a: {  	v3 =	vld [tilespmem:$0x6470];
	_ =	sdelay $0x1  }
0x29b: {  	v45 =	vld [tilespmem:$0x64F0];
	_ =	sdelay $0x1  }
0x29c: {  	v46 =	vld [tilespmem:$0x6570]  }
0x29d: {  	v3 =	vadd.f32 $0.0e+00, v3  }
0x29e: {  	v47 =	vld [tilespmem:$0x65F0]  }
0x29f: {  	v3 =	vadd.f32 v45, v3  }
0x2a0: {  	v48 =	vld [tilespmem:$0x6670]  }
0x2a1: {  	v3 =	vadd.f32 v46, v3  }
0x2a2: {  	v49 =	vld [tilespmem:$0x66F0]  }
0x2a3: {  	v3 =	vadd.f32 v47, v3  }
0x2a4: {  	v50 =	vld [tilespmem:$0x6770]  }
0x2a5: {  	v3 =	vadd.f32 v48, v3  }
0x2a6: {  	v51 =	vld [tilespmem:$0x67F0]  }
0x2a7: {  	v3 =	vadd.f32 v49, v3  }
0x2a8: {  	v52 =	vld [tilespmem:$0x6C70]  }
0x2a9: {  	v3 =	vadd.f32 v50, v3  }
0x2aa: {  	v53 =	vld [tilespmem:$0x6CF0]  }
0x2ab: {  	v3 =	vadd.f32 v51, v3  }
0x2ac: {  	v54 =	vld [tilespmem:$0x6D70]  }
0x2ad: {  	v3 =	vadd.f32 v52, v3  }
0x2ae: {  	v55 =	vld [tilespmem:$0x6DF0]  }
0x2af: {  	v3 =	vadd.f32 v53, v3  }
0x2b0: {  	v56 =	vld [tilespmem:$0x6E70]  }
0x2b1: {  	v3 =	vadd.f32 v54, v3  }
0x2b2: {  	v57 =	vld [tilespmem:$0x6EF0]  }
0x2b3: {  	v3 =	vadd.f32 v55, v3  }
0x2b4: {  	v58 =	vld [tilespmem:$0x6F70]  }
0x2b5: {  	v3 =	vadd.f32 v56, v3  }
0x2b6: {  	v59 =	vld [tilespmem:$0x6FF0]  }
0x2b7: {  	v3 =	vadd.f32 v57, v3  }
0x2b8: {  	v60 =	vld [tilespmem:$0x7470]  }
0x2b9: {  	v3 =	vadd.f32 v58, v3  }
0x2ba: {  	v61 =	vld [tilespmem:$0x74F0]  }
0x2bb: {  	v3 =	vadd.f32 v59, v3  }
0x2bc: {  	v62 =	vld [tilespmem:$0x7570]  }
0x2bd: {  	v3 =	vadd.f32 v60, v3  }
0x2be: {  	v63 =	vld [tilespmem:$0x75F0]  }
0x2bf: {  	v3 =	vadd.f32 v61, v3;
	_ =	sdelay $0x1  }
0x2c0: {  	v3 =	vadd.f32 v62, v3  }
0x2c1: {  	p0 =	sne.s32 s16, $0xBF00  }
.Ltmp0:
0x2c2: {  	v3 =	vadd.f32 v63, v3;
	(pc) =	sbr.rel @p0 .LBB2_2-.Ltmp0, $3  }
0x2c3: {  	_ = 	snop  }
0x2c4: {  	v3 =	vmul.f32 $5.000000070e-02, v3;
	_ =	sdelay $0x1  }
0x2c5: {  	s15 =	sadd.s32 $0x80, s15;
	s16 =	sadd.s32 $0x100, s16;
	s14 =	sadd.s32 $0x80, s14;
	[tilespmem:s17+$0x7C70] =	vst v3  }
0x2c6: {  	s13 =	sadd.s32 $0x1, s13  }
0x2c7: {  	p0 =	sne.s32 s13, s6  }
.Ltmp1:
0x2c8: {  	_ = 	snop;
	(pc) =	sbr.rel @p0 .LBB2_1-.Ltmp1, $4  }
0x2c9: {  	[hbm4b:s5+s2] =	stream.linear.scatter [tilespmem:s12], [sflag:$0x2], $0xC000, $0x38;
	[tilespmem:$0x13800] =	vst v63  }
0x2ca: {  	_ =	swait.ge [sflag:s7], $0xC000  }
0x2cb: {  	[sflag:s7] =	ssyncset.done $0x0  }
0x2cc: {  	[sflag:s7] =	ssyncadd.s32 $0xFFFF4000  }
0x2cd: {  	_ =	sfence.sel $0x180000  }
0x2ce: {  	[bflag:$0x0] =	sbarrier.arrive $0xFFFF  }
0x2cf: {  	p0 =	sne.s32 s0, $0x0;
	_ =	strace $0x9000004D  }
0x2d0: {  	s0 =	sadd.s32 @!p0 $0x100000, s1;
	[bflag:$0x2] =	sbarrier.arrive $0xFFFF  }
0x2d1: {  	[sflag:s0] =	ssyncadd.tile.s32 @!p0 $0x1;
	_ =	shalt  }
.Lfunc_end2:
_tile_overlayer_lowered:
.L_overlay_start_2:
0x2d2: {  	(tag) =	ssettag $0x2  }
0x2d3: {  	s0 =	rddreg [dreg:$0x0];
	s2 =	stileid.u32  }
0x2d4: {  	s1 =	rddreg [dreg:$0x1];
	p0 =	sne.s32 s2, $0x0  }
0x2d5: {  	s3 =	rddreg [dreg:$0x2];
	[bflag:$0x3] =	sbarrier.arrive $0xFFFF;
	s2 =	simm.s32 @!p0 $0x1C02  }
0x2d6: {  	[timem:s3], [sflag:s2] =	dma.local @!p0 [hbm:s0], s1  }
0x2d7: {  	s0 =	simm.s32 @!p0 $0x2  }
0x2d8: {  	_ =	swait.ge @!p0 [sflag:s0], s1  }
0x2d9: {  	s1 =	ssub.s32 @!p0 $0x0, s1;
	[sflag:s0] =	ssyncset.done @!p0 $0x0  }
0x2da: {  	[sflag:s0] =	ssyncadd.s32 @!p0 s1  }
0x2db: {  	[bflag:$0x3] =	sbarrier.arrive $0xFFFF  }
0x2dc: {  	_ =	shalt  }

// kernel: kernel.8.cloned.1.call-start
scs
__scs_entry_jumppad:
0x0: {  	(pc) =	sbr.rel $0x88, $3  }
0x1: {  	(tag) =	ssettag $0x0;
	lr =	simm.s32 $0x1  }
0x2: {  	[smem:$0x3F95] =	sst lr;
	_ =	strace $0xD0000000  }
0x3: {  	_ = 	snop  }
0x4: {  	_ = 	snop  }
0x5: {  	_ = 	snop  }
0x6: {  	_ = 	snop  }
0x7: {  	_ = 	snop  }
__scs_overlays_trampoline_lowered:
0x8: {  	[smem:$0x3FA4] =	sst s0  }
0x9: {  	[smem:$0x3FA5] =	sst s1  }
0xa: {  	[smem:$0x3FA6] =	sst s2  }
0xb: {  	[smem:$0x3FA7] =	sst s3  }
0xc: {  	[smem:$0x3FA8] =	sst s4  }
0xd: {  	[smem:$0x3FA9] =	sst s5  }
0xe: {  	[smem:$0x3FAA] =	sst s6  }
0xf: {  	[smem:$0x3FAB] =	sst s7  }
0x10: {  	[smem:$0x3FAC] =	sst s8  }
0x11: {  	[smem:$0x3FAD] =	sst s9;
	s0 =	simm.s32 @!p0 $0x0  }
0x12: {  	s1 =	sld [smem:$0x3F93];
	s0 =	simm.s32 @p0 $0x1  }
0x13: {  	[smem:$0x3FAE] =	sst s0;
	s0 =	simm.s32 @!p1 $0x0  }
0x14: {  	s2 =	sld [smem:$0x3F92];
	s0 =	simm.s32 @p1 $0x1  }
0x15: {  	[smem:$0x3FAF] =	sst s0;
	s0 =	simm.s32 @!p2 $0x0  }
0x16: {  	s3 =	sld [smem:$0x3FDB];
	s0 =	simm.s32 @p2 $0x1  }
0x17: {  	s4 =	simm.s32 $0x1BF5;
	[smem:$0x3FB1] =	sst s0  }
0x18: {  	s0 =	sld [smem:$0x3F94];
	_ =	swait.ge [sflag:s4], $0x0  }
0x19: {  	s7 =	sld [smem:$0x3F95]  }
0x1a: {  	s8 =	sadd.s32 $0xFFFFE003, lr  }
0x1b: {  	s9 =	sadd.s32 $0xFFFFFEF7, lr;
	s5 =	simm.s32 $0xFFFFFFFF;
	p2 =	slt.u32 s8, $0xFFFFF086  }
0x1c: {  	p1 =	slt.u32 s9, $0xF7A;
	s5 =	simm.s32 @!p2 $0x0  }
0x1d: {  	s5 =	simm.s32 @p1 $0x1;
	p0 =	seq.s32 s7, s2  }
0x1e: {  	s7 =	smul.u32 @!p0 $0xF7A, s2;
	p2 =	seq.s32 @!p0 s5, $0x0  }
0x1f: {  	s9 =	smul.u32 $0xF7A, s1;
	s8 =	simm.s32 @!p0 $0x1BF5;
	p2 =	por !p2, p0  }
0x20: {  	[sflag:s8] =	ssyncset.s32 @!p0 $0xFFFFF086;
	s6 =	sadd.s32 @!p0 s3, s7;
	s7 =	simm.s32 @!p0 $0x108  }
0x21: {  	s3 =	sadd.s32 s3, s9;
	s6 =	sadd.s32 @!p0 $0x88, s6;
	s7 =	simm.s32 @p2 $0x1082  }
0x22: {  	[simem:s7], [sflag:s8] =	dma.local @!p0 [hbm:s6], $0xF7A  }
0x23: {  	s9 =	sor.u32 $0xD0000000, s2;
	s6 =	simm.s32 $0x108;
	_ =	swait.ge @!p0 [sflag:s8], $0x0  }
0x24: {  	s3 =	sadd.s32 $0x88, s3;
	s6 =	simm.s32 @!p1 $0x1082;
	[sflag:s4] =	ssyncset.s32 $0xFFFFF086  }
0x25: {  	[simem:s6], [sflag:s4] =	dma.local [hbm:s3], $0xF7A  }
0x26: {  	[smem:$0x3F95] =	sst s1;
	(tag) =	ssettag s2;
	_ =	strace s9  }
0x27: {  	s1 =	sld [smem:$0x3FA5]  }
0x28: {  	s2 =	sld [smem:$0x3FA6]  }
0x29: {  	s4 =	sld [smem:$0x3FA8]  }
0x2a: {  	p0 =	seq.s32 s5, $0x0;
	s5 =	sld [smem:$0x3FA9]  }
0x2b: {  	s6 =	sld [smem:$0x3FAA]  }
0x2c: {  	s7 =	sld [smem:$0x3FAB]  }
0x2d: {  	s3 =	simm.s32 $0x108;
	s8 =	sld [smem:$0x3FAC]  }
0x2e: {  	s3 =	simm.s32 @!p0 $0x1082;
	s9 =	sld [smem:$0x3FAD]  }
0x2f: {  	lr =	sadd.s32 s0, s3;
	s0 =	sld [smem:$0x3FA4]  }
0x30: {  	s3 =	sld [smem:$0x3FA7]  }
0x31: {  	[smem:$0x3FB0] =	sst s10  }
0x32: {  	s10 =	sld [smem:$0x3FAE];
	_ =	sdelay $0x3  }
0x33: {  	p0 =	seq.s32 s10, $0x1;
	s10 =	sld [smem:$0x3FB0];
	_ =	sdelay $0x3  }
0x34: {  	[smem:$0x3FB0] =	sst s10  }
0x35: {  	s10 =	sld [smem:$0x3FAF];
	_ =	sdelay $0x3  }
0x36: {  	p1 =	seq.s32 s10, $0x1;
	s10 =	sld [smem:$0x3FB0];
	_ =	sdelay $0x3  }
0x37: {  	[smem:$0x3FB0] =	sst s10  }
0x38: {  	s10 =	sld [smem:$0x3FB1]  }
0x39: {  	_ = 	snop;
	(pc) =	sbr.ind lr, $3  }
0x3a: {  	_ = 	snop  }
0x3b: {  	_ = 	snop  }
0x3c: {  	p2 =	seq.s32 s10, $0x1;
	s10 =	sld [smem:$0x3FB0]  }
0x3d: {  	_ =	shalt  }
0x3e: {  	_ =	shalt  }
0x3f: {  	_ =	shalt  }
0x40: {  	_ =	shalt  }
0x41: {  	_ =	shalt  }
0x42: {  	_ =	shalt  }
0x43: {  	_ =	shalt  }
0x44: {  	_ =	shalt  }
0x45: {  	_ =	shalt  }
0x46: {  	_ =	shalt  }
0x47: {  	_ =	shalt  }
0x48: {  	_ =	shalt  }
0x49: {  	_ =	shalt  }
0x4a: {  	_ =	shalt  }
0x4b: {  	_ =	shalt  }
0x4c: {  	_ =	shalt  }
0x4d: {  	_ =	shalt  }
0x4e: {  	_ =	shalt  }
0x4f: {  	_ =	shalt  }
0x50: {  	_ =	shalt  }
0x51: {  	_ =	shalt  }
0x52: {  	_ =	shalt  }
0x53: {  	_ =	shalt  }
0x54: {  	_ =	shalt  }
0x55: {  	_ =	shalt  }
0x56: {  	_ =	shalt  }
0x57: {  	_ =	shalt  }
0x58: {  	_ =	shalt  }
0x59: {  	_ =	shalt  }
0x5a: {  	_ =	shalt  }
0x5b: {  	_ =	shalt  }
0x5c: {  	_ =	shalt  }
0x5d: {  	_ =	shalt  }
0x5e: {  	_ =	shalt  }
0x5f: {  	_ =	shalt  }
0x60: {  	_ =	shalt  }
0x61: {  	_ =	shalt  }
0x62: {  	_ =	shalt  }
0x63: {  	_ =	shalt  }
0x64: {  	_ =	shalt  }
0x65: {  	_ =	shalt  }
0x66: {  	_ =	shalt  }
0x67: {  	_ =	shalt  }
0x68: {  	_ =	shalt  }
0x69: {  	_ =	shalt  }
0x6a: {  	_ =	shalt  }
0x6b: {  	_ =	shalt  }
0x6c: {  	_ =	shalt  }
0x6d: {  	_ =	shalt  }
0x6e: {  	_ =	shalt  }
0x6f: {  	_ =	shalt  }
0x70: {  	_ =	shalt  }
0x71: {  	_ =	shalt  }
0x72: {  	_ =	shalt  }
0x73: {  	_ =	shalt  }
0x74: {  	_ =	shalt  }
0x75: {  	_ =	shalt  }
0x76: {  	_ =	shalt  }
0x77: {  	_ =	shalt  }
0x78: {  	_ =	shalt  }
0x79: {  	_ =	shalt  }
0x7a: {  	_ =	shalt  }
0x7b: {  	_ =	shalt  }
0x7c: {  	_ =	shalt  }
0x7d: {  	_ =	shalt  }
0x7e: {  	_ =	shalt  }
0x7f: {  	_ =	shalt  }
0x80: {  	_ =	shalt  }
0x81: {  	_ =	shalt  }
0x82: {  	_ =	shalt  }
0x83: {  	_ =	shalt  }
0x84: {  	_ =	shalt  }
0x85: {  	_ =	shalt  }
0x86: {  	_ =	shalt  }
0x87: {  	_ =	shalt  }
.Lfunc_end0:
.L_simem_size_0:
called_computation_lowered:
.L_overlay_start_0:
0x88: {  	s2 =	sld [smem:$0x3FD9]  }
0x89: {  	s3 =	sld [smem:$0x3FFE];
	_ =	sdelay $0x1  }
0x8a: {  	s1 =	srdreg.scid  }
0x8b: {  	s0 =	sand.u32 $0x1, s1  }
0x8c: {  	s17 =	sshll.u32 s0, $0xA;
	s2 =	sadd.s32 s3, s2  }
0x8d: {  	s2 =	sadd.s32 s2, s17  }
0x8e: {  	[smem:$0x3FBC] =	sst s2  }
0x8f: {  	_ = 	snop  }
0x90: {  	s2 =	sld [smem:$0x3FC9];
	(tm) =	ssettm $0x1  }
0x91: {  	s18 =	sld [smem:$0x3FFB];
	_ =	sdelay $0x3  }
0x92: {  	_ =	strace s18  }
0x93: {  	s3 =	sld [smem:$0x3FFC];
	_ =	sdelay $0x3  }
0x94: {  	_ =	strace s3  }
0x95: {  	s3 =	sld [smem:$0x3FFD];
	_ =	sdelay $0x3  }
0x96: {  	_ =	strace s3  }
0x97: {  	_ =	strace $0x8FFFFFFF  }
0x98: {  	s19 =	sld [smem:$0x3FDB];
	_ =	sdelay $0x1  }
0x99: {  	s4 =	simm.s32 $_scs_section_size  }
0x9a: {  	s5 =	simm.s32 $_size__tile_overlayer_lowered;
	s6 =	simm.s32 $_tile_overlayer_lowered  }
0x9b: {  	s22 =	simm.s32 $0x1BFF;
	s21 =	sshll.u32 s6, $0x1;
	s3 =	sadd.s32 s4, s19  }
0x9c: {  	s7 =	simm.s32 $0x0;
	s20 =	sshll.u32 s5, $0x1;
	s5 =	sadd.s32 s21, s3  }
0x9d: {  	[timem:s7], [sflag:s22] =	dma.local [hbm:s5], s20  }
0x9e: {  	_ =	swait.ge [sflag:s22], s20  }
0x9f: {  	s4 =	ssub.s32 $0x0, s20;
	[sflag:s22] =	ssyncset.done $0x0  }
0xa0: {  	[sflag:s22] =	ssyncadd.s32 s4;
	_ =	sdelay $0x1  }
0xa1: {  	s23 =	simm.s32 $0x1B8B  }
0xa2: {  	_ =	swait.ge [sflag:s23], $0x1  }
0xa3: {  	[sflag:s23] =	ssyncset.done $0x0  }
0xa4: {  	s25 =	simm.s32 $0x1B8E;
	s24 =	sld [smem:$0x3FFE];
	[sflag:s23] =	ssyncadd.s32 $0xFFFFFFFF  }
0xa5: {  	s26 =	simm.s32 $execute0_lowered;
	[smem:$0x3FD2] =	sst s25  }
0xa6: {  	s5 =	sshll.u32 s26, $0x1;
	_ =	strace $0x80000046;
	[dreg:$0x1] =	wrdreg $0xFFFFFFFF  }
0xa7: {  	s28 =	simm.s32 $_size_execute0_lowered;
	s3 =	sadd.s32 s3, s5;
	[dreg:$0x0] =	wrdreg $0x0  }
0xa8: {  	s5 =	sshll.u32 s28, $0x1;
	[dreg:$0x2] =	wrdreg s3  }
0xa9: {  	[dreg:$0x3] =	wrdreg s5  }
0xaa: {  	[dreg:$0x4] =	wrdreg $0xC0  }
0xab: {  	_ =	task [dreg:s7], $0x5FFFF  }
0xac: {  	[dreg:$0x1] =	wrdreg $0xFFFFFFFF  }
0xad: {  	[dreg:$0x0] =	wrdreg $0x60  }
0xae: {  	[dreg:$0x2] =	wrdreg s2  }
0xaf: {  	[dreg:$0x3] =	wrdreg s24  }
0xb0: {  	[dreg:$0x4] =	wrdreg $0x98000  }
0xb1: {  	[dreg:$0x5] =	wrdreg $0x9  }
0xb2: {  	_ =	task.clear_ibuf [dreg:s7], $0x6FFFF;
	_ =	strace $0x90000046  }
0xb3: {  	s29 =	simm.s32 $0x9;
	_ =	strace $0x80000048  }
0xb4: {  	_ =	swait.ge [sflag:s29], $0x1  }
0xb5: {  	[sflag:s29] =	ssyncadd.s32 $0xFFFFFFFF  }
0xb6: {  	_ =	strace $0x90000048  }
0xb7: {  	_ =	sfence  }
0xb8: {  	s30 =	sld [smem:$0x0];
	_ =	sdelay $0x2  }
0xb9: {  	s31 =	sshll.u32 s1, $0xD;
	s1 =	sshrl.u32 s1, $0x2  }
0xba: {  	s3 =	sand.u32 $0x4000, s31;
	s1 =	sadd.s32 s1, s30  }
0xbb: {  	s0 =	sor.u32 s3, s0;
	s1 =	sshll.u32 s1, $0x11  }
0xbc: {  	s0 =	sor.u32 s1, s0  }
0xbd: {  	s0 =	sadd.s32 $0x8F2B, s0  }
0xbe: {  	[sflag:s0] =	ssyncadd.remote.s32 $0x1  }
0xbf: {  	_ =	sfence.sel $0xFFFF  }
0xc0: {  	[dreg:$0x0] =	wrdreg $0xFFFFFFFF;
	(pc) =	sbr.abs _section_cstart, $3  }
0xc1: {  	[dreg:$0x1] =	wrdreg $0xFFFFFFFF  }
0xc2: {  	_ =	task.clear_ibuf [dreg:s7], $0x2FFFF;
	_ =	strace $0x9FFFFFFF  }
0xc3: {  	(tm) =	ssettm $0x7FFFFFFF  }
tec
execute0_lowered:
.L_overlay_start_1:
0x0: {  	(tag) =	ssettag $0x1  }
0x1: {  	s2 =	srdreg.scid;
	s1 =	rddreg [dreg:$0x0]  }
0x2: {  	s0 =	stileid.u32;
	s6 =	rddreg [dreg:$0x1]  }
0x3: {  	s3 =	rddreg [dreg:$0x2];
	s4 =	simm.s32 $0x0;
	s11 =	simm.s32 $0x2  }
0x4: {  	s12 =	simm.s32 $0x2800;
	s13 =	simm.s32 $0x80;
	s14 =	simm.s32 $0x5000  }
0x5: {  	s15 =	simm.s32 $0x1;
	s5 =	sand.u32 $0x1, s2;
	s8 =	smul.u32 $0x2800, s0  }
0x6: {  	s28 =	sshll.u32 s0, $0x1;
	[smem:$0x7FF] =	sst s4;
	s10 =	smul.u32 $0x50000, s0  }
0x7: {  	s16 =	sshll.u32 s0, $0x6;
	s2 =	sor.u32 s5, s28;
	s9 =	smul.u32 $0x28000, s5  }
0x8: {  	s5 =	ssub.s32 $0x2, s5;
	s16 =	sor.u32 $0x1C02, s16;
	s7 =	smul.u32 $0x500, s2  }
0x9: {  	s2 =	rddreg [dreg:$0x3];
	_ =	strace $0x80000047;
	s29 =	sshrl.u32 s5, $0x1  }
0xa: {  	s30 =	sshrl.u32 s10, $0x2;
	s10 =	simm.s32 $0x9000;
	s8 =	sadd.s32 s8, s9  }
0xb: {  	s31 =	ssub.s32 s5, s29;
	s5 =	sadd.s32 s30, s3;
	s7 =	sadd.s32 s7, s6  }
0xc: {  	s8 =	sadd.s32 s8, s6;
	s9 =	smax.u32 s31, $0x1;
	s17 =	sshrl.u32 s5, $0x3  }
0xd: {  	v0 =	vimm.f32 $0.0e+00;
	s6 =	sadd.s32 $0xD400, s7;
	s7 =	sadd.s32 $0x3400, s7;
	s8 =	sadd.s32 $0x17400, s8  }
.LBB2_1:
0xe: {  	[tilespmem:$0x9000] =	vst v0  }
0xf: {  	[tilespmem:$0x9010] =	vst v0  }
0x10: {  	[tilespmem:$0x9020] =	vst v0  }
0x11: {  	[tilespmem:$0x9030] =	vst v0  }
0x12: {  	[tilespmem:$0x9040] =	vst v0  }
0x13: {  	[tilespmem:$0x9050] =	vst v0  }
0x14: {  	[tilespmem:$0x9060] =	vst v0  }
0x15: {  	[tilespmem:$0x9070] =	vst v0  }
0x16: {  	[tilespmem:$0x9080] =	vst v0  }
0x17: {  	[tilespmem:$0x9090] =	vst v0  }
0x18: {  	[tilespmem:$0x90A0] =	vst v0  }
0x19: {  	[tilespmem:$0x90B0] =	vst v0  }
0x1a: {  	[tilespmem:$0x90C0] =	vst v0  }
0x1b: {  	[tilespmem:$0x90D0] =	vst v0  }
0x1c: {  	[tilespmem:$0x90E0] =	vst v0  }
0x1d: {  	[tilespmem:$0x90F0] =	vst v0  }
0x1e: {  	[tilespmem:$0x9100] =	vst v0  }
0x1f: {  	[tilespmem:$0x9110] =	vst v0  }
0x20: {  	[tilespmem:$0x9120] =	vst v0  }
0x21: {  	[tilespmem:$0x9130] =	vst v0  }
0x22: {  	[tilespmem:$0x9140] =	vst v0  }
0x23: {  	[tilespmem:$0x9150] =	vst v0  }
0x24: {  	[tilespmem:$0x9160] =	vst v0  }
0x25: {  	[tilespmem:$0x9170] =	vst v0  }
0x26: {  	[tilespmem:$0x9180] =	vst v0  }
0x27: {  	[tilespmem:$0x9190] =	vst v0  }
0x28: {  	[tilespmem:$0x91A0] =	vst v0  }
0x29: {  	[tilespmem:$0x91B0] =	vst v0  }
0x2a: {  	[tilespmem:$0x91C0] =	vst v0  }
0x2b: {  	[tilespmem:$0x91D0] =	vst v0  }
0x2c: {  	[tilespmem:$0x91E0] =	vst v0  }
0x2d: {  	[tilespmem:$0x91F0] =	vst v0  }
0x2e: {  	[tilespmem:$0x9200] =	vst v0  }
0x2f: {  	[tilespmem:$0x9210] =	vst v0  }
0x30: {  	[tilespmem:$0x9220] =	vst v0  }
0x31: {  	[tilespmem:$0x9230] =	vst v0  }
0x32: {  	[tilespmem:$0x9240] =	vst v0  }
0x33: {  	[tilespmem:$0x9250] =	vst v0  }
0x34: {  	[tilespmem:$0x9260] =	vst v0  }
0x35: {  	[tilespmem:$0x9270] =	vst v0  }
0x36: {  	[tilespmem:$0x9280] =	vst v0  }
0x37: {  	[tilespmem:$0x9290] =	vst v0  }
0x38: {  	[tilespmem:$0x92A0] =	vst v0  }
0x39: {  	[tilespmem:$0x92B0] =	vst v0  }
0x3a: {  	[tilespmem:$0x92C0] =	vst v0  }
0x3b: {  	[tilespmem:$0x92D0] =	vst v0  }
0x3c: {  	[tilespmem:$0x92E0] =	vst v0  }
0x3d: {  	[tilespmem:$0x92F0] =	vst v0  }
0x3e: {  	[tilespmem:$0x9300] =	vst v0  }
0x3f: {  	[tilespmem:$0x9310] =	vst v0  }
0x40: {  	[tilespmem:$0x9320] =	vst v0  }
0x41: {  	[tilespmem:$0x9330] =	vst v0  }
0x42: {  	[tilespmem:$0x9340] =	vst v0  }
0x43: {  	[tilespmem:$0x9350] =	vst v0  }
0x44: {  	[tilespmem:$0x9360] =	vst v0  }
0x45: {  	[tilespmem:$0x9370] =	vst v0  }
0x46: {  	[tilespmem:$0x9380] =	vst v0  }
0x47: {  	[tilespmem:$0x9390] =	vst v0  }
0x48: {  	[tilespmem:$0x93A0] =	vst v0  }
0x49: {  	[tilespmem:$0x93B0] =	vst v0  }
0x4a: {  	[tilespmem:$0x93C0] =	vst v0  }
0x4b: {  	[tilespmem:$0x93D0] =	vst v0  }
0x4c: {  	[tilespmem:$0x93E0] =	vst v0  }
0x4d: {  	[tilespmem:$0x93F0] =	vst v0  }
0x4e: {  	[tilespmem:$0x9400] =	vst v0  }
0x4f: {  	[tilespmem:$0x9410] =	vst v0  }
0x50: {  	[tilespmem:$0x9420] =	vst v0  }
0x51: {  	[tilespmem:$0x9430] =	vst v0  }
0x52: {  	[tilespmem:$0x9440] =	vst v0  }
0x53: {  	[tilespmem:$0x9450] =	vst v0  }
0x54: {  	[tilespmem:$0x9460] =	vst v0  }
0x55: {  	[tilespmem:$0x9470] =	vst v0  }
0x56: {  	[tilespmem:$0x9480] =	vst v0  }
0x57: {  	[tilespmem:$0x9490] =	vst v0  }
0x58: {  	[tilespmem:$0x94A0] =	vst v0  }
0x59: {  	[tilespmem:$0x94B0] =	vst v0  }
0x5a: {  	[tilespmem:$0x94C0] =	vst v0  }
0x5b: {  	[tilespmem:$0x94D0] =	vst v0  }
0x5c: {  	[tilespmem:$0x94E0] =	vst v0  }
0x5d: {  	[tilespmem:$0x94F0] =	vst v0  }
0x5e: {  	[tilespmem:$0x9500] =	vst v0  }
0x5f: {  	[tilespmem:$0x9510] =	vst v0  }
0x60: {  	[tilespmem:$0x9520] =	vst v0  }
0x61: {  	[tilespmem:$0x9530] =	vst v0  }
0x62: {  	[tilespmem:$0x9540] =	vst v0  }
0x63: {  	[tilespmem:$0x9550] =	vst v0  }
0x64: {  	[tilespmem:$0x9560] =	vst v0  }
0x65: {  	[tilespmem:$0x9570] =	vst v0  }
0x66: {  	[tilespmem:$0x9580] =	vst v0  }
0x67: {  	[tilespmem:$0x9590] =	vst v0  }
0x68: {  	[tilespmem:$0x95A0] =	vst v0  }
0x69: {  	[tilespmem:$0x95B0] =	vst v0  }
0x6a: {  	[tilespmem:$0x95C0] =	vst v0  }
0x6b: {  	[tilespmem:$0x95D0] =	vst v0  }
0x6c: {  	[tilespmem:$0x95E0] =	vst v0  }
0x6d: {  	[tilespmem:$0x95F0] =	vst v0  }
0x6e: {  	[tilespmem:$0x9600] =	vst v0  }
0x6f: {  	[tilespmem:$0x9610] =	vst v0  }
0x70: {  	[tilespmem:$0x9620] =	vst v0  }
0x71: {  	[tilespmem:$0x9630] =	vst v0  }
0x72: {  	[tilespmem:$0x9640] =	vst v0  }
0x73: {  	[tilespmem:$0x9650] =	vst v0  }
0x74: {  	[tilespmem:$0x9660] =	vst v0  }
0x75: {  	[tilespmem:$0x9670] =	vst v0  }
0x76: {  	[tilespmem:$0x9680] =	vst v0  }
0x77: {  	[tilespmem:$0x9690] =	vst v0  }
0x78: {  	[tilespmem:$0x96A0] =	vst v0  }
0x79: {  	[tilespmem:$0x96B0] =	vst v0  }
0x7a: {  	[tilespmem:$0x96C0] =	vst v0  }
0x7b: {  	[tilespmem:$0x96D0] =	vst v0  }
0x7c: {  	[tilespmem:$0x96E0] =	vst v0  }
0x7d: {  	[tilespmem:$0x96F0] =	vst v0  }
0x7e: {  	[tilespmem:$0x9700] =	vst v0  }
0x7f: {  	[tilespmem:$0x9710] =	vst v0  }
0x80: {  	[tilespmem:$0x9720] =	vst v0  }
0x81: {  	[tilespmem:$0x9730] =	vst v0  }
0x82: {  	[tilespmem:$0x9740] =	vst v0  }
0x83: {  	[tilespmem:$0x9750] =	vst v0  }
0x84: {  	[tilespmem:$0x9760] =	vst v0  }
0x85: {  	[tilespmem:$0x9770] =	vst v0  }
0x86: {  	[tilespmem:$0x9780] =	vst v0  }
0x87: {  	[tilespmem:$0x9790] =	vst v0  }
0x88: {  	[tilespmem:$0x97A0] =	vst v0  }
0x89: {  	[tilespmem:$0x97B0] =	vst v0  }
0x8a: {  	[tilespmem:$0x97C0] =	vst v0  }
0x8b: {  	[tilespmem:$0x97D0] =	vst v0  }
0x8c: {  	[tilespmem:$0x97E0] =	vst v0  }
0x8d: {  	[tilespmem:$0x97F0] =	vst v0;
	s18 =	sadd.s32 $0x0, s5  }
0x8e: {  	[spmem:s18] =	stream.linear.scatter [tilespmem:s10], [sflag:$0x2], $0x800, $0x38;
	[tilespmem:$0x1D800] =	vst v63  }
0x8f: {  	s18 =	simm.s32 $0x2000;
	_ =	swait.ge [sflag:s11], $0x800  }
.LBB2_2:
0x90: {  	s19 =	sshra.s32 s18, $0x2;
	[sflag:s11] =	ssyncset.done $0x0;
	p0 =	sne.s32 s18, $0x4E000  }
.Ltmp0:
0x91: {  	s19 =	sadd.s32 s19, s5;
	[sflag:s11] =	ssyncadd.s32 $0xFFFFF800;
	(pc) =	sbr.rel @p0 .LBB2_2-.Ltmp0, $3  }
0x92: {  	[spmem:s19] =	stream.linear.scatter [tilespmem:s10], [sflag:$0x2], $0x800, $0x38;
	[tilespmem:$0x1D800] =	vst v63  }
0x93: {  	s18 =	sadd.s32 $0x2000, s18;
	_ =	sdelay $0x1  }
0x94: {  	_ =	swait.ge [sflag:s11], $0x800  }
0x95: {  	[sflag:s11] =	ssyncset.done $0x0  }
0x96: {  	[sflag:s11] =	ssyncadd.s32 $0xFFFFF800  }
0x97: {  	s18 =	simm.s32 $0x0;
	[bflag:$0x0] =	sbarrier.arrive $0xFFFF  }
0x98: {  	[tilespmem:s18], [sflag:$0x2] =	stream.linear.gather [hbm4b:s6+s18], $0x2800, $0x38;
	[tilespmem:$0x1D800] =	vst v63  }
0x99: {  	_ =	swait.ge [sflag:s11], $0x2800  }
0x9a: {  	[sflag:s11] =	ssyncset.done $0x0  }
0x9b: {  	[sflag:s11] =	ssyncadd.s32 $0xFFFFD800  }
0x9c: {  	[tilespmem:s12], [sflag:$0x2] =	stream.linear.gather [hbm4b:s7+s18], $0x2800, $0x38;
	[tilespmem:$0x1D800] =	vst v63  }
0x9d: {  	_ =	swait.ge [sflag:s11], $0x2800  }
0x9e: {  	[sflag:s11] =	ssyncset.done $0x0  }
0x9f: {  	s30 =	simm.s32 $0x0;
	[sflag:s11] =	ssyncadd.s32 $0xFFFFD800  }
0xa0: {  	[tilespmem:s14], [sflag:$0x1] =	stream.indirect.gather [hbm4b:s1+s13], $0x80, s30, s13, $0xb8;
	[tilespmem:$0x1D800] =	vst v63  }
0xa1: {  	_ =	swait.ge [sflag:s15], $0x4000  }
0xa2: {  	[sflag:s15] =	ssyncset.done $0x0  }
0xa3: {  	s31 =	simm.s32 $0x2800;
	[sflag:s15] =	ssyncadd.s32 $0xFFFFC000  }
0xa4: {  	[spmem:s3] =	stream.indirect.scatter.add.f32 [tilespmem:s14], [sflag:$0x2], $0x80, s31, s13, $0xb8;
	[tilespmem:$0x1D800] =	vst v63  }
0xa5: {  	_ =	swait.ge [sflag:s11], $0x4000  }
0xa6: {  	s19 =	simm.s32 $0x400;
	s18 =	simm.s32 $0x200;
	[sflag:s11] =	ssyncset.done $0x0  }
.LBB2_4:
0xa7: {  	s20 =	sshra.s32 s18, $0x2  }
0xa8: {  	[sflag:s11] =	ssyncadd.s32 $0xFFFFC000;
	s18 =	smov.u32 s19;
	s21 =	sadd.s32 $0x200, s19  }
0xa9: {  	[tilespmem:s14], [sflag:$0x1] =	stream.indirect.gather [hbm4b:s1+s13], $0x80, s20, s13, $0xb8;
	[tilespmem:$0x1D800] =	vst v63  }
0xaa: {  	p0 =	sne.s32 s19, $0x9E00;
	_ =	swait.ge [sflag:s15], $0x4000  }
.Ltmp1:
0xab: {  	[sflag:s15] =	ssyncset.done $0x0;
	(pc) =	sbr.rel @p0 .LBB2_4-.Ltmp1, $4  }
0xac: {  	s19 =	sadd.s32 $0x2800, s20;
	[sflag:s15] =	ssyncadd.s32 $0xFFFFC000  }
0xad: {  	[spmem:s3] =	stream.indirect.scatter.add.f32 [tilespmem:s14], [sflag:$0x2], $0x80, s19, s13, $0xb8;
	[tilespmem:$0x1D800] =	vst v63  }
0xae: {  	_ =	swait.ge [sflag:s11], $0x4000  }
0xaf: {  	s19 =	smov.u32 s21;
	[sflag:s11] =	ssyncset.done $0x0  }
0xb0: {  	s18 =	sshra.s32 s18, $0x2;
	[sflag:s11] =	ssyncadd.s32 $0xFFFFC000  }
0xb1: {  	[tilespmem:s14], [sflag:$0x1] =	stream.indirect.gather [hbm4b:s1+s13], $0x80, s18, s13, $0xb8;
	[tilespmem:$0x1D800] =	vst v63  }
0xb2: {  	_ =	swait.ge [sflag:s15], $0x4000  }
0xb3: {  	[sflag:s15] =	ssyncset.done $0x0  }
0xb4: {  	s18 =	sadd.s32 $0x2800, s18;
	[sflag:s15] =	ssyncadd.s32 $0xFFFFC000  }
0xb5: {  	[spmem:s3] =	stream.indirect.scatter.add.f32 [tilespmem:s14], [sflag:$0x2], $0x80, s18, s13, $0xb8;
	[tilespmem:$0x1D800] =	vst v63  }
0xb6: {  	_ =	swait.ge [sflag:s11], $0x4000  }
0xb7: {  	s4 =	sadd.s32 $0x1, s4;
	[sflag:s11] =	ssyncset.done $0x0  }
0xb8: {  	p0 =	sne.s32 s4, s9;
	[sflag:s11] =	ssyncadd.s32 $0xFFFFC000  }
.Ltmp2:
0xb9: {  	[bflag:$0x0] =	sbarrier.arrive $0xFFFF;
	(pc) =	sbr.rel @p0 .LBB2_1-.Ltmp2, $4  }
0xba: {  	[hbm:s8], [sflag:s16] =	dma.local [spmem:s17], $0x2800  }
0xbb: {  	_ =	swait.ge [sflag:s11], $0x2800  }
0xbc: {  	[sflag:s11] =	ssyncset.done $0x0  }
0xbd: {  	[sflag:s11] =	ssyncadd.s32 $0xFFFFD800  }
0xbe: {  	_ =	sfence.sel $0x180000  }
0xbf: {  	[bflag:$0x0] =	sbarrier.arrive $0xFFFF  }
0xc0: {  	p0 =	sne.s32 s0, $0x0;
	_ =	strace $0x90000047  }
0xc1: {  	s0 =	sadd.s32 @!p0 $0x100000, s2;
	[bflag:$0x2] =	sbarrier.arrive $0xFFFF  }
0xc2: {  	[sflag:s0] =	ssyncadd.tile.s32 @!p0 $0x1;
	_ =	shalt  }
.Lfunc_end2:
_tile_overlayer_lowered:
.L_overlay_start_2:
0xc3: {  	(tag) =	ssettag $0x2  }
0xc4: {  	s0 =	rddreg [dreg:$0x0];
	s2 =	stileid.u32  }
0xc5: {  	s1 =	rddreg [dreg:$0x1];
	p0 =	sne.s32 s2, $0x0  }
0xc6: {  	s3 =	rddreg [dreg:$0x2];
	[bflag:$0x3] =	sbarrier.arrive $0xFFFF;
	s2 =	simm.s32 @!p0 $0x1C02  }
0xc7: {  	[timem:s3], [sflag:s2] =	dma.local @!p0 [hbm:s0], s1  }
0xc8: {  	s0 =	simm.s32 @!p0 $0x2  }
0xc9: {  	_ =	swait.ge @!p0 [sflag:s0], s1  }
0xca: {  	s1 =	ssub.s32 @!p0 $0x0, s1;
	[sflag:s0] =	ssyncset.done @!p0 $0x0  }
0xcb: {  	[sflag:s0] =	ssyncadd.s32 @!p0 s1  }
0xcc: {  	[bflag:$0x3] =	sbarrier.arrive $0xFFFF  }
0xcd: {  	_ =	shalt  }

</sc_bundles>
